<compile_context>
chip_gen: v7x
topology: tpu7x:2x2x1
jax: 0.10.2.dev20260603
libtpu: 0.0.44.dev20260713+nightly
codegen_flags: <defaults>
</compile_context>

<pallas_src>
import functools

import jax
import jax.numpy as jnp
from jax import lax
from jax.experimental import pallas as pl
from jax.experimental.pallas import tpu as pltpu
from jax.experimental.pallas import tpu_sc as plsc

B = 128
M = 50000
D = 64
LP = 20
LF = 40
K = 20
LPD = LP * D
LFD = LF * D
MBLK = 2000
NBLK = M // MBLK
NEG = -3e38
BIGI = 2**30
SNDT = jnp.bfloat16
KB = 4
AW = KB * LF


def _rnd(x):
    return x.astype(jnp.bfloat16).astype(jnp.float32)


def _dot(a, b, dims=(((1,), (0,)), ((), ()))):
    return lax.dot_general(a.astype(jnp.bfloat16), b.astype(jnp.bfloat16),
                           dims, precision=None,
                           preferred_element_type=jnp.float32)


def _topk_body(p0_ref, p1_ref, we_ref, be_ref, wenc_ref, benc_ref, mp_ref,
               ind_ref, sp_ref, sn_ref, rv_ref, ri_ref, sims_ref):
    i = pl.program_id(0)

    @pl.when(i == 0)
    def _prologue():
        we0 = we_ref[0:1, :]
        we1 = we_ref[1:2, :]
        sp_ls = []
        for l in range(LP):
            story_l = (_rnd(p0_ref[:, l:l + 1]) * _rnd(we0)
                       + _rnd(p1_ref[:, l:l + 1]) * _rnd(we1)) + be_ref[...]
            sp_l = _dot(story_l, wenc_ref[...]) + benc_ref[...]
            sp_ls.append(sp_l)
        n2 = sp_ls[0] * sp_ls[0]
        for l in range(1, LP):
            n2 = n2 + sp_ls[l] * sp_ls[l]
        den = jnp.maximum(jnp.sqrt(n2), 1e-12)
        for l in range(LP):
            sp_ref[:, l, :] = sp_ls[l]
            sn_ref[:, l * D:(l + 1) * D] = (sp_ls[l] / den).astype(SNDT)
        rv_ref[...] = jnp.full((B, K), NEG, jnp.float32)
        ri_ref[...] = lax.broadcasted_iota(jnp.int32, (B, K), 1)

    x = mp_ref[...]
    G = 2 * D
    NG = LPD // G
    s128 = x[:, 0:G] * x[:, 0:G]
    for j in range(1, NG):
        g = x[:, j * G:(j + 1) * G]
        s128 = s128 + g * g
    n2 = s128[:, 0:D] + s128[:, D:G]
    rden = 1.0 / jnp.maximum(jnp.sqrt(n2), 1e-12)
    rden128 = jnp.concatenate([rden, rden], axis=1)
    pn16 = jnp.concatenate(
        [(x[:, j * G:(j + 1) * G] * rden128).astype(jnp.bfloat16)
         for j in range(NG)], axis=1)

    sims = _dot(sn_ref[...], pn16, (((1,), (1,)), ((), ())))
    sims_ref[...] = sims

    rmin0 = jnp.min(rv_ref[...], axis=1, keepdims=True)
    cnt = jnp.sum((sims > rmin0).astype(jnp.int32), axis=1, keepdims=True)
    rounds = jnp.max(cnt)

    for j in range(K):
        @pl.when(j < rounds)
        def _round():
            sc = sims_ref[...]
            m = jnp.max(sc, axis=1, keepdims=True)
            lane = lax.broadcasted_iota(jnp.int32, (B, MBLK), 1)
            sel = jnp.min(jnp.where(sc >= m, lane, BIGI), axis=1,
                          keepdims=True)
            sims_ref[...] = jnp.where(lane == sel, NEG, sc)
            gsel = i * MBLK + sel
            rv = rv_ref[...]
            ri = ri_ref[...]
            rmin = jnp.min(rv, axis=1, keepdims=True)
            atmin = rv == rmin
            evict = jnp.max(jnp.where(atmin, ri, -1), axis=1, keepdims=True)
            hit = atmin & (ri == evict) & (m > rmin)
            rv_ref[...] = jnp.where(hit, m, rv)
            ri_ref[...] = jnp.where(hit, gsel, ri)

    @pl.when(i == NBLK - 1)
    def _epilogue():
        vals = rv_ref[...]
        idxs = ri_ref[...]
        cols = []
        for _ in range(K):
            m = jnp.max(vals, axis=1, keepdims=True)
            ismax = vals >= m
            sel = jnp.min(jnp.where(ismax, idxs, BIGI), axis=1, keepdims=True)
            cols.append(sel)
            vals = jnp.where(ismax & (idxs == sel), NEG, vals)
        ind_ref[...] = jnp.concatenate(cols, axis=1)


def _make_topk_call():
    return pl.pallas_call(
        _topk_body,
        grid=(NBLK,),
        in_specs=[
            pl.BlockSpec((B, LP), lambda i: (0, 0)),
            pl.BlockSpec((B, LP), lambda i: (0, 0)),
            pl.BlockSpec((2, D), lambda i: (0, 0)),
            pl.BlockSpec((D,), lambda i: (0,)),
            pl.BlockSpec((D, D), lambda i: (0, 0)),
            pl.BlockSpec((D,), lambda i: (0,)),
            pl.BlockSpec((MBLK, LPD), lambda i: (i, 0)),
        ],
        out_specs=[
            pl.BlockSpec((B, K), lambda i: (0, 0)),
            pl.BlockSpec((B, LP, D), lambda i: (0, 0, 0)),
        ],
        out_shape=[
            jax.ShapeDtypeStruct((B, K), jnp.int32),
            jax.ShapeDtypeStruct((B, LP, D), jnp.float32),
        ],
        scratch_shapes=[
            pltpu.VMEM((B, LPD), SNDT),
            pltpu.VMEM((B, K), jnp.float32),
            pltpu.VMEM((B, K), jnp.int32),
            pltpu.VMEM((B, MBLK), jnp.float32),
        ],
        compiler_params=pltpu.CompilerParams(
            dimension_semantics=("arbitrary",)),
    )


NC = 2
NS = 16
NW = NC * NS
ROWS = B * K
RPW = ROWS // NW
CH = 16
NCH = RPW // CH


def _sc_gather_body(tab_ref, idx_ref, out_ref, idx_v, rows_v, sem):
    wid = lax.axis_index("s") * NC + lax.axis_index("c")
    base = wid * RPW
    pltpu.sync_copy(idx_ref.at[pl.ds(base, RPW)], idx_v)
    for c in range(NCH):
        pltpu.async_copy(tab_ref.at[idx_v.at[pl.ds(c * CH, CH)]], rows_v,
                         sem).wait()
        pltpu.sync_copy(rows_v, out_ref.at[pl.ds(base + c * CH, CH)])


def _gather(table, ind_flat):
    mesh = plsc.VectorSubcoreMesh(core_axis_name="c", subcore_axis_name="s")
    f = functools.partial(
        pl.kernel,
        out_type=jax.ShapeDtypeStruct((ROWS, LFD), jnp.float32),
        mesh=mesh,
        scratch_types=[
            pltpu.VMEM((RPW,), jnp.int32),
            pltpu.VMEM((CH, LFD), jnp.float32),
            pltpu.SemaphoreType.DMA,
        ],
    )(_sc_gather_body)
    return f(table, ind_flat)


def _attn_body(g_ref, sp_ref, mask_ref, wq_ref, wk_ref, wv_ref, wo_ref,
               wout_ref, bout_ref, out_ref):
    F = g_ref[...]
    s = sp_ref[0]
    wk = wk_ref[...]
    wv = wv_ref[...]

    FQs = _dot(F, wq_ref[...]) * jnp.float32(0.125)
    FK = _dot(F, wk)
    FV = _dot(F, wv)
    SK = _dot(s, wk)
    SV = _dot(s, wv)
    WOV = _dot(wo_ref[...], wout_ref[...])
    LS = _dot(FQs, SK, (((1,), (1,)), ((), ())))
    msk = mask_ref[...]

    for kb in range(K // KB):
        r = slice(kb * AW, (kb + 1) * AW)
        lf = _dot(FQs[r, :], FK[r, :], (((1,), (1,)), ((), ()))) + msk
        ls = LS[r, :]
        m = jnp.maximum(jnp.max(ls, axis=1, keepdims=True),
                        jnp.max(lf, axis=1, keepdims=True))
        es = jnp.exp(ls - m)
        ef = jnp.exp(lf - m)
        rden = 1.0 / (jnp.sum(es, axis=1, keepdims=True)
                      + jnp.sum(ef, axis=1, keepdims=True))
        dec = _dot(es * rden, SV) + _dot(ef * rden, FV[r, :])
        out_ref[r, :] = _dot(dec, WOV) + bout_ref[...]


def _make_attn_call():
    return pl.pallas_call(
        _attn_body,
        grid=(B,),
        in_specs=[
            pl.BlockSpec((K * LF, D), lambda b: (b, 0)),
            pl.BlockSpec((1, LP, D), lambda b: (b, 0, 0)),
            pl.BlockSpec((AW, AW), lambda b: (0, 0)),
            pl.BlockSpec((D, D), lambda b: (0, 0)),
            pl.BlockSpec((D, D), lambda b: (0, 0)),
            pl.BlockSpec((D, D), lambda b: (0, 0)),
            pl.BlockSpec((D, D), lambda b: (0, 0)),
            pl.BlockSpec((D, 2), lambda b: (0, 0)),
            pl.BlockSpec((2,), lambda b: (0,)),
        ],
        out_specs=pl.BlockSpec((K * LF, 2), lambda b: (b, 0)),
        out_shape=jax.ShapeDtypeStruct((B * K * LF, 2), jnp.float32),
        compiler_params=pltpu.CompilerParams(
            dimension_semantics=("arbitrary",)),
    )


def kernel(past, memory_past, memory_fut, W_embed, b_embed, W_enc, b_enc,
           Wq, Wk, Wv, Wo, W_out, b_out):
    p0 = past[:, :, 0]
    p1 = past[:, :, 1]
    mp_flat = memory_past.reshape(M, LPD)
    ind, sp = _make_topk_call()(p0, p1, W_embed, b_embed, W_enc, b_enc,
                                mp_flat)
    g = _gather(memory_fut.reshape(M, LFD), ind.reshape(ROWS))
    kbi = jnp.arange(AW, dtype=jnp.int32) // LF
    mask = jnp.where(kbi[:, None] == kbi[None, :], 0.0, NEG
                     ).astype(jnp.float32)
    pred = _make_attn_call()(g.reshape(B * K * LF, D), sp,
                             mask, Wq, Wk, Wv, Wo, W_out, b_out)
    return pred.reshape(B, K, LF, 2)

# --- scband reference (transcript-rebuilt; emitter-appended) ---
"""Pipeline reference for scband-model-controller-mem-19834158973664 (READ-ONLY COPY).

The authoritative reference and input builder live on the scoring server;
editing this copy changes nothing except your own understanding.
"""

import jax, jax.numpy as jnp
import numpy as np

B = 128
M = 50000
D = 64
LP = 20
LF = 40
K = 20

def setup_inputs(seed: int = 0):
    key = jax.random.key(seed)
    ks = jax.random.split(key, 12)
    s = 0.1
    return {
        "past": jax.random.normal(ks[0], (B, LP, 2), dtype=jnp.float32),
        "memory_past": jax.random.normal(ks[1], (M, LP, D), dtype=jnp.float32),
        "memory_fut": jax.random.normal(ks[2], (M, LF, D), dtype=jnp.float32),
        "W_embed": jax.random.normal(ks[3], (2, D), dtype=jnp.float32) * s,
        "b_embed": jnp.zeros((D,), dtype=jnp.float32),
        "W_enc": jax.random.normal(ks[4], (D, D), dtype=jnp.float32) * s,
        "b_enc": jnp.zeros((D,), dtype=jnp.float32),
        "Wq": jax.random.normal(ks[5], (D, D), dtype=jnp.float32) * s,
        "Wk": jax.random.normal(ks[6], (D, D), dtype=jnp.float32) * s,
        "Wv": jax.random.normal(ks[7], (D, D), dtype=jnp.float32) * s,
        "Wo": jax.random.normal(ks[8], (D, D), dtype=jnp.float32) * s,
        "W_out": jax.random.normal(ks[9], (D, 2), dtype=jnp.float32) * s,
        "b_out": jnp.zeros((2,), dtype=jnp.float32),
    }

def _l2norm(x, axis):
    n = jnp.sqrt(jnp.sum(x * x, axis=axis, keepdims=True))
    return x / jnp.maximum(n, 1e-12)

def reference(past, memory_past, memory_fut, W_embed, b_embed, W_enc, b_enc, Wq, Wk, Wv, Wo, W_out, b_out):
    # past_embed + past_encoder (token-wise linear encoders from the pretrained model)
    story_embed = past @ W_embed + b_embed          # [B, LP, D]
    state_past = story_embed @ W_enc + b_enc        # [B, LP, D]
    # cosine-similarity read weights against the whole memory (dim=1 normalize, then flatten)
    past_norm = _l2norm(memory_past, 1).reshape(memory_past.shape[0], -1)   # [M, LP*D]
    state_norm = _l2norm(state_past, 1).reshape(state_past.shape[0], -1)    # [B, LP*D]
    weight_read = (past_norm @ state_norm.T).T       # [B, M]
    # torch.sort(descending=True)[1]
    index_max = jnp.argsort(-weight_read, axis=1)    # [B, M]
    ind = index_max[:, :K]                           # [B, K] top-K read locations
    # gather future features from memory for all K predictions at once
    info_future = jnp.take(memory_fut, ind, axis=0)  # [B, K, LF, D]
    state_rep = jnp.broadcast_to(state_past[:, None, :, :], (state_past.shape[0], K, LP, D))
    info_total = jnp.concatenate([state_rep, info_future], axis=2)  # [B, K, LP+LF, D]
    # future_decoder: cross-attention of info_future (tgt) over info_total (memory)
    q = info_future @ Wq
    kk = info_total @ Wk
    v = info_total @ Wv
    logits = jnp.einsum('bkqd,bkmd->bkqm', q, kk) / jnp.sqrt(jnp.float32(D))
    attn = jax.nn.softmax(logits, axis=-1)
    dec = jnp.einsum('bkqm,bkmd->bkqd', attn, v) @ Wo   # [B, K, LF, D]
    # FC_output
    prediction = dec @ W_out + b_out                    # [B, K, LF, 2]
    return prediction

if __name__ == "__main__":
    import jax
    _d = setup_inputs()
    print(jax.jit(kernel)(*tuple(_d.values())))

</pallas_src>

<mosaic_0001>
#map = affine_map<(d0, d1) -> (0, 0)>
#map1 = affine_map<(d0, d1) -> (0)>
module attributes {stable_mosaic.version = 14 : i64} {
  func.func @_sc_gather_body(%arg0: i32, %arg1: i32, %arg2: memref<50000x2560xf32, #tpu.memory_space<hbm>>, %arg3: memref<2560xi32, #tpu.memory_space<hbm>>, %arg4: memref<2560x2560xf32, #tpu.memory_space<hbm>>, %arg5: memref<80xi32, #tpu.memory_space<vmem>>, %arg6: memref<16x2560xf32, #tpu.memory_space<vmem>>, %arg7: memref<!tpu.dma_semaphore, #tpu.memory_space<semaphore_mem>>) attributes {dimension_semantics = [#tpu.dimension_semantics<core_parallel>, #tpu.dimension_semantics<subcore_parallel>], iteration_bounds = array<i64: 2, 16>, scalar_prefetch = 0 : i64, scratch_operands = 3 : i64, tpu.core_type = #tpu.core_type<sc_vector_subcore>, window_params = [{transform_indices = #map}, {transform_indices = #map1}, {transform_indices = #map}]} {
    %mul3A = arith.constant 2 : i32
    %mul3A_0 = arith.muli %arg1, %mul3A : i32
    %add3A = arith.addi %mul3A_0, %arg0 : i32
    %mul3A_1 = arith.constant 80 : i32
    %mul3A_2 = arith.muli %add3A, %mul3A_1 : i32
    "tpu.region"() ({
      %run_scoped3A = tpu.sem_alloc : memref<!tpu.dma_semaphore, #tpu.memory_space<semaphore_mem>>
      %dma_start3A_61 = tpu.memref_slice %arg3[%mul3A_2] : memref<2560xi32, #tpu.memory_space<hbm>> -> memref<80xi32, #tpu.memory_space<hbm>>
      %dma_start3A_62 = tpu.memref_slice %arg3[%mul3A_2] : memref<2560xi32, #tpu.memory_space<hbm>> -> memref<80xi32, #tpu.memory_space<hbm>>
      tpu.enqueue_dma source(%dma_start3A_62 : memref<80xi32, #tpu.memory_space<hbm>>) target(%arg5 : memref<80xi32, #tpu.memory_space<vmem>>) target_semaphore(%run_scoped3A : memref<!tpu.dma_semaphore, #tpu.memory_space<semaphore_mem>>)
      %dma_wait3A_63 = tpu.memref_slice %arg3[%mul3A_2] : memref<2560xi32, #tpu.memory_space<hbm>> -> memref<80xi32, #tpu.memory_space<hbm>>
      %dma_wait3A_64 = tpu.memref_slice %arg3[%mul3A_2] : memref<2560xi32, #tpu.memory_space<hbm>> -> memref<80xi32, #tpu.memory_space<hbm>>
      tpu.wait_dma2 semaphore(%run_scoped3A : memref<!tpu.dma_semaphore, #tpu.memory_space<semaphore_mem>>) src(%dma_wait3A_64 : memref<80xi32, #tpu.memory_space<hbm>>) dst(%arg5 : memref<80xi32, #tpu.memory_space<vmem>>)
      tpu.yield
    }) : () -> ()
    %dma_start3A = arith.constant 0 : i32
    %dma_start3A_3 = tpu.memref_slice %arg5[%dma_start3A] : memref<80xi32, #tpu.memory_space<vmem>> -> memref<16xi32, #tpu.memory_space<vmem>>
    %dma_start3A_4 = arith.constant 0 : i32
    %dma_start3A_5 = arith.constant 0 : i32
    %dma_start3A_6 = tpu.memref_slice %arg2[%dma_start3A_4, %dma_start3A_5] : memref<50000x2560xf32, #tpu.memory_space<hbm>> -> memref<50000x2560xf32, #tpu.memory_space<hbm>>
    tpu.enqueue_indirect_dma source(%dma_start3A_6 : memref<50000x2560xf32, #tpu.memory_space<hbm>>) target(%arg6 : memref<16x2560xf32, #tpu.memory_space<vmem>>) offsets(%dma_start3A_3 : memref<16xi32, #tpu.memory_space<vmem>>) semaphore(%arg7 : memref<!tpu.dma_semaphore, #tpu.memory_space<semaphore_mem>>)
    %dma_wait3A = arith.constant 0 : i32
    %dma_wait3A_7 = tpu.memref_slice %arg5[%dma_wait3A] : memref<80xi32, #tpu.memory_space<vmem>> -> memref<16xi32, #tpu.memory_space<vmem>>
    %dma_wait3A_8 = arith.constant 0 : i32
    %dma_wait3A_9 = arith.constant 0 : i32
    %dma_wait3A_10 = tpu.memref_slice %arg2[%dma_wait3A_8, %dma_wait3A_9] : memref<50000x2560xf32, #tpu.memory_space<hbm>> -> memref<50000x2560xf32, #tpu.memory_space<hbm>>
    tpu.wait_indirect_dma semaphore(%arg7 : memref<!tpu.dma_semaphore, #tpu.memory_space<semaphore_mem>>) src(%dma_wait3A_10 : memref<50000x2560xf32, #tpu.memory_space<hbm>>) dst(%arg6 : memref<16x2560xf32, #tpu.memory_space<vmem>>)
    %add3A_11 = arith.constant 0 : i32
    %add3A_12 = arith.addi %mul3A_2, %add3A_11 : i32
    "tpu.region"() ({
      %run_scoped3A = tpu.sem_alloc : memref<!tpu.dma_semaphore, #tpu.memory_space<semaphore_mem>>
      %dma_start3A_61 = arith.constant 0 : i32
      %dma_start3A_62 = tpu.memref_slice %arg4[%add3A_12, %dma_start3A_61] : memref<2560x2560xf32, #tpu.memory_space<hbm>> -> memref<16x2560xf32, #tpu.memory_space<hbm>>
      %dma_start3A_63 = arith.constant 0 : i32
      %dma_start3A_64 = tpu.memref_slice %arg4[%add3A_12, %dma_start3A_63] : memref<2560x2560xf32, #tpu.memory_space<hbm>> -> memref<16x2560xf32, #tpu.memory_space<hbm>>
      tpu.enqueue_dma source(%arg6 : memref<16x2560xf32, #tpu.memory_space<vmem>>) target(%dma_start3A_64 : memref<16x2560xf32, #tpu.memory_space<hbm>>) target_semaphore(%run_scoped3A : memref<!tpu.dma_semaphore, #tpu.memory_space<semaphore_mem>>)
      %dma_wait3A_65 = arith.constant 0 : i32
      %dma_wait3A_66 = tpu.memref_slice %arg4[%add3A_12, %dma_wait3A_65] : memref<2560x2560xf32, #tpu.memory_space<hbm>> -> memref<16x2560xf32, #tpu.memory_space<hbm>>
      %dma_wait3A_67 = arith.constant 0 : i32
      %dma_wait3A_68 = tpu.memref_slice %arg4[%add3A_12, %dma_wait3A_67] : memref<2560x2560xf32, #tpu.memory_space<hbm>> -> memref<16x2560xf32, #tpu.memory_space<hbm>>
      tpu.wait_dma2 semaphore(%run_scoped3A : memref<!tpu.dma_semaphore, #tpu.memory_space<semaphore_mem>>) src(%arg6 : memref<16x2560xf32, #tpu.memory_space<vmem>>) dst(%dma_wait3A_68 : memref<16x2560xf32, #tpu.memory_space<hbm>>)
      tpu.yield
    }) : () -> ()
    %dma_start3A_13 = arith.constant 16 : i32
    %dma_start3A_14 = tpu.memref_slice %arg5[%dma_start3A_13] : memref<80xi32, #tpu.memory_space<vmem>> -> memref<16xi32, #tpu.memory_space<vmem>>
    %dma_start3A_15 = arith.constant 0 : i32
    %dma_start3A_16 = arith.constant 0 : i32
    %dma_start3A_17 = tpu.memref_slice %arg2[%dma_start3A_15, %dma_start3A_16] : memref<50000x2560xf32, #tpu.memory_space<hbm>> -> memref<50000x2560xf32, #tpu.memory_space<hbm>>
    tpu.enqueue_indirect_dma source(%dma_start3A_17 : memref<50000x2560xf32, #tpu.memory_space<hbm>>) target(%arg6 : memref<16x2560xf32, #tpu.memory_space<vmem>>) offsets(%dma_start3A_14 : memref<16xi32, #tpu.memory_space<vmem>>) semaphore(%arg7 : memref<!tpu.dma_semaphore, #tpu.memory_space<semaphore_mem>>)
    %dma_wait3A_18 = arith.constant 16 : i32
    %dma_wait3A_19 = tpu.memref_slice %arg5[%dma_wait3A_18] : memref<80xi32, #tpu.memory_space<vmem>> -> memref<16xi32, #tpu.memory_space<vmem>>
    %dma_wait3A_20 = arith.constant 0 : i32
    %dma_wait3A_21 = arith.constant 0 : i32
    %dma_wait3A_22 = tpu.memref_slice %arg2[%dma_wait3A_20, %dma_wait3A_21] : memref<50000x2560xf32, #tpu.memory_space<hbm>> -> memref<50000x2560xf32, #tpu.memory_space<hbm>>
    tpu.wait_indirect_dma semaphore(%arg7 : memref<!tpu.dma_semaphore, #tpu.memory_space<semaphore_mem>>) src(%dma_wait3A_22 : memref<50000x2560xf32, #tpu.memory_space<hbm>>) dst(%arg6 : memref<16x2560xf32, #tpu.memory_space<vmem>>)
    %add3A_23 = arith.constant 16 : i32
    %add3A_24 = arith.addi %mul3A_2, %add3A_23 : i32
    "tpu.region"() ({
      %run_scoped3A = tpu.sem_alloc : memref<!tpu.dma_semaphore, #tpu.memory_space<semaphore_mem>>
      %dma_start3A_61 = arith.constant 0 : i32
      %dma_start3A_62 = tpu.memref_slice %arg4[%add3A_24, %dma_start3A_61] : memref<2560x2560xf32, #tpu.memory_space<hbm>> -> memref<16x2560xf32, #tpu.memory_space<hbm>>
      %dma_start3A_63 = arith.constant 0 : i32
      %dma_start3A_64 = tpu.memref_slice %arg4[%add3A_24, %dma_start3A_63] : memref<2560x2560xf32, #tpu.memory_space<hbm>> -> memref<16x2560xf32, #tpu.memory_space<hbm>>
      tpu.enqueue_dma source(%arg6 : memref<16x2560xf32, #tpu.memory_space<vmem>>) target(%dma_start3A_64 : memref<16x2560xf32, #tpu.memory_space<hbm>>) target_semaphore(%run_scoped3A : memref<!tpu.dma_semaphore, #tpu.memory_space<semaphore_mem>>)
      %dma_wait3A_65 = arith.constant 0 : i32
      %dma_wait3A_66 = tpu.memref_slice %arg4[%add3A_24, %dma_wait3A_65] : memref<2560x2560xf32, #tpu.memory_space<hbm>> -> memref<16x2560xf32, #tpu.memory_space<hbm>>
      %dma_wait3A_67 = arith.constant 0 : i32
      %dma_wait3A_68 = tpu.memref_slice %arg4[%add3A_24, %dma_wait3A_67] : memref<2560x2560xf32, #tpu.memory_space<hbm>> -> memref<16x2560xf32, #tpu.memory_space<hbm>>
      tpu.wait_dma2 semaphore(%run_scoped3A : memref<!tpu.dma_semaphore, #tpu.memory_space<semaphore_mem>>) src(%arg6 : memref<16x2560xf32, #tpu.memory_space<vmem>>) dst(%dma_wait3A_68 : memref<16x2560xf32, #tpu.memory_space<hbm>>)
      tpu.yield
    }) : () -> ()
    %dma_start3A_25 = arith.constant 32 : i32
    %dma_start3A_26 = tpu.memref_slice %arg5[%dma_start3A_25] : memref<80xi32, #tpu.memory_space<vmem>> -> memref<16xi32, #tpu.memory_space<vmem>>
    %dma_start3A_27 = arith.constant 0 : i32
    %dma_start3A_28 = arith.constant 0 : i32
    %dma_start3A_29 = tpu.memref_slice %arg2[%dma_start3A_27, %dma_start3A_28] : memref<50000x2560xf32, #tpu.memory_space<hbm>> -> memref<50000x2560xf32, #tpu.memory_space<hbm>>
    tpu.enqueue_indirect_dma source(%dma_start3A_29 : memref<50000x2560xf32, #tpu.memory_space<hbm>>) target(%arg6 : memref<16x2560xf32, #tpu.memory_space<vmem>>) offsets(%dma_start3A_26 : memref<16xi32, #tpu.memory_space<vmem>>) semaphore(%arg7 : memref<!tpu.dma_semaphore, #tpu.memory_space<semaphore_mem>>)
    %dma_wait3A_30 = arith.constant 32 : i32
    %dma_wait3A_31 = tpu.memref_slice %arg5[%dma_wait3A_30] : memref<80xi32, #tpu.memory_space<vmem>> -> memref<16xi32, #tpu.memory_space<vmem>>
    %dma_wait3A_32 = arith.constant 0 : i32
    %dma_wait3A_33 = arith.constant 0 : i32
    %dma_wait3A_34 = tpu.memref_slice %arg2[%dma_wait3A_32, %dma_wait3A_33] : memref<50000x2560xf32, #tpu.memory_space<hbm>> -> memref<50000x2560xf32, #tpu.memory_space<hbm>>
    tpu.wait_indirect_dma semaphore(%arg7 : memref<!tpu.dma_semaphore, #tpu.memory_space<semaphore_mem>>) src(%dma_wait3A_34 : memref<50000x2560xf32, #tpu.memory_space<hbm>>) dst(%arg6 : memref<16x2560xf32, #tpu.memory_space<vmem>>)
    %add3A_35 = arith.constant 32 : i32
    %add3A_36 = arith.addi %mul3A_2, %add3A_35 : i32
    "tpu.region"() ({
      %run_scoped3A = tpu.sem_alloc : memref<!tpu.dma_semaphore, #tpu.memory_space<semaphore_mem>>
      %dma_start3A_61 = arith.constant 0 : i32
      %dma_start3A_62 = tpu.memref_slice %arg4[%add3A_36, %dma_start3A_61] : memref<2560x2560xf32, #tpu.memory_space<hbm>> -> memref<16x2560xf32, #tpu.memory_space<hbm>>
      %dma_start3A_63 = arith.constant 0 : i32
      %dma_start3A_64 = tpu.memref_slice %arg4[%add3A_36, %dma_start3A_63] : memref<2560x2560xf32, #tpu.memory_space<hbm>> -> memref<16x2560xf32, #tpu.memory_space<hbm>>
      tpu.enqueue_dma source(%arg6 : memref<16x2560xf32, #tpu.memory_space<vmem>>) target(%dma_start3A_64 : memref<16x2560xf32, #tpu.memory_space<hbm>>) target_semaphore(%run_scoped3A : memref<!tpu.dma_semaphore, #tpu.memory_space<semaphore_mem>>)
      %dma_wait3A_65 = arith.constant 0 : i32
      %dma_wait3A_66 = tpu.memref_slice %arg4[%add3A_36, %dma_wait3A_65] : memref<2560x2560xf32, #tpu.memory_space<hbm>> -> memref<16x2560xf32, #tpu.memory_space<hbm>>
      %dma_wait3A_67 = arith.constant 0 : i32
      %dma_wait3A_68 = tpu.memref_slice %arg4[%add3A_36, %dma_wait3A_67] : memref<2560x2560xf32, #tpu.memory_space<hbm>> -> memref<16x2560xf32, #tpu.memory_space<hbm>>
      tpu.wait_dma2 semaphore(%run_scoped3A : memref<!tpu.dma_semaphore, #tpu.memory_space<semaphore_mem>>) src(%arg6 : memref<16x2560xf32, #tpu.memory_space<vmem>>) dst(%dma_wait3A_68 : memref<16x2560xf32, #tpu.memory_space<hbm>>)
      tpu.yield
    }) : () -> ()
    %dma_start3A_37 = arith.constant 48 : i32
    %dma_start3A_38 = tpu.memref_slice %arg5[%dma_start3A_37] : memref<80xi32, #tpu.memory_space<vmem>> -> memref<16xi32, #tpu.memory_space<vmem>>
    %dma_start3A_39 = arith.constant 0 : i32
    %dma_start3A_40 = arith.constant 0 : i32
    %dma_start3A_41 = tpu.memref_slice %arg2[%dma_start3A_39, %dma_start3A_40] : memref<50000x2560xf32, #tpu.memory_space<hbm>> -> memref<50000x2560xf32, #tpu.memory_space<hbm>>
    tpu.enqueue_indirect_dma source(%dma_start3A_41 : memref<50000x2560xf32, #tpu.memory_space<hbm>>) target(%arg6 : memref<16x2560xf32, #tpu.memory_space<vmem>>) offsets(%dma_start3A_38 : memref<16xi32, #tpu.memory_space<vmem>>) semaphore(%arg7 : memref<!tpu.dma_semaphore, #tpu.memory_space<semaphore_mem>>)
    %dma_wait3A_42 = arith.constant 48 : i32
    %dma_wait3A_43 = tpu.memref_slice %arg5[%dma_wait3A_42] : memref<80xi32, #tpu.memory_space<vmem>> -> memref<16xi32, #tpu.memory_space<vmem>>
    %dma_wait3A_44 = arith.constant 0 : i32
    %dma_wait3A_45 = arith.constant 0 : i32
    %dma_wait3A_46 = tpu.memref_slice %arg2[%dma_wait3A_44, %dma_wait3A_45] : memref<50000x2560xf32, #tpu.memory_space<hbm>> -> memref<50000x2560xf32, #tpu.memory_space<hbm>>
    tpu.wait_indirect_dma semaphore(%arg7 : memref<!tpu.dma_semaphore, #tpu.memory_space<semaphore_mem>>) src(%dma_wait3A_46 : memref<50000x2560xf32, #tpu.memory_space<hbm>>) dst(%arg6 : memref<16x2560xf32, #tpu.memory_space<vmem>>)
    %add3A_47 = arith.constant 48 : i32
    %add3A_48 = arith.addi %mul3A_2, %add3A_47 : i32
    "tpu.region"() ({
      %run_scoped3A = tpu.sem_alloc : memref<!tpu.dma_semaphore, #tpu.memory_space<semaphore_mem>>
      %dma_start3A_61 = arith.constant 0 : i32
      %dma_start3A_62 = tpu.memref_slice %arg4[%add3A_48, %dma_start3A_61] : memref<2560x2560xf32, #tpu.memory_space<hbm>> -> memref<16x2560xf32, #tpu.memory_space<hbm>>
      %dma_start3A_63 = arith.constant 0 : i32
      %dma_start3A_64 = tpu.memref_slice %arg4[%add3A_48, %dma_start3A_63] : memref<2560x2560xf32, #tpu.memory_space<hbm>> -> memref<16x2560xf32, #tpu.memory_space<hbm>>
      tpu.enqueue_dma source(%arg6 : memref<16x2560xf32, #tpu.memory_space<vmem>>) target(%dma_start3A_64 : memref<16x2560xf32, #tpu.memory_space<hbm>>) target_semaphore(%run_scoped3A : memref<!tpu.dma_semaphore, #tpu.memory_space<semaphore_mem>>)
      %dma_wait3A_65 = arith.constant 0 : i32
      %dma_wait3A_66 = tpu.memref_slice %arg4[%add3A_48, %dma_wait3A_65] : memref<2560x2560xf32, #tpu.memory_space<hbm>> -> memref<16x2560xf32, #tpu.memory_space<hbm>>
      %dma_wait3A_67 = arith.constant 0 : i32
      %dma_wait3A_68 = tpu.memref_slice %arg4[%add3A_48, %dma_wait3A_67] : memref<2560x2560xf32, #tpu.memory_space<hbm>> -> memref<16x2560xf32, #tpu.memory_space<hbm>>
      tpu.wait_dma2 semaphore(%run_scoped3A : memref<!tpu.dma_semaphore, #tpu.memory_space<semaphore_mem>>) src(%arg6 : memref<16x2560xf32, #tpu.memory_space<vmem>>) dst(%dma_wait3A_68 : memref<16x2560xf32, #tpu.memory_space<hbm>>)
      tpu.yield
    }) : () -> ()
    %dma_start3A_49 = arith.constant 64 : i32
    %dma_start3A_50 = tpu.memref_slice %arg5[%dma_start3A_49] : memref<80xi32, #tpu.memory_space<vmem>> -> memref<16xi32, #tpu.memory_space<vmem>>
    %dma_start3A_51 = arith.constant 0 : i32
    %dma_start3A_52 = arith.constant 0 : i32
    %dma_start3A_53 = tpu.memref_slice %arg2[%dma_start3A_51, %dma_start3A_52] : memref<50000x2560xf32, #tpu.memory_space<hbm>> -> memref<50000x2560xf32, #tpu.memory_space<hbm>>
    tpu.enqueue_indirect_dma source(%dma_start3A_53 : memref<50000x2560xf32, #tpu.memory_space<hbm>>) target(%arg6 : memref<16x2560xf32, #tpu.memory_space<vmem>>) offsets(%dma_start3A_50 : memref<16xi32, #tpu.memory_space<vmem>>) semaphore(%arg7 : memref<!tpu.dma_semaphore, #tpu.memory_space<semaphore_mem>>)
    %dma_wait3A_54 = arith.constant 64 : i32
    %dma_wait3A_55 = tpu.memref_slice %arg5[%dma_wait3A_54] : memref<80xi32, #tpu.memory_space<vmem>> -> memref<16xi32, #tpu.memory_space<vmem>>
    %dma_wait3A_56 = arith.constant 0 : i32
    %dma_wait3A_57 = arith.constant 0 : i32
    %dma_wait3A_58 = tpu.memref_slice %arg2[%dma_wait3A_56, %dma_wait3A_57] : memref<50000x2560xf32, #tpu.memory_space<hbm>> -> memref<50000x2560xf32, #tpu.memory_space<hbm>>
    tpu.wait_indirect_dma semaphore(%arg7 : memref<!tpu.dma_semaphore, #tpu.memory_space<semaphore_mem>>) src(%dma_wait3A_58 : memref<50000x2560xf32, #tpu.memory_space<hbm>>) dst(%arg6 : memref<16x2560xf32, #tpu.memory_space<vmem>>)
    %add3A_59 = arith.constant 64 : i32
    %add3A_60 = arith.addi %mul3A_2, %add3A_59 : i32
    "tpu.region"() ({
      %run_scoped3A = tpu.sem_alloc : memref<!tpu.dma_semaphore, #tpu.memory_space<semaphore_mem>>
      %dma_start3A_61 = arith.constant 0 : i32
      %dma_start3A_62 = tpu.memref_slice %arg4[%add3A_60, %dma_start3A_61] : memref<2560x2560xf32, #tpu.memory_space<hbm>> -> memref<16x2560xf32, #tpu.memory_space<hbm>>
      %dma_start3A_63 = arith.constant 0 : i32
      %dma_start3A_64 = tpu.memref_slice %arg4[%add3A_60, %dma_start3A_63] : memref<2560x2560xf32, #tpu.memory_space<hbm>> -> memref<16x2560xf32, #tpu.memory_space<hbm>>
      tpu.enqueue_dma source(%arg6 : memref<16x2560xf32, #tpu.memory_space<vmem>>) target(%dma_start3A_64 : memref<16x2560xf32, #tpu.memory_space<hbm>>) target_semaphore(%run_scoped3A : memref<!tpu.dma_semaphore, #tpu.memory_space<semaphore_mem>>)
      %dma_wait3A_65 = arith.constant 0 : i32
      %dma_wait3A_66 = tpu.memref_slice %arg4[%add3A_60, %dma_wait3A_65] : memref<2560x2560xf32, #tpu.memory_space<hbm>> -> memref<16x2560xf32, #tpu.memory_space<hbm>>
      %dma_wait3A_67 = arith.constant 0 : i32
      %dma_wait3A_68 = tpu.memref_slice %arg4[%add3A_60, %dma_wait3A_67] : memref<2560x2560xf32, #tpu.memory_space<hbm>> -> memref<16x2560xf32, #tpu.memory_space<hbm>>
      tpu.wait_dma2 semaphore(%run_scoped3A : memref<!tpu.dma_semaphore, #tpu.memory_space<semaphore_mem>>) src(%arg6 : memref<16x2560xf32, #tpu.memory_space<vmem>>) dst(%dma_wait3A_68 : memref<16x2560xf32, #tpu.memory_space<hbm>>)
      tpu.yield
    }) : () -> ()
    return
  }
}

module attributes {stable_mosaic.version = 14 : i64} {
  func.func @_topk_body(%arg0: i32, %arg1: memref<128x20xf32, #tpu.memory_space<vmem>>, %arg2: memref<128x20xf32, #tpu.memory_space<vmem>>, %arg3: memref<2x64xf32, #tpu.memory_space<vmem>>, %arg4: memref<64xf32, #tpu.memory_space<vmem>>, %arg5: memref<64x64xf32, #tpu.memory_space<vmem>>, %arg6: memref<64xf32, #tpu.memory_space<vmem>>, %arg7: memref<2000x1280xf32, #tpu.memory_space<vmem>>, %arg8: memref<128x20xi32, #tpu.memory_space<vmem>>, %arg9: memref<128x20x64xf32, #tpu.memory_space<vmem>>, %arg10: memref<128x1280xbf16, #tpu.memory_space<vmem>>, %arg11: memref<128x20xf32, #tpu.memory_space<vmem>>, %arg12: memref<128x20xi32, #tpu.memory_space<vmem>>, %arg13: memref<128x2000xf32, #tpu.memory_space<vmem>>) attributes {dimension_semantics = [#tpu.dimension_semantics<arbitrary>], iteration_bounds = array<i64: 25>, scalar_prefetch = 0 : i64, scratch_operands = 4 : i64, tpu.core_type = #tpu.core_type<tc>, window_params = [{pipeline_mode = #tpu.pipeline_mode<synchronous>, transform_indices = @transform_0, window_bounds = array<i64: 128, 20>}, {pipeline_mode = #tpu.pipeline_mode<synchronous>, transform_indices = @transform_1, window_bounds = array<i64: 128, 20>}, {pipeline_mode = #tpu.pipeline_mode<synchronous>, transform_indices = @transform_2, window_bounds = array<i64: 2, 64>}, {pipeline_mode = #tpu.pipeline_mode<synchronous>, transform_indices = @transform_3, window_bounds = array<i64: 64>}, {pipeline_mode = #tpu.pipeline_mode<synchronous>, transform_indices = @transform_4, window_bounds = array<i64: 64, 64>}, {pipeline_mode = #tpu.pipeline_mode<synchronous>, transform_indices = @transform_5, window_bounds = array<i64: 64>}, {transform_indices = @transform_6, window_bounds = array<i64: 2000, 1280>}, {pipeline_mode = #tpu.pipeline_mode<synchronous>, transform_indices = @transform_7, window_bounds = array<i64: 128, 20>}, {pipeline_mode = #tpu.pipeline_mode<synchronous>, transform_indices = @transform_8, window_bounds = array<i64: 128, 20, 64>}]} {
    %eq3A = arith.constant 0 : i32
    %eq3A_0 = arith.cmpi eq, %arg0, %eq3A : i32
    %convert_element_type3A = arith.extui %eq3A_0 : i1 to i32
    %cond3A = arith.constant 0 : i32
    %cond3A_1 = arith.cmpi ne, %convert_element_type3A, %cond3A : i32
    scf.if %cond3A_1 {
      %get3A_192 = arith.constant 0 : index
      %get3A_193 = arith.constant 0 : index
      %get3A_194 = vector.load %arg3[%get3A_192, %get3A_193] : memref<2x64xf32, #tpu.memory_space<vmem>>, vector<1x64xf32>
      %get3A_195 = arith.constant 1 : index
      %get3A_196 = arith.constant 0 : index
      %get3A_197 = vector.load %arg3[%get3A_195, %get3A_196] : memref<2x64xf32, #tpu.memory_space<vmem>>, vector<1x64xf32>
      %get3A_198 = arith.constant 0 : index
      %get3A_199 = arith.constant 0 : index
      %get3A_200 = vector.load %arg1[%get3A_198, %get3A_199] : memref<128x20xf32, #tpu.memory_space<vmem>>, vector<128x1xf32>
      %convert_element_type3A_201 = arith.truncf %get3A_200 : vector<128x1xf32> to vector<128x1xbf16>
      %convert_element_type3A_202 = arith.extf %convert_element_type3A_201 : vector<128x1xbf16> to vector<128x1xf32>
      %convert_element_type3A_203 = arith.truncf %get3A_194 : vector<1x64xf32> to vector<1x64xbf16>
      %convert_element_type3A_204 = arith.extf %convert_element_type3A_203 : vector<1x64xbf16> to vector<1x64xf32>
      %mul3A_205 = vector.broadcast %convert_element_type3A_202 : vector<128x1xf32> to vector<128x64xf32>
      %mul3A_206 = vector.broadcast %convert_element_type3A_204 : vector<1x64xf32> to vector<128x64xf32>
      %mul3A_207 = arith.mulf %mul3A_205, %mul3A_206 : vector<128x64xf32>
      %get3A_208 = arith.constant 0 : index
      %get3A_209 = arith.constant 0 : index
      %get3A_210 = vector.load %arg2[%get3A_208, %get3A_209] : memref<128x20xf32, #tpu.memory_space<vmem>>, vector<128x1xf32>
      %convert_element_type3A_211 = arith.truncf %get3A_210 : vector<128x1xf32> to vector<128x1xbf16>
      %convert_element_type3A_212 = arith.extf %convert_element_type3A_211 : vector<128x1xbf16> to vector<128x1xf32>
      %convert_element_type3A_213 = arith.truncf %get3A_197 : vector<1x64xf32> to vector<1x64xbf16>
      %convert_element_type3A_214 = arith.extf %convert_element_type3A_213 : vector<1x64xbf16> to vector<1x64xf32>
      %mul3A_215 = vector.broadcast %convert_element_type3A_212 : vector<128x1xf32> to vector<128x64xf32>
      %mul3A_216 = vector.broadcast %convert_element_type3A_214 : vector<1x64xf32> to vector<128x64xf32>
      %mul3A_217 = arith.mulf %mul3A_215, %mul3A_216 : vector<128x64xf32>
      %add3A_218 = arith.addf %mul3A_207, %mul3A_217 : vector<128x64xf32>
      %get3A_219 = arith.constant 0 : index
      %get3A_220 = vector.load %arg4[%get3A_219] : memref<64xf32, #tpu.memory_space<vmem>>, vector<64xf32>
      %broadcast_in_dim3A_221 = vector.shape_cast %get3A_220 : vector<64xf32> to vector<1x64xf32>
      %add3A_222 = vector.broadcast %broadcast_in_dim3A_221 : vector<1x64xf32> to vector<128x64xf32>
      %add3A_223 = arith.addf %add3A_218, %add3A_222 : vector<128x64xf32>
      %get3A_224 = arith.constant 0 : index
      %get3A_225 = arith.constant 0 : index
      %get3A_226 = vector.load %arg5[%get3A_224, %get3A_225] : memref<64x64xf32, #tpu.memory_space<vmem>>, vector<64x64xf32>
      %convert_element_type3A_227 = arith.truncf %add3A_223 : vector<128x64xf32> to vector<128x64xbf16>
      %convert_element_type3A_228 = arith.truncf %get3A_226 : vector<64x64xf32> to vector<64x64xbf16>
      %dot_general3A_229 = arith.constant dense<0.000000e+00> : vector<128x64xf32>
      %dot_general3A_230 = tpu.matmul %convert_element_type3A_227, %convert_element_type3A_228, %dot_general3A_229 {dimension_numbers = #tpu.dot_dimension_numbers<[1], [0], [0], [1], [0, 0, 1, 1], [], []>, transpose_lhs_hint = false} : vector<128x64xbf16>, vector<64x64xbf16>, vector<128x64xf32> -> vector<128x64xf32>
      %get3A_231 = arith.constant 0 : index
      %get3A_232 = vector.load %arg6[%get3A_231] : memref<64xf32, #tpu.memory_space<vmem>>, vector<64xf32>
      %broadcast_in_dim3A_233 = vector.shape_cast %get3A_232 : vector<64xf32> to vector<1x64xf32>
      %add3A_234 = vector.broadcast %broadcast_in_dim3A_233 : vector<1x64xf32> to vector<128x64xf32>
      %add3A_235 = arith.addf %dot_general3A_230, %add3A_234 : vector<128x64xf32>
      %get3A_236 = arith.constant 0 : index
      %get3A_237 = arith.constant 1 : index
      %get3A_238 = vector.load %arg1[%get3A_236, %get3A_237] : memref<128x20xf32, #tpu.memory_space<vmem>>, vector<128x1xf32>
      %convert_element_type3A_239 = arith.truncf %get3A_238 : vector<128x1xf32> to vector<128x1xbf16>
      %convert_element_type3A_240 = arith.extf %convert_element_type3A_239 : vector<128x1xbf16> to vector<128x1xf32>
      %convert_element_type3A_241 = arith.truncf %get3A_194 : vector<1x64xf32> to vector<1x64xbf16>
      %convert_element_type3A_242 = arith.extf %convert_element_type3A_241 : vector<1x64xbf16> to vector<1x64xf32>
      %mul3A_243 = vector.broadcast %convert_element_type3A_240 : vector<128x1xf32> to vector<128x64xf32>
      %mul3A_244 = vector.broadcast %convert_element_type3A_242 : vector<1x64xf32> to vector<128x64xf32>
      %mul3A_245 = arith.mulf %mul3A_243, %mul3A_244 : vector<128x64xf32>
      %get3A_246 = arith.constant 0 : index
      %get3A_247 = arith.constant 1 : index
      %get3A_248 = vector.load %arg2[%get3A_246, %get3A_247] : memref<128x20xf32, #tpu.memory_space<vmem>>, vector<128x1xf32>
      %convert_element_type3A_249 = arith.truncf %get3A_248 : vector<128x1xf32> to vector<128x1xbf16>
      %convert_element_type3A_250 = arith.extf %convert_element_type3A_249 : vector<128x1xbf16> to vector<128x1xf32>
      %convert_element_type3A_251 = arith.truncf %get3A_197 : vector<1x64xf32> to vector<1x64xbf16>
      %convert_element_type3A_252 = arith.extf %convert_element_type3A_251 : vector<1x64xbf16> to vector<1x64xf32>
      %mul3A_253 = vector.broadcast %convert_element_type3A_250 : vector<128x1xf32> to vector<128x64xf32>
      %mul3A_254 = vector.broadcast %convert_element_type3A_252 : vector<1x64xf32> to vector<128x64xf32>
      %mul3A_255 = arith.mulf %mul3A_253, %mul3A_254 : vector<128x64xf32>
      %add3A_256 = arith.addf %mul3A_245, %mul3A_255 : vector<128x64xf32>
      %get3A_257 = arith.constant 0 : index
      %get3A_258 = vector.load %arg4[%get3A_257] : memref<64xf32, #tpu.memory_space<vmem>>, vector<64xf32>
      %broadcast_in_dim3A_259 = vector.shape_cast %get3A_258 : vector<64xf32> to vector<1x64xf32>
      %add3A_260 = vector.broadcast %broadcast_in_dim3A_259 : vector<1x64xf32> to vector<128x64xf32>
      %add3A_261 = arith.addf %add3A_256, %add3A_260 : vector<128x64xf32>
      %get3A_262 = arith.constant 0 : index
      %get3A_263 = arith.constant 0 : index
      %get3A_264 = vector.load %arg5[%get3A_262, %get3A_263] : memref<64x64xf32, #tpu.memory_space<vmem>>, vector<64x64xf32>
      %convert_element_type3A_265 = arith.truncf %add3A_261 : vector<128x64xf32> to vector<128x64xbf16>
      %convert_element_type3A_266 = arith.truncf %get3A_264 : vector<64x64xf32> to vector<64x64xbf16>
      %dot_general3A_267 = arith.constant dense<0.000000e+00> : vector<128x64xf32>
      %dot_general3A_268 = tpu.matmul %convert_element_type3A_265, %convert_element_type3A_266, %dot_general3A_267 {dimension_numbers = #tpu.dot_dimension_numbers<[1], [0], [0], [1], [0, 0, 1, 1], [], []>, transpose_lhs_hint = false} : vector<128x64xbf16>, vector<64x64xbf16>, vector<128x64xf32> -> vector<128x64xf32>
      %get3A_269 = arith.constant 0 : index
      %get3A_270 = vector.load %arg6[%get3A_269] : memref<64xf32, #tpu.memory_space<vmem>>, vector<64xf32>
      %broadcast_in_dim3A_271 = vector.shape_cast %get3A_270 : vector<64xf32> to vector<1x64xf32>
      %add3A_272 = vector.broadcast %broadcast_in_dim3A_271 : vector<1x64xf32> to vector<128x64xf32>
      %add3A_273 = arith.addf %dot_general3A_268, %add3A_272 : vector<128x64xf32>
      %get3A_274 = arith.constant 0 : index
      %get3A_275 = arith.constant 2 : index
      %get3A_276 = vector.load %arg1[%get3A_274, %get3A_275] : memref<128x20xf32, #tpu.memory_space<vmem>>, vector<128x1xf32>
      %convert_element_type3A_277 = arith.truncf %get3A_276 : vector<128x1xf32> to vector<128x1xbf16>
      %convert_element_type3A_278 = arith.extf %convert_element_type3A_277 : vector<128x1xbf16> to vector<128x1xf32>
      %convert_element_type3A_279 = arith.truncf %get3A_194 : vector<1x64xf32> to vector<1x64xbf16>
      %convert_element_type3A_280 = arith.extf %convert_element_type3A_279 : vector<1x64xbf16> to vector<1x64xf32>
      %mul3A_281 = vector.broadcast %convert_element_type3A_278 : vector<128x1xf32> to vector<128x64xf32>
      %mul3A_282 = vector.broadcast %convert_element_type3A_280 : vector<1x64xf32> to vector<128x64xf32>
      %mul3A_283 = arith.mulf %mul3A_281, %mul3A_282 : vector<128x64xf32>
      %get3A_284 = arith.constant 0 : index
      %get3A_285 = arith.constant 2 : index
      %get3A_286 = vector.load %arg2[%get3A_284, %get3A_285] : memref<128x20xf32, #tpu.memory_space<vmem>>, vector<128x1xf32>
      %convert_element_type3A_287 = arith.truncf %get3A_286 : vector<128x1xf32> to vector<128x1xbf16>
      %convert_element_type3A_288 = arith.extf %convert_element_type3A_287 : vector<128x1xbf16> to vector<128x1xf32>
      %convert_element_type3A_289 = arith.truncf %get3A_197 : vector<1x64xf32> to vector<1x64xbf16>
      %convert_element_type3A_290 = arith.extf %convert_element_type3A_289 : vector<1x64xbf16> to vector<1x64xf32>
      %mul3A_291 = vector.broadcast %convert_element_type3A_288 : vector<128x1xf32> to vector<128x64xf32>
      %mul3A_292 = vector.broadcast %convert_element_type3A_290 : vector<1x64xf32> to vector<128x64xf32>
      %mul3A_293 = arith.mulf %mul3A_291, %mul3A_292 : vector<128x64xf32>
      %add3A_294 = arith.addf %mul3A_283, %mul3A_293 : vector<128x64xf32>
      %get3A_295 = arith.constant 0 : index
      %get3A_296 = vector.load %arg4[%get3A_295] : memref<64xf32, #tpu.memory_space<vmem>>, vector<64xf32>
      %broadcast_in_dim3A_297 = vector.shape_cast %get3A_296 : vector<64xf32> to vector<1x64xf32>
      %add3A_298 = vector.broadcast %broadcast_in_dim3A_297 : vector<1x64xf32> to vector<128x64xf32>
      %add3A_299 = arith.addf %add3A_294, %add3A_298 : vector<128x64xf32>
      %get3A_300 = arith.constant 0 : index
      %get3A_301 = arith.constant 0 : index
      %get3A_302 = vector.load %arg5[%get3A_300, %get3A_301] : memref<64x64xf32, #tpu.memory_space<vmem>>, vector<64x64xf32>
      %convert_element_type3A_303 = arith.truncf %add3A_299 : vector<128x64xf32> to vector<128x64xbf16>
      %convert_element_type3A_304 = arith.truncf %get3A_302 : vector<64x64xf32> to vector<64x64xbf16>
      %dot_general3A_305 = arith.constant dense<0.000000e+00> : vector<128x64xf32>
      %dot_general3A_306 = tpu.matmul %convert_element_type3A_303, %convert_element_type3A_304, %dot_general3A_305 {dimension_numbers = #tpu.dot_dimension_numbers<[1], [0], [0], [1], [0, 0, 1, 1], [], []>, transpose_lhs_hint = false} : vector<128x64xbf16>, vector<64x64xbf16>, vector<128x64xf32> -> vector<128x64xf32>
      %get3A_307 = arith.constant 0 : index
      %get3A_308 = vector.load %arg6[%get3A_307] : memref<64xf32, #tpu.memory_space<vmem>>, vector<64xf32>
      %broadcast_in_dim3A_309 = vector.shape_cast %get3A_308 : vector<64xf32> to vector<1x64xf32>
      %add3A_310 = vector.broadcast %broadcast_in_dim3A_309 : vector<1x64xf32> to vector<128x64xf32>
      %add3A_311 = arith.addf %dot_general3A_306, %add3A_310 : vector<128x64xf32>
      %get3A_312 = arith.constant 0 : index
      %get3A_313 = arith.constant 3 : index
      %get3A_314 = vector.load %arg1[%get3A_312, %get3A_313] : memref<128x20xf32, #tpu.memory_space<vmem>>, vector<128x1xf32>
      %convert_element_type3A_315 = arith.truncf %get3A_314 : vector<128x1xf32> to vector<128x1xbf16>
      %convert_element_type3A_316 = arith.extf %convert_element_type3A_315 : vector<128x1xbf16> to vector<128x1xf32>
      %convert_element_type3A_317 = arith.truncf %get3A_194 : vector<1x64xf32> to vector<1x64xbf16>
      %convert_element_type3A_318 = arith.extf %convert_element_type3A_317 : vector<1x64xbf16> to vector<1x64xf32>
      %mul3A_319 = vector.broadcast %convert_element_type3A_316 : vector<128x1xf32> to vector<128x64xf32>
      %mul3A_320 = vector.broadcast %convert_element_type3A_318 : vector<1x64xf32> to vector<128x64xf32>
      %mul3A_321 = arith.mulf %mul3A_319, %mul3A_320 : vector<128x64xf32>
      %get3A_322 = arith.constant 0 : index
      %get3A_323 = arith.constant 3 : index
      %get3A_324 = vector.load %arg2[%get3A_322, %get3A_323] : memref<128x20xf32, #tpu.memory_space<vmem>>, vector<128x1xf32>
      %convert_element_type3A_325 = arith.truncf %get3A_324 : vector<128x1xf32> to vector<128x1xbf16>
      %convert_element_type3A_326 = arith.extf %convert_element_type3A_325 : vector<128x1xbf16> to vector<128x1xf32>
      %convert_element_type3A_327 = arith.truncf %get3A_197 : vector<1x64xf32> to vector<1x64xbf16>
      %convert_element_type3A_328 = arith.extf %convert_element_type3A_327 : vector<1x64xbf16> to vector<1x64xf32>
      %mul3A_329 = vector.broadcast %convert_element_type3A_326 : vector<128x1xf32> to vector<128x64xf32>
      %mul3A_330 = vector.broadcast %convert_element_type3A_328 : vector<1x64xf32> to vector<128x64xf32>
      %mul3A_331 = arith.mulf %mul3A_329, %mul3A_330 : vector<128x64xf32>
      %add3A_332 = arith.addf %mul3A_321, %mul3A_331 : vector<128x64xf32>
      %get3A_333 = arith.constant 0 : index
      %get3A_334 = vector.load %arg4[%get3A_333] : memref<64xf32, #tpu.memory_space<vmem>>, vector<64xf32>
      %broadcast_in_dim3A_335 = vector.shape_cast %get3A_334 : vector<64xf32> to vector<1x64xf32>
      %add3A_336 = vector.broadcast %broadcast_in_dim3A_335 : vector<1x64xf32> to vector<128x64xf32>
      %add3A_337 = arith.addf %add3A_332, %add3A_336 : vector<128x64xf32>
      %get3A_338 = arith.constant 0 : index
      %get3A_339 = arith.constant 0 : index
      %get3A_340 = vector.load %arg5[%get3A_338, %get3A_339] : memref<64x64xf32, #tpu.memory_space<vmem>>, vector<64x64xf32>
      %convert_element_type3A_341 = arith.truncf %add3A_337 : vector<128x64xf32> to vector<128x64xbf16>
      %convert_element_type3A_342 = arith.truncf %get3A_340 : vector<64x64xf32> to vector<64x64xbf16>
      %dot_general3A_343 = arith.constant dense<0.000000e+00> : vector<128x64xf32>
      %dot_general3A_344 = tpu.matmul %convert_element_type3A_341, %convert_element_type3A_342, %dot_general3A_343 {dimension_numbers = #tpu.dot_dimension_numbers<[1], [0], [0], [1], [0, 0, 1, 1], [], []>, transpose_lhs_hint = false} : vector<128x64xbf16>, vector<64x64xbf16>, vector<128x64xf32> -> vector<128x64xf32>
      %get3A_345 = arith.constant 0 : index
      %get3A_346 = vector.load %arg6[%get3A_345] : memref<64xf32, #tpu.memory_space<vmem>>, vector<64xf32>
      %broadcast_in_dim3A_347 = vector.shape_cast %get3A_346 : vector<64xf32> to vector<1x64xf32>
      %add3A_348 = vector.broadcast %broadcast_in_dim3A_347 : vector<1x64xf32> to vector<128x64xf32>
      %add3A_349 = arith.addf %dot_general3A_344, %add3A_348 : vector<128x64xf32>
      %get3A_350 = arith.constant 0 : index
      %get3A_351 = arith.constant 4 : index
      %get3A_352 = vector.load %arg1[%get3A_350, %get3A_351] : memref<128x20xf32, #tpu.memory_space<vmem>>, vector<128x1xf32>
      %convert_element_type3A_353 = arith.truncf %get3A_352 : vector<128x1xf32> to vector<128x1xbf16>
      %convert_element_type3A_354 = arith.extf %convert_element_type3A_353 : vector<128x1xbf16> to vector<128x1xf32>
      %convert_element_type3A_355 = arith.truncf %get3A_194 : vector<1x64xf32> to vector<1x64xbf16>
      %convert_element_type3A_356 = arith.extf %convert_element_type3A_355 : vector<1x64xbf16> to vector<1x64xf32>
      %mul3A_357 = vector.broadcast %convert_element_type3A_354 : vector<128x1xf32> to vector<128x64xf32>
      %mul3A_358 = vector.broadcast %convert_element_type3A_356 : vector<1x64xf32> to vector<128x64xf32>
      %mul3A_359 = arith.mulf %mul3A_357, %mul3A_358 : vector<128x64xf32>
      %get3A_360 = arith.constant 0 : index
      %get3A_361 = arith.constant 4 : index
      %get3A_362 = vector.load %arg2[%get3A_360, %get3A_361] : memref<128x20xf32, #tpu.memory_space<vmem>>, vector<128x1xf32>
      %convert_element_type3A_363 = arith.truncf %get3A_362 : vector<128x1xf32> to vector<128x1xbf16>
      %convert_element_type3A_364 = arith.extf %convert_element_type3A_363 : vector<128x1xbf16> to vector<128x1xf32>
      %convert_element_type3A_365 = arith.truncf %get3A_197 : vector<1x64xf32> to vector<1x64xbf16>
      %convert_element_type3A_366 = arith.extf %convert_element_type3A_365 : vector<1x64xbf16> to vector<1x64xf32>
      %mul3A_367 = vector.broadcast %convert_element_type3A_364 : vector<128x1xf32> to vector<128x64xf32>
      %mul3A_368 = vector.broadcast %convert_element_type3A_366 : vector<1x64xf32> to vector<128x64xf32>
      %mul3A_369 = arith.mulf %mul3A_367, %mul3A_368 : vector<128x64xf32>
      %add3A_370 = arith.addf %mul3A_359, %mul3A_369 : vector<128x64xf32>
      %get3A_371 = arith.constant 0 : index
      %get3A_372 = vector.load %arg4[%get3A_371] : memref<64xf32, #tpu.memory_space<vmem>>, vector<64xf32>
      %broadcast_in_dim3A_373 = vector.shape_cast %get3A_372 : vector<64xf32> to vector<1x64xf32>
      %add3A_374 = vector.broadcast %broadcast_in_dim3A_373 : vector<1x64xf32> to vector<128x64xf32>
      %add3A_375 = arith.addf %add3A_370, %add3A_374 : vector<128x64xf32>
      %get3A_376 = arith.constant 0 : index
      %get3A_377 = arith.constant 0 : index
      %get3A_378 = vector.load %arg5[%get3A_376, %get3A_377] : memref<64x64xf32, #tpu.memory_space<vmem>>, vector<64x64xf32>
      %convert_element_type3A_379 = arith.truncf %add3A_375 : vector<128x64xf32> to vector<128x64xbf16>
      %convert_element_type3A_380 = arith.truncf %get3A_378 : vector<64x64xf32> to vector<64x64xbf16>
      %dot_general3A_381 = arith.constant dense<0.000000e+00> : vector<128x64xf32>
      %dot_general3A_382 = tpu.matmul %convert_element_type3A_379, %convert_element_type3A_380, %dot_general3A_381 {dimension_numbers = #tpu.dot_dimension_numbers<[1], [0], [0], [1], [0, 0, 1, 1], [], []>, transpose_lhs_hint = false} : vector<128x64xbf16>, vector<64x64xbf16>, vector<128x64xf32> -> vector<128x64xf32>
      %get3A_383 = arith.constant 0 : index
      %get3A_384 = vector.load %arg6[%get3A_383] : memref<64xf32, #tpu.memory_space<vmem>>, vector<64xf32>
      %broadcast_in_dim3A_385 = vector.shape_cast %get3A_384 : vector<64xf32> to vector<1x64xf32>
      %add3A_386 = vector.broadcast %broadcast_in_dim3A_385 : vector<1x64xf32> to vector<128x64xf32>
      %add3A_387 = arith.addf %dot_general3A_382, %add3A_386 : vector<128x64xf32>
      %get3A_388 = arith.constant 0 : index
      %get3A_389 = arith.constant 5 : index
      %get3A_390 = vector.load %arg1[%get3A_388, %get3A_389] : memref<128x20xf32, #tpu.memory_space<vmem>>, vector<128x1xf32>
      %convert_element_type3A_391 = arith.truncf %get3A_390 : vector<128x1xf32> to vector<128x1xbf16>
      %convert_element_type3A_392 = arith.extf %convert_element_type3A_391 : vector<128x1xbf16> to vector<128x1xf32>
      %convert_element_type3A_393 = arith.truncf %get3A_194 : vector<1x64xf32> to vector<1x64xbf16>
      %convert_element_type3A_394 = arith.extf %convert_element_type3A_393 : vector<1x64xbf16> to vector<1x64xf32>
      %mul3A_395 = vector.broadcast %convert_element_type3A_392 : vector<128x1xf32> to vector<128x64xf32>
      %mul3A_396 = vector.broadcast %convert_element_type3A_394 : vector<1x64xf32> to vector<128x64xf32>
      %mul3A_397 = arith.mulf %mul3A_395, %mul3A_396 : vector<128x64xf32>
      %get3A_398 = arith.constant 0 : index
      %get3A_399 = arith.constant 5 : index
      %get3A_400 = vector.load %arg2[%get3A_398, %get3A_399] : memref<128x20xf32, #tpu.memory_space<vmem>>, vector<128x1xf32>
      %convert_element_type3A_401 = arith.truncf %get3A_400 : vector<128x1xf32> to vector<128x1xbf16>
      %convert_element_type3A_402 = arith.extf %convert_element_type3A_401 : vector<128x1xbf16> to vector<128x1xf32>
      %convert_element_type3A_403 = arith.truncf %get3A_197 : vector<1x64xf32> to vector<1x64xbf16>
      %convert_element_type3A_404 = arith.extf %convert_element_type3A_403 : vector<1x64xbf16> to vector<1x64xf32>
      %mul3A_405 = vector.broadcast %convert_element_type3A_402 : vector<128x1xf32> to vector<128x64xf32>
      %mul3A_406 = vector.broadcast %convert_element_type3A_404 : vector<1x64xf32> to vector<128x64xf32>
      %mul3A_407 = arith.mulf %mul3A_405, %mul3A_406 : vector<128x64xf32>
      %add3A_408 = arith.addf %mul3A_397, %mul3A_407 : vector<128x64xf32>
      %get3A_409 = arith.constant 0 : index
      %get3A_410 = vector.load %arg4[%get3A_409] : memref<64xf32, #tpu.memory_space<vmem>>, vector<64xf32>
      %broadcast_in_dim3A_411 = vector.shape_cast %get3A_410 : vector<64xf32> to vector<1x64xf32>
      %add3A_412 = vector.broadcast %broadcast_in_dim3A_411 : vector<1x64xf32> to vector<128x64xf32>
      %add3A_413 = arith.addf %add3A_408, %add3A_412 : vector<128x64xf32>
      %get3A_414 = arith.constant 0 : index
      %get3A_415 = arith.constant 0 : index
      %get3A_416 = vector.load %arg5[%get3A_414, %get3A_415] : memref<64x64xf32, #tpu.memory_space<vmem>>, vector<64x64xf32>
      %convert_element_type3A_417 = arith.truncf %add3A_413 : vector<128x64xf32> to vector<128x64xbf16>
      %convert_element_type3A_418 = arith.truncf %get3A_416 : vector<64x64xf32> to vector<64x64xbf16>
      %dot_general3A_419 = arith.constant dense<0.000000e+00> : vector<128x64xf32>
      %dot_general3A_420 = tpu.matmul %convert_element_type3A_417, %convert_element_type3A_418, %dot_general3A_419 {dimension_numbers = #tpu.dot_dimension_numbers<[1], [0], [0], [1], [0, 0, 1, 1], [], []>, transpose_lhs_hint = false} : vector<128x64xbf16>, vector<64x64xbf16>, vector<128x64xf32> -> vector<128x64xf32>
      %get3A_421 = arith.constant 0 : index
      %get3A_422 = vector.load %arg6[%get3A_421] : memref<64xf32, #tpu.memory_space<vmem>>, vector<64xf32>
      %broadcast_in_dim3A_423 = vector.shape_cast %get3A_422 : vector<64xf32> to vector<1x64xf32>
      %add3A_424 = vector.broadcast %broadcast_in_dim3A_423 : vector<1x64xf32> to vector<128x64xf32>
      %add3A_425 = arith.addf %dot_general3A_420, %add3A_424 : vector<128x64xf32>
      %get3A_426 = arith.constant 0 : index
      %get3A_427 = arith.constant 6 : index
      %get3A_428 = vector.load %arg1[%get3A_426, %get3A_427] : memref<128x20xf32, #tpu.memory_space<vmem>>, vector<128x1xf32>
      %convert_element_type3A_429 = arith.truncf %get3A_428 : vector<128x1xf32> to vector<128x1xbf16>
      %convert_element_type3A_430 = arith.extf %convert_element_type3A_429 : vector<128x1xbf16> to vector<128x1xf32>
      %convert_element_type3A_431 = arith.truncf %get3A_194 : vector<1x64xf32> to vector<1x64xbf16>
      %convert_element_type3A_432 = arith.extf %convert_element_type3A_431 : vector<1x64xbf16> to vector<1x64xf32>
      %mul3A_433 = vector.broadcast %convert_element_type3A_430 : vector<128x1xf32> to vector<128x64xf32>
      %mul3A_434 = vector.broadcast %convert_element_type3A_432 : vector<1x64xf32> to vector<128x64xf32>
      %mul3A_435 = arith.mulf %mul3A_433, %mul3A_434 : vector<128x64xf32>
      %get3A_436 = arith.constant 0 : index
      %get3A_437 = arith.constant 6 : index
      %get3A_438 = vector.load %arg2[%get3A_436, %get3A_437] : memref<128x20xf32, #tpu.memory_space<vmem>>, vector<128x1xf32>
      %convert_element_type3A_439 = arith.truncf %get3A_438 : vector<128x1xf32> to vector<128x1xbf16>
      %convert_element_type3A_440 = arith.extf %convert_element_type3A_439 : vector<128x1xbf16> to vector<128x1xf32>
      %convert_element_type3A_441 = arith.truncf %get3A_197 : vector<1x64xf32> to vector<1x64xbf16>
      %convert_element_type3A_442 = arith.extf %convert_element_type3A_441 : vector<1x64xbf16> to vector<1x64xf32>
      %mul3A_443 = vector.broadcast %convert_element_type3A_440 : vector<128x1xf32> to vector<128x64xf32>
      %mul3A_444 = vector.broadcast %convert_element_type3A_442 : vector<1x64xf32> to vector<128x64xf32>
      %mul3A_445 = arith.mulf %mul3A_443, %mul3A_444 : vector<128x64xf32>
      %add3A_446 = arith.addf %mul3A_435, %mul3A_445 : vector<128x64xf32>
      %get3A_447 = arith.constant 0 : index
      %get3A_448 = vector.load %arg4[%get3A_447] : memref<64xf32, #tpu.memory_space<vmem>>, vector<64xf32>
      %broadcast_in_dim3A_449 = vector.shape_cast %get3A_448 : vector<64xf32> to vector<1x64xf32>
      %add3A_450 = vector.broadcast %broadcast_in_dim3A_449 : vector<1x64xf32> to vector<128x64xf32>
      %add3A_451 = arith.addf %add3A_446, %add3A_450 : vector<128x64xf32>
      %get3A_452 = arith.constant 0 : index
      %get3A_453 = arith.constant 0 : index
      %get3A_454 = vector.load %arg5[%get3A_452, %get3A_453] : memref<64x64xf32, #tpu.memory_space<vmem>>, vector<64x64xf32>
      %convert_element_type3A_455 = arith.truncf %add3A_451 : vector<128x64xf32> to vector<128x64xbf16>
      %convert_element_type3A_456 = arith.truncf %get3A_454 : vector<64x64xf32> to vector<64x64xbf16>
      %dot_general3A_457 = arith.constant dense<0.000000e+00> : vector<128x64xf32>
      %dot_general3A_458 = tpu.matmul %convert_element_type3A_455, %convert_element_type3A_456, %dot_general3A_457 {dimension_numbers = #tpu.dot_dimension_numbers<[1], [0], [0], [1], [0, 0, 1, 1], [], []>, transpose_lhs_hint = false} : vector<128x64xbf16>, vector<64x64xbf16>, vector<128x64xf32> -> vector<128x64xf32>
      %get3A_459 = arith.constant 0 : index
      %get3A_460 = vector.load %arg6[%get3A_459] : memref<64xf32, #tpu.memory_space<vmem>>, vector<64xf32>
      %broadcast_in_dim3A_461 = vector.shape_cast %get3A_460 : vector<64xf32> to vector<1x64xf32>
      %add3A_462 = vector.broadcast %broadcast_in_dim3A_461 : vector<1x64xf32> to vector<128x64xf32>
      %add3A_463 = arith.addf %dot_general3A_458, %add3A_462 : vector<128x64xf32>
      %get3A_464 = arith.constant 0 : index
      %get3A_465 = arith.constant 7 : index
      %get3A_466 = vector.load %arg1[%get3A_464, %get3A_465] : memref<128x20xf32, #tpu.memory_space<vmem>>, vector<128x1xf32>
      %convert_element_type3A_467 = arith.truncf %get3A_466 : vector<128x1xf32> to vector<128x1xbf16>
      %convert_element_type3A_468 = arith.extf %convert_element_type3A_467 : vector<128x1xbf16> to vector<128x1xf32>
      %convert_element_type3A_469 = arith.truncf %get3A_194 : vector<1x64xf32> to vector<1x64xbf16>
      %convert_element_type3A_470 = arith.extf %convert_element_type3A_469 : vector<1x64xbf16> to vector<1x64xf32>
      %mul3A_471 = vector.broadcast %convert_element_type3A_468 : vector<128x1xf32> to vector<128x64xf32>
      %mul3A_472 = vector.broadcast %convert_element_type3A_470 : vector<1x64xf32> to vector<128x64xf32>
      %mul3A_473 = arith.mulf %mul3A_471, %mul3A_472 : vector<128x64xf32>
      %get3A_474 = arith.constant 0 : index
      %get3A_475 = arith.constant 7 : index
      %get3A_476 = vector.load %arg2[%get3A_474, %get3A_475] : memref<128x20xf32, #tpu.memory_space<vmem>>, vector<128x1xf32>
      %convert_element_type3A_477 = arith.truncf %get3A_476 : vector<128x1xf32> to vector<128x1xbf16>
      %convert_element_type3A_478 = arith.extf %convert_element_type3A_477 : vector<128x1xbf16> to vector<128x1xf32>
      %convert_element_type3A_479 = arith.truncf %get3A_197 : vector<1x64xf32> to vector<1x64xbf16>
      %convert_element_type3A_480 = arith.extf %convert_element_type3A_479 : vector<1x64xbf16> to vector<1x64xf32>
      %mul3A_481 = vector.broadcast %convert_element_type3A_478 : vector<128x1xf32> to vector<128x64xf32>
      %mul3A_482 = vector.broadcast %convert_element_type3A_480 : vector<1x64xf32> to vector<128x64xf32>
      %mul3A_483 = arith.mulf %mul3A_481, %mul3A_482 : vector<128x64xf32>
      %add3A_484 = arith.addf %mul3A_473, %mul3A_483 : vector<128x64xf32>
      %get3A_485 = arith.constant 0 : index
      %get3A_486 = vector.load %arg4[%get3A_485] : memref<64xf32, #tpu.memory_space<vmem>>, vector<64xf32>
      %broadcast_in_dim3A_487 = vector.shape_cast %get3A_486 : vector<64xf32> to vector<1x64xf32>
      %add3A_488 = vector.broadcast %broadcast_in_dim3A_487 : vector<1x64xf32> to vector<128x64xf32>
      %add3A_489 = arith.addf %add3A_484, %add3A_488 : vector<128x64xf32>
      %get3A_490 = arith.constant 0 : index
      %get3A_491 = arith.constant 0 : index
      %get3A_492 = vector.load %arg5[%get3A_490, %get3A_491] : memref<64x64xf32, #tpu.memory_space<vmem>>, vector<64x64xf32>
      %convert_element_type3A_493 = arith.truncf %add3A_489 : vector<128x64xf32> to vector<128x64xbf16>
      %convert_element_type3A_494 = arith.truncf %get3A_492 : vector<64x64xf32> to vector<64x64xbf16>
      %dot_general3A_495 = arith.constant dense<0.000000e+00> : vector<128x64xf32>
      %dot_general3A_496 = tpu.matmul %convert_element_type3A_493, %convert_element_type3A_494, %dot_general3A_495 {dimension_numbers = #tpu.dot_dimension_numbers<[1], [0], [0], [1], [0, 0, 1, 1], [], []>, transpose_lhs_hint = false} : vector<128x64xbf16>, vector<64x64xbf16>, vector<128x64xf32> -> vector<128x64xf32>
      %get3A_497 = arith.constant 0 : index
      %get3A_498 = vector.load %arg6[%get3A_497] : memref<64xf32, #tpu.memory_space<vmem>>, vector<64xf32>
      %broadcast_in_dim3A_499 = vector.shape_cast %get3A_498 : vector<64xf32> to vector<1x64xf32>
      %add3A_500 = vector.broadcast %broadcast_in_dim3A_499 : vector<1x64xf32> to vector<128x64xf32>
      %add3A_501 = arith.addf %dot_general3A_496, %add3A_500 : vector<128x64xf32>
      %get3A_502 = arith.constant 0 : index
      %get3A_503 = arith.constant 8 : index
      %get3A_504 = vector.load %arg1[%get3A_502, %get3A_503] : memref<128x20xf32, #tpu.memory_space<vmem>>, vector<128x1xf32>
      %convert_element_type3A_505 = arith.truncf %get3A_504 : vector<128x1xf32> to vector<128x1xbf16>
      %convert_element_type3A_506 = arith.extf %convert_element_type3A_505 : vector<128x1xbf16> to vector<128x1xf32>
      %convert_element_type3A_507 = arith.truncf %get3A_194 : vector<1x64xf32> to vector<1x64xbf16>
      %convert_element_type3A_508 = arith.extf %convert_element_type3A_507 : vector<1x64xbf16> to vector<1x64xf32>
      %mul3A_509 = vector.broadcast %convert_element_type3A_506 : vector<128x1xf32> to vector<128x64xf32>
      %mul3A_510 = vector.broadcast %convert_element_type3A_508 : vector<1x64xf32> to vector<128x64xf32>
      %mul3A_511 = arith.mulf %mul3A_509, %mul3A_510 : vector<128x64xf32>
      %get3A_512 = arith.constant 0 : index
      %get3A_513 = arith.constant 8 : index
      %get3A_514 = vector.load %arg2[%get3A_512, %get3A_513] : memref<128x20xf32, #tpu.memory_space<vmem>>, vector<128x1xf32>
      %convert_element_type3A_515 = arith.truncf %get3A_514 : vector<128x1xf32> to vector<128x1xbf16>
      %convert_element_type3A_516 = arith.extf %convert_element_type3A_515 : vector<128x1xbf16> to vector<128x1xf32>
      %convert_element_type3A_517 = arith.truncf %get3A_197 : vector<1x64xf32> to vector<1x64xbf16>
      %convert_element_type3A_518 = arith.extf %convert_element_type3A_517 : vector<1x64xbf16> to vector<1x64xf32>
      %mul3A_519 = vector.broadcast %convert_element_type3A_516 : vector<128x1xf32> to vector<128x64xf32>
      %mul3A_520 = vector.broadcast %convert_element_type3A_518 : vector<1x64xf32> to vector<128x64xf32>
      %mul3A_521 = arith.mulf %mul3A_519, %mul3A_520 : vector<128x64xf32>
      %add3A_522 = arith.addf %mul3A_511, %mul3A_521 : vector<128x64xf32>
      %get3A_523 = arith.constant 0 : index
      %get3A_524 = vector.load %arg4[%get3A_523] : memref<64xf32, #tpu.memory_space<vmem>>, vector<64xf32>
      %broadcast_in_dim3A_525 = vector.shape_cast %get3A_524 : vector<64xf32> to vector<1x64xf32>
      %add3A_526 = vector.broadcast %broadcast_in_dim3A_525 : vector<1x64xf32> to vector<128x64xf32>
      %add3A_527 = arith.addf %add3A_522, %add3A_526 : vector<128x64xf32>
      %get3A_528 = arith.constant 0 : index
      %get3A_529 = arith.constant 0 : index
      %get3A_530 = vector.load %arg5[%get3A_528, %get3A_529] : memref<64x64xf32, #tpu.memory_space<vmem>>, vector<64x64xf32>
      %convert_element_type3A_531 = arith.truncf %add3A_527 : vector<128x64xf32> to vector<128x64xbf16>
      %convert_element_type3A_532 = arith.truncf %get3A_530 : vector<64x64xf32> to vector<64x64xbf16>
      %dot_general3A_533 = arith.constant dense<0.000000e+00> : vector<128x64xf32>
      %dot_general3A_534 = tpu.matmul %convert_element_type3A_531, %convert_element_type3A_532, %dot_general3A_533 {dimension_numbers = #tpu.dot_dimension_numbers<[1], [0], [0], [1], [0, 0, 1, 1], [], []>, transpose_lhs_hint = false} : vector<128x64xbf16>, vector<64x64xbf16>, vector<128x64xf32> -> vector<128x64xf32>
      %get3A_535 = arith.constant 0 : index
      %get3A_536 = vector.load %arg6[%get3A_535] : memref<64xf32, #tpu.memory_space<vmem>>, vector<64xf32>
      %broadcast_in_dim3A_537 = vector.shape_cast %get3A_536 : vector<64xf32> to vector<1x64xf32>
      %add3A_538 = vector.broadcast %broadcast_in_dim3A_537 : vector<1x64xf32> to vector<128x64xf32>
      %add3A_539 = arith.addf %dot_general3A_534, %add3A_538 : vector<128x64xf32>
      %get3A_540 = arith.constant 0 : index
      %get3A_541 = arith.constant 9 : index
      %get3A_542 = vector.load %arg1[%get3A_540, %get3A_541] : memref<128x20xf32, #tpu.memory_space<vmem>>, vector<128x1xf32>
      %convert_element_type3A_543 = arith.truncf %get3A_542 : vector<128x1xf32> to vector<128x1xbf16>
      %convert_element_type3A_544 = arith.extf %convert_element_type3A_543 : vector<128x1xbf16> to vector<128x1xf32>
      %convert_element_type3A_545 = arith.truncf %get3A_194 : vector<1x64xf32> to vector<1x64xbf16>
      %convert_element_type3A_546 = arith.extf %convert_element_type3A_545 : vector<1x64xbf16> to vector<1x64xf32>
      %mul3A_547 = vector.broadcast %convert_element_type3A_544 : vector<128x1xf32> to vector<128x64xf32>
      %mul3A_548 = vector.broadcast %convert_element_type3A_546 : vector<1x64xf32> to vector<128x64xf32>
      %mul3A_549 = arith.mulf %mul3A_547, %mul3A_548 : vector<128x64xf32>
      %get3A_550 = arith.constant 0 : index
      %get3A_551 = arith.constant 9 : index
      %get3A_552 = vector.load %arg2[%get3A_550, %get3A_551] : memref<128x20xf32, #tpu.memory_space<vmem>>, vector<128x1xf32>
      %convert_element_type3A_553 = arith.truncf %get3A_552 : vector<128x1xf32> to vector<128x1xbf16>
      %convert_element_type3A_554 = arith.extf %convert_element_type3A_553 : vector<128x1xbf16> to vector<128x1xf32>
      %convert_element_type3A_555 = arith.truncf %get3A_197 : vector<1x64xf32> to vector<1x64xbf16>
      %convert_element_type3A_556 = arith.extf %convert_element_type3A_555 : vector<1x64xbf16> to vector<1x64xf32>
      %mul3A_557 = vector.broadcast %convert_element_type3A_554 : vector<128x1xf32> to vector<128x64xf32>
      %mul3A_558 = vector.broadcast %convert_element_type3A_556 : vector<1x64xf32> to vector<128x64xf32>
      %mul3A_559 = arith.mulf %mul3A_557, %mul3A_558 : vector<128x64xf32>
      %add3A_560 = arith.addf %mul3A_549, %mul3A_559 : vector<128x64xf32>
      %get3A_561 = arith.constant 0 : index
      %get3A_562 = vector.load %arg4[%get3A_561] : memref<64xf32, #tpu.memory_space<vmem>>, vector<64xf32>
      %broadcast_in_dim3A_563 = vector.shape_cast %get3A_562 : vector<64xf32> to vector<1x64xf32>
      %add3A_564 = vector.broadcast %broadcast_in_dim3A_563 : vector<1x64xf32> to vector<128x64xf32>
      %add3A_565 = arith.addf %add3A_560, %add3A_564 : vector<128x64xf32>
      %get3A_566 = arith.constant 0 : index
      %get3A_567 = arith.constant 0 : index
      %get3A_568 = vector.load %arg5[%get3A_566, %get3A_567] : memref<64x64xf32, #tpu.memory_space<vmem>>, vector<64x64xf32>
      %convert_element_type3A_569 = arith.truncf %add3A_565 : vector<128x64xf32> to vector<128x64xbf16>
      %convert_element_type3A_570 = arith.truncf %get3A_568 : vector<64x64xf32> to vector<64x64xbf16>
      %dot_general3A_571 = arith.constant dense<0.000000e+00> : vector<128x64xf32>
      %dot_general3A_572 = tpu.matmul %convert_element_type3A_569, %convert_element_type3A_570, %dot_general3A_571 {dimension_numbers = #tpu.dot_dimension_numbers<[1], [0], [0], [1], [0, 0, 1, 1], [], []>, transpose_lhs_hint = false} : vector<128x64xbf16>, vector<64x64xbf16>, vector<128x64xf32> -> vector<128x64xf32>
      %get3A_573 = arith.constant 0 : index
      %get3A_574 = vector.load %arg6[%get3A_573] : memref<64xf32, #tpu.memory_space<vmem>>, vector<64xf32>
      %broadcast_in_dim3A_575 = vector.shape_cast %get3A_574 : vector<64xf32> to vector<1x64xf32>
      %add3A_576 = vector.broadcast %broadcast_in_dim3A_575 : vector<1x64xf32> to vector<128x64xf32>
      %add3A_577 = arith.addf %dot_general3A_572, %add3A_576 : vector<128x64xf32>
      %get3A_578 = arith.constant 0 : index
      %get3A_579 = arith.constant 10 : index
      %get3A_580 = vector.load %arg1[%get3A_578, %get3A_579] : memref<128x20xf32, #tpu.memory_space<vmem>>, vector<128x1xf32>
      %convert_element_type3A_581 = arith.truncf %get3A_580 : vector<128x1xf32> to vector<128x1xbf16>
      %convert_element_type3A_582 = arith.extf %convert_element_type3A_581 : vector<128x1xbf16> to vector<128x1xf32>
      %convert_element_type3A_583 = arith.truncf %get3A_194 : vector<1x64xf32> to vector<1x64xbf16>
      %convert_element_type3A_584 = arith.extf %convert_element_type3A_583 : vector<1x64xbf16> to vector<1x64xf32>
      %mul3A_585 = vector.broadcast %convert_element_type3A_582 : vector<128x1xf32> to vector<128x64xf32>
      %mul3A_586 = vector.broadcast %convert_element_type3A_584 : vector<1x64xf32> to vector<128x64xf32>
      %mul3A_587 = arith.mulf %mul3A_585, %mul3A_586 : vector<128x64xf32>
      %get3A_588 = arith.constant 0 : index
      %get3A_589 = arith.constant 10 : index
      %get3A_590 = vector.load %arg2[%get3A_588, %get3A_589] : memref<128x20xf32, #tpu.memory_space<vmem>>, vector<128x1xf32>
      %convert_element_type3A_591 = arith.truncf %get3A_590 : vector<128x1xf32> to vector<128x1xbf16>
      %convert_element_type3A_592 = arith.extf %convert_element_type3A_591 : vector<128x1xbf16> to vector<128x1xf32>
      %convert_element_type3A_593 = arith.truncf %get3A_197 : vector<1x64xf32> to vector<1x64xbf16>
      %convert_element_type3A_594 = arith.extf %convert_element_type3A_593 : vector<1x64xbf16> to vector<1x64xf32>
      %mul3A_595 = vector.broadcast %convert_element_type3A_592 : vector<128x1xf32> to vector<128x64xf32>
      %mul3A_596 = vector.broadcast %convert_element_type3A_594 : vector<1x64xf32> to vector<128x64xf32>
      %mul3A_597 = arith.mulf %mul3A_595, %mul3A_596 : vector<128x64xf32>
      %add3A_598 = arith.addf %mul3A_587, %mul3A_597 : vector<128x64xf32>
      %get3A_599 = arith.constant 0 : index
      %get3A_600 = vector.load %arg4[%get3A_599] : memref<64xf32, #tpu.memory_space<vmem>>, vector<64xf32>
      %broadcast_in_dim3A_601 = vector.shape_cast %get3A_600 : vector<64xf32> to vector<1x64xf32>
      %add3A_602 = vector.broadcast %broadcast_in_dim3A_601 : vector<1x64xf32> to vector<128x64xf32>
      %add3A_603 = arith.addf %add3A_598, %add3A_602 : vector<128x64xf32>
      %get3A_604 = arith.constant 0 : index
      %get3A_605 = arith.constant 0 : index
      %get3A_606 = vector.load %arg5[%get3A_604, %get3A_605] : memref<64x64xf32, #tpu.memory_space<vmem>>, vector<64x64xf32>
      %convert_element_type3A_607 = arith.truncf %add3A_603 : vector<128x64xf32> to vector<128x64xbf16>
      %convert_element_type3A_608 = arith.truncf %get3A_606 : vector<64x64xf32> to vector<64x64xbf16>
      %dot_general3A_609 = arith.constant dense<0.000000e+00> : vector<128x64xf32>
      %dot_general3A_610 = tpu.matmul %convert_element_type3A_607, %convert_element_type3A_608, %dot_general3A_609 {dimension_numbers = #tpu.dot_dimension_numbers<[1], [0], [0], [1], [0, 0, 1, 1], [], []>, transpose_lhs_hint = false} : vector<128x64xbf16>, vector<64x64xbf16>, vector<128x64xf32> -> vector<128x64xf32>
      %get3A_611 = arith.constant 0 : index
      %get3A_612 = vector.load %arg6[%get3A_611] : memref<64xf32, #tpu.memory_space<vmem>>, vector<64xf32>
      %broadcast_in_dim3A_613 = vector.shape_cast %get3A_612 : vector<64xf32> to vector<1x64xf32>
      %add3A_614 = vector.broadcast %broadcast_in_dim3A_613 : vector<1x64xf32> to vector<128x64xf32>
      %add3A_615 = arith.addf %dot_general3A_610, %add3A_614 : vector<128x64xf32>
      %get3A_616 = arith.constant 0 : index
      %get3A_617 = arith.constant 11 : index
      %get3A_618 = vector.load %arg1[%get3A_616, %get3A_617] : memref<128x20xf32, #tpu.memory_space<vmem>>, vector<128x1xf32>
      %convert_element_type3A_619 = arith.truncf %get3A_618 : vector<128x1xf32> to vector<128x1xbf16>
      %convert_element_type3A_620 = arith.extf %convert_element_type3A_619 : vector<128x1xbf16> to vector<128x1xf32>
      %convert_element_type3A_621 = arith.truncf %get3A_194 : vector<1x64xf32> to vector<1x64xbf16>
      %convert_element_type3A_622 = arith.extf %convert_element_type3A_621 : vector<1x64xbf16> to vector<1x64xf32>
      %mul3A_623 = vector.broadcast %convert_element_type3A_620 : vector<128x1xf32> to vector<128x64xf32>
      %mul3A_624 = vector.broadcast %convert_element_type3A_622 : vector<1x64xf32> to vector<128x64xf32>
      %mul3A_625 = arith.mulf %mul3A_623, %mul3A_624 : vector<128x64xf32>
      %get3A_626 = arith.constant 0 : index
      %get3A_627 = arith.constant 11 : index
      %get3A_628 = vector.load %arg2[%get3A_626, %get3A_627] : memref<128x20xf32, #tpu.memory_space<vmem>>, vector<128x1xf32>
      %convert_element_type3A_629 = arith.truncf %get3A_628 : vector<128x1xf32> to vector<128x1xbf16>
      %convert_element_type3A_630 = arith.extf %convert_element_type3A_629 : vector<128x1xbf16> to vector<128x1xf32>
      %convert_element_type3A_631 = arith.truncf %get3A_197 : vector<1x64xf32> to vector<1x64xbf16>
      %convert_element_type3A_632 = arith.extf %convert_element_type3A_631 : vector<1x64xbf16> to vector<1x64xf32>
      %mul3A_633 = vector.broadcast %convert_element_type3A_630 : vector<128x1xf32> to vector<128x64xf32>
      %mul3A_634 = vector.broadcast %convert_element_type3A_632 : vector<1x64xf32> to vector<128x64xf32>
      %mul3A_635 = arith.mulf %mul3A_633, %mul3A_634 : vector<128x64xf32>
      %add3A_636 = arith.addf %mul3A_625, %mul3A_635 : vector<128x64xf32>
      %get3A_637 = arith.constant 0 : index
      %get3A_638 = vector.load %arg4[%get3A_637] : memref<64xf32, #tpu.memory_space<vmem>>, vector<64xf32>
      %broadcast_in_dim3A_639 = vector.shape_cast %get3A_638 : vector<64xf32> to vector<1x64xf32>
      %add3A_640 = vector.broadcast %broadcast_in_dim3A_639 : vector<1x64xf32> to vector<128x64xf32>
      %add3A_641 = arith.addf %add3A_636, %add3A_640 : vector<128x64xf32>
      %get3A_642 = arith.constant 0 : index
      %get3A_643 = arith.constant 0 : index
      %get3A_644 = vector.load %arg5[%get3A_642, %get3A_643] : memref<64x64xf32, #tpu.memory_space<vmem>>, vector<64x64xf32>
      %convert_element_type3A_645 = arith.truncf %add3A_641 : vector<128x64xf32> to vector<128x64xbf16>
      %convert_element_type3A_646 = arith.truncf %get3A_644 : vector<64x64xf32> to vector<64x64xbf16>
      %dot_general3A_647 = arith.constant dense<0.000000e+00> : vector<128x64xf32>
      %dot_general3A_648 = tpu.matmul %convert_element_type3A_645, %convert_element_type3A_646, %dot_general3A_647 {dimension_numbers = #tpu.dot_dimension_numbers<[1], [0], [0], [1], [0, 0, 1, 1], [], []>, transpose_lhs_hint = false} : vector<128x64xbf16>, vector<64x64xbf16>, vector<128x64xf32> -> vector<128x64xf32>
      %get3A_649 = arith.constant 0 : index
      %get3A_650 = vector.load %arg6[%get3A_649] : memref<64xf32, #tpu.memory_space<vmem>>, vector<64xf32>
      %broadcast_in_dim3A_651 = vector.shape_cast %get3A_650 : vector<64xf32> to vector<1x64xf32>
      %add3A_652 = vector.broadcast %broadcast_in_dim3A_651 : vector<1x64xf32> to vector<128x64xf32>
      %add3A_653 = arith.addf %dot_general3A_648, %add3A_652 : vector<128x64xf32>
      %get3A_654 = arith.constant 0 : index
      %get3A_655 = arith.constant 12 : index
      %get3A_656 = vector.load %arg1[%get3A_654, %get3A_655] : memref<128x20xf32, #tpu.memory_space<vmem>>, vector<128x1xf32>
      %convert_element_type3A_657 = arith.truncf %get3A_656 : vector<128x1xf32> to vector<128x1xbf16>
      %convert_element_type3A_658 = arith.extf %convert_element_type3A_657 : vector<128x1xbf16> to vector<128x1xf32>
      %convert_element_type3A_659 = arith.truncf %get3A_194 : vector<1x64xf32> to vector<1x64xbf16>
      %convert_element_type3A_660 = arith.extf %convert_element_type3A_659 : vector<1x64xbf16> to vector<1x64xf32>
      %mul3A_661 = vector.broadcast %convert_element_type3A_658 : vector<128x1xf32> to vector<128x64xf32>
      %mul3A_662 = vector.broadcast %convert_element_type3A_660 : vector<1x64xf32> to vector<128x64xf32>
      %mul3A_663 = arith.mulf %mul3A_661, %mul3A_662 : vector<128x64xf32>
      %get3A_664 = arith.constant 0 : index
      %get3A_665 = arith.constant 12 : index
      %get3A_666 = vector.load %arg2[%get3A_664, %get3A_665] : memref<128x20xf32, #tpu.memory_space<vmem>>, vector<128x1xf32>
      %convert_element_type3A_667 = arith.truncf %get3A_666 : vector<128x1xf32> to vector<128x1xbf16>
      %convert_element_type3A_668 = arith.extf %convert_element_type3A_667 : vector<128x1xbf16> to vector<128x1xf32>
      %convert_element_type3A_669 = arith.truncf %get3A_197 : vector<1x64xf32> to vector<1x64xbf16>
      %convert_element_type3A_670 = arith.extf %convert_element_type3A_669 : vector<1x64xbf16> to vector<1x64xf32>
      %mul3A_671 = vector.broadcast %convert_element_type3A_668 : vector<128x1xf32> to vector<128x64xf32>
      %mul3A_672 = vector.broadcast %convert_element_type3A_670 : vector<1x64xf32> to vector<128x64xf32>
      %mul3A_673 = arith.mulf %mul3A_671, %mul3A_672 : vector<128x64xf32>
      %add3A_674 = arith.addf %mul3A_663, %mul3A_673 : vector<128x64xf32>
      %get3A_675 = arith.constant 0 : index
      %get3A_676 = vector.load %arg4[%get3A_675] : memref<64xf32, #tpu.memory_space<vmem>>, vector<64xf32>
      %broadcast_in_dim3A_677 = vector.shape_cast %get3A_676 : vector<64xf32> to vector<1x64xf32>
      %add3A_678 = vector.broadcast %broadcast_in_dim3A_677 : vector<1x64xf32> to vector<128x64xf32>
      %add3A_679 = arith.addf %add3A_674, %add3A_678 : vector<128x64xf32>
      %get3A_680 = arith.constant 0 : index
      %get3A_681 = arith.constant 0 : index
      %get3A_682 = vector.load %arg5[%get3A_680, %get3A_681] : memref<64x64xf32, #tpu.memory_space<vmem>>, vector<64x64xf32>
      %convert_element_type3A_683 = arith.truncf %add3A_679 : vector<128x64xf32> to vector<128x64xbf16>
      %convert_element_type3A_684 = arith.truncf %get3A_682 : vector<64x64xf32> to vector<64x64xbf16>
      %dot_general3A_685 = arith.constant dense<0.000000e+00> : vector<128x64xf32>
      %dot_general3A_686 = tpu.matmul %convert_element_type3A_683, %convert_element_type3A_684, %dot_general3A_685 {dimension_numbers = #tpu.dot_dimension_numbers<[1], [0], [0], [1], [0, 0, 1, 1], [], []>, transpose_lhs_hint = false} : vector<128x64xbf16>, vector<64x64xbf16>, vector<128x64xf32> -> vector<128x64xf32>
      %get3A_687 = arith.constant 0 : index
      %get3A_688 = vector.load %arg6[%get3A_687] : memref<64xf32, #tpu.memory_space<vmem>>, vector<64xf32>
      %broadcast_in_dim3A_689 = vector.shape_cast %get3A_688 : vector<64xf32> to vector<1x64xf32>
      %add3A_690 = vector.broadcast %broadcast_in_dim3A_689 : vector<1x64xf32> to vector<128x64xf32>
      %add3A_691 = arith.addf %dot_general3A_686, %add3A_690 : vector<128x64xf32>
      %get3A_692 = arith.constant 0 : index
      %get3A_693 = arith.constant 13 : index
      %get3A_694 = vector.load %arg1[%get3A_692, %get3A_693] : memref<128x20xf32, #tpu.memory_space<vmem>>, vector<128x1xf32>
      %convert_element_type3A_695 = arith.truncf %get3A_694 : vector<128x1xf32> to vector<128x1xbf16>
      %convert_element_type3A_696 = arith.extf %convert_element_type3A_695 : vector<128x1xbf16> to vector<128x1xf32>
      %convert_element_type3A_697 = arith.truncf %get3A_194 : vector<1x64xf32> to vector<1x64xbf16>
      %convert_element_type3A_698 = arith.extf %convert_element_type3A_697 : vector<1x64xbf16> to vector<1x64xf32>
      %mul3A_699 = vector.broadcast %convert_element_type3A_696 : vector<128x1xf32> to vector<128x64xf32>
      %mul3A_700 = vector.broadcast %convert_element_type3A_698 : vector<1x64xf32> to vector<128x64xf32>
      %mul3A_701 = arith.mulf %mul3A_699, %mul3A_700 : vector<128x64xf32>
      %get3A_702 = arith.constant 0 : index
      %get3A_703 = arith.constant 13 : index
      %get3A_704 = vector.load %arg2[%get3A_702, %get3A_703] : memref<128x20xf32, #tpu.memory_space<vmem>>, vector<128x1xf32>
      %convert_element_type3A_705 = arith.truncf %get3A_704 : vector<128x1xf32> to vector<128x1xbf16>
      %convert_element_type3A_706 = arith.extf %convert_element_type3A_705 : vector<128x1xbf16> to vector<128x1xf32>
      %convert_element_type3A_707 = arith.truncf %get3A_197 : vector<1x64xf32> to vector<1x64xbf16>
      %convert_element_type3A_708 = arith.extf %convert_element_type3A_707 : vector<1x64xbf16> to vector<1x64xf32>
      %mul3A_709 = vector.broadcast %convert_element_type3A_706 : vector<128x1xf32> to vector<128x64xf32>
      %mul3A_710 = vector.broadcast %convert_element_type3A_708 : vector<1x64xf32> to vector<128x64xf32>
      %mul3A_711 = arith.mulf %mul3A_709, %mul3A_710 : vector<128x64xf32>
      %add3A_712 = arith.addf %mul3A_701, %mul3A_711 : vector<128x64xf32>
      %get3A_713 = arith.constant 0 : index
      %get3A_714 = vector.load %arg4[%get3A_713] : memref<64xf32, #tpu.memory_space<vmem>>, vector<64xf32>
      %broadcast_in_dim3A_715 = vector.shape_cast %get3A_714 : vector<64xf32> to vector<1x64xf32>
      %add3A_716 = vector.broadcast %broadcast_in_dim3A_715 : vector<1x64xf32> to vector<128x64xf32>
      %add3A_717 = arith.addf %add3A_712, %add3A_716 : vector<128x64xf32>
      %get3A_718 = arith.constant 0 : index
      %get3A_719 = arith.constant 0 : index
      %get3A_720 = vector.load %arg5[%get3A_718, %get3A_719] : memref<64x64xf32, #tpu.memory_space<vmem>>, vector<64x64xf32>
      %convert_element_type3A_721 = arith.truncf %add3A_717 : vector<128x64xf32> to vector<128x64xbf16>
      %convert_element_type3A_722 = arith.truncf %get3A_720 : vector<64x64xf32> to vector<64x64xbf16>
      %dot_general3A_723 = arith.constant dense<0.000000e+00> : vector<128x64xf32>
      %dot_general3A_724 = tpu.matmul %convert_element_type3A_721, %convert_element_type3A_722, %dot_general3A_723 {dimension_numbers = #tpu.dot_dimension_numbers<[1], [0], [0], [1], [0, 0, 1, 1], [], []>, transpose_lhs_hint = false} : vector<128x64xbf16>, vector<64x64xbf16>, vector<128x64xf32> -> vector<128x64xf32>
      %get3A_725 = arith.constant 0 : index
      %get3A_726 = vector.load %arg6[%get3A_725] : memref<64xf32, #tpu.memory_space<vmem>>, vector<64xf32>
      %broadcast_in_dim3A_727 = vector.shape_cast %get3A_726 : vector<64xf32> to vector<1x64xf32>
      %add3A_728 = vector.broadcast %broadcast_in_dim3A_727 : vector<1x64xf32> to vector<128x64xf32>
      %add3A_729 = arith.addf %dot_general3A_724, %add3A_728 : vector<128x64xf32>
      %get3A_730 = arith.constant 0 : index
      %get3A_731 = arith.constant 14 : index
      %get3A_732 = vector.load %arg1[%get3A_730, %get3A_731] : memref<128x20xf32, #tpu.memory_space<vmem>>, vector<128x1xf32>
      %convert_element_type3A_733 = arith.truncf %get3A_732 : vector<128x1xf32> to vector<128x1xbf16>
      %convert_element_type3A_734 = arith.extf %convert_element_type3A_733 : vector<128x1xbf16> to vector<128x1xf32>
      %convert_element_type3A_735 = arith.truncf %get3A_194 : vector<1x64xf32> to vector<1x64xbf16>
      %convert_element_type3A_736 = arith.extf %convert_element_type3A_735 : vector<1x64xbf16> to vector<1x64xf32>
      %mul3A_737 = vector.broadcast %convert_element_type3A_734 : vector<128x1xf32> to vector<128x64xf32>
      %mul3A_738 = vector.broadcast %convert_element_type3A_736 : vector<1x64xf32> to vector<128x64xf32>
      %mul3A_739 = arith.mulf %mul3A_737, %mul3A_738 : vector<128x64xf32>
      %get3A_740 = arith.constant 0 : index
      %get3A_741 = arith.constant 14 : index
      %get3A_742 = vector.load %arg2[%get3A_740, %get3A_741] : memref<128x20xf32, #tpu.memory_space<vmem>>, vector<128x1xf32>
      %convert_element_type3A_743 = arith.truncf %get3A_742 : vector<128x1xf32> to vector<128x1xbf16>
      %convert_element_type3A_744 = arith.extf %convert_element_type3A_743 : vector<128x1xbf16> to vector<128x1xf32>
      %convert_element_type3A_745 = arith.truncf %get3A_197 : vector<1x64xf32> to vector<1x64xbf16>
      %convert_element_type3A_746 = arith.extf %convert_element_type3A_745 : vector<1x64xbf16> to vector<1x64xf32>
      %mul3A_747 = vector.broadcast %convert_element_type3A_744 : vector<128x1xf32> to vector<128x64xf32>
      %mul3A_748 = vector.broadcast %convert_element_type3A_746 : vector<1x64xf32> to vector<128x64xf32>
      %mul3A_749 = arith.mulf %mul3A_747, %mul3A_748 : vector<128x64xf32>
      %add3A_750 = arith.addf %mul3A_739, %mul3A_749 : vector<128x64xf32>
      %get3A_751 = arith.constant 0 : index
      %get3A_752 = vector.load %arg4[%get3A_751] : memref<64xf32, #tpu.memory_space<vmem>>, vector<64xf32>
      %broadcast_in_dim3A_753 = vector.shape_cast %get3A_752 : vector<64xf32> to vector<1x64xf32>
      %add3A_754 = vector.broadcast %broadcast_in_dim3A_753 : vector<1x64xf32> to vector<128x64xf32>
      %add3A_755 = arith.addf %add3A_750, %add3A_754 : vector<128x64xf32>
      %get3A_756 = arith.constant 0 : index
      %get3A_757 = arith.constant 0 : index
      %get3A_758 = vector.load %arg5[%get3A_756, %get3A_757] : memref<64x64xf32, #tpu.memory_space<vmem>>, vector<64x64xf32>
      %convert_element_type3A_759 = arith.truncf %add3A_755 : vector<128x64xf32> to vector<128x64xbf16>
      %convert_element_type3A_760 = arith.truncf %get3A_758 : vector<64x64xf32> to vector<64x64xbf16>
      %dot_general3A_761 = arith.constant dense<0.000000e+00> : vector<128x64xf32>
      %dot_general3A_762 = tpu.matmul %convert_element_type3A_759, %convert_element_type3A_760, %dot_general3A_761 {dimension_numbers = #tpu.dot_dimension_numbers<[1], [0], [0], [1], [0, 0, 1, 1], [], []>, transpose_lhs_hint = false} : vector<128x64xbf16>, vector<64x64xbf16>, vector<128x64xf32> -> vector<128x64xf32>
      %get3A_763 = arith.constant 0 : index
      %get3A_764 = vector.load %arg6[%get3A_763] : memref<64xf32, #tpu.memory_space<vmem>>, vector<64xf32>
      %broadcast_in_dim3A_765 = vector.shape_cast %get3A_764 : vector<64xf32> to vector<1x64xf32>
      %add3A_766 = vector.broadcast %broadcast_in_dim3A_765 : vector<1x64xf32> to vector<128x64xf32>
      %add3A_767 = arith.addf %dot_general3A_762, %add3A_766 : vector<128x64xf32>
      %get3A_768 = arith.constant 0 : index
      %get3A_769 = arith.constant 15 : index
      %get3A_770 = vector.load %arg1[%get3A_768, %get3A_769] : memref<128x20xf32, #tpu.memory_space<vmem>>, vector<128x1xf32>
      %convert_element_type3A_771 = arith.truncf %get3A_770 : vector<128x1xf32> to vector<128x1xbf16>
      %convert_element_type3A_772 = arith.extf %convert_element_type3A_771 : vector<128x1xbf16> to vector<128x1xf32>
      %convert_element_type3A_773 = arith.truncf %get3A_194 : vector<1x64xf32> to vector<1x64xbf16>
      %convert_element_type3A_774 = arith.extf %convert_element_type3A_773 : vector<1x64xbf16> to vector<1x64xf32>
      %mul3A_775 = vector.broadcast %convert_element_type3A_772 : vector<128x1xf32> to vector<128x64xf32>
      %mul3A_776 = vector.broadcast %convert_element_type3A_774 : vector<1x64xf32> to vector<128x64xf32>
      %mul3A_777 = arith.mulf %mul3A_775, %mul3A_776 : vector<128x64xf32>
      %get3A_778 = arith.constant 0 : index
      %get3A_779 = arith.constant 15 : index
      %get3A_780 = vector.load %arg2[%get3A_778, %get3A_779] : memref<128x20xf32, #tpu.memory_space<vmem>>, vector<128x1xf32>
      %convert_element_type3A_781 = arith.truncf %get3A_780 : vector<128x1xf32> to vector<128x1xbf16>
      %convert_element_type3A_782 = arith.extf %convert_element_type3A_781 : vector<128x1xbf16> to vector<128x1xf32>
      %convert_element_type3A_783 = arith.truncf %get3A_197 : vector<1x64xf32> to vector<1x64xbf16>
      %convert_element_type3A_784 = arith.extf %convert_element_type3A_783 : vector<1x64xbf16> to vector<1x64xf32>
      %mul3A_785 = vector.broadcast %convert_element_type3A_782 : vector<128x1xf32> to vector<128x64xf32>
      %mul3A_786 = vector.broadcast %convert_element_type3A_784 : vector<1x64xf32> to vector<128x64xf32>
      %mul3A_787 = arith.mulf %mul3A_785, %mul3A_786 : vector<128x64xf32>
      %add3A_788 = arith.addf %mul3A_777, %mul3A_787 : vector<128x64xf32>
      %get3A_789 = arith.constant 0 : index
      %get3A_790 = vector.load %arg4[%get3A_789] : memref<64xf32, #tpu.memory_space<vmem>>, vector<64xf32>
      %broadcast_in_dim3A_791 = vector.shape_cast %get3A_790 : vector<64xf32> to vector<1x64xf32>
      %add3A_792 = vector.broadcast %broadcast_in_dim3A_791 : vector<1x64xf32> to vector<128x64xf32>
      %add3A_793 = arith.addf %add3A_788, %add3A_792 : vector<128x64xf32>
      %get3A_794 = arith.constant 0 : index
      %get3A_795 = arith.constant 0 : index
      %get3A_796 = vector.load %arg5[%get3A_794, %get3A_795] : memref<64x64xf32, #tpu.memory_space<vmem>>, vector<64x64xf32>
      %convert_element_type3A_797 = arith.truncf %add3A_793 : vector<128x64xf32> to vector<128x64xbf16>
      %convert_element_type3A_798 = arith.truncf %get3A_796 : vector<64x64xf32> to vector<64x64xbf16>
      %dot_general3A_799 = arith.constant dense<0.000000e+00> : vector<128x64xf32>
      %dot_general3A_800 = tpu.matmul %convert_element_type3A_797, %convert_element_type3A_798, %dot_general3A_799 {dimension_numbers = #tpu.dot_dimension_numbers<[1], [0], [0], [1], [0, 0, 1, 1], [], []>, transpose_lhs_hint = false} : vector<128x64xbf16>, vector<64x64xbf16>, vector<128x64xf32> -> vector<128x64xf32>
      %get3A_801 = arith.constant 0 : index
      %get3A_802 = vector.load %arg6[%get3A_801] : memref<64xf32, #tpu.memory_space<vmem>>, vector<64xf32>
      %broadcast_in_dim3A_803 = vector.shape_cast %get3A_802 : vector<64xf32> to vector<1x64xf32>
      %add3A_804 = vector.broadcast %broadcast_in_dim3A_803 : vector<1x64xf32> to vector<128x64xf32>
      %add3A_805 = arith.addf %dot_general3A_800, %add3A_804 : vector<128x64xf32>
      %get3A_806 = arith.constant 0 : index
      %get3A_807 = arith.constant 16 : index
      %get3A_808 = vector.load %arg1[%get3A_806, %get3A_807] : memref<128x20xf32, #tpu.memory_space<vmem>>, vector<128x1xf32>
      %convert_element_type3A_809 = arith.truncf %get3A_808 : vector<128x1xf32> to vector<128x1xbf16>
      %convert_element_type3A_810 = arith.extf %convert_element_type3A_809 : vector<128x1xbf16> to vector<128x1xf32>
      %convert_element_type3A_811 = arith.truncf %get3A_194 : vector<1x64xf32> to vector<1x64xbf16>
      %convert_element_type3A_812 = arith.extf %convert_element_type3A_811 : vector<1x64xbf16> to vector<1x64xf32>
      %mul3A_813 = vector.broadcast %convert_element_type3A_810 : vector<128x1xf32> to vector<128x64xf32>
      %mul3A_814 = vector.broadcast %convert_element_type3A_812 : vector<1x64xf32> to vector<128x64xf32>
      %mul3A_815 = arith.mulf %mul3A_813, %mul3A_814 : vector<128x64xf32>
      %get3A_816 = arith.constant 0 : index
      %get3A_817 = arith.constant 16 : index
      %get3A_818 = vector.load %arg2[%get3A_816, %get3A_817] : memref<128x20xf32, #tpu.memory_space<vmem>>, vector<128x1xf32>
      %convert_element_type3A_819 = arith.truncf %get3A_818 : vector<128x1xf32> to vector<128x1xbf16>
      %convert_element_type3A_820 = arith.extf %convert_element_type3A_819 : vector<128x1xbf16> to vector<128x1xf32>
      %convert_element_type3A_821 = arith.truncf %get3A_197 : vector<1x64xf32> to vector<1x64xbf16>
      %convert_element_type3A_822 = arith.extf %convert_element_type3A_821 : vector<1x64xbf16> to vector<1x64xf32>
      %mul3A_823 = vector.broadcast %convert_element_type3A_820 : vector<128x1xf32> to vector<128x64xf32>
      %mul3A_824 = vector.broadcast %convert_element_type3A_822 : vector<1x64xf32> to vector<128x64xf32>
      %mul3A_825 = arith.mulf %mul3A_823, %mul3A_824 : vector<128x64xf32>
      %add3A_826 = arith.addf %mul3A_815, %mul3A_825 : vector<128x64xf32>
      %get3A_827 = arith.constant 0 : index
      %get3A_828 = vector.load %arg4[%get3A_827] : memref<64xf32, #tpu.memory_space<vmem>>, vector<64xf32>
      %broadcast_in_dim3A_829 = vector.shape_cast %get3A_828 : vector<64xf32> to vector<1x64xf32>
      %add3A_830 = vector.broadcast %broadcast_in_dim3A_829 : vector<1x64xf32> to vector<128x64xf32>
      %add3A_831 = arith.addf %add3A_826, %add3A_830 : vector<128x64xf32>
      %get3A_832 = arith.constant 0 : index
      %get3A_833 = arith.constant 0 : index
      %get3A_834 = vector.load %arg5[%get3A_832, %get3A_833] : memref<64x64xf32, #tpu.memory_space<vmem>>, vector<64x64xf32>
      %convert_element_type3A_835 = arith.truncf %add3A_831 : vector<128x64xf32> to vector<128x64xbf16>
      %convert_element_type3A_836 = arith.truncf %get3A_834 : vector<64x64xf32> to vector<64x64xbf16>
      %dot_general3A_837 = arith.constant dense<0.000000e+00> : vector<128x64xf32>
      %dot_general3A_838 = tpu.matmul %convert_element_type3A_835, %convert_element_type3A_836, %dot_general3A_837 {dimension_numbers = #tpu.dot_dimension_numbers<[1], [0], [0], [1], [0, 0, 1, 1], [], []>, transpose_lhs_hint = false} : vector<128x64xbf16>, vector<64x64xbf16>, vector<128x64xf32> -> vector<128x64xf32>
      %get3A_839 = arith.constant 0 : index
      %get3A_840 = vector.load %arg6[%get3A_839] : memref<64xf32, #tpu.memory_space<vmem>>, vector<64xf32>
      %broadcast_in_dim3A_841 = vector.shape_cast %get3A_840 : vector<64xf32> to vector<1x64xf32>
      %add3A_842 = vector.broadcast %broadcast_in_dim3A_841 : vector<1x64xf32> to vector<128x64xf32>
      %add3A_843 = arith.addf %dot_general3A_838, %add3A_842 : vector<128x64xf32>
      %get3A_844 = arith.constant 0 : index
      %get3A_845 = arith.constant 17 : index
      %get3A_846 = vector.load %arg1[%get3A_844, %get3A_845] : memref<128x20xf32, #tpu.memory_space<vmem>>, vector<128x1xf32>
      %convert_element_type3A_847 = arith.truncf %get3A_846 : vector<128x1xf32> to vector<128x1xbf16>
      %convert_element_type3A_848 = arith.extf %convert_element_type3A_847 : vector<128x1xbf16> to vector<128x1xf32>
      %convert_element_type3A_849 = arith.truncf %get3A_194 : vector<1x64xf32> to vector<1x64xbf16>
      %convert_element_type3A_850 = arith.extf %convert_element_type3A_849 : vector<1x64xbf16> to vector<1x64xf32>
      %mul3A_851 = vector.broadcast %convert_element_type3A_848 : vector<128x1xf32> to vector<128x64xf32>
      %mul3A_852 = vector.broadcast %convert_element_type3A_850 : vector<1x64xf32> to vector<128x64xf32>
      %mul3A_853 = arith.mulf %mul3A_851, %mul3A_852 : vector<128x64xf32>
      %get3A_854 = arith.constant 0 : index
      %get3A_855 = arith.constant 17 : index
      %get3A_856 = vector.load %arg2[%get3A_854, %get3A_855] : memref<128x20xf32, #tpu.memory_space<vmem>>, vector<128x1xf32>
      %convert_element_type3A_857 = arith.truncf %get3A_856 : vector<128x1xf32> to vector<128x1xbf16>
      %convert_element_type3A_858 = arith.extf %convert_element_type3A_857 : vector<128x1xbf16> to vector<128x1xf32>
      %convert_element_type3A_859 = arith.truncf %get3A_197 : vector<1x64xf32> to vector<1x64xbf16>
      %convert_element_type3A_860 = arith.extf %convert_element_type3A_859 : vector<1x64xbf16> to vector<1x64xf32>
      %mul3A_861 = vector.broadcast %convert_element_type3A_858 : vector<128x1xf32> to vector<128x64xf32>
      %mul3A_862 = vector.broadcast %convert_element_type3A_860 : vector<1x64xf32> to vector<128x64xf32>
      %mul3A_863 = arith.mulf %mul3A_861, %mul3A_862 : vector<128x64xf32>
      %add3A_864 = arith.addf %mul3A_853, %mul3A_863 : vector<128x64xf32>
      %get3A_865 = arith.constant 0 : index
      %get3A_866 = vector.load %arg4[%get3A_865] : memref<64xf32, #tpu.memory_space<vmem>>, vector<64xf32>
      %broadcast_in_dim3A_867 = vector.shape_cast %get3A_866 : vector<64xf32> to vector<1x64xf32>
      %add3A_868 = vector.broadcast %broadcast_in_dim3A_867 : vector<1x64xf32> to vector<128x64xf32>
      %add3A_869 = arith.addf %add3A_864, %add3A_868 : vector<128x64xf32>
      %get3A_870 = arith.constant 0 : index
      %get3A_871 = arith.constant 0 : index
      %get3A_872 = vector.load %arg5[%get3A_870, %get3A_871] : memref<64x64xf32, #tpu.memory_space<vmem>>, vector<64x64xf32>
      %convert_element_type3A_873 = arith.truncf %add3A_869 : vector<128x64xf32> to vector<128x64xbf16>
      %convert_element_type3A_874 = arith.truncf %get3A_872 : vector<64x64xf32> to vector<64x64xbf16>
      %dot_general3A_875 = arith.constant dense<0.000000e+00> : vector<128x64xf32>
      %dot_general3A_876 = tpu.matmul %convert_element_type3A_873, %convert_element_type3A_874, %dot_general3A_875 {dimension_numbers = #tpu.dot_dimension_numbers<[1], [0], [0], [1], [0, 0, 1, 1], [], []>, transpose_lhs_hint = false} : vector<128x64xbf16>, vector<64x64xbf16>, vector<128x64xf32> -> vector<128x64xf32>
      %get3A_877 = arith.constant 0 : index
      %get3A_878 = vector.load %arg6[%get3A_877] : memref<64xf32, #tpu.memory_space<vmem>>, vector<64xf32>
      %broadcast_in_dim3A_879 = vector.shape_cast %get3A_878 : vector<64xf32> to vector<1x64xf32>
      %add3A_880 = vector.broadcast %broadcast_in_dim3A_879 : vector<1x64xf32> to vector<128x64xf32>
      %add3A_881 = arith.addf %dot_general3A_876, %add3A_880 : vector<128x64xf32>
      %get3A_882 = arith.constant 0 : index
      %get3A_883 = arith.constant 18 : index
      %get3A_884 = vector.load %arg1[%get3A_882, %get3A_883] : memref<128x20xf32, #tpu.memory_space<vmem>>, vector<128x1xf32>
      %convert_element_type3A_885 = arith.truncf %get3A_884 : vector<128x1xf32> to vector<128x1xbf16>
      %convert_element_type3A_886 = arith.extf %convert_element_type3A_885 : vector<128x1xbf16> to vector<128x1xf32>
      %convert_element_type3A_887 = arith.truncf %get3A_194 : vector<1x64xf32> to vector<1x64xbf16>
      %convert_element_type3A_888 = arith.extf %convert_element_type3A_887 : vector<1x64xbf16> to vector<1x64xf32>
      %mul3A_889 = vector.broadcast %convert_element_type3A_886 : vector<128x1xf32> to vector<128x64xf32>
      %mul3A_890 = vector.broadcast %convert_element_type3A_888 : vector<1x64xf32> to vector<128x64xf32>
      %mul3A_891 = arith.mulf %mul3A_889, %mul3A_890 : vector<128x64xf32>
      %get3A_892 = arith.constant 0 : index
      %get3A_893 = arith.constant 18 : index
      %get3A_894 = vector.load %arg2[%get3A_892, %get3A_893] : memref<128x20xf32, #tpu.memory_space<vmem>>, vector<128x1xf32>
      %convert_element_type3A_895 = arith.truncf %get3A_894 : vector<128x1xf32> to vector<128x1xbf16>
      %convert_element_type3A_896 = arith.extf %convert_element_type3A_895 : vector<128x1xbf16> to vector<128x1xf32>
      %convert_element_type3A_897 = arith.truncf %get3A_197 : vector<1x64xf32> to vector<1x64xbf16>
      %convert_element_type3A_898 = arith.extf %convert_element_type3A_897 : vector<1x64xbf16> to vector<1x64xf32>
      %mul3A_899 = vector.broadcast %convert_element_type3A_896 : vector<128x1xf32> to vector<128x64xf32>
      %mul3A_900 = vector.broadcast %convert_element_type3A_898 : vector<1x64xf32> to vector<128x64xf32>
      %mul3A_901 = arith.mulf %mul3A_899, %mul3A_900 : vector<128x64xf32>
      %add3A_902 = arith.addf %mul3A_891, %mul3A_901 : vector<128x64xf32>
      %get3A_903 = arith.constant 0 : index
      %get3A_904 = vector.load %arg4[%get3A_903] : memref<64xf32, #tpu.memory_space<vmem>>, vector<64xf32>
      %broadcast_in_dim3A_905 = vector.shape_cast %get3A_904 : vector<64xf32> to vector<1x64xf32>
      %add3A_906 = vector.broadcast %broadcast_in_dim3A_905 : vector<1x64xf32> to vector<128x64xf32>
      %add3A_907 = arith.addf %add3A_902, %add3A_906 : vector<128x64xf32>
      %get3A_908 = arith.constant 0 : index
      %get3A_909 = arith.constant 0 : index
      %get3A_910 = vector.load %arg5[%get3A_908, %get3A_909] : memref<64x64xf32, #tpu.memory_space<vmem>>, vector<64x64xf32>
      %convert_element_type3A_911 = arith.truncf %add3A_907 : vector<128x64xf32> to vector<128x64xbf16>
      %convert_element_type3A_912 = arith.truncf %get3A_910 : vector<64x64xf32> to vector<64x64xbf16>
      %dot_general3A_913 = arith.constant dense<0.000000e+00> : vector<128x64xf32>
      %dot_general3A_914 = tpu.matmul %convert_element_type3A_911, %convert_element_type3A_912, %dot_general3A_913 {dimension_numbers = #tpu.dot_dimension_numbers<[1], [0], [0], [1], [0, 0, 1, 1], [], []>, transpose_lhs_hint = false} : vector<128x64xbf16>, vector<64x64xbf16>, vector<128x64xf32> -> vector<128x64xf32>
      %get3A_915 = arith.constant 0 : index
      %get3A_916 = vector.load %arg6[%get3A_915] : memref<64xf32, #tpu.memory_space<vmem>>, vector<64xf32>
      %broadcast_in_dim3A_917 = vector.shape_cast %get3A_916 : vector<64xf32> to vector<1x64xf32>
      %add3A_918 = vector.broadcast %broadcast_in_dim3A_917 : vector<1x64xf32> to vector<128x64xf32>
      %add3A_919 = arith.addf %dot_general3A_914, %add3A_918 : vector<128x64xf32>
      %get3A_920 = arith.constant 0 : index
      %get3A_921 = arith.constant 19 : index
      %get3A_922 = vector.load %arg1[%get3A_920, %get3A_921] : memref<128x20xf32, #tpu.memory_space<vmem>>, vector<128x1xf32>
      %convert_element_type3A_923 = arith.truncf %get3A_922 : vector<128x1xf32> to vector<128x1xbf16>
      %convert_element_type3A_924 = arith.extf %convert_element_type3A_923 : vector<128x1xbf16> to vector<128x1xf32>
      %convert_element_type3A_925 = arith.truncf %get3A_194 : vector<1x64xf32> to vector<1x64xbf16>
      %convert_element_type3A_926 = arith.extf %convert_element_type3A_925 : vector<1x64xbf16> to vector<1x64xf32>
      %mul3A_927 = vector.broadcast %convert_element_type3A_924 : vector<128x1xf32> to vector<128x64xf32>
      %mul3A_928 = vector.broadcast %convert_element_type3A_926 : vector<1x64xf32> to vector<128x64xf32>
      %mul3A_929 = arith.mulf %mul3A_927, %mul3A_928 : vector<128x64xf32>
      %get3A_930 = arith.constant 0 : index
      %get3A_931 = arith.constant 19 : index
      %get3A_932 = vector.load %arg2[%get3A_930, %get3A_931] : memref<128x20xf32, #tpu.memory_space<vmem>>, vector<128x1xf32>
      %convert_element_type3A_933 = arith.truncf %get3A_932 : vector<128x1xf32> to vector<128x1xbf16>
      %convert_element_type3A_934 = arith.extf %convert_element_type3A_933 : vector<128x1xbf16> to vector<128x1xf32>
      %convert_element_type3A_935 = arith.truncf %get3A_197 : vector<1x64xf32> to vector<1x64xbf16>
      %convert_element_type3A_936 = arith.extf %convert_element_type3A_935 : vector<1x64xbf16> to vector<1x64xf32>
      %mul3A_937 = vector.broadcast %convert_element_type3A_934 : vector<128x1xf32> to vector<128x64xf32>
      %mul3A_938 = vector.broadcast %convert_element_type3A_936 : vector<1x64xf32> to vector<128x64xf32>
      %mul3A_939 = arith.mulf %mul3A_937, %mul3A_938 : vector<128x64xf32>
      %add3A_940 = arith.addf %mul3A_929, %mul3A_939 : vector<128x64xf32>
      %get3A_941 = arith.constant 0 : index
      %get3A_942 = vector.load %arg4[%get3A_941] : memref<64xf32, #tpu.memory_space<vmem>>, vector<64xf32>
      %broadcast_in_dim3A_943 = vector.shape_cast %get3A_942 : vector<64xf32> to vector<1x64xf32>
      %add3A_944 = vector.broadcast %broadcast_in_dim3A_943 : vector<1x64xf32> to vector<128x64xf32>
      %add3A_945 = arith.addf %add3A_940, %add3A_944 : vector<128x64xf32>
      %get3A_946 = arith.constant 0 : index
      %get3A_947 = arith.constant 0 : index
      %get3A_948 = vector.load %arg5[%get3A_946, %get3A_947] : memref<64x64xf32, #tpu.memory_space<vmem>>, vector<64x64xf32>
      %convert_element_type3A_949 = arith.truncf %add3A_945 : vector<128x64xf32> to vector<128x64xbf16>
      %convert_element_type3A_950 = arith.truncf %get3A_948 : vector<64x64xf32> to vector<64x64xbf16>
      %dot_general3A_951 = arith.constant dense<0.000000e+00> : vector<128x64xf32>
      %dot_general3A_952 = tpu.matmul %convert_element_type3A_949, %convert_element_type3A_950, %dot_general3A_951 {dimension_numbers = #tpu.dot_dimension_numbers<[1], [0], [0], [1], [0, 0, 1, 1], [], []>, transpose_lhs_hint = false} : vector<128x64xbf16>, vector<64x64xbf16>, vector<128x64xf32> -> vector<128x64xf32>
      %get3A_953 = arith.constant 0 : index
      %get3A_954 = vector.load %arg6[%get3A_953] : memref<64xf32, #tpu.memory_space<vmem>>, vector<64xf32>
      %broadcast_in_dim3A_955 = vector.shape_cast %get3A_954 : vector<64xf32> to vector<1x64xf32>
      %add3A_956 = vector.broadcast %broadcast_in_dim3A_955 : vector<1x64xf32> to vector<128x64xf32>
      %add3A_957 = arith.addf %dot_general3A_952, %add3A_956 : vector<128x64xf32>
      %mul3A_958 = arith.mulf %add3A_235, %add3A_235 : vector<128x64xf32>
      %mul3A_959 = arith.mulf %add3A_273, %add3A_273 : vector<128x64xf32>
      %add3A_960 = arith.addf %mul3A_958, %mul3A_959 : vector<128x64xf32>
      %mul3A_961 = arith.mulf %add3A_311, %add3A_311 : vector<128x64xf32>
      %add3A_962 = arith.addf %add3A_960, %mul3A_961 : vector<128x64xf32>
      %mul3A_963 = arith.mulf %add3A_349, %add3A_349 : vector<128x64xf32>
      %add3A_964 = arith.addf %add3A_962, %mul3A_963 : vector<128x64xf32>
      %mul3A_965 = arith.mulf %add3A_387, %add3A_387 : vector<128x64xf32>
      %add3A_966 = arith.addf %add3A_964, %mul3A_965 : vector<128x64xf32>
      %mul3A_967 = arith.mulf %add3A_425, %add3A_425 : vector<128x64xf32>
      %add3A_968 = arith.addf %add3A_966, %mul3A_967 : vector<128x64xf32>
      %mul3A_969 = arith.mulf %add3A_463, %add3A_463 : vector<128x64xf32>
      %add3A_970 = arith.addf %add3A_968, %mul3A_969 : vector<128x64xf32>
      %mul3A_971 = arith.mulf %add3A_501, %add3A_501 : vector<128x64xf32>
      %add3A_972 = arith.addf %add3A_970, %mul3A_971 : vector<128x64xf32>
      %mul3A_973 = arith.mulf %add3A_539, %add3A_539 : vector<128x64xf32>
      %add3A_974 = arith.addf %add3A_972, %mul3A_973 : vector<128x64xf32>
      %mul3A_975 = arith.mulf %add3A_577, %add3A_577 : vector<128x64xf32>
      %add3A_976 = arith.addf %add3A_974, %mul3A_975 : vector<128x64xf32>
      %mul3A_977 = arith.mulf %add3A_615, %add3A_615 : vector<128x64xf32>
      %add3A_978 = arith.addf %add3A_976, %mul3A_977 : vector<128x64xf32>
      %mul3A_979 = arith.mulf %add3A_653, %add3A_653 : vector<128x64xf32>
      %add3A_980 = arith.addf %add3A_978, %mul3A_979 : vector<128x64xf32>
      %mul3A_981 = arith.mulf %add3A_691, %add3A_691 : vector<128x64xf32>
      %add3A_982 = arith.addf %add3A_980, %mul3A_981 : vector<128x64xf32>
      %mul3A_983 = arith.mulf %add3A_729, %add3A_729 : vector<128x64xf32>
      %add3A_984 = arith.addf %add3A_982, %mul3A_983 : vector<128x64xf32>
      %mul3A_985 = arith.mulf %add3A_767, %add3A_767 : vector<128x64xf32>
      %add3A_986 = arith.addf %add3A_984, %mul3A_985 : vector<128x64xf32>
      %mul3A_987 = arith.mulf %add3A_805, %add3A_805 : vector<128x64xf32>
      %add3A_988 = arith.addf %add3A_986, %mul3A_987 : vector<128x64xf32>
      %mul3A_989 = arith.mulf %add3A_843, %add3A_843 : vector<128x64xf32>
      %add3A_990 = arith.addf %add3A_988, %mul3A_989 : vector<128x64xf32>
      %mul3A_991 = arith.mulf %add3A_881, %add3A_881 : vector<128x64xf32>
      %add3A_992 = arith.addf %add3A_990, %mul3A_991 : vector<128x64xf32>
      %mul3A_993 = arith.mulf %add3A_919, %add3A_919 : vector<128x64xf32>
      %add3A_994 = arith.addf %add3A_992, %mul3A_993 : vector<128x64xf32>
      %mul3A_995 = arith.mulf %add3A_957, %add3A_957 : vector<128x64xf32>
      %add3A_996 = arith.addf %add3A_994, %mul3A_995 : vector<128x64xf32>
      %sqrt3A_997 = math.sqrt %add3A_996 : vector<128x64xf32>
      %max3A_998 = arith.constant 9.99999996E-13 : f32
      %max3A_999 = vector.broadcast %max3A_998 : f32 to vector<128x64xf32>
      %max3A_1000 = arith.maximumf %sqrt3A_997, %max3A_999 : vector<128x64xf32>
      %swap3A_1001 = arith.constant 0 : index
      %swap3A_1002 = arith.constant 0 : index
      %swap3A_1003 = arith.constant 0 : index
      %swap3A_1004 = vector.load %arg9[%swap3A_1001, %swap3A_1002, %swap3A_1003] : memref<128x20x64xf32, #tpu.memory_space<vmem>>, vector<128x1x64xf32>
      %swap3A_1005 = vector.shape_cast %swap3A_1004 : vector<128x1x64xf32> to vector<128x64xf32>
      %swap3A_1006 = vector.shape_cast %add3A_235 : vector<128x64xf32> to vector<128x1x64xf32>
      tpu.vector_store %arg9[%swap3A_1001, %swap3A_1002, %swap3A_1003], %swap3A_1006 {strides = array<i32>} : memref<128x20x64xf32, #tpu.memory_space<vmem>>, vector<128x1x64xf32>,
      %div3A_1007 = arith.divf %add3A_235, %max3A_1000 : vector<128x64xf32>
      %convert_element_type3A_1008 = arith.truncf %div3A_1007 : vector<128x64xf32> to vector<128x64xbf16>
      %swap3A_1009 = arith.constant 0 : index
      %swap3A_1010 = arith.constant 0 : index
      %swap3A_1011 = vector.load %arg10[%swap3A_1009, %swap3A_1010] : memref<128x1280xbf16, #tpu.memory_space<vmem>>, vector<128x64xbf16>
      tpu.vector_store %arg10[%swap3A_1009, %swap3A_1010], %convert_element_type3A_1008 {strides = array<i32>} : memref<128x1280xbf16, #tpu.memory_space<vmem>>, vector<128x64xbf16>,
      %swap3A_1012 = arith.constant 0 : index
      %swap3A_1013 = arith.constant 1 : index
      %swap3A_1014 = arith.constant 0 : index
      %swap3A_1015 = vector.load %arg9[%swap3A_1012, %swap3A_1013, %swap3A_1014] : memref<128x20x64xf32, #tpu.memory_space<vmem>>, vector<128x1x64xf32>
      %swap3A_1016 = vector.shape_cast %swap3A_1015 : vector<128x1x64xf32> to vector<128x64xf32>
      %swap3A_1017 = vector.shape_cast %add3A_273 : vector<128x64xf32> to vector<128x1x64xf32>
      tpu.vector_store %arg9[%swap3A_1012, %swap3A_1013, %swap3A_1014], %swap3A_1017 {strides = array<i32>} : memref<128x20x64xf32, #tpu.memory_space<vmem>>, vector<128x1x64xf32>,
      %div3A_1018 = arith.divf %add3A_273, %max3A_1000 : vector<128x64xf32>
      %convert_element_type3A_1019 = arith.truncf %div3A_1018 : vector<128x64xf32> to vector<128x64xbf16>
      %swap3A_1020 = arith.constant 0 : index
      %swap3A_1021 = arith.constant 64 : index
      %swap3A_1022 = vector.load %arg10[%swap3A_1020, %swap3A_1021] : memref<128x1280xbf16, #tpu.memory_space<vmem>>, vector<128x64xbf16>
      tpu.vector_store %arg10[%swap3A_1020, %swap3A_1021], %convert_element_type3A_1019 {strides = array<i32>} : memref<128x1280xbf16, #tpu.memory_space<vmem>>, vector<128x64xbf16>,
      %swap3A_1023 = arith.constant 0 : index
      %swap3A_1024 = arith.constant 2 : index
      %swap3A_1025 = arith.constant 0 : index
      %swap3A_1026 = vector.load %arg9[%swap3A_1023, %swap3A_1024, %swap3A_1025] : memref<128x20x64xf32, #tpu.memory_space<vmem>>, vector<128x1x64xf32>
      %swap3A_1027 = vector.shape_cast %swap3A_1026 : vector<128x1x64xf32> to vector<128x64xf32>
      %swap3A_1028 = vector.shape_cast %add3A_311 : vector<128x64xf32> to vector<128x1x64xf32>
      tpu.vector_store %arg9[%swap3A_1023, %swap3A_1024, %swap3A_1025], %swap3A_1028 {strides = array<i32>} : memref<128x20x64xf32, #tpu.memory_space<vmem>>, vector<128x1x64xf32>,
      %div3A_1029 = arith.divf %add3A_311, %max3A_1000 : vector<128x64xf32>
      %convert_element_type3A_1030 = arith.truncf %div3A_1029 : vector<128x64xf32> to vector<128x64xbf16>
      %swap3A_1031 = arith.constant 0 : index
      %swap3A_1032 = arith.constant 128 : index
      %swap3A_1033 = vector.load %arg10[%swap3A_1031, %swap3A_1032] : memref<128x1280xbf16, #tpu.memory_space<vmem>>, vector<128x64xbf16>
      tpu.vector_store %arg10[%swap3A_1031, %swap3A_1032], %convert_element_type3A_1030 {strides = array<i32>} : memref<128x1280xbf16, #tpu.memory_space<vmem>>, vector<128x64xbf16>,
      %swap3A_1034 = arith.constant 0 : index
      %swap3A_1035 = arith.constant 3 : index
      %swap3A_1036 = arith.constant 0 : index
      %swap3A_1037 = vector.load %arg9[%swap3A_1034, %swap3A_1035, %swap3A_1036] : memref<128x20x64xf32, #tpu.memory_space<vmem>>, vector<128x1x64xf32>
      %swap3A_1038 = vector.shape_cast %swap3A_1037 : vector<128x1x64xf32> to vector<128x64xf32>
      %swap3A_1039 = vector.shape_cast %add3A_349 : vector<128x64xf32> to vector<128x1x64xf32>
      tpu.vector_store %arg9[%swap3A_1034, %swap3A_1035, %swap3A_1036], %swap3A_1039 {strides = array<i32>} : memref<128x20x64xf32, #tpu.memory_space<vmem>>, vector<128x1x64xf32>,
      %div3A_1040 = arith.divf %add3A_349, %max3A_1000 : vector<128x64xf32>
      %convert_element_type3A_1041 = arith.truncf %div3A_1040 : vector<128x64xf32> to vector<128x64xbf16>
      %swap3A_1042 = arith.constant 0 : index
      %swap3A_1043 = arith.constant 192 : index
      %swap3A_1044 = vector.load %arg10[%swap3A_1042, %swap3A_1043] : memref<128x1280xbf16, #tpu.memory_space<vmem>>, vector<128x64xbf16>
      tpu.vector_store %arg10[%swap3A_1042, %swap3A_1043], %convert_element_type3A_1041 {strides = array<i32>} : memref<128x1280xbf16, #tpu.memory_space<vmem>>, vector<128x64xbf16>,
      %swap3A_1045 = arith.constant 0 : index
      %swap3A_1046 = arith.constant 4 : index
      %swap3A_1047 = arith.constant 0 : index
      %swap3A_1048 = vector.load %arg9[%swap3A_1045, %swap3A_1046, %swap3A_1047] : memref<128x20x64xf32, #tpu.memory_space<vmem>>, vector<128x1x64xf32>
      %swap3A_1049 = vector.shape_cast %swap3A_1048 : vector<128x1x64xf32> to vector<128x64xf32>
      %swap3A_1050 = vector.shape_cast %add3A_387 : vector<128x64xf32> to vector<128x1x64xf32>
      tpu.vector_store %arg9[%swap3A_1045, %swap3A_1046, %swap3A_1047], %swap3A_1050 {strides = array<i32>} : memref<128x20x64xf32, #tpu.memory_space<vmem>>, vector<128x1x64xf32>,
      %div3A_1051 = arith.divf %add3A_387, %max3A_1000 : vector<128x64xf32>
      %convert_element_type3A_1052 = arith.truncf %div3A_1051 : vector<128x64xf32> to vector<128x64xbf16>
      %swap3A_1053 = arith.constant 0 : index
      %swap3A_1054 = arith.constant 256 : index
      %swap3A_1055 = vector.load %arg10[%swap3A_1053, %swap3A_1054] : memref<128x1280xbf16, #tpu.memory_space<vmem>>, vector<128x64xbf16>
      tpu.vector_store %arg10[%swap3A_1053, %swap3A_1054], %convert_element_type3A_1052 {strides = array<i32>} : memref<128x1280xbf16, #tpu.memory_space<vmem>>, vector<128x64xbf16>,
      %swap3A_1056 = arith.constant 0 : index
      %swap3A_1057 = arith.constant 5 : index
      %swap3A_1058 = arith.constant 0 : index
      %swap3A_1059 = vector.load %arg9[%swap3A_1056, %swap3A_1057, %swap3A_1058] : memref<128x20x64xf32, #tpu.memory_space<vmem>>, vector<128x1x64xf32>
      %swap3A_1060 = vector.shape_cast %swap3A_1059 : vector<128x1x64xf32> to vector<128x64xf32>
      %swap3A_1061 = vector.shape_cast %add3A_425 : vector<128x64xf32> to vector<128x1x64xf32>
      tpu.vector_store %arg9[%swap3A_1056, %swap3A_1057, %swap3A_1058], %swap3A_1061 {strides = array<i32>} : memref<128x20x64xf32, #tpu.memory_space<vmem>>, vector<128x1x64xf32>,
      %div3A_1062 = arith.divf %add3A_425, %max3A_1000 : vector<128x64xf32>
      %convert_element_type3A_1063 = arith.truncf %div3A_1062 : vector<128x64xf32> to vector<128x64xbf16>
      %swap3A_1064 = arith.constant 0 : index
      %swap3A_1065 = arith.constant 320 : index
      %swap3A_1066 = vector.load %arg10[%swap3A_1064, %swap3A_1065] : memref<128x1280xbf16, #tpu.memory_space<vmem>>, vector<128x64xbf16>
      tpu.vector_store %arg10[%swap3A_1064, %swap3A_1065], %convert_element_type3A_1063 {strides = array<i32>} : memref<128x1280xbf16, #tpu.memory_space<vmem>>, vector<128x64xbf16>,
      %swap3A_1067 = arith.constant 0 : index
      %swap3A_1068 = arith.constant 6 : index
      %swap3A_1069 = arith.constant 0 : index
      %swap3A_1070 = vector.load %arg9[%swap3A_1067, %swap3A_1068, %swap3A_1069] : memref<128x20x64xf32, #tpu.memory_space<vmem>>, vector<128x1x64xf32>
      %swap3A_1071 = vector.shape_cast %swap3A_1070 : vector<128x1x64xf32> to vector<128x64xf32>
      %swap3A_1072 = vector.shape_cast %add3A_463 : vector<128x64xf32> to vector<128x1x64xf32>
      tpu.vector_store %arg9[%swap3A_1067, %swap3A_1068, %swap3A_1069], %swap3A_1072 {strides = array<i32>} : memref<128x20x64xf32, #tpu.memory_space<vmem>>, vector<128x1x64xf32>,
      %div3A_1073 = arith.divf %add3A_463, %max3A_1000 : vector<128x64xf32>
      %convert_element_type3A_1074 = arith.truncf %div3A_1073 : vector<128x64xf32> to vector<128x64xbf16>
      %swap3A_1075 = arith.constant 0 : index
      %swap3A_1076 = arith.constant 384 : index
      %swap3A_1077 = vector.load %arg10[%swap3A_1075, %swap3A_1076] : memref<128x1280xbf16, #tpu.memory_space<vmem>>, vector<128x64xbf16>
      tpu.vector_store %arg10[%swap3A_1075, %swap3A_1076], %convert_element_type3A_1074 {strides = array<i32>} : memref<128x1280xbf16, #tpu.memory_space<vmem>>, vector<128x64xbf16>,
      %swap3A_1078 = arith.constant 0 : index
      %swap3A_1079 = arith.constant 7 : index
      %swap3A_1080 = arith.constant 0 : index
      %swap3A_1081 = vector.load %arg9[%swap3A_1078, %swap3A_1079, %swap3A_1080] : memref<128x20x64xf32, #tpu.memory_space<vmem>>, vector<128x1x64xf32>
      %swap3A_1082 = vector.shape_cast %swap3A_1081 : vector<128x1x64xf32> to vector<128x64xf32>
      %swap3A_1083 = vector.shape_cast %add3A_501 : vector<128x64xf32> to vector<128x1x64xf32>
      tpu.vector_store %arg9[%swap3A_1078, %swap3A_1079, %swap3A_1080], %swap3A_1083 {strides = array<i32>} : memref<128x20x64xf32, #tpu.memory_space<vmem>>, vector<128x1x64xf32>,
      %div3A_1084 = arith.divf %add3A_501, %max3A_1000 : vector<128x64xf32>
      %convert_element_type3A_1085 = arith.truncf %div3A_1084 : vector<128x64xf32> to vector<128x64xbf16>
      %swap3A_1086 = arith.constant 0 : index
      %swap3A_1087 = arith.constant 448 : index
      %swap3A_1088 = vector.load %arg10[%swap3A_1086, %swap3A_1087] : memref<128x1280xbf16, #tpu.memory_space<vmem>>, vector<128x64xbf16>
      tpu.vector_store %arg10[%swap3A_1086, %swap3A_1087], %convert_element_type3A_1085 {strides = array<i32>} : memref<128x1280xbf16, #tpu.memory_space<vmem>>, vector<128x64xbf16>,
      %swap3A_1089 = arith.constant 0 : index
      %swap3A_1090 = arith.constant 8 : index
      %swap3A_1091 = arith.constant 0 : index
      %swap3A_1092 = vector.load %arg9[%swap3A_1089, %swap3A_1090, %swap3A_1091] : memref<128x20x64xf32, #tpu.memory_space<vmem>>, vector<128x1x64xf32>
      %swap3A_1093 = vector.shape_cast %swap3A_1092 : vector<128x1x64xf32> to vector<128x64xf32>
      %swap3A_1094 = vector.shape_cast %add3A_539 : vector<128x64xf32> to vector<128x1x64xf32>
      tpu.vector_store %arg9[%swap3A_1089, %swap3A_1090, %swap3A_1091], %swap3A_1094 {strides = array<i32>} : memref<128x20x64xf32, #tpu.memory_space<vmem>>, vector<128x1x64xf32>,
      %div3A_1095 = arith.divf %add3A_539, %max3A_1000 : vector<128x64xf32>
      %convert_element_type3A_1096 = arith.truncf %div3A_1095 : vector<128x64xf32> to vector<128x64xbf16>
      %swap3A_1097 = arith.constant 0 : index
      %swap3A_1098 = arith.constant 512 : index
      %swap3A_1099 = vector.load %arg10[%swap3A_1097, %swap3A_1098] : memref<128x1280xbf16, #tpu.memory_space<vmem>>, vector<128x64xbf16>
      tpu.vector_store %arg10[%swap3A_1097, %swap3A_1098], %convert_element_type3A_1096 {strides = array<i32>} : memref<128x1280xbf16, #tpu.memory_space<vmem>>, vector<128x64xbf16>,
      %swap3A_1100 = arith.constant 0 : index
      %swap3A_1101 = arith.constant 9 : index
      %swap3A_1102 = arith.constant 0 : index
      %swap3A_1103 = vector.load %arg9[%swap3A_1100, %swap3A_1101, %swap3A_1102] : memref<128x20x64xf32, #tpu.memory_space<vmem>>, vector<128x1x64xf32>
      %swap3A_1104 = vector.shape_cast %swap3A_1103 : vector<128x1x64xf32> to vector<128x64xf32>
      %swap3A_1105 = vector.shape_cast %add3A_577 : vector<128x64xf32> to vector<128x1x64xf32>
      tpu.vector_store %arg9[%swap3A_1100, %swap3A_1101, %swap3A_1102], %swap3A_1105 {strides = array<i32>} : memref<128x20x64xf32, #tpu.memory_space<vmem>>, vector<128x1x64xf32>,
      %div3A_1106 = arith.divf %add3A_577, %max3A_1000 : vector<128x64xf32>
      %convert_element_type3A_1107 = arith.truncf %div3A_1106 : vector<128x64xf32> to vector<128x64xbf16>
      %swap3A_1108 = arith.constant 0 : index
      %swap3A_1109 = arith.constant 576 : index
      %swap3A_1110 = vector.load %arg10[%swap3A_1108, %swap3A_1109] : memref<128x1280xbf16, #tpu.memory_space<vmem>>, vector<128x64xbf16>
      tpu.vector_store %arg10[%swap3A_1108, %swap3A_1109], %convert_element_type3A_1107 {strides = array<i32>} : memref<128x1280xbf16, #tpu.memory_space<vmem>>, vector<128x64xbf16>,
      %swap3A_1111 = arith.constant 0 : index
      %swap3A_1112 = arith.constant 10 : index
      %swap3A_1113 = arith.constant 0 : index
      %swap3A_1114 = vector.load %arg9[%swap3A_1111, %swap3A_1112, %swap3A_1113] : memref<128x20x64xf32, #tpu.memory_space<vmem>>, vector<128x1x64xf32>
      %swap3A_1115 = vector.shape_cast %swap3A_1114 : vector<128x1x64xf32> to vector<128x64xf32>
      %swap3A_1116 = vector.shape_cast %add3A_615 : vector<128x64xf32> to vector<128x1x64xf32>
      tpu.vector_store %arg9[%swap3A_1111, %swap3A_1112, %swap3A_1113], %swap3A_1116 {strides = array<i32>} : memref<128x20x64xf32, #tpu.memory_space<vmem>>, vector<128x1x64xf32>,
      %div3A_1117 = arith.divf %add3A_615, %max3A_1000 : vector<128x64xf32>
      %convert_element_type3A_1118 = arith.truncf %div3A_1117 : vector<128x64xf32> to vector<128x64xbf16>
      %swap3A_1119 = arith.constant 0 : index
      %swap3A_1120 = arith.constant 640 : index
      %swap3A_1121 = vector.load %arg10[%swap3A_1119, %swap3A_1120] : memref<128x1280xbf16, #tpu.memory_space<vmem>>, vector<128x64xbf16>
      tpu.vector_store %arg10[%swap3A_1119, %swap3A_1120], %convert_element_type3A_1118 {strides = array<i32>} : memref<128x1280xbf16, #tpu.memory_space<vmem>>, vector<128x64xbf16>,
      %swap3A_1122 = arith.constant 0 : index
      %swap3A_1123 = arith.constant 11 : index
      %swap3A_1124 = arith.constant 0 : index
      %swap3A_1125 = vector.load %arg9[%swap3A_1122, %swap3A_1123, %swap3A_1124] : memref<128x20x64xf32, #tpu.memory_space<vmem>>, vector<128x1x64xf32>
      %swap3A_1126 = vector.shape_cast %swap3A_1125 : vector<128x1x64xf32> to vector<128x64xf32>
      %swap3A_1127 = vector.shape_cast %add3A_653 : vector<128x64xf32> to vector<128x1x64xf32>
      tpu.vector_store %arg9[%swap3A_1122, %swap3A_1123, %swap3A_1124], %swap3A_1127 {strides = array<i32>} : memref<128x20x64xf32, #tpu.memory_space<vmem>>, vector<128x1x64xf32>,
      %div3A_1128 = arith.divf %add3A_653, %max3A_1000 : vector<128x64xf32>
      %convert_element_type3A_1129 = arith.truncf %div3A_1128 : vector<128x64xf32> to vector<128x64xbf16>
      %swap3A_1130 = arith.constant 0 : index
      %swap3A_1131 = arith.constant 704 : index
      %swap3A_1132 = vector.load %arg10[%swap3A_1130, %swap3A_1131] : memref<128x1280xbf16, #tpu.memory_space<vmem>>, vector<128x64xbf16>
      tpu.vector_store %arg10[%swap3A_1130, %swap3A_1131], %convert_element_type3A_1129 {strides = array<i32>} : memref<128x1280xbf16, #tpu.memory_space<vmem>>, vector<128x64xbf16>,
      %swap3A_1133 = arith.constant 0 : index
      %swap3A_1134 = arith.constant 12 : index
      %swap3A_1135 = arith.constant 0 : index
      %swap3A_1136 = vector.load %arg9[%swap3A_1133, %swap3A_1134, %swap3A_1135] : memref<128x20x64xf32, #tpu.memory_space<vmem>>, vector<128x1x64xf32>
      %swap3A_1137 = vector.shape_cast %swap3A_1136 : vector<128x1x64xf32> to vector<128x64xf32>
      %swap3A_1138 = vector.shape_cast %add3A_691 : vector<128x64xf32> to vector<128x1x64xf32>
      tpu.vector_store %arg9[%swap3A_1133, %swap3A_1134, %swap3A_1135], %swap3A_1138 {strides = array<i32>} : memref<128x20x64xf32, #tpu.memory_space<vmem>>, vector<128x1x64xf32>,
      %div3A_1139 = arith.divf %add3A_691, %max3A_1000 : vector<128x64xf32>
      %convert_element_type3A_1140 = arith.truncf %div3A_1139 : vector<128x64xf32> to vector<128x64xbf16>
      %swap3A_1141 = arith.constant 0 : index
      %swap3A_1142 = arith.constant 768 : index
      %swap3A_1143 = vector.load %arg10[%swap3A_1141, %swap3A_1142] : memref<128x1280xbf16, #tpu.memory_space<vmem>>, vector<128x64xbf16>
      tpu.vector_store %arg10[%swap3A_1141, %swap3A_1142], %convert_element_type3A_1140 {strides = array<i32>} : memref<128x1280xbf16, #tpu.memory_space<vmem>>, vector<128x64xbf16>,
      %swap3A_1144 = arith.constant 0 : index
      %swap3A_1145 = arith.constant 13 : index
      %swap3A_1146 = arith.constant 0 : index
      %swap3A_1147 = vector.load %arg9[%swap3A_1144, %swap3A_1145, %swap3A_1146] : memref<128x20x64xf32, #tpu.memory_space<vmem>>, vector<128x1x64xf32>
      %swap3A_1148 = vector.shape_cast %swap3A_1147 : vector<128x1x64xf32> to vector<128x64xf32>
      %swap3A_1149 = vector.shape_cast %add3A_729 : vector<128x64xf32> to vector<128x1x64xf32>
      tpu.vector_store %arg9[%swap3A_1144, %swap3A_1145, %swap3A_1146], %swap3A_1149 {strides = array<i32>} : memref<128x20x64xf32, #tpu.memory_space<vmem>>, vector<128x1x64xf32>,
      %div3A_1150 = arith.divf %add3A_729, %max3A_1000 : vector<128x64xf32>
      %convert_element_type3A_1151 = arith.truncf %div3A_1150 : vector<128x64xf32> to vector<128x64xbf16>
      %swap3A_1152 = arith.constant 0 : index
      %swap3A_1153 = arith.constant 832 : index
      %swap3A_1154 = vector.load %arg10[%swap3A_1152, %swap3A_1153] : memref<128x1280xbf16, #tpu.memory_space<vmem>>, vector<128x64xbf16>
      tpu.vector_store %arg10[%swap3A_1152, %swap3A_1153], %convert_element_type3A_1151 {strides = array<i32>} : memref<128x1280xbf16, #tpu.memory_space<vmem>>, vector<128x64xbf16>,
      %swap3A_1155 = arith.constant 0 : index
      %swap3A_1156 = arith.constant 14 : index
      %swap3A_1157 = arith.constant 0 : index
      %swap3A_1158 = vector.load %arg9[%swap3A_1155, %swap3A_1156, %swap3A_1157] : memref<128x20x64xf32, #tpu.memory_space<vmem>>, vector<128x1x64xf32>
      %swap3A_1159 = vector.shape_cast %swap3A_1158 : vector<128x1x64xf32> to vector<128x64xf32>
      %swap3A_1160 = vector.shape_cast %add3A_767 : vector<128x64xf32> to vector<128x1x64xf32>
      tpu.vector_store %arg9[%swap3A_1155, %swap3A_1156, %swap3A_1157], %swap3A_1160 {strides = array<i32>} : memref<128x20x64xf32, #tpu.memory_space<vmem>>, vector<128x1x64xf32>,
      %div3A_1161 = arith.divf %add3A_767, %max3A_1000 : vector<128x64xf32>
      %convert_element_type3A_1162 = arith.truncf %div3A_1161 : vector<128x64xf32> to vector<128x64xbf16>
      %swap3A_1163 = arith.constant 0 : index
      %swap3A_1164 = arith.constant 896 : index
      %swap3A_1165 = vector.load %arg10[%swap3A_1163, %swap3A_1164] : memref<128x1280xbf16, #tpu.memory_space<vmem>>, vector<128x64xbf16>
      tpu.vector_store %arg10[%swap3A_1163, %swap3A_1164], %convert_element_type3A_1162 {strides = array<i32>} : memref<128x1280xbf16, #tpu.memory_space<vmem>>, vector<128x64xbf16>,
      %swap3A_1166 = arith.constant 0 : index
      %swap3A_1167 = arith.constant 15 : index
      %swap3A_1168 = arith.constant 0 : index
      %swap3A_1169 = vector.load %arg9[%swap3A_1166, %swap3A_1167, %swap3A_1168] : memref<128x20x64xf32, #tpu.memory_space<vmem>>, vector<128x1x64xf32>
      %swap3A_1170 = vector.shape_cast %swap3A_1169 : vector<128x1x64xf32> to vector<128x64xf32>
      %swap3A_1171 = vector.shape_cast %add3A_805 : vector<128x64xf32> to vector<128x1x64xf32>
      tpu.vector_store %arg9[%swap3A_1166, %swap3A_1167, %swap3A_1168], %swap3A_1171 {strides = array<i32>} : memref<128x20x64xf32, #tpu.memory_space<vmem>>, vector<128x1x64xf32>,
      %div3A_1172 = arith.divf %add3A_805, %max3A_1000 : vector<128x64xf32>
      %convert_element_type3A_1173 = arith.truncf %div3A_1172 : vector<128x64xf32> to vector<128x64xbf16>
      %swap3A_1174 = arith.constant 0 : index
      %swap3A_1175 = arith.constant 960 : index
      %swap3A_1176 = vector.load %arg10[%swap3A_1174, %swap3A_1175] : memref<128x1280xbf16, #tpu.memory_space<vmem>>, vector<128x64xbf16>
      tpu.vector_store %arg10[%swap3A_1174, %swap3A_1175], %convert_element_type3A_1173 {strides = array<i32>} : memref<128x1280xbf16, #tpu.memory_space<vmem>>, vector<128x64xbf16>,
      %swap3A_1177 = arith.constant 0 : index
      %swap3A_1178 = arith.constant 16 : index
      %swap3A_1179 = arith.constant 0 : index
      %swap3A_1180 = vector.load %arg9[%swap3A_1177, %swap3A_1178, %swap3A_1179] : memref<128x20x64xf32, #tpu.memory_space<vmem>>, vector<128x1x64xf32>
      %swap3A_1181 = vector.shape_cast %swap3A_1180 : vector<128x1x64xf32> to vector<128x64xf32>
      %swap3A_1182 = vector.shape_cast %add3A_843 : vector<128x64xf32> to vector<128x1x64xf32>
      tpu.vector_store %arg9[%swap3A_1177, %swap3A_1178, %swap3A_1179], %swap3A_1182 {strides = array<i32>} : memref<128x20x64xf32, #tpu.memory_space<vmem>>, vector<128x1x64xf32>,
      %div3A_1183 = arith.divf %add3A_843, %max3A_1000 : vector<128x64xf32>
      %convert_element_type3A_1184 = arith.truncf %div3A_1183 : vector<128x64xf32> to vector<128x64xbf16>
      %swap3A_1185 = arith.constant 0 : index
      %swap3A_1186 = arith.constant 1024 : index
      %swap3A_1187 = vector.load %arg10[%swap3A_1185, %swap3A_1186] : memref<128x1280xbf16, #tpu.memory_space<vmem>>, vector<128x64xbf16>
      tpu.vector_store %arg10[%swap3A_1185, %swap3A_1186], %convert_element_type3A_1184 {strides = array<i32>} : memref<128x1280xbf16, #tpu.memory_space<vmem>>, vector<128x64xbf16>,
      %swap3A_1188 = arith.constant 0 : index
      %swap3A_1189 = arith.constant 17 : index
      %swap3A_1190 = arith.constant 0 : index
      %swap3A_1191 = vector.load %arg9[%swap3A_1188, %swap3A_1189, %swap3A_1190] : memref<128x20x64xf32, #tpu.memory_space<vmem>>, vector<128x1x64xf32>
      %swap3A_1192 = vector.shape_cast %swap3A_1191 : vector<128x1x64xf32> to vector<128x64xf32>
      %swap3A_1193 = vector.shape_cast %add3A_881 : vector<128x64xf32> to vector<128x1x64xf32>
      tpu.vector_store %arg9[%swap3A_1188, %swap3A_1189, %swap3A_1190], %swap3A_1193 {strides = array<i32>} : memref<128x20x64xf32, #tpu.memory_space<vmem>>, vector<128x1x64xf32>,
      %div3A_1194 = arith.divf %add3A_881, %max3A_1000 : vector<128x64xf32>
      %convert_element_type3A_1195 = arith.truncf %div3A_1194 : vector<128x64xf32> to vector<128x64xbf16>
      %swap3A_1196 = arith.constant 0 : index
      %swap3A_1197 = arith.constant 1088 : index
      %swap3A_1198 = vector.load %arg10[%swap3A_1196, %swap3A_1197] : memref<128x1280xbf16, #tpu.memory_space<vmem>>, vector<128x64xbf16>
      tpu.vector_store %arg10[%swap3A_1196, %swap3A_1197], %convert_element_type3A_1195 {strides = array<i32>} : memref<128x1280xbf16, #tpu.memory_space<vmem>>, vector<128x64xbf16>,
      %swap3A_1199 = arith.constant 0 : index
      %swap3A_1200 = arith.constant 18 : index
      %swap3A_1201 = arith.constant 0 : index
      %swap3A_1202 = vector.load %arg9[%swap3A_1199, %swap3A_1200, %swap3A_1201] : memref<128x20x64xf32, #tpu.memory_space<vmem>>, vector<128x1x64xf32>
      %swap3A_1203 = vector.shape_cast %swap3A_1202 : vector<128x1x64xf32> to vector<128x64xf32>
      %swap3A_1204 = vector.shape_cast %add3A_919 : vector<128x64xf32> to vector<128x1x64xf32>
      tpu.vector_store %arg9[%swap3A_1199, %swap3A_1200, %swap3A_1201], %swap3A_1204 {strides = array<i32>} : memref<128x20x64xf32, #tpu.memory_space<vmem>>, vector<128x1x64xf32>,
      %div3A_1205 = arith.divf %add3A_919, %max3A_1000 : vector<128x64xf32>
      %convert_element_type3A_1206 = arith.truncf %div3A_1205 : vector<128x64xf32> to vector<128x64xbf16>
      %swap3A_1207 = arith.constant 0 : index
      %swap3A_1208 = arith.constant 1152 : index
      %swap3A_1209 = vector.load %arg10[%swap3A_1207, %swap3A_1208] : memref<128x1280xbf16, #tpu.memory_space<vmem>>, vector<128x64xbf16>
      tpu.vector_store %arg10[%swap3A_1207, %swap3A_1208], %convert_element_type3A_1206 {strides = array<i32>} : memref<128x1280xbf16, #tpu.memory_space<vmem>>, vector<128x64xbf16>,
      %swap3A_1210 = arith.constant 0 : index
      %swap3A_1211 = arith.constant 19 : index
      %swap3A_1212 = arith.constant 0 : index
      %swap3A_1213 = vector.load %arg9[%swap3A_1210, %swap3A_1211, %swap3A_1212] : memref<128x20x64xf32, #tpu.memory_space<vmem>>, vector<128x1x64xf32>
      %swap3A_1214 = vector.shape_cast %swap3A_1213 : vector<128x1x64xf32> to vector<128x64xf32>
      %swap3A_1215 = vector.shape_cast %add3A_957 : vector<128x64xf32> to vector<128x1x64xf32>
      tpu.vector_store %arg9[%swap3A_1210, %swap3A_1211, %swap3A_1212], %swap3A_1215 {strides = array<i32>} : memref<128x20x64xf32, #tpu.memory_space<vmem>>, vector<128x1x64xf32>,
      %div3A_1216 = arith.divf %add3A_957, %max3A_1000 : vector<128x64xf32>
      %convert_element_type3A_1217 = arith.truncf %div3A_1216 : vector<128x64xf32> to vector<128x64xbf16>
      %swap3A_1218 = arith.constant 0 : index
      %swap3A_1219 = arith.constant 1216 : index
      %swap3A_1220 = vector.load %arg10[%swap3A_1218, %swap3A_1219] : memref<128x1280xbf16, #tpu.memory_space<vmem>>, vector<128x64xbf16>
      tpu.vector_store %arg10[%swap3A_1218, %swap3A_1219], %convert_element_type3A_1217 {strides = array<i32>} : memref<128x1280xbf16, #tpu.memory_space<vmem>>, vector<128x64xbf16>,
      %broadcast_in_dim3A_1221 = arith.constant -3.000000e+38 : f32
      %broadcast_in_dim3A_1222 = vector.broadcast %broadcast_in_dim3A_1221 : f32 to vector<128x20xf32>
      %swap3A_1223 = arith.constant 0 : index
      %swap3A_1224 = arith.constant 0 : index
      %swap3A_1225 = vector.load %arg11[%swap3A_1223, %swap3A_1224] : memref<128x20xf32, #tpu.memory_space<vmem>>, vector<128x20xf32>
      tpu.vector_store %arg11[%swap3A_1223, %swap3A_1224], %broadcast_in_dim3A_1222 {strides = array<i32>} : memref<128x20xf32, #tpu.memory_space<vmem>>, vector<128x20xf32>,
      %iota3A = tpu.iota {dimensions = array<i32: 1>} : vector<128x20xi32>
      %swap3A_1226 = arith.constant 0 : index
      %swap3A_1227 = arith.constant 0 : index
      %swap3A_1228 = vector.load %arg12[%swap3A_1226, %swap3A_1227] : memref<128x20xi32, #tpu.memory_space<vmem>>, vector<128x20xi32>
      tpu.vector_store %arg12[%swap3A_1226, %swap3A_1227], %iota3A {strides = array<i32>} : memref<128x20xi32, #tpu.memory_space<vmem>>, vector<128x20xi32>,
    } else {
    }
    %get3A = arith.constant 0 : index
    %get3A_2 = arith.constant 0 : index
    %get3A_3 = vector.load %arg7[%get3A, %get3A_2] : memref<2000x1280xf32, #tpu.memory_space<vmem>>, vector<2000x1280xf32>
    %slice3A = vector.extract_strided_slice %get3A_3 {offsets = [0, 0], sizes = [2000, 128], strides = [1, 1]} : vector<2000x1280xf32> to vector<2000x128xf32>
    %slice3A_4 = vector.extract_strided_slice %get3A_3 {offsets = [0, 0], sizes = [2000, 128], strides = [1, 1]} : vector<2000x1280xf32> to vector<2000x128xf32>
    %mul3A = arith.mulf %slice3A, %slice3A_4 : vector<2000x128xf32>
    %slice3A_5 = vector.extract_strided_slice %get3A_3 {offsets = [0, 128], sizes = [2000, 128], strides = [1, 1]} : vector<2000x1280xf32> to vector<2000x128xf32>
    %mul3A_6 = arith.mulf %slice3A_5, %slice3A_5 : vector<2000x128xf32>
    %add3A = arith.addf %mul3A, %mul3A_6 : vector<2000x128xf32>
    %slice3A_7 = vector.extract_strided_slice %get3A_3 {offsets = [0, 256], sizes = [2000, 128], strides = [1, 1]} : vector<2000x1280xf32> to vector<2000x128xf32>
    %mul3A_8 = arith.mulf %slice3A_7, %slice3A_7 : vector<2000x128xf32>
    %add3A_9 = arith.addf %add3A, %mul3A_8 : vector<2000x128xf32>
    %slice3A_10 = vector.extract_strided_slice %get3A_3 {offsets = [0, 384], sizes = [2000, 128], strides = [1, 1]} : vector<2000x1280xf32> to vector<2000x128xf32>
    %mul3A_11 = arith.mulf %slice3A_10, %slice3A_10 : vector<2000x128xf32>
    %add3A_12 = arith.addf %add3A_9, %mul3A_11 : vector<2000x128xf32>
    %slice3A_13 = vector.extract_strided_slice %get3A_3 {offsets = [0, 512], sizes = [2000, 128], strides = [1, 1]} : vector<2000x1280xf32> to vector<2000x128xf32>
    %mul3A_14 = arith.mulf %slice3A_13, %slice3A_13 : vector<2000x128xf32>
    %add3A_15 = arith.addf %add3A_12, %mul3A_14 : vector<2000x128xf32>
    %slice3A_16 = vector.extract_strided_slice %get3A_3 {offsets = [0, 640], sizes = [2000, 128], strides = [1, 1]} : vector<2000x1280xf32> to vector<2000x128xf32>
    %mul3A_17 = arith.mulf %slice3A_16, %slice3A_16 : vector<2000x128xf32>
    %add3A_18 = arith.addf %add3A_15, %mul3A_17 : vector<2000x128xf32>
    %slice3A_19 = vector.extract_strided_slice %get3A_3 {offsets = [0, 768], sizes = [2000, 128], strides = [1, 1]} : vector<2000x1280xf32> to vector<2000x128xf32>
    %mul3A_20 = arith.mulf %slice3A_19, %slice3A_19 : vector<2000x128xf32>
    %add3A_21 = arith.addf %add3A_18, %mul3A_20 : vector<2000x128xf32>
    %slice3A_22 = vector.extract_strided_slice %get3A_3 {offsets = [0, 896], sizes = [2000, 128], strides = [1, 1]} : vector<2000x1280xf32> to vector<2000x128xf32>
    %mul3A_23 = arith.mulf %slice3A_22, %slice3A_22 : vector<2000x128xf32>
    %add3A_24 = arith.addf %add3A_21, %mul3A_23 : vector<2000x128xf32>
    %slice3A_25 = vector.extract_strided_slice %get3A_3 {offsets = [0, 1024], sizes = [2000, 128], strides = [1, 1]} : vector<2000x1280xf32> to vector<2000x128xf32>
    %mul3A_26 = arith.mulf %slice3A_25, %slice3A_25 : vector<2000x128xf32>
    %add3A_27 = arith.addf %add3A_24, %mul3A_26 : vector<2000x128xf32>
    %slice3A_28 = vector.extract_strided_slice %get3A_3 {offsets = [0, 1152], sizes = [2000, 128], strides = [1, 1]} : vector<2000x1280xf32> to vector<2000x128xf32>
    %mul3A_29 = arith.mulf %slice3A_28, %slice3A_28 : vector<2000x128xf32>
    %add3A_30 = arith.addf %add3A_27, %mul3A_29 : vector<2000x128xf32>
    %slice3A_31 = vector.extract_strided_slice %add3A_30 {offsets = [0, 0], sizes = [2000, 64], strides = [1, 1]} : vector<2000x128xf32> to vector<2000x64xf32>
    %slice3A_32 = vector.extract_strided_slice %add3A_30 {offsets = [0, 64], sizes = [2000, 64], strides = [1, 1]} : vector<2000x128xf32> to vector<2000x64xf32>
    %add3A_33 = arith.addf %slice3A_31, %slice3A_32 : vector<2000x64xf32>
    %sqrt3A = math.sqrt %add3A_33 : vector<2000x64xf32>
    %max3A = arith.constant 9.99999996E-13 : f32
    %max3A_34 = vector.broadcast %max3A : f32 to vector<2000x64xf32>
    %max3A_35 = arith.maximumf %sqrt3A, %max3A_34 : vector<2000x64xf32>
    %div3A = arith.constant 1.000000e+00 : f32
    %div3A_36 = vector.broadcast %div3A : f32 to vector<2000x64xf32>
    %div3A_37 = arith.divf %div3A_36, %max3A_35 : vector<2000x64xf32>
    %concatenate3A = tpu.concatenate %div3A_37, %div3A_37 in 1 : vector<2000x64xf32>, vector<2000x64xf32> -> vector<2000x128xf32>
    %slice3A_38 = vector.extract_strided_slice %get3A_3 {offsets = [0, 0], sizes = [2000, 128], strides = [1, 1]} : vector<2000x1280xf32> to vector<2000x128xf32>
    %mul3A_39 = arith.mulf %slice3A_38, %concatenate3A : vector<2000x128xf32>
    %convert_element_type3A_40 = arith.truncf %mul3A_39 : vector<2000x128xf32> to vector<2000x128xbf16>
    %slice3A_41 = vector.extract_strided_slice %get3A_3 {offsets = [0, 128], sizes = [2000, 128], strides = [1, 1]} : vector<2000x1280xf32> to vector<2000x128xf32>
    %mul3A_42 = arith.mulf %slice3A_41, %concatenate3A : vector<2000x128xf32>
    %convert_element_type3A_43 = arith.truncf %mul3A_42 : vector<2000x128xf32> to vector<2000x128xbf16>
    %slice3A_44 = vector.extract_strided_slice %get3A_3 {offsets = [0, 256], sizes = [2000, 128], strides = [1, 1]} : vector<2000x1280xf32> to vector<2000x128xf32>
    %mul3A_45 = arith.mulf %slice3A_44, %concatenate3A : vector<2000x128xf32>
    %convert_element_type3A_46 = arith.truncf %mul3A_45 : vector<2000x128xf32> to vector<2000x128xbf16>
    %slice3A_47 = vector.extract_strided_slice %get3A_3 {offsets = [0, 384], sizes = [2000, 128], strides = [1, 1]} : vector<2000x1280xf32> to vector<2000x128xf32>
    %mul3A_48 = arith.mulf %slice3A_47, %concatenate3A : vector<2000x128xf32>
    %convert_element_type3A_49 = arith.truncf %mul3A_48 : vector<2000x128xf32> to vector<2000x128xbf16>
    %slice3A_50 = vector.extract_strided_slice %get3A_3 {offsets = [0, 512], sizes = [2000, 128], strides = [1, 1]} : vector<2000x1280xf32> to vector<2000x128xf32>
    %mul3A_51 = arith.mulf %slice3A_50, %concatenate3A : vector<2000x128xf32>
    %convert_element_type3A_52 = arith.truncf %mul3A_51 : vector<2000x128xf32> to vector<2000x128xbf16>
    %slice3A_53 = vector.extract_strided_slice %get3A_3 {offsets = [0, 640], sizes = [2000, 128], strides = [1, 1]} : vector<2000x1280xf32> to vector<2000x128xf32>
    %mul3A_54 = arith.mulf %slice3A_53, %concatenate3A : vector<2000x128xf32>
    %convert_element_type3A_55 = arith.truncf %mul3A_54 : vector<2000x128xf32> to vector<2000x128xbf16>
    %slice3A_56 = vector.extract_strided_slice %get3A_3 {offsets = [0, 768], sizes = [2000, 128], strides = [1, 1]} : vector<2000x1280xf32> to vector<2000x128xf32>
    %mul3A_57 = arith.mulf %slice3A_56, %concatenate3A : vector<2000x128xf32>
    %convert_element_type3A_58 = arith.truncf %mul3A_57 : vector<2000x128xf32> to vector<2000x128xbf16>
    %slice3A_59 = vector.extract_strided_slice %get3A_3 {offsets = [0, 896], sizes = [2000, 128], strides = [1, 1]} : vector<2000x1280xf32> to vector<2000x128xf32>
    %mul3A_60 = arith.mulf %slice3A_59, %concatenate3A : vector<2000x128xf32>
    %convert_element_type3A_61 = arith.truncf %mul3A_60 : vector<2000x128xf32> to vector<2000x128xbf16>
    %slice3A_62 = vector.extract_strided_slice %get3A_3 {offsets = [0, 1024], sizes = [2000, 128], strides = [1, 1]} : vector<2000x1280xf32> to vector<2000x128xf32>
    %mul3A_63 = arith.mulf %slice3A_62, %concatenate3A : vector<2000x128xf32>
    %convert_element_type3A_64 = arith.truncf %mul3A_63 : vector<2000x128xf32> to vector<2000x128xbf16>
    %slice3A_65 = vector.extract_strided_slice %get3A_3 {offsets = [0, 1152], sizes = [2000, 128], strides = [1, 1]} : vector<2000x1280xf32> to vector<2000x128xf32>
    %mul3A_66 = arith.mulf %slice3A_65, %concatenate3A : vector<2000x128xf32>
    %convert_element_type3A_67 = arith.truncf %mul3A_66 : vector<2000x128xf32> to vector<2000x128xbf16>
    %concatenate3A_68 = tpu.concatenate %convert_element_type3A_40, %convert_element_type3A_43, %convert_element_type3A_46, %convert_element_type3A_49, %convert_element_type3A_52, %convert_element_type3A_55, %convert_element_type3A_58, %convert_element_type3A_61, %convert_element_type3A_64, %convert_element_type3A_67 in 1 : vector<2000x128xbf16>, vector<2000x128xbf16>, vector<2000x128xbf16>, vector<2000x128xbf16>, vector<2000x128xbf16>, vector<2000x128xbf16>, vector<2000x128xbf16>, vector<2000x128xbf16>, vector<2000x128xbf16>, vector<2000x128xbf16> -> vector<2000x1280xbf16>
    %get3A_69 = arith.constant 0 : index
    %get3A_70 = arith.constant 0 : index
    %get3A_71 = vector.load %arg10[%get3A_69, %get3A_70] : memref<128x1280xbf16, #tpu.memory_space<vmem>>, vector<128x1280xbf16>
    %dot_general3A = arith.constant dense<0.000000e+00> : vector<128x2000xf32>
    %dot_general3A_72 = tpu.matmul %get3A_71, %concatenate3A_68, %dot_general3A {dimension_numbers = #tpu.dot_dimension_numbers<[1], [1], [0], [0], [0, 0, 1, 0], [], []>, transpose_lhs_hint = false} : vector<128x1280xbf16>, vector<2000x1280xbf16>, vector<128x2000xf32> -> vector<128x2000xf32>
    %swap3A = arith.constant 0 : index
    %swap3A_73 = arith.constant 0 : index
    %swap3A_74 = vector.load %arg13[%swap3A, %swap3A_73] : memref<128x2000xf32, #tpu.memory_space<vmem>>, vector<128x2000xf32>
    tpu.vector_store %arg13[%swap3A, %swap3A_73], %dot_general3A_72 {strides = array<i32>} : memref<128x2000xf32, #tpu.memory_space<vmem>>, vector<128x2000xf32>,
    %get3A_75 = arith.constant 0 : index
    %get3A_76 = arith.constant 0 : index
    %get3A_77 = vector.load %arg11[%get3A_75, %get3A_76] : memref<128x20xf32, #tpu.memory_space<vmem>>, vector<128x20xf32>
    %reduce_min3A = arith.constant dense<0x7F800000> : vector<128xf32>
    %reduce_min3A_78 = vector.multi_reduction <minimumf>, %get3A_77, %reduce_min3A [1] : vector<128x20xf32> to vector<128xf32>
    %broadcast_in_dim3A = vector.shape_cast %reduce_min3A_78 : vector<128xf32> to vector<128x1xf32>
    %gt3A = vector.broadcast %broadcast_in_dim3A : vector<128x1xf32> to vector<128x2000xf32>
    %gt3A_79 = arith.cmpf ogt, %dot_general3A_72, %gt3A : vector<128x2000xf32>
    %convert_element_type3A_80 = arith.extui %gt3A_79 : vector<128x2000xi1> to vector<128x2000xi32>
    %reduce_sum3A = arith.constant dense<0> : vector<128xi32>
    %reduce_sum3A_81 = vector.multi_reduction <add>, %convert_element_type3A_80, %reduce_sum3A [1] : vector<128x2000xi32> to vector<128xi32>
    %broadcast_in_dim3A_82 = vector.shape_cast %reduce_sum3A_81 : vector<128xi32> to vector<128x1xi32>
    %reduce_max3A = vector.shape_cast %broadcast_in_dim3A_82 : vector<128x1xi32> to vector<1x128x1xi32>
    %reduce_max3A_83 = arith.constant dense<-2147483648> : vector<1xi32>
    %reduce_max3A_84 = vector.multi_reduction <maxsi>, %reduce_max3A, %reduce_max3A_83 [1, 2] : vector<1x128x1xi32> to vector<1xi32>
    %reduce_max3A_85 = vector.shape_cast %reduce_max3A_84 : vector<1xi32> to vector<1x1x1xi32>
    %reduce_max3A_86 = vector.extract %reduce_max3A_85[0, 0, 0] : i32 from vector<1x1x1xi32>
    %gt3A_87 = arith.constant 0 : i32
    %gt3A_88 = arith.cmpi sgt, %reduce_max3A_86, %gt3A_87 : i32
    %convert_element_type3A_89 = arith.extui %gt3A_88 : i1 to i32
    %cond3A_90 = arith.constant 0 : i32
    %cond3A_91 = arith.cmpi ne, %convert_element_type3A_89, %cond3A_90 : i32
    scf.if %cond3A_91 {
      %get3A_192 = arith.constant 0 : index
      %get3A_193 = arith.constant 0 : index
      %get3A_194 = vector.load %arg13[%get3A_192, %get3A_193] : memref<128x2000xf32, #tpu.memory_space<vmem>>, vector<128x2000xf32>
      %reduce_max3A_195 = arith.constant dense<0xFF800000> : vector<128xf32>
      %reduce_max3A_196 = vector.multi_reduction <maximumf>, %get3A_194, %reduce_max3A_195 [1] : vector<128x2000xf32> to vector<128xf32>
      %broadcast_in_dim3A_197 = vector.shape_cast %reduce_max3A_196 : vector<128xf32> to vector<128x1xf32>
      %iota3A = tpu.iota {dimensions = array<i32: 1>} : vector<128x2000xi32>
      %ge3A = vector.broadcast %broadcast_in_dim3A_197 : vector<128x1xf32> to vector<128x2000xf32>
      %ge3A_198 = arith.cmpf oge, %get3A_194, %ge3A : vector<128x2000xf32>
      %jit3A = arith.constant 1073741824 : i32
      %broadcast_in_dim3A_199 = vector.broadcast %jit3A : i32 to vector<128x2000xi32>
      %select_n3A = arith.select %ge3A_198, %iota3A, %broadcast_in_dim3A_199 : vector<128x2000xi1>, vector<128x2000xi32>
      %reduce_min3A_200 = arith.constant dense<2147483647> : vector<128xi32>
      %reduce_min3A_201 = vector.multi_reduction <minsi>, %select_n3A, %reduce_min3A_200 [1] : vector<128x2000xi32> to vector<128xi32>
      %broadcast_in_dim3A_202 = vector.shape_cast %reduce_min3A_201 : vector<128xi32> to vector<128x1xi32>
      %eq3A_203 = vector.broadcast %broadcast_in_dim3A_202 : vector<128x1xi32> to vector<128x2000xi32>
      %eq3A_204 = arith.cmpi eq, %iota3A, %eq3A_203 : vector<128x2000xi32>
      %jit3A_205 = arith.constant -3.000000e+38 : f32
      %broadcast_in_dim3A_206 = vector.broadcast %jit3A_205 : f32 to vector<128x2000xf32>
      %select_n3A_207 = arith.select %eq3A_204, %broadcast_in_dim3A_206, %get3A_194 : vector<128x2000xi1>, vector<128x2000xf32>
      %swap3A_208 = arith.constant 0 : index
      %swap3A_209 = arith.constant 0 : index
      %swap3A_210 = vector.load %arg13[%swap3A_208, %swap3A_209] : memref<128x2000xf32, #tpu.memory_space<vmem>>, vector<128x2000xf32>
      tpu.vector_store %arg13[%swap3A_208, %swap3A_209], %select_n3A_207 {strides = array<i32>} : memref<128x2000xf32, #tpu.memory_space<vmem>>, vector<128x2000xf32>,
      %mul3A_211 = arith.constant 2000 : i32
      %mul3A_212 = arith.muli %arg0, %mul3A_211 : i32
      %add3A_213 = vector.broadcast %mul3A_212 : i32 to vector<128x1xi32>
      %add3A_214 = arith.addi %add3A_213, %broadcast_in_dim3A_202 : vector<128x1xi32>
      %get3A_215 = arith.constant 0 : index
      %get3A_216 = arith.constant 0 : index
      %get3A_217 = vector.load %arg11[%get3A_215, %get3A_216] : memref<128x20xf32, #tpu.memory_space<vmem>>, vector<128x20xf32>
      %get3A_218 = arith.constant 0 : index
      %get3A_219 = arith.constant 0 : index
      %get3A_220 = vector.load %arg12[%get3A_218, %get3A_219] : memref<128x20xi32, #tpu.memory_space<vmem>>, vector<128x20xi32>
      %reduce_min3A_221 = arith.constant dense<0x7F800000> : vector<128xf32>
      %reduce_min3A_222 = vector.multi_reduction <minimumf>, %get3A_217, %reduce_min3A_221 [1] : vector<128x20xf32> to vector<128xf32>
      %broadcast_in_dim3A_223 = vector.shape_cast %reduce_min3A_222 : vector<128xf32> to vector<128x1xf32>
      %eq3A_224 = vector.broadcast %broadcast_in_dim3A_223 : vector<128x1xf32> to vector<128x20xf32>
      %eq3A_225 = arith.cmpf oeq, %get3A_217, %eq3A_224 : vector<128x20xf32>
      %jit3A_226 = arith.constant -1 : i32
      %broadcast_in_dim3A_227 = vector.broadcast %jit3A_226 : i32 to vector<128x20xi32>
      %select_n3A_228 = arith.select %eq3A_225, %get3A_220, %broadcast_in_dim3A_227 : vector<128x20xi1>, vector<128x20xi32>
      %reduce_max3A_229 = arith.constant dense<-2147483648> : vector<128xi32>
      %reduce_max3A_230 = vector.multi_reduction <maxsi>, %select_n3A_228, %reduce_max3A_229 [1] : vector<128x20xi32> to vector<128xi32>
      %broadcast_in_dim3A_231 = vector.shape_cast %reduce_max3A_230 : vector<128xi32> to vector<128x1xi32>
      %eq3A_232 = vector.broadcast %broadcast_in_dim3A_231 : vector<128x1xi32> to vector<128x20xi32>
      %eq3A_233 = arith.cmpi eq, %get3A_220, %eq3A_232 : vector<128x20xi32>
      %and3A = arith.andi %eq3A_225, %eq3A_233 : vector<128x20xi1>
      %gt3A_234 = arith.cmpf ogt, %broadcast_in_dim3A_197, %broadcast_in_dim3A_223 : vector<128x1xf32>
      %and3A_235 = vector.broadcast %gt3A_234 : vector<128x1xi1> to vector<128x20xi1>
      %and3A_236 = arith.andi %and3A, %and3A_235 : vector<128x20xi1>
      %broadcast_in_dim3A_237 = vector.shape_cast %broadcast_in_dim3A_197 : vector<128x1xf32> to vector<128x1xf32>
      %broadcast_in_dim3A_238 = vector.broadcast %broadcast_in_dim3A_237 : vector<128x1xf32> to vector<128x20xf32>
      %select_n3A_239 = arith.select %and3A_236, %broadcast_in_dim3A_238, %get3A_217 : vector<128x20xi1>, vector<128x20xf32>
      %swap3A_240 = arith.constant 0 : index
      %swap3A_241 = arith.constant 0 : index
      %swap3A_242 = vector.load %arg11[%swap3A_240, %swap3A_241] : memref<128x20xf32, #tpu.memory_space<vmem>>, vector<128x20xf32>
      tpu.vector_store %arg11[%swap3A_240, %swap3A_241], %select_n3A_239 {strides = array<i32>} : memref<128x20xf32, #tpu.memory_space<vmem>>, vector<128x20xf32>,
      %broadcast_in_dim3A_243 = vector.shape_cast %add3A_214 : vector<128x1xi32> to vector<128x1xi32>
      %broadcast_in_dim3A_244 = vector.broadcast %broadcast_in_dim3A_243 : vector<128x1xi32> to vector<128x20xi32>
      %select_n3A_245 = arith.select %and3A_236, %broadcast_in_dim3A_244, %get3A_220 : vector<128x20xi1>, vector<128x20xi32>
      %swap3A_246 = arith.constant 0 : index
      %swap3A_247 = arith.constant 0 : index
      %swap3A_248 = vector.load %arg12[%swap3A_246, %swap3A_247] : memref<128x20xi32, #tpu.memory_space<vmem>>, vector<128x20xi32>
      tpu.vector_store %arg12[%swap3A_246, %swap3A_247], %select_n3A_245 {strides = array<i32>} : memref<128x20xi32, #tpu.memory_space<vmem>>, vector<128x20xi32>,
    } else {
    }
    %gt3A_92 = arith.constant 1 : i32
    %gt3A_93 = arith.cmpi sgt, %reduce_max3A_86, %gt3A_92 : i32
    %convert_element_type3A_94 = arith.extui %gt3A_93 : i1 to i32
    %cond3A_95 = arith.constant 0 : i32
    %cond3A_96 = arith.cmpi ne, %convert_element_type3A_94, %cond3A_95 : i32
    scf.if %cond3A_96 {
      %get3A_192 = arith.constant 0 : index
      %get3A_193 = arith.constant 0 : index
      %get3A_194 = vector.load %arg13[%get3A_192, %get3A_193] : memref<128x2000xf32, #tpu.memory_space<vmem>>, vector<128x2000xf32>
      %reduce_max3A_195 = arith.constant dense<0xFF800000> : vector<128xf32>
      %reduce_max3A_196 = vector.multi_reduction <maximumf>, %get3A_194, %reduce_max3A_195 [1] : vector<128x2000xf32> to vector<128xf32>
      %broadcast_in_dim3A_197 = vector.shape_cast %reduce_max3A_196 : vector<128xf32> to vector<128x1xf32>
      %iota3A = tpu.iota {dimensions = array<i32: 1>} : vector<128x2000xi32>
      %ge3A = vector.broadcast %broadcast_in_dim3A_197 : vector<128x1xf32> to vector<128x2000xf32>
      %ge3A_198 = arith.cmpf oge, %get3A_194, %ge3A : vector<128x2000xf32>
      %jit3A = arith.constant 1073741824 : i32
      %broadcast_in_dim3A_199 = vector.broadcast %jit3A : i32 to vector<128x2000xi32>
      %select_n3A = arith.select %ge3A_198, %iota3A, %broadcast_in_dim3A_199 : vector<128x2000xi1>, vector<128x2000xi32>
      %reduce_min3A_200 = arith.constant dense<2147483647> : vector<128xi32>
      %reduce_min3A_201 = vector.multi_reduction <minsi>, %select_n3A, %reduce_min3A_200 [1] : vector<128x2000xi32> to vector<128xi32>
      %broadcast_in_dim3A_202 = vector.shape_cast %reduce_min3A_201 : vector<128xi32> to vector<128x1xi32>
      %eq3A_203 = vector.broadcast %broadcast_in_dim3A_202 : vector<128x1xi32> to vector<128x2000xi32>
      %eq3A_204 = arith.cmpi eq, %iota3A, %eq3A_203 : vector<128x2000xi32>
      %jit3A_205 = arith.constant -3.000000e+38 : f32
      %broadcast_in_dim3A_206 = vector.broadcast %jit3A_205 : f32 to vector<128x2000xf32>
      %select_n3A_207 = arith.select %eq3A_204, %broadcast_in_dim3A_206, %get3A_194 : vector<128x2000xi1>, vector<128x2000xf32>
      %swap3A_208 = arith.constant 0 : index
      %swap3A_209 = arith.constant 0 : index
      %swap3A_210 = vector.load %arg13[%swap3A_208, %swap3A_209] : memref<128x2000xf32, #tpu.memory_space<vmem>>, vector<128x2000xf32>
      tpu.vector_store %arg13[%swap3A_208, %swap3A_209], %select_n3A_207 {strides = array<i32>} : memref<128x2000xf32, #tpu.memory_space<vmem>>, vector<128x2000xf32>,
      %mul3A_211 = arith.constant 2000 : i32
      %mul3A_212 = arith.muli %arg0, %mul3A_211 : i32
      %add3A_213 = vector.broadcast %mul3A_212 : i32 to vector<128x1xi32>
      %add3A_214 = arith.addi %add3A_213, %broadcast_in_dim3A_202 : vector<128x1xi32>
      %get3A_215 = arith.constant 0 : index
      %get3A_216 = arith.constant 0 : index
      %get3A_217 = vector.load %arg11[%get3A_215, %get3A_216] : memref<128x20xf32, #tpu.memory_space<vmem>>, vector<128x20xf32>
      %get3A_218 = arith.constant 0 : index
      %get3A_219 = arith.constant 0 : index
      %get3A_220 = vector.load %arg12[%get3A_218, %get3A_219] : memref<128x20xi32, #tpu.memory_space<vmem>>, vector<128x20xi32>
      %reduce_min3A_221 = arith.constant dense<0x7F800000> : vector<128xf32>
      %reduce_min3A_222 = vector.multi_reduction <minimumf>, %get3A_217, %reduce_min3A_221 [1] : vector<128x20xf32> to vector<128xf32>
      %broadcast_in_dim3A_223 = vector.shape_cast %reduce_min3A_222 : vector<128xf32> to vector<128x1xf32>
      %eq3A_224 = vector.broadcast %broadcast_in_dim3A_223 : vector<128x1xf32> to vector<128x20xf32>
      %eq3A_225 = arith.cmpf oeq, %get3A_217, %eq3A_224 : vector<128x20xf32>
      %jit3A_226 = arith.constant -1 : i32
      %broadcast_in_dim3A_227 = vector.broadcast %jit3A_226 : i32 to vector<128x20xi32>
      %select_n3A_228 = arith.select %eq3A_225, %get3A_220, %broadcast_in_dim3A_227 : vector<128x20xi1>, vector<128x20xi32>
      %reduce_max3A_229 = arith.constant dense<-2147483648> : vector<128xi32>
      %reduce_max3A_230 = vector.multi_reduction <maxsi>, %select_n3A_228, %reduce_max3A_229 [1] : vector<128x20xi32> to vector<128xi32>
      %broadcast_in_dim3A_231 = vector.shape_cast %reduce_max3A_230 : vector<128xi32> to vector<128x1xi32>
      %eq3A_232 = vector.broadcast %broadcast_in_dim3A_231 : vector<128x1xi32> to vector<128x20xi32>
      %eq3A_233 = arith.cmpi eq, %get3A_220, %eq3A_232 : vector<128x20xi32>
      %and3A = arith.andi %eq3A_225, %eq3A_233 : vector<128x20xi1>
      %gt3A_234 = arith.cmpf ogt, %broadcast_in_dim3A_197, %broadcast_in_dim3A_223 : vector<128x1xf32>
      %and3A_235 = vector.broadcast %gt3A_234 : vector<128x1xi1> to vector<128x20xi1>
      %and3A_236 = arith.andi %and3A, %and3A_235 : vector<128x20xi1>
      %broadcast_in_dim3A_237 = vector.shape_cast %broadcast_in_dim3A_197 : vector<128x1xf32> to vector<128x1xf32>
      %broadcast_in_dim3A_238 = vector.broadcast %broadcast_in_dim3A_237 : vector<128x1xf32> to vector<128x20xf32>
      %select_n3A_239 = arith.select %and3A_236, %broadcast_in_dim3A_238, %get3A_217 : vector<128x20xi1>, vector<128x20xf32>
      %swap3A_240 = arith.constant 0 : index
      %swap3A_241 = arith.constant 0 : index
      %swap3A_242 = vector.load %arg11[%swap3A_240, %swap3A_241] : memref<128x20xf32, #tpu.memory_space<vmem>>, vector<128x20xf32>
      tpu.vector_store %arg11[%swap3A_240, %swap3A_241], %select_n3A_239 {strides = array<i32>} : memref<128x20xf32, #tpu.memory_space<vmem>>, vector<128x20xf32>,
      %broadcast_in_dim3A_243 = vector.shape_cast %add3A_214 : vector<128x1xi32> to vector<128x1xi32>
      %broadcast_in_dim3A_244 = vector.broadcast %broadcast_in_dim3A_243 : vector<128x1xi32> to vector<128x20xi32>
      %select_n3A_245 = arith.select %and3A_236, %broadcast_in_dim3A_244, %get3A_220 : vector<128x20xi1>, vector<128x20xi32>
      %swap3A_246 = arith.constant 0 : index
      %swap3A_247 = arith.constant 0 : index
      %swap3A_248 = vector.load %arg12[%swap3A_246, %swap3A_247] : memref<128x20xi32, #tpu.memory_space<vmem>>, vector<128x20xi32>
      tpu.vector_store %arg12[%swap3A_246, %swap3A_247], %select_n3A_245 {strides = array<i32>} : memref<128x20xi32, #tpu.memory_space<vmem>>, vector<128x20xi32>,
    } else {
    }
    %gt3A_97 = arith.constant 2 : i32
    %gt3A_98 = arith.cmpi sgt, %reduce_max3A_86, %gt3A_97 : i32
    %convert_element_type3A_99 = arith.extui %gt3A_98 : i1 to i32
    %cond3A_100 = arith.constant 0 : i32
    %cond3A_101 = arith.cmpi ne, %convert_element_type3A_99, %cond3A_100 : i32
    scf.if %cond3A_101 {
      %get3A_192 = arith.constant 0 : index
      %get3A_193 = arith.constant 0 : index
      %get3A_194 = vector.load %arg13[%get3A_192, %get3A_193] : memref<128x2000xf32, #tpu.memory_space<vmem>>, vector<128x2000xf32>
      %reduce_max3A_195 = arith.constant dense<0xFF800000> : vector<128xf32>
      %reduce_max3A_196 = vector.multi_reduction <maximumf>, %get3A_194, %reduce_max3A_195 [1] : vector<128x2000xf32> to vector<128xf32>
      %broadcast_in_dim3A_197 = vector.shape_cast %reduce_max3A_196 : vector<128xf32> to vector<128x1xf32>
      %iota3A = tpu.iota {dimensions = array<i32: 1>} : vector<128x2000xi32>
      %ge3A = vector.broadcast %broadcast_in_dim3A_197 : vector<128x1xf32> to vector<128x2000xf32>
      %ge3A_198 = arith.cmpf oge, %get3A_194, %ge3A : vector<128x2000xf32>
      %jit3A = arith.constant 1073741824 : i32
      %broadcast_in_dim3A_199 = vector.broadcast %jit3A : i32 to vector<128x2000xi32>
      %select_n3A = arith.select %ge3A_198, %iota3A, %broadcast_in_dim3A_199 : vector<128x2000xi1>, vector<128x2000xi32>
      %reduce_min3A_200 = arith.constant dense<2147483647> : vector<128xi32>
      %reduce_min3A_201 = vector.multi_reduction <minsi>, %select_n3A, %reduce_min3A_200 [1] : vector<128x2000xi32> to vector<128xi32>
      %broadcast_in_dim3A_202 = vector.shape_cast %reduce_min3A_201 : vector<128xi32> to vector<128x1xi32>
      %eq3A_203 = vector.broadcast %broadcast_in_dim3A_202 : vector<128x1xi32> to vector<128x2000xi32>
      %eq3A_204 = arith.cmpi eq, %iota3A, %eq3A_203 : vector<128x2000xi32>
      %jit3A_205 = arith.constant -3.000000e+38 : f32
      %broadcast_in_dim3A_206 = vector.broadcast %jit3A_205 : f32 to vector<128x2000xf32>
      %select_n3A_207 = arith.select %eq3A_204, %broadcast_in_dim3A_206, %get3A_194 : vector<128x2000xi1>, vector<128x2000xf32>
      %swap3A_208 = arith.constant 0 : index
      %swap3A_209 = arith.constant 0 : index
      %swap3A_210 = vector.load %arg13[%swap3A_208, %swap3A_209] : memref<128x2000xf32, #tpu.memory_space<vmem>>, vector<128x2000xf32>
      tpu.vector_store %arg13[%swap3A_208, %swap3A_209], %select_n3A_207 {strides = array<i32>} : memref<128x2000xf32, #tpu.memory_space<vmem>>, vector<128x2000xf32>,
      %mul3A_211 = arith.constant 2000 : i32
      %mul3A_212 = arith.muli %arg0, %mul3A_211 : i32
      %add3A_213 = vector.broadcast %mul3A_212 : i32 to vector<128x1xi32>
      %add3A_214 = arith.addi %add3A_213, %broadcast_in_dim3A_202 : vector<128x1xi32>
      %get3A_215 = arith.constant 0 : index
      %get3A_216 = arith.constant 0 : index
      %get3A_217 = vector.load %arg11[%get3A_215, %get3A_216] : memref<128x20xf32, #tpu.memory_space<vmem>>, vector<128x20xf32>
      %get3A_218 = arith.constant 0 : index
      %get3A_219 = arith.constant 0 : index
      %get3A_220 = vector.load %arg12[%get3A_218, %get3A_219] : memref<128x20xi32, #tpu.memory_space<vmem>>, vector<128x20xi32>
      %reduce_min3A_221 = arith.constant dense<0x7F800000> : vector<128xf32>
      %reduce_min3A_222 = vector.multi_reduction <minimumf>, %get3A_217, %reduce_min3A_221 [1] : vector<128x20xf32> to vector<128xf32>
      %broadcast_in_dim3A_223 = vector.shape_cast %reduce_min3A_222 : vector<128xf32> to vector<128x1xf32>
      %eq3A_224 = vector.broadcast %broadcast_in_dim3A_223 : vector<128x1xf32> to vector<128x20xf32>
      %eq3A_225 = arith.cmpf oeq, %get3A_217, %eq3A_224 : vector<128x20xf32>
      %jit3A_226 = arith.constant -1 : i32
      %broadcast_in_dim3A_227 = vector.broadcast %jit3A_226 : i32 to vector<128x20xi32>
      %select_n3A_228 = arith.select %eq3A_225, %get3A_220, %broadcast_in_dim3A_227 : vector<128x20xi1>, vector<128x20xi32>
      %reduce_max3A_229 = arith.constant dense<-2147483648> : vector<128xi32>
      %reduce_max3A_230 = vector.multi_reduction <maxsi>, %select_n3A_228, %reduce_max3A_229 [1] : vector<128x20xi32> to vector<128xi32>
      %broadcast_in_dim3A_231 = vector.shape_cast %reduce_max3A_230 : vector<128xi32> to vector<128x1xi32>
      %eq3A_232 = vector.broadcast %broadcast_in_dim3A_231 : vector<128x1xi32> to vector<128x20xi32>
      %eq3A_233 = arith.cmpi eq, %get3A_220, %eq3A_232 : vector<128x20xi32>
      %and3A = arith.andi %eq3A_225, %eq3A_233 : vector<128x20xi1>
      %gt3A_234 = arith.cmpf ogt, %broadcast_in_dim3A_197, %broadcast_in_dim3A_223 : vector<128x1xf32>
      %and3A_235 = vector.broadcast %gt3A_234 : vector<128x1xi1> to vector<128x20xi1>
      %and3A_236 = arith.andi %and3A, %and3A_235 : vector<128x20xi1>
      %broadcast_in_dim3A_237 = vector.shape_cast %broadcast_in_dim3A_197 : vector<128x1xf32> to vector<128x1xf32>
      %broadcast_in_dim3A_238 = vector.broadcast %broadcast_in_dim3A_237 : vector<128x1xf32> to vector<128x20xf32>
      %select_n3A_239 = arith.select %and3A_236, %broadcast_in_dim3A_238, %get3A_217 : vector<128x20xi1>, vector<128x20xf32>
      %swap3A_240 = arith.constant 0 : index
      %swap3A_241 = arith.constant 0 : index
      %swap3A_242 = vector.load %arg11[%swap3A_240, %swap3A_241] : memref<128x20xf32, #tpu.memory_space<vmem>>, vector<128x20xf32>
      tpu.vector_store %arg11[%swap3A_240, %swap3A_241], %select_n3A_239 {strides = array<i32>} : memref<128x20xf32, #tpu.memory_space<vmem>>, vector<128x20xf32>,
      %broadcast_in_dim3A_243 = vector.shape_cast %add3A_214 : vector<128x1xi32> to vector<128x1xi32>
      %broadcast_in_dim3A_244 = vector.broadcast %broadcast_in_dim3A_243 : vector<128x1xi32> to vector<128x20xi32>
      %select_n3A_245 = arith.select %and3A_236, %broadcast_in_dim3A_244, %get3A_220 : vector<128x20xi1>, vector<128x20xi32>
      %swap3A_246 = arith.constant 0 : index
      %swap3A_247 = arith.constant 0 : index
      %swap3A_248 = vector.load %arg12[%swap3A_246, %swap3A_247] : memref<128x20xi32, #tpu.memory_space<vmem>>, vector<128x20xi32>
      tpu.vector_store %arg12[%swap3A_246, %swap3A_247], %select_n3A_245 {strides = array<i32>} : memref<128x20xi32, #tpu.memory_space<vmem>>, vector<128x20xi32>,
    } else {
    }
    %gt3A_102 = arith.constant 3 : i32
    %gt3A_103 = arith.cmpi sgt, %reduce_max3A_86, %gt3A_102 : i32
    %convert_element_type3A_104 = arith.extui %gt3A_103 : i1 to i32
    %cond3A_105 = arith.constant 0 : i32
    %cond3A_106 = arith.cmpi ne, %convert_element_type3A_104, %cond3A_105 : i32
    scf.if %cond3A_106 {
      %get3A_192 = arith.constant 0 : index
      %get3A_193 = arith.constant 0 : index
      %get3A_194 = vector.load %arg13[%get3A_192, %get3A_193] : memref<128x2000xf32, #tpu.memory_space<vmem>>, vector<128x2000xf32>
      %reduce_max3A_195 = arith.constant dense<0xFF800000> : vector<128xf32>
      %reduce_max3A_196 = vector.multi_reduction <maximumf>, %get3A_194, %reduce_max3A_195 [1] : vector<128x2000xf32> to vector<128xf32>
      %broadcast_in_dim3A_197 = vector.shape_cast %reduce_max3A_196 : vector<128xf32> to vector<128x1xf32>
      %iota3A = tpu.iota {dimensions = array<i32: 1>} : vector<128x2000xi32>
      %ge3A = vector.broadcast %broadcast_in_dim3A_197 : vector<128x1xf32> to vector<128x2000xf32>
      %ge3A_198 = arith.cmpf oge, %get3A_194, %ge3A : vector<128x2000xf32>
      %jit3A = arith.constant 1073741824 : i32
      %broadcast_in_dim3A_199 = vector.broadcast %jit3A : i32 to vector<128x2000xi32>
      %select_n3A = arith.select %ge3A_198, %iota3A, %broadcast_in_dim3A_199 : vector<128x2000xi1>, vector<128x2000xi32>
      %reduce_min3A_200 = arith.constant dense<2147483647> : vector<128xi32>
      %reduce_min3A_201 = vector.multi_reduction <minsi>, %select_n3A, %reduce_min3A_200 [1] : vector<128x2000xi32> to vector<128xi32>
      %broadcast_in_dim3A_202 = vector.shape_cast %reduce_min3A_201 : vector<128xi32> to vector<128x1xi32>
      %eq3A_203 = vector.broadcast %broadcast_in_dim3A_202 : vector<128x1xi32> to vector<128x2000xi32>
      %eq3A_204 = arith.cmpi eq, %iota3A, %eq3A_203 : vector<128x2000xi32>
      %jit3A_205 = arith.constant -3.000000e+38 : f32
      %broadcast_in_dim3A_206 = vector.broadcast %jit3A_205 : f32 to vector<128x2000xf32>
      %select_n3A_207 = arith.select %eq3A_204, %broadcast_in_dim3A_206, %get3A_194 : vector<128x2000xi1>, vector<128x2000xf32>
      %swap3A_208 = arith.constant 0 : index
      %swap3A_209 = arith.constant 0 : index
      %swap3A_210 = vector.load %arg13[%swap3A_208, %swap3A_209] : memref<128x2000xf32, #tpu.memory_space<vmem>>, vector<128x2000xf32>
      tpu.vector_store %arg13[%swap3A_208, %swap3A_209], %select_n3A_207 {strides = array<i32>} : memref<128x2000xf32, #tpu.memory_space<vmem>>, vector<128x2000xf32>,
      %mul3A_211 = arith.constant 2000 : i32
      %mul3A_212 = arith.muli %arg0, %mul3A_211 : i32
      %add3A_213 = vector.broadcast %mul3A_212 : i32 to vector<128x1xi32>
      %add3A_214 = arith.addi %add3A_213, %broadcast_in_dim3A_202 : vector<128x1xi32>
      %get3A_215 = arith.constant 0 : index
      %get3A_216 = arith.constant 0 : index
      %get3A_217 = vector.load %arg11[%get3A_215, %get3A_216] : memref<128x20xf32, #tpu.memory_space<vmem>>, vector<128x20xf32>
      %get3A_218 = arith.constant 0 : index
      %get3A_219 = arith.constant 0 : index
      %get3A_220 = vector.load %arg12[%get3A_218, %get3A_219] : memref<128x20xi32, #tpu.memory_space<vmem>>, vector<128x20xi32>
      %reduce_min3A_221 = arith.constant dense<0x7F800000> : vector<128xf32>
      %reduce_min3A_222 = vector.multi_reduction <minimumf>, %get3A_217, %reduce_min3A_221 [1] : vector<128x20xf32> to vector<128xf32>
      %broadcast_in_dim3A_223 = vector.shape_cast %reduce_min3A_222 : vector<128xf32> to vector<128x1xf32>
      %eq3A_224 = vector.broadcast %broadcast_in_dim3A_223 : vector<128x1xf32> to vector<128x20xf32>
      %eq3A_225 = arith.cmpf oeq, %get3A_217, %eq3A_224 : vector<128x20xf32>
      %jit3A_226 = arith.constant -1 : i32
      %broadcast_in_dim3A_227 = vector.broadcast %jit3A_226 : i32 to vector<128x20xi32>
      %select_n3A_228 = arith.select %eq3A_225, %get3A_220, %broadcast_in_dim3A_227 : vector<128x20xi1>, vector<128x20xi32>
      %reduce_max3A_229 = arith.constant dense<-2147483648> : vector<128xi32>
      %reduce_max3A_230 = vector.multi_reduction <maxsi>, %select_n3A_228, %reduce_max3A_229 [1] : vector<128x20xi32> to vector<128xi32>
      %broadcast_in_dim3A_231 = vector.shape_cast %reduce_max3A_230 : vector<128xi32> to vector<128x1xi32>
      %eq3A_232 = vector.broadcast %broadcast_in_dim3A_231 : vector<128x1xi32> to vector<128x20xi32>
      %eq3A_233 = arith.cmpi eq, %get3A_220, %eq3A_232 : vector<128x20xi32>
      %and3A = arith.andi %eq3A_225, %eq3A_233 : vector<128x20xi1>
      %gt3A_234 = arith.cmpf ogt, %broadcast_in_dim3A_197, %broadcast_in_dim3A_223 : vector<128x1xf32>
      %and3A_235 = vector.broadcast %gt3A_234 : vector<128x1xi1> to vector<128x20xi1>
      %and3A_236 = arith.andi %and3A, %and3A_235 : vector<128x20xi1>
      %broadcast_in_dim3A_237 = vector.shape_cast %broadcast_in_dim3A_197 : vector<128x1xf32> to vector<128x1xf32>
      %broadcast_in_dim3A_238 = vector.broadcast %broadcast_in_dim3A_237 : vector<128x1xf32> to vector<128x20xf32>
      %select_n3A_239 = arith.select %and3A_236, %broadcast_in_dim3A_238, %get3A_217 : vector<128x20xi1>, vector<128x20xf32>
      %swap3A_240 = arith.constant 0 : index
      %swap3A_241 = arith.constant 0 : index
      %swap3A_242 = vector.load %arg11[%swap3A_240, %swap3A_241] : memref<128x20xf32, #tpu.memory_space<vmem>>, vector<128x20xf32>
      tpu.vector_store %arg11[%swap3A_240, %swap3A_241], %select_n3A_239 {strides = array<i32>} : memref<128x20xf32, #tpu.memory_space<vmem>>, vector<128x20xf32>,
      %broadcast_in_dim3A_243 = vector.shape_cast %add3A_214 : vector<128x1xi32> to vector<128x1xi32>
      %broadcast_in_dim3A_244 = vector.broadcast %broadcast_in_dim3A_243 : vector<128x1xi32> to vector<128x20xi32>
      %select_n3A_245 = arith.select %and3A_236, %broadcast_in_dim3A_244, %get3A_220 : vector<128x20xi1>, vector<128x20xi32>
      %swap3A_246 = arith.constant 0 : index
      %swap3A_247 = arith.constant 0 : index
      %swap3A_248 = vector.load %arg12[%swap3A_246, %swap3A_247] : memref<128x20xi32, #tpu.memory_space<vmem>>, vector<128x20xi32>
      tpu.vector_store %arg12[%swap3A_246, %swap3A_247], %select_n3A_245 {strides = array<i32>} : memref<128x20xi32, #tpu.memory_space<vmem>>, vector<128x20xi32>,
    } else {
    }
    %gt3A_107 = arith.constant 4 : i32
    %gt3A_108 = arith.cmpi sgt, %reduce_max3A_86, %gt3A_107 : i32
    %convert_element_type3A_109 = arith.extui %gt3A_108 : i1 to i32
    %cond3A_110 = arith.constant 0 : i32
    %cond3A_111 = arith.cmpi ne, %convert_element_type3A_109, %cond3A_110 : i32
    scf.if %cond3A_111 {
      %get3A_192 = arith.constant 0 : index
      %get3A_193 = arith.constant 0 : index
      %get3A_194 = vector.load %arg13[%get3A_192, %get3A_193] : memref<128x2000xf32, #tpu.memory_space<vmem>>, vector<128x2000xf32>
      %reduce_max3A_195 = arith.constant dense<0xFF800000> : vector<128xf32>
      %reduce_max3A_196 = vector.multi_reduction <maximumf>, %get3A_194, %reduce_max3A_195 [1] : vector<128x2000xf32> to vector<128xf32>
      %broadcast_in_dim3A_197 = vector.shape_cast %reduce_max3A_196 : vector<128xf32> to vector<128x1xf32>
      %iota3A = tpu.iota {dimensions = array<i32: 1>} : vector<128x2000xi32>
      %ge3A = vector.broadcast %broadcast_in_dim3A_197 : vector<128x1xf32> to vector<128x2000xf32>
      %ge3A_198 = arith.cmpf oge, %get3A_194, %ge3A : vector<128x2000xf32>
      %jit3A = arith.constant 1073741824 : i32
      %broadcast_in_dim3A_199 = vector.broadcast %jit3A : i32 to vector<128x2000xi32>
      %select_n3A = arith.select %ge3A_198, %iota3A, %broadcast_in_dim3A_199 : vector<128x2000xi1>, vector<128x2000xi32>
      %reduce_min3A_200 = arith.constant dense<2147483647> : vector<128xi32>
      %reduce_min3A_201 = vector.multi_reduction <minsi>, %select_n3A, %reduce_min3A_200 [1] : vector<128x2000xi32> to vector<128xi32>
      %broadcast_in_dim3A_202 = vector.shape_cast %reduce_min3A_201 : vector<128xi32> to vector<128x1xi32>
      %eq3A_203 = vector.broadcast %broadcast_in_dim3A_202 : vector<128x1xi32> to vector<128x2000xi32>
      %eq3A_204 = arith.cmpi eq, %iota3A, %eq3A_203 : vector<128x2000xi32>
      %jit3A_205 = arith.constant -3.000000e+38 : f32
      %broadcast_in_dim3A_206 = vector.broadcast %jit3A_205 : f32 to vector<128x2000xf32>
      %select_n3A_207 = arith.select %eq3A_204, %broadcast_in_dim3A_206, %get3A_194 : vector<128x2000xi1>, vector<128x2000xf32>
      %swap3A_208 = arith.constant 0 : index
      %swap3A_209 = arith.constant 0 : index
      %swap3A_210 = vector.load %arg13[%swap3A_208, %swap3A_209] : memref<128x2000xf32, #tpu.memory_space<vmem>>, vector<128x2000xf32>
      tpu.vector_store %arg13[%swap3A_208, %swap3A_209], %select_n3A_207 {strides = array<i32>} : memref<128x2000xf32, #tpu.memory_space<vmem>>, vector<128x2000xf32>,
      %mul3A_211 = arith.constant 2000 : i32
      %mul3A_212 = arith.muli %arg0, %mul3A_211 : i32
      %add3A_213 = vector.broadcast %mul3A_212 : i32 to vector<128x1xi32>
      %add3A_214 = arith.addi %add3A_213, %broadcast_in_dim3A_202 : vector<128x1xi32>
      %get3A_215 = arith.constant 0 : index
      %get3A_216 = arith.constant 0 : index
      %get3A_217 = vector.load %arg11[%get3A_215, %get3A_216] : memref<128x20xf32, #tpu.memory_space<vmem>>, vector<128x20xf32>
      %get3A_218 = arith.constant 0 : index
      %get3A_219 = arith.constant 0 : index
      %get3A_220 = vector.load %arg12[%get3A_218, %get3A_219] : memref<128x20xi32, #tpu.memory_space<vmem>>, vector<128x20xi32>
      %reduce_min3A_221 = arith.constant dense<0x7F800000> : vector<128xf32>
      %reduce_min3A_222 = vector.multi_reduction <minimumf>, %get3A_217, %reduce_min3A_221 [1] : vector<128x20xf32> to vector<128xf32>
      %broadcast_in_dim3A_223 = vector.shape_cast %reduce_min3A_222 : vector<128xf32> to vector<128x1xf32>
      %eq3A_224 = vector.broadcast %broadcast_in_dim3A_223 : vector<128x1xf32> to vector<128x20xf32>
      %eq3A_225 = arith.cmpf oeq, %get3A_217, %eq3A_224 : vector<128x20xf32>
      %jit3A_226 = arith.constant -1 : i32
      %broadcast_in_dim3A_227 = vector.broadcast %jit3A_226 : i32 to vector<128x20xi32>
      %select_n3A_228 = arith.select %eq3A_225, %get3A_220, %broadcast_in_dim3A_227 : vector<128x20xi1>, vector<128x20xi32>
      %reduce_max3A_229 = arith.constant dense<-2147483648> : vector<128xi32>
      %reduce_max3A_230 = vector.multi_reduction <maxsi>, %select_n3A_228, %reduce_max3A_229 [1] : vector<128x20xi32> to vector<128xi32>
      %broadcast_in_dim3A_231 = vector.shape_cast %reduce_max3A_230 : vector<128xi32> to vector<128x1xi32>
      %eq3A_232 = vector.broadcast %broadcast_in_dim3A_231 : vector<128x1xi32> to vector<128x20xi32>
      %eq3A_233 = arith.cmpi eq, %get3A_220, %eq3A_232 : vector<128x20xi32>
      %and3A = arith.andi %eq3A_225, %eq3A_233 : vector<128x20xi1>
      %gt3A_234 = arith.cmpf ogt, %broadcast_in_dim3A_197, %broadcast_in_dim3A_223 : vector<128x1xf32>
      %and3A_235 = vector.broadcast %gt3A_234 : vector<128x1xi1> to vector<128x20xi1>
      %and3A_236 = arith.andi %and3A, %and3A_235 : vector<128x20xi1>
      %broadcast_in_dim3A_237 = vector.shape_cast %broadcast_in_dim3A_197 : vector<128x1xf32> to vector<128x1xf32>
      %broadcast_in_dim3A_238 = vector.broadcast %broadcast_in_dim3A_237 : vector<128x1xf32> to vector<128x20xf32>
      %select_n3A_239 = arith.select %and3A_236, %broadcast_in_dim3A_238, %get3A_217 : vector<128x20xi1>, vector<128x20xf32>
      %swap3A_240 = arith.constant 0 : index
      %swap3A_241 = arith.constant 0 : index
      %swap3A_242 = vector.load %arg11[%swap3A_240, %swap3A_241] : memref<128x20xf32, #tpu.memory_space<vmem>>, vector<128x20xf32>
      tpu.vector_store %arg11[%swap3A_240, %swap3A_241], %select_n3A_239 {strides = array<i32>} : memref<128x20xf32, #tpu.memory_space<vmem>>, vector<128x20xf32>,
      %broadcast_in_dim3A_243 = vector.shape_cast %add3A_214 : vector<128x1xi32> to vector<128x1xi32>
      %broadcast_in_dim3A_244 = vector.broadcast %broadcast_in_dim3A_243 : vector<128x1xi32> to vector<128x20xi32>
      %select_n3A_245 = arith.select %and3A_236, %broadcast_in_dim3A_244, %get3A_220 : vector<128x20xi1>, vector<128x20xi32>
      %swap3A_246 = arith.constant 0 : index
      %swap3A_247 = arith.constant 0 : index
      %swap3A_248 = vector.load %arg12[%swap3A_246, %swap3A_247] : memref<128x20xi32, #tpu.memory_space<vmem>>, vector<128x20xi32>
      tpu.vector_store %arg12[%swap3A_246, %swap3A_247], %select_n3A_245 {strides = array<i32>} : memref<128x20xi32, #tpu.memory_space<vmem>>, vector<128x20xi32>,
    } else {
    }
    %gt3A_112 = arith.constant 5 : i32
    %gt3A_113 = arith.cmpi sgt, %reduce_max3A_86, %gt3A_112 : i32
    %convert_element_type3A_114 = arith.extui %gt3A_113 : i1 to i32
    %cond3A_115 = arith.constant 0 : i32
    %cond3A_116 = arith.cmpi ne, %convert_element_type3A_114, %cond3A_115 : i32
    scf.if %cond3A_116 {
      %get3A_192 = arith.constant 0 : index
      %get3A_193 = arith.constant 0 : index
      %get3A_194 = vector.load %arg13[%get3A_192, %get3A_193] : memref<128x2000xf32, #tpu.memory_space<vmem>>, vector<128x2000xf32>
      %reduce_max3A_195 = arith.constant dense<0xFF800000> : vector<128xf32>
      %reduce_max3A_196 = vector.multi_reduction <maximumf>, %get3A_194, %reduce_max3A_195 [1] : vector<128x2000xf32> to vector<128xf32>
      %broadcast_in_dim3A_197 = vector.shape_cast %reduce_max3A_196 : vector<128xf32> to vector<128x1xf32>
      %iota3A = tpu.iota {dimensions = array<i32: 1>} : vector<128x2000xi32>
      %ge3A = vector.broadcast %broadcast_in_dim3A_197 : vector<128x1xf32> to vector<128x2000xf32>
      %ge3A_198 = arith.cmpf oge, %get3A_194, %ge3A : vector<128x2000xf32>
      %jit3A = arith.constant 1073741824 : i32
      %broadcast_in_dim3A_199 = vector.broadcast %jit3A : i32 to vector<128x2000xi32>
      %select_n3A = arith.select %ge3A_198, %iota3A, %broadcast_in_dim3A_199 : vector<128x2000xi1>, vector<128x2000xi32>
      %reduce_min3A_200 = arith.constant dense<2147483647> : vector<128xi32>
      %reduce_min3A_201 = vector.multi_reduction <minsi>, %select_n3A, %reduce_min3A_200 [1] : vector<128x2000xi32> to vector<128xi32>
      %broadcast_in_dim3A_202 = vector.shape_cast %reduce_min3A_201 : vector<128xi32> to vector<128x1xi32>
      %eq3A_203 = vector.broadcast %broadcast_in_dim3A_202 : vector<128x1xi32> to vector<128x2000xi32>
      %eq3A_204 = arith.cmpi eq, %iota3A, %eq3A_203 : vector<128x2000xi32>
      %jit3A_205 = arith.constant -3.000000e+38 : f32
      %broadcast_in_dim3A_206 = vector.broadcast %jit3A_205 : f32 to vector<128x2000xf32>
      %select_n3A_207 = arith.select %eq3A_204, %broadcast_in_dim3A_206, %get3A_194 : vector<128x2000xi1>, vector<128x2000xf32>
      %swap3A_208 = arith.constant 0 : index
      %swap3A_209 = arith.constant 0 : index
      %swap3A_210 = vector.load %arg13[%swap3A_208, %swap3A_209] : memref<128x2000xf32, #tpu.memory_space<vmem>>, vector<128x2000xf32>
      tpu.vector_store %arg13[%swap3A_208, %swap3A_209], %select_n3A_207 {strides = array<i32>} : memref<128x2000xf32, #tpu.memory_space<vmem>>, vector<128x2000xf32>,
      %mul3A_211 = arith.constant 2000 : i32
      %mul3A_212 = arith.muli %arg0, %mul3A_211 : i32
      %add3A_213 = vector.broadcast %mul3A_212 : i32 to vector<128x1xi32>
      %add3A_214 = arith.addi %add3A_213, %broadcast_in_dim3A_202 : vector<128x1xi32>
      %get3A_215 = arith.constant 0 : index
      %get3A_216 = arith.constant 0 : index
      %get3A_217 = vector.load %arg11[%get3A_215, %get3A_216] : memref<128x20xf32, #tpu.memory_space<vmem>>, vector<128x20xf32>
      %get3A_218 = arith.constant 0 : index
      %get3A_219 = arith.constant 0 : index
      %get3A_220 = vector.load %arg12[%get3A_218, %get3A_219] : memref<128x20xi32, #tpu.memory_space<vmem>>, vector<128x20xi32>
      %reduce_min3A_221 = arith.constant dense<0x7F800000> : vector<128xf32>
      %reduce_min3A_222 = vector.multi_reduction <minimumf>, %get3A_217, %reduce_min3A_221 [1] : vector<128x20xf32> to vector<128xf32>
      %broadcast_in_dim3A_223 = vector.shape_cast %reduce_min3A_222 : vector<128xf32> to vector<128x1xf32>
      %eq3A_224 = vector.broadcast %broadcast_in_dim3A_223 : vector<128x1xf32> to vector<128x20xf32>
      %eq3A_225 = arith.cmpf oeq, %get3A_217, %eq3A_224 : vector<128x20xf32>
      %jit3A_226 = arith.constant -1 : i32
      %broadcast_in_dim3A_227 = vector.broadcast %jit3A_226 : i32 to vector<128x20xi32>
      %select_n3A_228 = arith.select %eq3A_225, %get3A_220, %broadcast_in_dim3A_227 : vector<128x20xi1>, vector<128x20xi32>
      %reduce_max3A_229 = arith.constant dense<-2147483648> : vector<128xi32>
      %reduce_max3A_230 = vector.multi_reduction <maxsi>, %select_n3A_228, %reduce_max3A_229 [1] : vector<128x20xi32> to vector<128xi32>
      %broadcast_in_dim3A_231 = vector.shape_cast %reduce_max3A_230 : vector<128xi32> to vector<128x1xi32>
      %eq3A_232 = vector.broadcast %broadcast_in_dim3A_231 : vector<128x1xi32> to vector<128x20xi32>
      %eq3A_233 = arith.cmpi eq, %get3A_220, %eq3A_232 : vector<128x20xi32>
      %and3A = arith.andi %eq3A_225, %eq3A_233 : vector<128x20xi1>
      %gt3A_234 = arith.cmpf ogt, %broadcast_in_dim3A_197, %broadcast_in_dim3A_223 : vector<128x1xf32>
      %and3A_235 = vector.broadcast %gt3A_234 : vector<128x1xi1> to vector<128x20xi1>
      %and3A_236 = arith.andi %and3A, %and3A_235 : vector<128x20xi1>
      %broadcast_in_dim3A_237 = vector.shape_cast %broadcast_in_dim3A_197 : vector<128x1xf32> to vector<128x1xf32>
      %broadcast_in_dim3A_238 = vector.broadcast %broadcast_in_dim3A_237 : vector<128x1xf32> to vector<128x20xf32>
      %select_n3A_239 = arith.select %and3A_236, %broadcast_in_dim3A_238, %get3A_217 : vector<128x20xi1>, vector<128x20xf32>
      %swap3A_240 = arith.constant 0 : index
      %swap3A_241 = arith.constant 0 : index
      %swap3A_242 = vector.load %arg11[%swap3A_240, %swap3A_241] : memref<128x20xf32, #tpu.memory_space<vmem>>, vector<128x20xf32>
      tpu.vector_store %arg11[%swap3A_240, %swap3A_241], %select_n3A_239 {strides = array<i32>} : memref<128x20xf32, #tpu.memory_space<vmem>>, vector<128x20xf32>,
      %broadcast_in_dim3A_243 = vector.shape_cast %add3A_214 : vector<128x1xi32> to vector<128x1xi32>
      %broadcast_in_dim3A_244 = vector.broadcast %broadcast_in_dim3A_243 : vector<128x1xi32> to vector<128x20xi32>
      %select_n3A_245 = arith.select %and3A_236, %broadcast_in_dim3A_244, %get3A_220 : vector<128x20xi1>, vector<128x20xi32>
      %swap3A_246 = arith.constant 0 : index
      %swap3A_247 = arith.constant 0 : index
      %swap3A_248 = vector.load %arg12[%swap3A_246, %swap3A_247] : memref<128x20xi32, #tpu.memory_space<vmem>>, vector<128x20xi32>
      tpu.vector_store %arg12[%swap3A_246, %swap3A_247], %select_n3A_245 {strides = array<i32>} : memref<128x20xi32, #tpu.memory_space<vmem>>, vector<128x20xi32>,
    } else {
    }
    %gt3A_117 = arith.constant 6 : i32
    %gt3A_118 = arith.cmpi sgt, %reduce_max3A_86, %gt3A_117 : i32
    %convert_element_type3A_119 = arith.extui %gt3A_118 : i1 to i32
    %cond3A_120 = arith.constant 0 : i32
    %cond3A_121 = arith.cmpi ne, %convert_element_type3A_119, %cond3A_120 : i32
    scf.if %cond3A_121 {
      %get3A_192 = arith.constant 0 : index
      %get3A_193 = arith.constant 0 : index
      %get3A_194 = vector.load %arg13[%get3A_192, %get3A_193] : memref<128x2000xf32, #tpu.memory_space<vmem>>, vector<128x2000xf32>
      %reduce_max3A_195 = arith.constant dense<0xFF800000> : vector<128xf32>
      %reduce_max3A_196 = vector.multi_reduction <maximumf>, %get3A_194, %reduce_max3A_195 [1] : vector<128x2000xf32> to vector<128xf32>
      %broadcast_in_dim3A_197 = vector.shape_cast %reduce_max3A_196 : vector<128xf32> to vector<128x1xf32>
      %iota3A = tpu.iota {dimensions = array<i32: 1>} : vector<128x2000xi32>
      %ge3A = vector.broadcast %broadcast_in_dim3A_197 : vector<128x1xf32> to vector<128x2000xf32>
      %ge3A_198 = arith.cmpf oge, %get3A_194, %ge3A : vector<128x2000xf32>
      %jit3A = arith.constant 1073741824 : i32
      %broadcast_in_dim3A_199 = vector.broadcast %jit3A : i32 to vector<128x2000xi32>
      %select_n3A = arith.select %ge3A_198, %iota3A, %broadcast_in_dim3A_199 : vector<128x2000xi1>, vector<128x2000xi32>
      %reduce_min3A_200 = arith.constant dense<2147483647> : vector<128xi32>
      %reduce_min3A_201 = vector.multi_reduction <minsi>, %select_n3A, %reduce_min3A_200 [1] : vector<128x2000xi32> to vector<128xi32>
      %broadcast_in_dim3A_202 = vector.shape_cast %reduce_min3A_201 : vector<128xi32> to vector<128x1xi32>
      %eq3A_203 = vector.broadcast %broadcast_in_dim3A_202 : vector<128x1xi32> to vector<128x2000xi32>
      %eq3A_204 = arith.cmpi eq, %iota3A, %eq3A_203 : vector<128x2000xi32>
      %jit3A_205 = arith.constant -3.000000e+38 : f32
      %broadcast_in_dim3A_206 = vector.broadcast %jit3A_205 : f32 to vector<128x2000xf32>
      %select_n3A_207 = arith.select %eq3A_204, %broadcast_in_dim3A_206, %get3A_194 : vector<128x2000xi1>, vector<128x2000xf32>
      %swap3A_208 = arith.constant 0 : index
      %swap3A_209 = arith.constant 0 : index
      %swap3A_210 = vector.load %arg13[%swap3A_208, %swap3A_209] : memref<128x2000xf32, #tpu.memory_space<vmem>>, vector<128x2000xf32>
      tpu.vector_store %arg13[%swap3A_208, %swap3A_209], %select_n3A_207 {strides = array<i32>} : memref<128x2000xf32, #tpu.memory_space<vmem>>, vector<128x2000xf32>,
      %mul3A_211 = arith.constant 2000 : i32
      %mul3A_212 = arith.muli %arg0, %mul3A_211 : i32
      %add3A_213 = vector.broadcast %mul3A_212 : i32 to vector<128x1xi32>
      %add3A_214 = arith.addi %add3A_213, %broadcast_in_dim3A_202 : vector<128x1xi32>
      %get3A_215 = arith.constant 0 : index
      %get3A_216 = arith.constant 0 : index
      %get3A_217 = vector.load %arg11[%get3A_215, %get3A_216] : memref<128x20xf32, #tpu.memory_space<vmem>>, vector<128x20xf32>
      %get3A_218 = arith.constant 0 : index
      %get3A_219 = arith.constant 0 : index
      %get3A_220 = vector.load %arg12[%get3A_218, %get3A_219] : memref<128x20xi32, #tpu.memory_space<vmem>>, vector<128x20xi32>
      %reduce_min3A_221 = arith.constant dense<0x7F800000> : vector<128xf32>
      %reduce_min3A_222 = vector.multi_reduction <minimumf>, %get3A_217, %reduce_min3A_221 [1] : vector<128x20xf32> to vector<128xf32>
      %broadcast_in_dim3A_223 = vector.shape_cast %reduce_min3A_222 : vector<128xf32> to vector<128x1xf32>
      %eq3A_224 = vector.broadcast %broadcast_in_dim3A_223 : vector<128x1xf32> to vector<128x20xf32>
      %eq3A_225 = arith.cmpf oeq, %get3A_217, %eq3A_224 : vector<128x20xf32>
      %jit3A_226 = arith.constant -1 : i32
      %broadcast_in_dim3A_227 = vector.broadcast %jit3A_226 : i32 to vector<128x20xi32>
      %select_n3A_228 = arith.select %eq3A_225, %get3A_220, %broadcast_in_dim3A_227 : vector<128x20xi1>, vector<128x20xi32>
      %reduce_max3A_229 = arith.constant dense<-2147483648> : vector<128xi32>
      %reduce_max3A_230 = vector.multi_reduction <maxsi>, %select_n3A_228, %reduce_max3A_229 [1] : vector<128x20xi32> to vector<128xi32>
      %broadcast_in_dim3A_231 = vector.shape_cast %reduce_max3A_230 : vector<128xi32> to vector<128x1xi32>
      %eq3A_232 = vector.broadcast %broadcast_in_dim3A_231 : vector<128x1xi32> to vector<128x20xi32>
      %eq3A_233 = arith.cmpi eq, %get3A_220, %eq3A_232 : vector<128x20xi32>
      %and3A = arith.andi %eq3A_225, %eq3A_233 : vector<128x20xi1>
      %gt3A_234 = arith.cmpf ogt, %broadcast_in_dim3A_197, %broadcast_in_dim3A_223 : vector<128x1xf32>
      %and3A_235 = vector.broadcast %gt3A_234 : vector<128x1xi1> to vector<128x20xi1>
      %and3A_236 = arith.andi %and3A, %and3A_235 : vector<128x20xi1>
      %broadcast_in_dim3A_237 = vector.shape_cast %broadcast_in_dim3A_197 : vector<128x1xf32> to vector<128x1xf32>
      %broadcast_in_dim3A_238 = vector.broadcast %broadcast_in_dim3A_237 : vector<128x1xf32> to vector<128x20xf32>
      %select_n3A_239 = arith.select %and3A_236, %broadcast_in_dim3A_238, %get3A_217 : vector<128x20xi1>, vector<128x20xf32>
      %swap3A_240 = arith.constant 0 : index
      %swap3A_241 = arith.constant 0 : index
      %swap3A_242 = vector.load %arg11[%swap3A_240, %swap3A_241] : memref<128x20xf32, #tpu.memory_space<vmem>>, vector<128x20xf32>
      tpu.vector_store %arg11[%swap3A_240, %swap3A_241], %select_n3A_239 {strides = array<i32>} : memref<128x20xf32, #tpu.memory_space<vmem>>, vector<128x20xf32>,
      %broadcast_in_dim3A_243 = vector.shape_cast %add3A_214 : vector<128x1xi32> to vector<128x1xi32>
      %broadcast_in_dim3A_244 = vector.broadcast %broadcast_in_dim3A_243 : vector<128x1xi32> to vector<128x20xi32>
      %select_n3A_245 = arith.select %and3A_236, %broadcast_in_dim3A_244, %get3A_220 : vector<128x20xi1>, vector<128x20xi32>
      %swap3A_246 = arith.constant 0 : index
      %swap3A_247 = arith.constant 0 : index
      %swap3A_248 = vector.load %arg12[%swap3A_246, %swap3A_247] : memref<128x20xi32, #tpu.memory_space<vmem>>, vector<128x20xi32>
      tpu.vector_store %arg12[%swap3A_246, %swap3A_247], %select_n3A_245 {strides = array<i32>} : memref<128x20xi32, #tpu.memory_space<vmem>>, vector<128x20xi32>,
    } else {
    }
    %gt3A_122 = arith.constant 7 : i32
    %gt3A_123 = arith.cmpi sgt, %reduce_max3A_86, %gt3A_122 : i32
    %convert_element_type3A_124 = arith.extui %gt3A_123 : i1 to i32
    %cond3A_125 = arith.constant 0 : i32
    %cond3A_126 = arith.cmpi ne, %convert_element_type3A_124, %cond3A_125 : i32
    scf.if %cond3A_126 {
      %get3A_192 = arith.constant 0 : index
      %get3A_193 = arith.constant 0 : index
      %get3A_194 = vector.load %arg13[%get3A_192, %get3A_193] : memref<128x2000xf32, #tpu.memory_space<vmem>>, vector<128x2000xf32>
      %reduce_max3A_195 = arith.constant dense<0xFF800000> : vector<128xf32>
      %reduce_max3A_196 = vector.multi_reduction <maximumf>, %get3A_194, %reduce_max3A_195 [1] : vector<128x2000xf32> to vector<128xf32>
      %broadcast_in_dim3A_197 = vector.shape_cast %reduce_max3A_196 : vector<128xf32> to vector<128x1xf32>
      %iota3A = tpu.iota {dimensions = array<i32: 1>} : vector<128x2000xi32>
      %ge3A = vector.broadcast %broadcast_in_dim3A_197 : vector<128x1xf32> to vector<128x2000xf32>
      %ge3A_198 = arith.cmpf oge, %get3A_194, %ge3A : vector<128x2000xf32>
      %jit3A = arith.constant 1073741824 : i32
      %broadcast_in_dim3A_199 = vector.broadcast %jit3A : i32 to vector<128x2000xi32>
      %select_n3A = arith.select %ge3A_198, %iota3A, %broadcast_in_dim3A_199 : vector<128x2000xi1>, vector<128x2000xi32>
      %reduce_min3A_200 = arith.constant dense<2147483647> : vector<128xi32>
      %reduce_min3A_201 = vector.multi_reduction <minsi>, %select_n3A, %reduce_min3A_200 [1] : vector<128x2000xi32> to vector<128xi32>
      %broadcast_in_dim3A_202 = vector.shape_cast %reduce_min3A_201 : vector<128xi32> to vector<128x1xi32>
      %eq3A_203 = vector.broadcast %broadcast_in_dim3A_202 : vector<128x1xi32> to vector<128x2000xi32>
      %eq3A_204 = arith.cmpi eq, %iota3A, %eq3A_203 : vector<128x2000xi32>
      %jit3A_205 = arith.constant -3.000000e+38 : f32
      %broadcast_in_dim3A_206 = vector.broadcast %jit3A_205 : f32 to vector<128x2000xf32>
      %select_n3A_207 = arith.select %eq3A_204, %broadcast_in_dim3A_206, %get3A_194 : vector<128x2000xi1>, vector<128x2000xf32>
      %swap3A_208 = arith.constant 0 : index
      %swap3A_209 = arith.constant 0 : index
      %swap3A_210 = vector.load %arg13[%swap3A_208, %swap3A_209] : memref<128x2000xf32, #tpu.memory_space<vmem>>, vector<128x2000xf32>
      tpu.vector_store %arg13[%swap3A_208, %swap3A_209], %select_n3A_207 {strides = array<i32>} : memref<128x2000xf32, #tpu.memory_space<vmem>>, vector<128x2000xf32>,
      %mul3A_211 = arith.constant 2000 : i32
      %mul3A_212 = arith.muli %arg0, %mul3A_211 : i32
      %add3A_213 = vector.broadcast %mul3A_212 : i32 to vector<128x1xi32>
      %add3A_214 = arith.addi %add3A_213, %broadcast_in_dim3A_202 : vector<128x1xi32>
      %get3A_215 = arith.constant 0 : index
      %get3A_216 = arith.constant 0 : index
      %get3A_217 = vector.load %arg11[%get3A_215, %get3A_216] : memref<128x20xf32, #tpu.memory_space<vmem>>, vector<128x20xf32>
      %get3A_218 = arith.constant 0 : index
      %get3A_219 = arith.constant 0 : index
      %get3A_220 = vector.load %arg12[%get3A_218, %get3A_219] : memref<128x20xi32, #tpu.memory_space<vmem>>, vector<128x20xi32>
      %reduce_min3A_221 = arith.constant dense<0x7F800000> : vector<128xf32>
      %reduce_min3A_222 = vector.multi_reduction <minimumf>, %get3A_217, %reduce_min3A_221 [1] : vector<128x20xf32> to vector<128xf32>
      %broadcast_in_dim3A_223 = vector.shape_cast %reduce_min3A_222 : vector<128xf32> to vector<128x1xf32>
      %eq3A_224 = vector.broadcast %broadcast_in_dim3A_223 : vector<128x1xf32> to vector<128x20xf32>
      %eq3A_225 = arith.cmpf oeq, %get3A_217, %eq3A_224 : vector<128x20xf32>
      %jit3A_226 = arith.constant -1 : i32
      %broadcast_in_dim3A_227 = vector.broadcast %jit3A_226 : i32 to vector<128x20xi32>
      %select_n3A_228 = arith.select %eq3A_225, %get3A_220, %broadcast_in_dim3A_227 : vector<128x20xi1>, vector<128x20xi32>
      %reduce_max3A_229 = arith.constant dense<-2147483648> : vector<128xi32>
      %reduce_max3A_230 = vector.multi_reduction <maxsi>, %select_n3A_228, %reduce_max3A_229 [1] : vector<128x20xi32> to vector<128xi32>
      %broadcast_in_dim3A_231 = vector.shape_cast %reduce_max3A_230 : vector<128xi32> to vector<128x1xi32>
      %eq3A_232 = vector.broadcast %broadcast_in_dim3A_231 : vector<128x1xi32> to vector<128x20xi32>
      %eq3A_233 = arith.cmpi eq, %get3A_220, %eq3A_232 : vector<128x20xi32>
      %and3A = arith.andi %eq3A_225, %eq3A_233 : vector<128x20xi1>
      %gt3A_234 = arith.cmpf ogt, %broadcast_in_dim3A_197, %broadcast_in_dim3A_223 : vector<128x1xf32>
      %and3A_235 = vector.broadcast %gt3A_234 : vector<128x1xi1> to vector<128x20xi1>
      %and3A_236 = arith.andi %and3A, %and3A_235 : vector<128x20xi1>
      %broadcast_in_dim3A_237 = vector.shape_cast %broadcast_in_dim3A_197 : vector<128x1xf32> to vector<128x1xf32>
      %broadcast_in_dim3A_238 = vector.broadcast %broadcast_in_dim3A_237 : vector<128x1xf32> to vector<128x20xf32>
      %select_n3A_239 = arith.select %and3A_236, %broadcast_in_dim3A_238, %get3A_217 : vector<128x20xi1>, vector<128x20xf32>
      %swap3A_240 = arith.constant 0 : index
      %swap3A_241 = arith.constant 0 : index
      %swap3A_242 = vector.load %arg11[%swap3A_240, %swap3A_241] : memref<128x20xf32, #tpu.memory_space<vmem>>, vector<128x20xf32>
      tpu.vector_store %arg11[%swap3A_240, %swap3A_241], %select_n3A_239 {strides = array<i32>} : memref<128x20xf32, #tpu.memory_space<vmem>>, vector<128x20xf32>,
      %broadcast_in_dim3A_243 = vector.shape_cast %add3A_214 : vector<128x1xi32> to vector<128x1xi32>
      %broadcast_in_dim3A_244 = vector.broadcast %broadcast_in_dim3A_243 : vector<128x1xi32> to vector<128x20xi32>
      %select_n3A_245 = arith.select %and3A_236, %broadcast_in_dim3A_244, %get3A_220 : vector<128x20xi1>, vector<128x20xi32>
      %swap3A_246 = arith.constant 0 : index
      %swap3A_247 = arith.constant 0 : index
      %swap3A_248 = vector.load %arg12[%swap3A_246, %swap3A_247] : memref<128x20xi32, #tpu.memory_space<vmem>>, vector<128x20xi32>
      tpu.vector_store %arg12[%swap3A_246, %swap3A_247], %select_n3A_245 {strides = array<i32>} : memref<128x20xi32, #tpu.memory_space<vmem>>, vector<128x20xi32>,
    } else {
    }
    %gt3A_127 = arith.constant 8 : i32
    %gt3A_128 = arith.cmpi sgt, %reduce_max3A_86, %gt3A_127 : i32
    %convert_element_type3A_129 = arith.extui %gt3A_128 : i1 to i32
    %cond3A_130 = arith.constant 0 : i32
    %cond3A_131 = arith.cmpi ne, %convert_element_type3A_129, %cond3A_130 : i32
    scf.if %cond3A_131 {
      %get3A_192 = arith.constant 0 : index
      %get3A_193 = arith.constant 0 : index
      %get3A_194 = vector.load %arg13[%get3A_192, %get3A_193] : memref<128x2000xf32, #tpu.memory_space<vmem>>, vector<128x2000xf32>
      %reduce_max3A_195 = arith.constant dense<0xFF800000> : vector<128xf32>
      %reduce_max3A_196 = vector.multi_reduction <maximumf>, %get3A_194, %reduce_max3A_195 [1] : vector<128x2000xf32> to vector<128xf32>
      %broadcast_in_dim3A_197 = vector.shape_cast %reduce_max3A_196 : vector<128xf32> to vector<128x1xf32>
      %iota3A = tpu.iota {dimensions = array<i32: 1>} : vector<128x2000xi32>
      %ge3A = vector.broadcast %broadcast_in_dim3A_197 : vector<128x1xf32> to vector<128x2000xf32>
      %ge3A_198 = arith.cmpf oge, %get3A_194, %ge3A : vector<128x2000xf32>
      %jit3A = arith.constant 1073741824 : i32
      %broadcast_in_dim3A_199 = vector.broadcast %jit3A : i32 to vector<128x2000xi32>
      %select_n3A = arith.select %ge3A_198, %iota3A, %broadcast_in_dim3A_199 : vector<128x2000xi1>, vector<128x2000xi32>
      %reduce_min3A_200 = arith.constant dense<2147483647> : vector<128xi32>
      %reduce_min3A_201 = vector.multi_reduction <minsi>, %select_n3A, %reduce_min3A_200 [1] : vector<128x2000xi32> to vector<128xi32>
      %broadcast_in_dim3A_202 = vector.shape_cast %reduce_min3A_201 : vector<128xi32> to vector<128x1xi32>
      %eq3A_203 = vector.broadcast %broadcast_in_dim3A_202 : vector<128x1xi32> to vector<128x2000xi32>
      %eq3A_204 = arith.cmpi eq, %iota3A, %eq3A_203 : vector<128x2000xi32>
      %jit3A_205 = arith.constant -3.000000e+38 : f32
      %broadcast_in_dim3A_206 = vector.broadcast %jit3A_205 : f32 to vector<128x2000xf32>
      %select_n3A_207 = arith.select %eq3A_204, %broadcast_in_dim3A_206, %get3A_194 : vector<128x2000xi1>, vector<128x2000xf32>
      %swap3A_208 = arith.constant 0 : index
      %swap3A_209 = arith.constant 0 : index
      %swap3A_210 = vector.load %arg13[%swap3A_208, %swap3A_209] : memref<128x2000xf32, #tpu.memory_space<vmem>>, vector<128x2000xf32>
      tpu.vector_store %arg13[%swap3A_208, %swap3A_209], %select_n3A_207 {strides = array<i32>} : memref<128x2000xf32, #tpu.memory_space<vmem>>, vector<128x2000xf32>,
      %mul3A_211 = arith.constant 2000 : i32
      %mul3A_212 = arith.muli %arg0, %mul3A_211 : i32
      %add3A_213 = vector.broadcast %mul3A_212 : i32 to vector<128x1xi32>
      %add3A_214 = arith.addi %add3A_213, %broadcast_in_dim3A_202 : vector<128x1xi32>
      %get3A_215 = arith.constant 0 : index
      %get3A_216 = arith.constant 0 : index
      %get3A_217 = vector.load %arg11[%get3A_215, %get3A_216] : memref<128x20xf32, #tpu.memory_space<vmem>>, vector<128x20xf32>
      %get3A_218 = arith.constant 0 : index
      %get3A_219 = arith.constant 0 : index
      %get3A_220 = vector.load %arg12[%get3A_218, %get3A_219] : memref<128x20xi32, #tpu.memory_space<vmem>>, vector<128x20xi32>
      %reduce_min3A_221 = arith.constant dense<0x7F800000> : vector<128xf32>
      %reduce_min3A_222 = vector.multi_reduction <minimumf>, %get3A_217, %reduce_min3A_221 [1] : vector<128x20xf32> to vector<128xf32>
      %broadcast_in_dim3A_223 = vector.shape_cast %reduce_min3A_222 : vector<128xf32> to vector<128x1xf32>
      %eq3A_224 = vector.broadcast %broadcast_in_dim3A_223 : vector<128x1xf32> to vector<128x20xf32>
      %eq3A_225 = arith.cmpf oeq, %get3A_217, %eq3A_224 : vector<128x20xf32>
      %jit3A_226 = arith.constant -1 : i32
      %broadcast_in_dim3A_227 = vector.broadcast %jit3A_226 : i32 to vector<128x20xi32>
      %select_n3A_228 = arith.select %eq3A_225, %get3A_220, %broadcast_in_dim3A_227 : vector<128x20xi1>, vector<128x20xi32>
      %reduce_max3A_229 = arith.constant dense<-2147483648> : vector<128xi32>
      %reduce_max3A_230 = vector.multi_reduction <maxsi>, %select_n3A_228, %reduce_max3A_229 [1] : vector<128x20xi32> to vector<128xi32>
      %broadcast_in_dim3A_231 = vector.shape_cast %reduce_max3A_230 : vector<128xi32> to vector<128x1xi32>
      %eq3A_232 = vector.broadcast %broadcast_in_dim3A_231 : vector<128x1xi32> to vector<128x20xi32>
      %eq3A_233 = arith.cmpi eq, %get3A_220, %eq3A_232 : vector<128x20xi32>
      %and3A = arith.andi %eq3A_225, %eq3A_233 : vector<128x20xi1>
      %gt3A_234 = arith.cmpf ogt, %broadcast_in_dim3A_197, %broadcast_in_dim3A_223 : vector<128x1xf32>
      %and3A_235 = vector.broadcast %gt3A_234 : vector<128x1xi1> to vector<128x20xi1>
      %and3A_236 = arith.andi %and3A, %and3A_235 : vector<128x20xi1>
      %broadcast_in_dim3A_237 = vector.shape_cast %broadcast_in_dim3A_197 : vector<128x1xf32> to vector<128x1xf32>
      %broadcast_in_dim3A_238 = vector.broadcast %broadcast_in_dim3A_237 : vector<128x1xf32> to vector<128x20xf32>
      %select_n3A_239 = arith.select %and3A_236, %broadcast_in_dim3A_238, %get3A_217 : vector<128x20xi1>, vector<128x20xf32>
      %swap3A_240 = arith.constant 0 : index
      %swap3A_241 = arith.constant 0 : index
      %swap3A_242 = vector.load %arg11[%swap3A_240, %swap3A_241] : memref<128x20xf32, #tpu.memory_space<vmem>>, vector<128x20xf32>
      tpu.vector_store %arg11[%swap3A_240, %swap3A_241], %select_n3A_239 {strides = array<i32>} : memref<128x20xf32, #tpu.memory_space<vmem>>, vector<128x20xf32>,
      %broadcast_in_dim3A_243 = vector.shape_cast %add3A_214 : vector<128x1xi32> to vector<128x1xi32>
      %broadcast_in_dim3A_244 = vector.broadcast %broadcast_in_dim3A_243 : vector<128x1xi32> to vector<128x20xi32>
      %select_n3A_245 = arith.select %and3A_236, %broadcast_in_dim3A_244, %get3A_220 : vector<128x20xi1>, vector<128x20xi32>
      %swap3A_246 = arith.constant 0 : index
      %swap3A_247 = arith.constant 0 : index
      %swap3A_248 = vector.load %arg12[%swap3A_246, %swap3A_247] : memref<128x20xi32, #tpu.memory_space<vmem>>, vector<128x20xi32>
      tpu.vector_store %arg12[%swap3A_246, %swap3A_247], %select_n3A_245 {strides = array<i32>} : memref<128x20xi32, #tpu.memory_space<vmem>>, vector<128x20xi32>,
    } else {
    }
    %gt3A_132 = arith.constant 9 : i32
    %gt3A_133 = arith.cmpi sgt, %reduce_max3A_86, %gt3A_132 : i32
    %convert_element_type3A_134 = arith.extui %gt3A_133 : i1 to i32
    %cond3A_135 = arith.constant 0 : i32
    %cond3A_136 = arith.cmpi ne, %convert_element_type3A_134, %cond3A_135 : i32
    scf.if %cond3A_136 {
      %get3A_192 = arith.constant 0 : index
      %get3A_193 = arith.constant 0 : index
      %get3A_194 = vector.load %arg13[%get3A_192, %get3A_193] : memref<128x2000xf32, #tpu.memory_space<vmem>>, vector<128x2000xf32>
      %reduce_max3A_195 = arith.constant dense<0xFF800000> : vector<128xf32>
      %reduce_max3A_196 = vector.multi_reduction <maximumf>, %get3A_194, %reduce_max3A_195 [1] : vector<128x2000xf32> to vector<128xf32>
      %broadcast_in_dim3A_197 = vector.shape_cast %reduce_max3A_196 : vector<128xf32> to vector<128x1xf32>
      %iota3A = tpu.iota {dimensions = array<i32: 1>} : vector<128x2000xi32>
      %ge3A = vector.broadcast %broadcast_in_dim3A_197 : vector<128x1xf32> to vector<128x2000xf32>
      %ge3A_198 = arith.cmpf oge, %get3A_194, %ge3A : vector<128x2000xf32>
      %jit3A = arith.constant 1073741824 : i32
      %broadcast_in_dim3A_199 = vector.broadcast %jit3A : i32 to vector<128x2000xi32>
      %select_n3A = arith.select %ge3A_198, %iota3A, %broadcast_in_dim3A_199 : vector<128x2000xi1>, vector<128x2000xi32>
      %reduce_min3A_200 = arith.constant dense<2147483647> : vector<128xi32>
      %reduce_min3A_201 = vector.multi_reduction <minsi>, %select_n3A, %reduce_min3A_200 [1] : vector<128x2000xi32> to vector<128xi32>
      %broadcast_in_dim3A_202 = vector.shape_cast %reduce_min3A_201 : vector<128xi32> to vector<128x1xi32>
      %eq3A_203 = vector.broadcast %broadcast_in_dim3A_202 : vector<128x1xi32> to vector<128x2000xi32>
      %eq3A_204 = arith.cmpi eq, %iota3A, %eq3A_203 : vector<128x2000xi32>
      %jit3A_205 = arith.constant -3.000000e+38 : f32
      %broadcast_in_dim3A_206 = vector.broadcast %jit3A_205 : f32 to vector<128x2000xf32>
      %select_n3A_207 = arith.select %eq3A_204, %broadcast_in_dim3A_206, %get3A_194 : vector<128x2000xi1>, vector<128x2000xf32>
      %swap3A_208 = arith.constant 0 : index
      %swap3A_209 = arith.constant 0 : index
      %swap3A_210 = vector.load %arg13[%swap3A_208, %swap3A_209] : memref<128x2000xf32, #tpu.memory_space<vmem>>, vector<128x2000xf32>
      tpu.vector_store %arg13[%swap3A_208, %swap3A_209], %select_n3A_207 {strides = array<i32>} : memref<128x2000xf32, #tpu.memory_space<vmem>>, vector<128x2000xf32>,
      %mul3A_211 = arith.constant 2000 : i32
      %mul3A_212 = arith.muli %arg0, %mul3A_211 : i32
      %add3A_213 = vector.broadcast %mul3A_212 : i32 to vector<128x1xi32>
      %add3A_214 = arith.addi %add3A_213, %broadcast_in_dim3A_202 : vector<128x1xi32>
      %get3A_215 = arith.constant 0 : index
      %get3A_216 = arith.constant 0 : index
      %get3A_217 = vector.load %arg11[%get3A_215, %get3A_216] : memref<128x20xf32, #tpu.memory_space<vmem>>, vector<128x20xf32>
      %get3A_218 = arith.constant 0 : index
      %get3A_219 = arith.constant 0 : index
      %get3A_220 = vector.load %arg12[%get3A_218, %get3A_219] : memref<128x20xi32, #tpu.memory_space<vmem>>, vector<128x20xi32>
      %reduce_min3A_221 = arith.constant dense<0x7F800000> : vector<128xf32>
      %reduce_min3A_222 = vector.multi_reduction <minimumf>, %get3A_217, %reduce_min3A_221 [1] : vector<128x20xf32> to vector<128xf32>
      %broadcast_in_dim3A_223 = vector.shape_cast %reduce_min3A_222 : vector<128xf32> to vector<128x1xf32>
      %eq3A_224 = vector.broadcast %broadcast_in_dim3A_223 : vector<128x1xf32> to vector<128x20xf32>
      %eq3A_225 = arith.cmpf oeq, %get3A_217, %eq3A_224 : vector<128x20xf32>
      %jit3A_226 = arith.constant -1 : i32
      %broadcast_in_dim3A_227 = vector.broadcast %jit3A_226 : i32 to vector<128x20xi32>
      %select_n3A_228 = arith.select %eq3A_225, %get3A_220, %broadcast_in_dim3A_227 : vector<128x20xi1>, vector<128x20xi32>
      %reduce_max3A_229 = arith.constant dense<-2147483648> : vector<128xi32>
      %reduce_max3A_230 = vector.multi_reduction <maxsi>, %select_n3A_228, %reduce_max3A_229 [1] : vector<128x20xi32> to vector<128xi32>
      %broadcast_in_dim3A_231 = vector.shape_cast %reduce_max3A_230 : vector<128xi32> to vector<128x1xi32>
      %eq3A_232 = vector.broadcast %broadcast_in_dim3A_231 : vector<128x1xi32> to vector<128x20xi32>
      %eq3A_233 = arith.cmpi eq, %get3A_220, %eq3A_232 : vector<128x20xi32>
      %and3A = arith.andi %eq3A_225, %eq3A_233 : vector<128x20xi1>
      %gt3A_234 = arith.cmpf ogt, %broadcast_in_dim3A_197, %broadcast_in_dim3A_223 : vector<128x1xf32>
      %and3A_235 = vector.broadcast %gt3A_234 : vector<128x1xi1> to vector<128x20xi1>
      %and3A_236 = arith.andi %and3A, %and3A_235 : vector<128x20xi1>
      %broadcast_in_dim3A_237 = vector.shape_cast %broadcast_in_dim3A_197 : vector<128x1xf32> to vector<128x1xf32>
      %broadcast_in_dim3A_238 = vector.broadcast %broadcast_in_dim3A_237 : vector<128x1xf32> to vector<128x20xf32>
      %select_n3A_239 = arith.select %and3A_236, %broadcast_in_dim3A_238, %get3A_217 : vector<128x20xi1>, vector<128x20xf32>
      %swap3A_240 = arith.constant 0 : index
      %swap3A_241 = arith.constant 0 : index
      %swap3A_242 = vector.load %arg11[%swap3A_240, %swap3A_241] : memref<128x20xf32, #tpu.memory_space<vmem>>, vector<128x20xf32>
      tpu.vector_store %arg11[%swap3A_240, %swap3A_241], %select_n3A_239 {strides = array<i32>} : memref<128x20xf32, #tpu.memory_space<vmem>>, vector<128x20xf32>,
      %broadcast_in_dim3A_243 = vector.shape_cast %add3A_214 : vector<128x1xi32> to vector<128x1xi32>
      %broadcast_in_dim3A_244 = vector.broadcast %broadcast_in_dim3A_243 : vector<128x1xi32> to vector<128x20xi32>
      %select_n3A_245 = arith.select %and3A_236, %broadcast_in_dim3A_244, %get3A_220 : vector<128x20xi1>, vector<128x20xi32>
      %swap3A_246 = arith.constant 0 : index
      %swap3A_247 = arith.constant 0 : index
      %swap3A_248 = vector.load %arg12[%swap3A_246, %swap3A_247] : memref<128x20xi32, #tpu.memory_space<vmem>>, vector<128x20xi32>
      tpu.vector_store %arg12[%swap3A_246, %swap3A_247], %select_n3A_245 {strides = array<i32>} : memref<128x20xi32, #tpu.memory_space<vmem>>, vector<128x20xi32>,
    } else {
    }
    %gt3A_137 = arith.constant 10 : i32
    %gt3A_138 = arith.cmpi sgt, %reduce_max3A_86, %gt3A_137 : i32
    %convert_element_type3A_139 = arith.extui %gt3A_138 : i1 to i32
    %cond3A_140 = arith.constant 0 : i32
    %cond3A_141 = arith.cmpi ne, %convert_element_type3A_139, %cond3A_140 : i32
    scf.if %cond3A_141 {
      %get3A_192 = arith.constant 0 : index
      %get3A_193 = arith.constant 0 : index
      %get3A_194 = vector.load %arg13[%get3A_192, %get3A_193] : memref<128x2000xf32, #tpu.memory_space<vmem>>, vector<128x2000xf32>
      %reduce_max3A_195 = arith.constant dense<0xFF800000> : vector<128xf32>
      %reduce_max3A_196 = vector.multi_reduction <maximumf>, %get3A_194, %reduce_max3A_195 [1] : vector<128x2000xf32> to vector<128xf32>
      %broadcast_in_dim3A_197 = vector.shape_cast %reduce_max3A_196 : vector<128xf32> to vector<128x1xf32>
      %iota3A = tpu.iota {dimensions = array<i32: 1>} : vector<128x2000xi32>
      %ge3A = vector.broadcast %broadcast_in_dim3A_197 : vector<128x1xf32> to vector<128x2000xf32>
      %ge3A_198 = arith.cmpf oge, %get3A_194, %ge3A : vector<128x2000xf32>
      %jit3A = arith.constant 1073741824 : i32
      %broadcast_in_dim3A_199 = vector.broadcast %jit3A : i32 to vector<128x2000xi32>
      %select_n3A = arith.select %ge3A_198, %iota3A, %broadcast_in_dim3A_199 : vector<128x2000xi1>, vector<128x2000xi32>
      %reduce_min3A_200 = arith.constant dense<2147483647> : vector<128xi32>
      %reduce_min3A_201 = vector.multi_reduction <minsi>, %select_n3A, %reduce_min3A_200 [1] : vector<128x2000xi32> to vector<128xi32>
      %broadcast_in_dim3A_202 = vector.shape_cast %reduce_min3A_201 : vector<128xi32> to vector<128x1xi32>
      %eq3A_203 = vector.broadcast %broadcast_in_dim3A_202 : vector<128x1xi32> to vector<128x2000xi32>
      %eq3A_204 = arith.cmpi eq, %iota3A, %eq3A_203 : vector<128x2000xi32>
      %jit3A_205 = arith.constant -3.000000e+38 : f32
      %broadcast_in_dim3A_206 = vector.broadcast %jit3A_205 : f32 to vector<128x2000xf32>
      %select_n3A_207 = arith.select %eq3A_204, %broadcast_in_dim3A_206, %get3A_194 : vector<128x2000xi1>, vector<128x2000xf32>
      %swap3A_208 = arith.constant 0 : index
      %swap3A_209 = arith.constant 0 : index
      %swap3A_210 = vector.load %arg13[%swap3A_208, %swap3A_209] : memref<128x2000xf32, #tpu.memory_space<vmem>>, vector<128x2000xf32>
      tpu.vector_store %arg13[%swap3A_208, %swap3A_209], %select_n3A_207 {strides = array<i32>} : memref<128x2000xf32, #tpu.memory_space<vmem>>, vector<128x2000xf32>,
      %mul3A_211 = arith.constant 2000 : i32
      %mul3A_212 = arith.muli %arg0, %mul3A_211 : i32
      %add3A_213 = vector.broadcast %mul3A_212 : i32 to vector<128x1xi32>
      %add3A_214 = arith.addi %add3A_213, %broadcast_in_dim3A_202 : vector<128x1xi32>
      %get3A_215 = arith.constant 0 : index
      %get3A_216 = arith.constant 0 : index
      %get3A_217 = vector.load %arg11[%get3A_215, %get3A_216] : memref<128x20xf32, #tpu.memory_space<vmem>>, vector<128x20xf32>
      %get3A_218 = arith.constant 0 : index
      %get3A_219 = arith.constant 0 : index
      %get3A_220 = vector.load %arg12[%get3A_218, %get3A_219] : memref<128x20xi32, #tpu.memory_space<vmem>>, vector<128x20xi32>
      %reduce_min3A_221 = arith.constant dense<0x7F800000> : vector<128xf32>
      %reduce_min3A_222 = vector.multi_reduction <minimumf>, %get3A_217, %reduce_min3A_221 [1] : vector<128x20xf32> to vector<128xf32>
      %broadcast_in_dim3A_223 = vector.shape_cast %reduce_min3A_222 : vector<128xf32> to vector<128x1xf32>
      %eq3A_224 = vector.broadcast %broadcast_in_dim3A_223 : vector<128x1xf32> to vector<128x20xf32>
      %eq3A_225 = arith.cmpf oeq, %get3A_217, %eq3A_224 : vector<128x20xf32>
      %jit3A_226 = arith.constant -1 : i32
      %broadcast_in_dim3A_227 = vector.broadcast %jit3A_226 : i32 to vector<128x20xi32>
      %select_n3A_228 = arith.select %eq3A_225, %get3A_220, %broadcast_in_dim3A_227 : vector<128x20xi1>, vector<128x20xi32>
      %reduce_max3A_229 = arith.constant dense<-2147483648> : vector<128xi32>
      %reduce_max3A_230 = vector.multi_reduction <maxsi>, %select_n3A_228, %reduce_max3A_229 [1] : vector<128x20xi32> to vector<128xi32>
      %broadcast_in_dim3A_231 = vector.shape_cast %reduce_max3A_230 : vector<128xi32> to vector<128x1xi32>
      %eq3A_232 = vector.broadcast %broadcast_in_dim3A_231 : vector<128x1xi32> to vector<128x20xi32>
      %eq3A_233 = arith.cmpi eq, %get3A_220, %eq3A_232 : vector<128x20xi32>
      %and3A = arith.andi %eq3A_225, %eq3A_233 : vector<128x20xi1>
      %gt3A_234 = arith.cmpf ogt, %broadcast_in_dim3A_197, %broadcast_in_dim3A_223 : vector<128x1xf32>
      %and3A_235 = vector.broadcast %gt3A_234 : vector<128x1xi1> to vector<128x20xi1>
      %and3A_236 = arith.andi %and3A, %and3A_235 : vector<128x20xi1>
      %broadcast_in_dim3A_237 = vector.shape_cast %broadcast_in_dim3A_197 : vector<128x1xf32> to vector<128x1xf32>
      %broadcast_in_dim3A_238 = vector.broadcast %broadcast_in_dim3A_237 : vector<128x1xf32> to vector<128x20xf32>
      %select_n3A_239 = arith.select %and3A_236, %broadcast_in_dim3A_238, %get3A_217 : vector<128x20xi1>, vector<128x20xf32>
      %swap3A_240 = arith.constant 0 : index
      %swap3A_241 = arith.constant 0 : index
      %swap3A_242 = vector.load %arg11[%swap3A_240, %swap3A_241] : memref<128x20xf32, #tpu.memory_space<vmem>>, vector<128x20xf32>
      tpu.vector_store %arg11[%swap3A_240, %swap3A_241], %select_n3A_239 {strides = array<i32>} : memref<128x20xf32, #tpu.memory_space<vmem>>, vector<128x20xf32>,
      %broadcast_in_dim3A_243 = vector.shape_cast %add3A_214 : vector<128x1xi32> to vector<128x1xi32>
      %broadcast_in_dim3A_244 = vector.broadcast %broadcast_in_dim3A_243 : vector<128x1xi32> to vector<128x20xi32>
      %select_n3A_245 = arith.select %and3A_236, %broadcast_in_dim3A_244, %get3A_220 : vector<128x20xi1>, vector<128x20xi32>
      %swap3A_246 = arith.constant 0 : index
      %swap3A_247 = arith.constant 0 : index
      %swap3A_248 = vector.load %arg12[%swap3A_246, %swap3A_247] : memref<128x20xi32, #tpu.memory_space<vmem>>, vector<128x20xi32>
      tpu.vector_store %arg12[%swap3A_246, %swap3A_247], %select_n3A_245 {strides = array<i32>} : memref<128x20xi32, #tpu.memory_space<vmem>>, vector<128x20xi32>,
    } else {
    }
    %gt3A_142 = arith.constant 11 : i32
    %gt3A_143 = arith.cmpi sgt, %reduce_max3A_86, %gt3A_142 : i32
    %convert_element_type3A_144 = arith.extui %gt3A_143 : i1 to i32
    %cond3A_145 = arith.constant 0 : i32
    %cond3A_146 = arith.cmpi ne, %convert_element_type3A_144, %cond3A_145 : i32
    scf.if %cond3A_146 {
      %get3A_192 = arith.constant 0 : index
      %get3A_193 = arith.constant 0 : index
      %get3A_194 = vector.load %arg13[%get3A_192, %get3A_193] : memref<128x2000xf32, #tpu.memory_space<vmem>>, vector<128x2000xf32>
      %reduce_max3A_195 = arith.constant dense<0xFF800000> : vector<128xf32>
      %reduce_max3A_196 = vector.multi_reduction <maximumf>, %get3A_194, %reduce_max3A_195 [1] : vector<128x2000xf32> to vector<128xf32>
      %broadcast_in_dim3A_197 = vector.shape_cast %reduce_max3A_196 : vector<128xf32> to vector<128x1xf32>
      %iota3A = tpu.iota {dimensions = array<i32: 1>} : vector<128x2000xi32>
      %ge3A = vector.broadcast %broadcast_in_dim3A_197 : vector<128x1xf32> to vector<128x2000xf32>
      %ge3A_198 = arith.cmpf oge, %get3A_194, %ge3A : vector<128x2000xf32>
      %jit3A = arith.constant 1073741824 : i32
      %broadcast_in_dim3A_199 = vector.broadcast %jit3A : i32 to vector<128x2000xi32>
      %select_n3A = arith.select %ge3A_198, %iota3A, %broadcast_in_dim3A_199 : vector<128x2000xi1>, vector<128x2000xi32>
      %reduce_min3A_200 = arith.constant dense<2147483647> : vector<128xi32>
      %reduce_min3A_201 = vector.multi_reduction <minsi>, %select_n3A, %reduce_min3A_200 [1] : vector<128x2000xi32> to vector<128xi32>
      %broadcast_in_dim3A_202 = vector.shape_cast %reduce_min3A_201 : vector<128xi32> to vector<128x1xi32>
      %eq3A_203 = vector.broadcast %broadcast_in_dim3A_202 : vector<128x1xi32> to vector<128x2000xi32>
      %eq3A_204 = arith.cmpi eq, %iota3A, %eq3A_203 : vector<128x2000xi32>
      %jit3A_205 = arith.constant -3.000000e+38 : f32
      %broadcast_in_dim3A_206 = vector.broadcast %jit3A_205 : f32 to vector<128x2000xf32>
      %select_n3A_207 = arith.select %eq3A_204, %broadcast_in_dim3A_206, %get3A_194 : vector<128x2000xi1>, vector<128x2000xf32>
      %swap3A_208 = arith.constant 0 : index
      %swap3A_209 = arith.constant 0 : index
      %swap3A_210 = vector.load %arg13[%swap3A_208, %swap3A_209] : memref<128x2000xf32, #tpu.memory_space<vmem>>, vector<128x2000xf32>
      tpu.vector_store %arg13[%swap3A_208, %swap3A_209], %select_n3A_207 {strides = array<i32>} : memref<128x2000xf32, #tpu.memory_space<vmem>>, vector<128x2000xf32>,
      %mul3A_211 = arith.constant 2000 : i32
      %mul3A_212 = arith.muli %arg0, %mul3A_211 : i32
      %add3A_213 = vector.broadcast %mul3A_212 : i32 to vector<128x1xi32>
      %add3A_214 = arith.addi %add3A_213, %broadcast_in_dim3A_202 : vector<128x1xi32>
      %get3A_215 = arith.constant 0 : index
      %get3A_216 = arith.constant 0 : index
      %get3A_217 = vector.load %arg11[%get3A_215, %get3A_216] : memref<128x20xf32, #tpu.memory_space<vmem>>, vector<128x20xf32>
      %get3A_218 = arith.constant 0 : index
      %get3A_219 = arith.constant 0 : index
      %get3A_220 = vector.load %arg12[%get3A_218, %get3A_219] : memref<128x20xi32, #tpu.memory_space<vmem>>, vector<128x20xi32>
      %reduce_min3A_221 = arith.constant dense<0x7F800000> : vector<128xf32>
      %reduce_min3A_222 = vector.multi_reduction <minimumf>, %get3A_217, %reduce_min3A_221 [1] : vector<128x20xf32> to vector<128xf32>
      %broadcast_in_dim3A_223 = vector.shape_cast %reduce_min3A_222 : vector<128xf32> to vector<128x1xf32>
      %eq3A_224 = vector.broadcast %broadcast_in_dim3A_223 : vector<128x1xf32> to vector<128x20xf32>
      %eq3A_225 = arith.cmpf oeq, %get3A_217, %eq3A_224 : vector<128x20xf32>
      %jit3A_226 = arith.constant -1 : i32
      %broadcast_in_dim3A_227 = vector.broadcast %jit3A_226 : i32 to vector<128x20xi32>
      %select_n3A_228 = arith.select %eq3A_225, %get3A_220, %broadcast_in_dim3A_227 : vector<128x20xi1>, vector<128x20xi32>
      %reduce_max3A_229 = arith.constant dense<-2147483648> : vector<128xi32>
      %reduce_max3A_230 = vector.multi_reduction <maxsi>, %select_n3A_228, %reduce_max3A_229 [1] : vector<128x20xi32> to vector<128xi32>
      %broadcast_in_dim3A_231 = vector.shape_cast %reduce_max3A_230 : vector<128xi32> to vector<128x1xi32>
      %eq3A_232 = vector.broadcast %broadcast_in_dim3A_231 : vector<128x1xi32> to vector<128x20xi32>
      %eq3A_233 = arith.cmpi eq, %get3A_220, %eq3A_232 : vector<128x20xi32>
      %and3A = arith.andi %eq3A_225, %eq3A_233 : vector<128x20xi1>
      %gt3A_234 = arith.cmpf ogt, %broadcast_in_dim3A_197, %broadcast_in_dim3A_223 : vector<128x1xf32>
      %and3A_235 = vector.broadcast %gt3A_234 : vector<128x1xi1> to vector<128x20xi1>
      %and3A_236 = arith.andi %and3A, %and3A_235 : vector<128x20xi1>
      %broadcast_in_dim3A_237 = vector.shape_cast %broadcast_in_dim3A_197 : vector<128x1xf32> to vector<128x1xf32>
      %broadcast_in_dim3A_238 = vector.broadcast %broadcast_in_dim3A_237 : vector<128x1xf32> to vector<128x20xf32>
      %select_n3A_239 = arith.select %and3A_236, %broadcast_in_dim3A_238, %get3A_217 : vector<128x20xi1>, vector<128x20xf32>
      %swap3A_240 = arith.constant 0 : index
      %swap3A_241 = arith.constant 0 : index
      %swap3A_242 = vector.load %arg11[%swap3A_240, %swap3A_241] : memref<128x20xf32, #tpu.memory_space<vmem>>, vector<128x20xf32>
      tpu.vector_store %arg11[%swap3A_240, %swap3A_241], %select_n3A_239 {strides = array<i32>} : memref<128x20xf32, #tpu.memory_space<vmem>>, vector<128x20xf32>,
      %broadcast_in_dim3A_243 = vector.shape_cast %add3A_214 : vector<128x1xi32> to vector<128x1xi32>
      %broadcast_in_dim3A_244 = vector.broadcast %broadcast_in_dim3A_243 : vector<128x1xi32> to vector<128x20xi32>
      %select_n3A_245 = arith.select %and3A_236, %broadcast_in_dim3A_244, %get3A_220 : vector<128x20xi1>, vector<128x20xi32>
      %swap3A_246 = arith.constant 0 : index
      %swap3A_247 = arith.constant 0 : index
      %swap3A_248 = vector.load %arg12[%swap3A_246, %swap3A_247] : memref<128x20xi32, #tpu.memory_space<vmem>>, vector<128x20xi32>
      tpu.vector_store %arg12[%swap3A_246, %swap3A_247], %select_n3A_245 {strides = array<i32>} : memref<128x20xi32, #tpu.memory_space<vmem>>, vector<128x20xi32>,
    } else {
    }
    %gt3A_147 = arith.constant 12 : i32
    %gt3A_148 = arith.cmpi sgt, %reduce_max3A_86, %gt3A_147 : i32
    %convert_element_type3A_149 = arith.extui %gt3A_148 : i1 to i32
    %cond3A_150 = arith.constant 0 : i32
    %cond3A_151 = arith.cmpi ne, %convert_element_type3A_149, %cond3A_150 : i32
    scf.if %cond3A_151 {
      %get3A_192 = arith.constant 0 : index
      %get3A_193 = arith.constant 0 : index
      %get3A_194 = vector.load %arg13[%get3A_192, %get3A_193] : memref<128x2000xf32, #tpu.memory_space<vmem>>, vector<128x2000xf32>
      %reduce_max3A_195 = arith.constant dense<0xFF800000> : vector<128xf32>
      %reduce_max3A_196 = vector.multi_reduction <maximumf>, %get3A_194, %reduce_max3A_195 [1] : vector<128x2000xf32> to vector<128xf32>
      %broadcast_in_dim3A_197 = vector.shape_cast %reduce_max3A_196 : vector<128xf32> to vector<128x1xf32>
      %iota3A = tpu.iota {dimensions = array<i32: 1>} : vector<128x2000xi32>
      %ge3A = vector.broadcast %broadcast_in_dim3A_197 : vector<128x1xf32> to vector<128x2000xf32>
      %ge3A_198 = arith.cmpf oge, %get3A_194, %ge3A : vector<128x2000xf32>
      %jit3A = arith.constant 1073741824 : i32
      %broadcast_in_dim3A_199 = vector.broadcast %jit3A : i32 to vector<128x2000xi32>
      %select_n3A = arith.select %ge3A_198, %iota3A, %broadcast_in_dim3A_199 : vector<128x2000xi1>, vector<128x2000xi32>
      %reduce_min3A_200 = arith.constant dense<2147483647> : vector<128xi32>
      %reduce_min3A_201 = vector.multi_reduction <minsi>, %select_n3A, %reduce_min3A_200 [1] : vector<128x2000xi32> to vector<128xi32>
      %broadcast_in_dim3A_202 = vector.shape_cast %reduce_min3A_201 : vector<128xi32> to vector<128x1xi32>
      %eq3A_203 = vector.broadcast %broadcast_in_dim3A_202 : vector<128x1xi32> to vector<128x2000xi32>
      %eq3A_204 = arith.cmpi eq, %iota3A, %eq3A_203 : vector<128x2000xi32>
      %jit3A_205 = arith.constant -3.000000e+38 : f32
      %broadcast_in_dim3A_206 = vector.broadcast %jit3A_205 : f32 to vector<128x2000xf32>
      %select_n3A_207 = arith.select %eq3A_204, %broadcast_in_dim3A_206, %get3A_194 : vector<128x2000xi1>, vector<128x2000xf32>
      %swap3A_208 = arith.constant 0 : index
      %swap3A_209 = arith.constant 0 : index
      %swap3A_210 = vector.load %arg13[%swap3A_208, %swap3A_209] : memref<128x2000xf32, #tpu.memory_space<vmem>>, vector<128x2000xf32>
      tpu.vector_store %arg13[%swap3A_208, %swap3A_209], %select_n3A_207 {strides = array<i32>} : memref<128x2000xf32, #tpu.memory_space<vmem>>, vector<128x2000xf32>,
      %mul3A_211 = arith.constant 2000 : i32
      %mul3A_212 = arith.muli %arg0, %mul3A_211 : i32
      %add3A_213 = vector.broadcast %mul3A_212 : i32 to vector<128x1xi32>
      %add3A_214 = arith.addi %add3A_213, %broadcast_in_dim3A_202 : vector<128x1xi32>
      %get3A_215 = arith.constant 0 : index
      %get3A_216 = arith.constant 0 : index
      %get3A_217 = vector.load %arg11[%get3A_215, %get3A_216] : memref<128x20xf32, #tpu.memory_space<vmem>>, vector<128x20xf32>
      %get3A_218 = arith.constant 0 : index
      %get3A_219 = arith.constant 0 : index
      %get3A_220 = vector.load %arg12[%get3A_218, %get3A_219] : memref<128x20xi32, #tpu.memory_space<vmem>>, vector<128x20xi32>
      %reduce_min3A_221 = arith.constant dense<0x7F800000> : vector<128xf32>
      %reduce_min3A_222 = vector.multi_reduction <minimumf>, %get3A_217, %reduce_min3A_221 [1] : vector<128x20xf32> to vector<128xf32>
      %broadcast_in_dim3A_223 = vector.shape_cast %reduce_min3A_222 : vector<128xf32> to vector<128x1xf32>
      %eq3A_224 = vector.broadcast %broadcast_in_dim3A_223 : vector<128x1xf32> to vector<128x20xf32>
      %eq3A_225 = arith.cmpf oeq, %get3A_217, %eq3A_224 : vector<128x20xf32>
      %jit3A_226 = arith.constant -1 : i32
      %broadcast_in_dim3A_227 = vector.broadcast %jit3A_226 : i32 to vector<128x20xi32>
      %select_n3A_228 = arith.select %eq3A_225, %get3A_220, %broadcast_in_dim3A_227 : vector<128x20xi1>, vector<128x20xi32>
      %reduce_max3A_229 = arith.constant dense<-2147483648> : vector<128xi32>
      %reduce_max3A_230 = vector.multi_reduction <maxsi>, %select_n3A_228, %reduce_max3A_229 [1] : vector<128x20xi32> to vector<128xi32>
      %broadcast_in_dim3A_231 = vector.shape_cast %reduce_max3A_230 : vector<128xi32> to vector<128x1xi32>
      %eq3A_232 = vector.broadcast %broadcast_in_dim3A_231 : vector<128x1xi32> to vector<128x20xi32>
      %eq3A_233 = arith.cmpi eq, %get3A_220, %eq3A_232 : vector<128x20xi32>
      %and3A = arith.andi %eq3A_225, %eq3A_233 : vector<128x20xi1>
      %gt3A_234 = arith.cmpf ogt, %broadcast_in_dim3A_197, %broadcast_in_dim3A_223 : vector<128x1xf32>
      %and3A_235 = vector.broadcast %gt3A_234 : vector<128x1xi1> to vector<128x20xi1>
      %and3A_236 = arith.andi %and3A, %and3A_235 : vector<128x20xi1>
      %broadcast_in_dim3A_237 = vector.shape_cast %broadcast_in_dim3A_197 : vector<128x1xf32> to vector<128x1xf32>
      %broadcast_in_dim3A_238 = vector.broadcast %broadcast_in_dim3A_237 : vector<128x1xf32> to vector<128x20xf32>
      %select_n3A_239 = arith.select %and3A_236, %broadcast_in_dim3A_238, %get3A_217 : vector<128x20xi1>, vector<128x20xf32>
      %swap3A_240 = arith.constant 0 : index
      %swap3A_241 = arith.constant 0 : index
      %swap3A_242 = vector.load %arg11[%swap3A_240, %swap3A_241] : memref<128x20xf32, #tpu.memory_space<vmem>>, vector<128x20xf32>
      tpu.vector_store %arg11[%swap3A_240, %swap3A_241], %select_n3A_239 {strides = array<i32>} : memref<128x20xf32, #tpu.memory_space<vmem>>, vector<128x20xf32>,
      %broadcast_in_dim3A_243 = vector.shape_cast %add3A_214 : vector<128x1xi32> to vector<128x1xi32>
      %broadcast_in_dim3A_244 = vector.broadcast %broadcast_in_dim3A_243 : vector<128x1xi32> to vector<128x20xi32>
      %select_n3A_245 = arith.select %and3A_236, %broadcast_in_dim3A_244, %get3A_220 : vector<128x20xi1>, vector<128x20xi32>
      %swap3A_246 = arith.constant 0 : index
      %swap3A_247 = arith.constant 0 : index
      %swap3A_248 = vector.load %arg12[%swap3A_246, %swap3A_247] : memref<128x20xi32, #tpu.memory_space<vmem>>, vector<128x20xi32>
      tpu.vector_store %arg12[%swap3A_246, %swap3A_247], %select_n3A_245 {strides = array<i32>} : memref<128x20xi32, #tpu.memory_space<vmem>>, vector<128x20xi32>,
    } else {
    }
    %gt3A_152 = arith.constant 13 : i32
    %gt3A_153 = arith.cmpi sgt, %reduce_max3A_86, %gt3A_152 : i32
    %convert_element_type3A_154 = arith.extui %gt3A_153 : i1 to i32
    %cond3A_155 = arith.constant 0 : i32
    %cond3A_156 = arith.cmpi ne, %convert_element_type3A_154, %cond3A_155 : i32
    scf.if %cond3A_156 {
      %get3A_192 = arith.constant 0 : index
      %get3A_193 = arith.constant 0 : index
      %get3A_194 = vector.load %arg13[%get3A_192, %get3A_193] : memref<128x2000xf32, #tpu.memory_space<vmem>>, vector<128x2000xf32>
      %reduce_max3A_195 = arith.constant dense<0xFF800000> : vector<128xf32>
      %reduce_max3A_196 = vector.multi_reduction <maximumf>, %get3A_194, %reduce_max3A_195 [1] : vector<128x2000xf32> to vector<128xf32>
      %broadcast_in_dim3A_197 = vector.shape_cast %reduce_max3A_196 : vector<128xf32> to vector<128x1xf32>
      %iota3A = tpu.iota {dimensions = array<i32: 1>} : vector<128x2000xi32>
      %ge3A = vector.broadcast %broadcast_in_dim3A_197 : vector<128x1xf32> to vector<128x2000xf32>
      %ge3A_198 = arith.cmpf oge, %get3A_194, %ge3A : vector<128x2000xf32>
      %jit3A = arith.constant 1073741824 : i32
      %broadcast_in_dim3A_199 = vector.broadcast %jit3A : i32 to vector<128x2000xi32>
      %select_n3A = arith.select %ge3A_198, %iota3A, %broadcast_in_dim3A_199 : vector<128x2000xi1>, vector<128x2000xi32>
      %reduce_min3A_200 = arith.constant dense<2147483647> : vector<128xi32>
      %reduce_min3A_201 = vector.multi_reduction <minsi>, %select_n3A, %reduce_min3A_200 [1] : vector<128x2000xi32> to vector<128xi32>
      %broadcast_in_dim3A_202 = vector.shape_cast %reduce_min3A_201 : vector<128xi32> to vector<128x1xi32>
      %eq3A_203 = vector.broadcast %broadcast_in_dim3A_202 : vector<128x1xi32> to vector<128x2000xi32>
      %eq3A_204 = arith.cmpi eq, %iota3A, %eq3A_203 : vector<128x2000xi32>
      %jit3A_205 = arith.constant -3.000000e+38 : f32
      %broadcast_in_dim3A_206 = vector.broadcast %jit3A_205 : f32 to vector<128x2000xf32>
      %select_n3A_207 = arith.select %eq3A_204, %broadcast_in_dim3A_206, %get3A_194 : vector<128x2000xi1>, vector<128x2000xf32>
      %swap3A_208 = arith.constant 0 : index
      %swap3A_209 = arith.constant 0 : index
      %swap3A_210 = vector.load %arg13[%swap3A_208, %swap3A_209] : memref<128x2000xf32, #tpu.memory_space<vmem>>, vector<128x2000xf32>
      tpu.vector_store %arg13[%swap3A_208, %swap3A_209], %select_n3A_207 {strides = array<i32>} : memref<128x2000xf32, #tpu.memory_space<vmem>>, vector<128x2000xf32>,
      %mul3A_211 = arith.constant 2000 : i32
      %mul3A_212 = arith.muli %arg0, %mul3A_211 : i32
      %add3A_213 = vector.broadcast %mul3A_212 : i32 to vector<128x1xi32>
      %add3A_214 = arith.addi %add3A_213, %broadcast_in_dim3A_202 : vector<128x1xi32>
      %get3A_215 = arith.constant 0 : index
      %get3A_216 = arith.constant 0 : index
      %get3A_217 = vector.load %arg11[%get3A_215, %get3A_216] : memref<128x20xf32, #tpu.memory_space<vmem>>, vector<128x20xf32>
      %get3A_218 = arith.constant 0 : index
      %get3A_219 = arith.constant 0 : index
      %get3A_220 = vector.load %arg12[%get3A_218, %get3A_219] : memref<128x20xi32, #tpu.memory_space<vmem>>, vector<128x20xi32>
      %reduce_min3A_221 = arith.constant dense<0x7F800000> : vector<128xf32>
      %reduce_min3A_222 = vector.multi_reduction <minimumf>, %get3A_217, %reduce_min3A_221 [1] : vector<128x20xf32> to vector<128xf32>
      %broadcast_in_dim3A_223 = vector.shape_cast %reduce_min3A_222 : vector<128xf32> to vector<128x1xf32>
      %eq3A_224 = vector.broadcast %broadcast_in_dim3A_223 : vector<128x1xf32> to vector<128x20xf32>
      %eq3A_225 = arith.cmpf oeq, %get3A_217, %eq3A_224 : vector<128x20xf32>
      %jit3A_226 = arith.constant -1 : i32
      %broadcast_in_dim3A_227 = vector.broadcast %jit3A_226 : i32 to vector<128x20xi32>
      %select_n3A_228 = arith.select %eq3A_225, %get3A_220, %broadcast_in_dim3A_227 : vector<128x20xi1>, vector<128x20xi32>
      %reduce_max3A_229 = arith.constant dense<-2147483648> : vector<128xi32>
      %reduce_max3A_230 = vector.multi_reduction <maxsi>, %select_n3A_228, %reduce_max3A_229 [1] : vector<128x20xi32> to vector<128xi32>
      %broadcast_in_dim3A_231 = vector.shape_cast %reduce_max3A_230 : vector<128xi32> to vector<128x1xi32>
      %eq3A_232 = vector.broadcast %broadcast_in_dim3A_231 : vector<128x1xi32> to vector<128x20xi32>
      %eq3A_233 = arith.cmpi eq, %get3A_220, %eq3A_232 : vector<128x20xi32>
      %and3A = arith.andi %eq3A_225, %eq3A_233 : vector<128x20xi1>
      %gt3A_234 = arith.cmpf ogt, %broadcast_in_dim3A_197, %broadcast_in_dim3A_223 : vector<128x1xf32>
      %and3A_235 = vector.broadcast %gt3A_234 : vector<128x1xi1> to vector<128x20xi1>
      %and3A_236 = arith.andi %and3A, %and3A_235 : vector<128x20xi1>
      %broadcast_in_dim3A_237 = vector.shape_cast %broadcast_in_dim3A_197 : vector<128x1xf32> to vector<128x1xf32>
      %broadcast_in_dim3A_238 = vector.broadcast %broadcast_in_dim3A_237 : vector<128x1xf32> to vector<128x20xf32>
      %select_n3A_239 = arith.select %and3A_236, %broadcast_in_dim3A_238, %get3A_217 : vector<128x20xi1>, vector<128x20xf32>
      %swap3A_240 = arith.constant 0 : index
      %swap3A_241 = arith.constant 0 : index
      %swap3A_242 = vector.load %arg11[%swap3A_240, %swap3A_241] : memref<128x20xf32, #tpu.memory_space<vmem>>, vector<128x20xf32>
      tpu.vector_store %arg11[%swap3A_240, %swap3A_241], %select_n3A_239 {strides = array<i32>} : memref<128x20xf32, #tpu.memory_space<vmem>>, vector<128x20xf32>,
      %broadcast_in_dim3A_243 = vector.shape_cast %add3A_214 : vector<128x1xi32> to vector<128x1xi32>
      %broadcast_in_dim3A_244 = vector.broadcast %broadcast_in_dim3A_243 : vector<128x1xi32> to vector<128x20xi32>
      %select_n3A_245 = arith.select %and3A_236, %broadcast_in_dim3A_244, %get3A_220 : vector<128x20xi1>, vector<128x20xi32>
      %swap3A_246 = arith.constant 0 : index
      %swap3A_247 = arith.constant 0 : index
      %swap3A_248 = vector.load %arg12[%swap3A_246, %swap3A_247] : memref<128x20xi32, #tpu.memory_space<vmem>>, vector<128x20xi32>
      tpu.vector_store %arg12[%swap3A_246, %swap3A_247], %select_n3A_245 {strides = array<i32>} : memref<128x20xi32, #tpu.memory_space<vmem>>, vector<128x20xi32>,
    } else {
    }
    %gt3A_157 = arith.constant 14 : i32
    %gt3A_158 = arith.cmpi sgt, %reduce_max3A_86, %gt3A_157 : i32
    %convert_element_type3A_159 = arith.extui %gt3A_158 : i1 to i32
    %cond3A_160 = arith.constant 0 : i32
    %cond3A_161 = arith.cmpi ne, %convert_element_type3A_159, %cond3A_160 : i32
    scf.if %cond3A_161 {
      %get3A_192 = arith.constant 0 : index
      %get3A_193 = arith.constant 0 : index
      %get3A_194 = vector.load %arg13[%get3A_192, %get3A_193] : memref<128x2000xf32, #tpu.memory_space<vmem>>, vector<128x2000xf32>
      %reduce_max3A_195 = arith.constant dense<0xFF800000> : vector<128xf32>
      %reduce_max3A_196 = vector.multi_reduction <maximumf>, %get3A_194, %reduce_max3A_195 [1] : vector<128x2000xf32> to vector<128xf32>
      %broadcast_in_dim3A_197 = vector.shape_cast %reduce_max3A_196 : vector<128xf32> to vector<128x1xf32>
      %iota3A = tpu.iota {dimensions = array<i32: 1>} : vector<128x2000xi32>
      %ge3A = vector.broadcast %broadcast_in_dim3A_197 : vector<128x1xf32> to vector<128x2000xf32>
      %ge3A_198 = arith.cmpf oge, %get3A_194, %ge3A : vector<128x2000xf32>
      %jit3A = arith.constant 1073741824 : i32
      %broadcast_in_dim3A_199 = vector.broadcast %jit3A : i32 to vector<128x2000xi32>
      %select_n3A = arith.select %ge3A_198, %iota3A, %broadcast_in_dim3A_199 : vector<128x2000xi1>, vector<128x2000xi32>
      %reduce_min3A_200 = arith.constant dense<2147483647> : vector<128xi32>
      %reduce_min3A_201 = vector.multi_reduction <minsi>, %select_n3A, %reduce_min3A_200 [1] : vector<128x2000xi32> to vector<128xi32>
      %broadcast_in_dim3A_202 = vector.shape_cast %reduce_min3A_201 : vector<128xi32> to vector<128x1xi32>
      %eq3A_203 = vector.broadcast %broadcast_in_dim3A_202 : vector<128x1xi32> to vector<128x2000xi32>
      %eq3A_204 = arith.cmpi eq, %iota3A, %eq3A_203 : vector<128x2000xi32>
      %jit3A_205 = arith.constant -3.000000e+38 : f32
      %broadcast_in_dim3A_206 = vector.broadcast %jit3A_205 : f32 to vector<128x2000xf32>
      %select_n3A_207 = arith.select %eq3A_204, %broadcast_in_dim3A_206, %get3A_194 : vector<128x2000xi1>, vector<128x2000xf32>
      %swap3A_208 = arith.constant 0 : index
      %swap3A_209 = arith.constant 0 : index
      %swap3A_210 = vector.load %arg13[%swap3A_208, %swap3A_209] : memref<128x2000xf32, #tpu.memory_space<vmem>>, vector<128x2000xf32>
      tpu.vector_store %arg13[%swap3A_208, %swap3A_209], %select_n3A_207 {strides = array<i32>} : memref<128x2000xf32, #tpu.memory_space<vmem>>, vector<128x2000xf32>,
      %mul3A_211 = arith.constant 2000 : i32
      %mul3A_212 = arith.muli %arg0, %mul3A_211 : i32
      %add3A_213 = vector.broadcast %mul3A_212 : i32 to vector<128x1xi32>
      %add3A_214 = arith.addi %add3A_213, %broadcast_in_dim3A_202 : vector<128x1xi32>
      %get3A_215 = arith.constant 0 : index
      %get3A_216 = arith.constant 0 : index
      %get3A_217 = vector.load %arg11[%get3A_215, %get3A_216] : memref<128x20xf32, #tpu.memory_space<vmem>>, vector<128x20xf32>
      %get3A_218 = arith.constant 0 : index
      %get3A_219 = arith.constant 0 : index
      %get3A_220 = vector.load %arg12[%get3A_218, %get3A_219] : memref<128x20xi32, #tpu.memory_space<vmem>>, vector<128x20xi32>
      %reduce_min3A_221 = arith.constant dense<0x7F800000> : vector<128xf32>
      %reduce_min3A_222 = vector.multi_reduction <minimumf>, %get3A_217, %reduce_min3A_221 [1] : vector<128x20xf32> to vector<128xf32>
      %broadcast_in_dim3A_223 = vector.shape_cast %reduce_min3A_222 : vector<128xf32> to vector<128x1xf32>
      %eq3A_224 = vector.broadcast %broadcast_in_dim3A_223 : vector<128x1xf32> to vector<128x20xf32>
      %eq3A_225 = arith.cmpf oeq, %get3A_217, %eq3A_224 : vector<128x20xf32>
      %jit3A_226 = arith.constant -1 : i32
      %broadcast_in_dim3A_227 = vector.broadcast %jit3A_226 : i32 to vector<128x20xi32>
      %select_n3A_228 = arith.select %eq3A_225, %get3A_220, %broadcast_in_dim3A_227 : vector<128x20xi1>, vector<128x20xi32>
      %reduce_max3A_229 = arith.constant dense<-2147483648> : vector<128xi32>
      %reduce_max3A_230 = vector.multi_reduction <maxsi>, %select_n3A_228, %reduce_max3A_229 [1] : vector<128x20xi32> to vector<128xi32>
      %broadcast_in_dim3A_231 = vector.shape_cast %reduce_max3A_230 : vector<128xi32> to vector<128x1xi32>
      %eq3A_232 = vector.broadcast %broadcast_in_dim3A_231 : vector<128x1xi32> to vector<128x20xi32>
      %eq3A_233 = arith.cmpi eq, %get3A_220, %eq3A_232 : vector<128x20xi32>
      %and3A = arith.andi %eq3A_225, %eq3A_233 : vector<128x20xi1>
      %gt3A_234 = arith.cmpf ogt, %broadcast_in_dim3A_197, %broadcast_in_dim3A_223 : vector<128x1xf32>
      %and3A_235 = vector.broadcast %gt3A_234 : vector<128x1xi1> to vector<128x20xi1>
      %and3A_236 = arith.andi %and3A, %and3A_235 : vector<128x20xi1>
      %broadcast_in_dim3A_237 = vector.shape_cast %broadcast_in_dim3A_197 : vector<128x1xf32> to vector<128x1xf32>
      %broadcast_in_dim3A_238 = vector.broadcast %broadcast_in_dim3A_237 : vector<128x1xf32> to vector<128x20xf32>
      %select_n3A_239 = arith.select %and3A_236, %broadcast_in_dim3A_238, %get3A_217 : vector<128x20xi1>, vector<128x20xf32>
      %swap3A_240 = arith.constant 0 : index
      %swap3A_241 = arith.constant 0 : index
      %swap3A_242 = vector.load %arg11[%swap3A_240, %swap3A_241] : memref<128x20xf32, #tpu.memory_space<vmem>>, vector<128x20xf32>
      tpu.vector_store %arg11[%swap3A_240, %swap3A_241], %select_n3A_239 {strides = array<i32>} : memref<128x20xf32, #tpu.memory_space<vmem>>, vector<128x20xf32>,
      %broadcast_in_dim3A_243 = vector.shape_cast %add3A_214 : vector<128x1xi32> to vector<128x1xi32>
      %broadcast_in_dim3A_244 = vector.broadcast %broadcast_in_dim3A_243 : vector<128x1xi32> to vector<128x20xi32>
      %select_n3A_245 = arith.select %and3A_236, %broadcast_in_dim3A_244, %get3A_220 : vector<128x20xi1>, vector<128x20xi32>
      %swap3A_246 = arith.constant 0 : index
      %swap3A_247 = arith.constant 0 : index
      %swap3A_248 = vector.load %arg12[%swap3A_246, %swap3A_247] : memref<128x20xi32, #tpu.memory_space<vmem>>, vector<128x20xi32>
      tpu.vector_store %arg12[%swap3A_246, %swap3A_247], %select_n3A_245 {strides = array<i32>} : memref<128x20xi32, #tpu.memory_space<vmem>>, vector<128x20xi32>,
    } else {
    }
    %gt3A_162 = arith.constant 15 : i32
    %gt3A_163 = arith.cmpi sgt, %reduce_max3A_86, %gt3A_162 : i32
    %convert_element_type3A_164 = arith.extui %gt3A_163 : i1 to i32
    %cond3A_165 = arith.constant 0 : i32
    %cond3A_166 = arith.cmpi ne, %convert_element_type3A_164, %cond3A_165 : i32
    scf.if %cond3A_166 {
      %get3A_192 = arith.constant 0 : index
      %get3A_193 = arith.constant 0 : index
      %get3A_194 = vector.load %arg13[%get3A_192, %get3A_193] : memref<128x2000xf32, #tpu.memory_space<vmem>>, vector<128x2000xf32>
      %reduce_max3A_195 = arith.constant dense<0xFF800000> : vector<128xf32>
      %reduce_max3A_196 = vector.multi_reduction <maximumf>, %get3A_194, %reduce_max3A_195 [1] : vector<128x2000xf32> to vector<128xf32>
      %broadcast_in_dim3A_197 = vector.shape_cast %reduce_max3A_196 : vector<128xf32> to vector<128x1xf32>
      %iota3A = tpu.iota {dimensions = array<i32: 1>} : vector<128x2000xi32>
      %ge3A = vector.broadcast %broadcast_in_dim3A_197 : vector<128x1xf32> to vector<128x2000xf32>
      %ge3A_198 = arith.cmpf oge, %get3A_194, %ge3A : vector<128x2000xf32>
      %jit3A = arith.constant 1073741824 : i32
      %broadcast_in_dim3A_199 = vector.broadcast %jit3A : i32 to vector<128x2000xi32>
      %select_n3A = arith.select %ge3A_198, %iota3A, %broadcast_in_dim3A_199 : vector<128x2000xi1>, vector<128x2000xi32>
      %reduce_min3A_200 = arith.constant dense<2147483647> : vector<128xi32>
      %reduce_min3A_201 = vector.multi_reduction <minsi>, %select_n3A, %reduce_min3A_200 [1] : vector<128x2000xi32> to vector<128xi32>
      %broadcast_in_dim3A_202 = vector.shape_cast %reduce_min3A_201 : vector<128xi32> to vector<128x1xi32>
      %eq3A_203 = vector.broadcast %broadcast_in_dim3A_202 : vector<128x1xi32> to vector<128x2000xi32>
      %eq3A_204 = arith.cmpi eq, %iota3A, %eq3A_203 : vector<128x2000xi32>
      %jit3A_205 = arith.constant -3.000000e+38 : f32
      %broadcast_in_dim3A_206 = vector.broadcast %jit3A_205 : f32 to vector<128x2000xf32>
      %select_n3A_207 = arith.select %eq3A_204, %broadcast_in_dim3A_206, %get3A_194 : vector<128x2000xi1>, vector<128x2000xf32>
      %swap3A_208 = arith.constant 0 : index
      %swap3A_209 = arith.constant 0 : index
      %swap3A_210 = vector.load %arg13[%swap3A_208, %swap3A_209] : memref<128x2000xf32, #tpu.memory_space<vmem>>, vector<128x2000xf32>
      tpu.vector_store %arg13[%swap3A_208, %swap3A_209], %select_n3A_207 {strides = array<i32>} : memref<128x2000xf32, #tpu.memory_space<vmem>>, vector<128x2000xf32>,
      %mul3A_211 = arith.constant 2000 : i32
      %mul3A_212 = arith.muli %arg0, %mul3A_211 : i32
      %add3A_213 = vector.broadcast %mul3A_212 : i32 to vector<128x1xi32>
      %add3A_214 = arith.addi %add3A_213, %broadcast_in_dim3A_202 : vector<128x1xi32>
      %get3A_215 = arith.constant 0 : index
      %get3A_216 = arith.constant 0 : index
      %get3A_217 = vector.load %arg11[%get3A_215, %get3A_216] : memref<128x20xf32, #tpu.memory_space<vmem>>, vector<128x20xf32>
      %get3A_218 = arith.constant 0 : index
      %get3A_219 = arith.constant 0 : index
      %get3A_220 = vector.load %arg12[%get3A_218, %get3A_219] : memref<128x20xi32, #tpu.memory_space<vmem>>, vector<128x20xi32>
      %reduce_min3A_221 = arith.constant dense<0x7F800000> : vector<128xf32>
      %reduce_min3A_222 = vector.multi_reduction <minimumf>, %get3A_217, %reduce_min3A_221 [1] : vector<128x20xf32> to vector<128xf32>
      %broadcast_in_dim3A_223 = vector.shape_cast %reduce_min3A_222 : vector<128xf32> to vector<128x1xf32>
      %eq3A_224 = vector.broadcast %broadcast_in_dim3A_223 : vector<128x1xf32> to vector<128x20xf32>
      %eq3A_225 = arith.cmpf oeq, %get3A_217, %eq3A_224 : vector<128x20xf32>
      %jit3A_226 = arith.constant -1 : i32
      %broadcast_in_dim3A_227 = vector.broadcast %jit3A_226 : i32 to vector<128x20xi32>
      %select_n3A_228 = arith.select %eq3A_225, %get3A_220, %broadcast_in_dim3A_227 : vector<128x20xi1>, vector<128x20xi32>
      %reduce_max3A_229 = arith.constant dense<-2147483648> : vector<128xi32>
      %reduce_max3A_230 = vector.multi_reduction <maxsi>, %select_n3A_228, %reduce_max3A_229 [1] : vector<128x20xi32> to vector<128xi32>
      %broadcast_in_dim3A_231 = vector.shape_cast %reduce_max3A_230 : vector<128xi32> to vector<128x1xi32>
      %eq3A_232 = vector.broadcast %broadcast_in_dim3A_231 : vector<128x1xi32> to vector<128x20xi32>
      %eq3A_233 = arith.cmpi eq, %get3A_220, %eq3A_232 : vector<128x20xi32>
      %and3A = arith.andi %eq3A_225, %eq3A_233 : vector<128x20xi1>
      %gt3A_234 = arith.cmpf ogt, %broadcast_in_dim3A_197, %broadcast_in_dim3A_223 : vector<128x1xf32>
      %and3A_235 = vector.broadcast %gt3A_234 : vector<128x1xi1> to vector<128x20xi1>
      %and3A_236 = arith.andi %and3A, %and3A_235 : vector<128x20xi1>
      %broadcast_in_dim3A_237 = vector.shape_cast %broadcast_in_dim3A_197 : vector<128x1xf32> to vector<128x1xf32>
      %broadcast_in_dim3A_238 = vector.broadcast %broadcast_in_dim3A_237 : vector<128x1xf32> to vector<128x20xf32>
      %select_n3A_239 = arith.select %and3A_236, %broadcast_in_dim3A_238, %get3A_217 : vector<128x20xi1>, vector<128x20xf32>
      %swap3A_240 = arith.constant 0 : index
      %swap3A_241 = arith.constant 0 : index
      %swap3A_242 = vector.load %arg11[%swap3A_240, %swap3A_241] : memref<128x20xf32, #tpu.memory_space<vmem>>, vector<128x20xf32>
      tpu.vector_store %arg11[%swap3A_240, %swap3A_241], %select_n3A_239 {strides = array<i32>} : memref<128x20xf32, #tpu.memory_space<vmem>>, vector<128x20xf32>,
      %broadcast_in_dim3A_243 = vector.shape_cast %add3A_214 : vector<128x1xi32> to vector<128x1xi32>
      %broadcast_in_dim3A_244 = vector.broadcast %broadcast_in_dim3A_243 : vector<128x1xi32> to vector<128x20xi32>
      %select_n3A_245 = arith.select %and3A_236, %broadcast_in_dim3A_244, %get3A_220 : vector<128x20xi1>, vector<128x20xi32>
      %swap3A_246 = arith.constant 0 : index
      %swap3A_247 = arith.constant 0 : index
      %swap3A_248 = vector.load %arg12[%swap3A_246, %swap3A_247] : memref<128x20xi32, #tpu.memory_space<vmem>>, vector<128x20xi32>
      tpu.vector_store %arg12[%swap3A_246, %swap3A_247], %select_n3A_245 {strides = array<i32>} : memref<128x20xi32, #tpu.memory_space<vmem>>, vector<128x20xi32>,
    } else {
    }
    %gt3A_167 = arith.constant 16 : i32
    %gt3A_168 = arith.cmpi sgt, %reduce_max3A_86, %gt3A_167 : i32
    %convert_element_type3A_169 = arith.extui %gt3A_168 : i1 to i32
    %cond3A_170 = arith.constant 0 : i32
    %cond3A_171 = arith.cmpi ne, %convert_element_type3A_169, %cond3A_170 : i32
    scf.if %cond3A_171 {
      %get3A_192 = arith.constant 0 : index
      %get3A_193 = arith.constant 0 : index
      %get3A_194 = vector.load %arg13[%get3A_192, %get3A_193] : memref<128x2000xf32, #tpu.memory_space<vmem>>, vector<128x2000xf32>
      %reduce_max3A_195 = arith.constant dense<0xFF800000> : vector<128xf32>
      %reduce_max3A_196 = vector.multi_reduction <maximumf>, %get3A_194, %reduce_max3A_195 [1] : vector<128x2000xf32> to vector<128xf32>
      %broadcast_in_dim3A_197 = vector.shape_cast %reduce_max3A_196 : vector<128xf32> to vector<128x1xf32>
      %iota3A = tpu.iota {dimensions = array<i32: 1>} : vector<128x2000xi32>
      %ge3A = vector.broadcast %broadcast_in_dim3A_197 : vector<128x1xf32> to vector<128x2000xf32>
      %ge3A_198 = arith.cmpf oge, %get3A_194, %ge3A : vector<128x2000xf32>
      %jit3A = arith.constant 1073741824 : i32
      %broadcast_in_dim3A_199 = vector.broadcast %jit3A : i32 to vector<128x2000xi32>
      %select_n3A = arith.select %ge3A_198, %iota3A, %broadcast_in_dim3A_199 : vector<128x2000xi1>, vector<128x2000xi32>
      %reduce_min3A_200 = arith.constant dense<2147483647> : vector<128xi32>
      %reduce_min3A_201 = vector.multi_reduction <minsi>, %select_n3A, %reduce_min3A_200 [1] : vector<128x2000xi32> to vector<128xi32>
      %broadcast_in_dim3A_202 = vector.shape_cast %reduce_min3A_201 : vector<128xi32> to vector<128x1xi32>
      %eq3A_203 = vector.broadcast %broadcast_in_dim3A_202 : vector<128x1xi32> to vector<128x2000xi32>
      %eq3A_204 = arith.cmpi eq, %iota3A, %eq3A_203 : vector<128x2000xi32>
      %jit3A_205 = arith.constant -3.000000e+38 : f32
      %broadcast_in_dim3A_206 = vector.broadcast %jit3A_205 : f32 to vector<128x2000xf32>
      %select_n3A_207 = arith.select %eq3A_204, %broadcast_in_dim3A_206, %get3A_194 : vector<128x2000xi1>, vector<128x2000xf32>
      %swap3A_208 = arith.constant 0 : index
      %swap3A_209 = arith.constant 0 : index
      %swap3A_210 = vector.load %arg13[%swap3A_208, %swap3A_209] : memref<128x2000xf32, #tpu.memory_space<vmem>>, vector<128x2000xf32>
      tpu.vector_store %arg13[%swap3A_208, %swap3A_209], %select_n3A_207 {strides = array<i32>} : memref<128x2000xf32, #tpu.memory_space<vmem>>, vector<128x2000xf32>,
      %mul3A_211 = arith.constant 2000 : i32
      %mul3A_212 = arith.muli %arg0, %mul3A_211 : i32
      %add3A_213 = vector.broadcast %mul3A_212 : i32 to vector<128x1xi32>
      %add3A_214 = arith.addi %add3A_213, %broadcast_in_dim3A_202 : vector<128x1xi32>
      %get3A_215 = arith.constant 0 : index
      %get3A_216 = arith.constant 0 : index
      %get3A_217 = vector.load %arg11[%get3A_215, %get3A_216] : memref<128x20xf32, #tpu.memory_space<vmem>>, vector<128x20xf32>
      %get3A_218 = arith.constant 0 : index
      %get3A_219 = arith.constant 0 : index
      %get3A_220 = vector.load %arg12[%get3A_218, %get3A_219] : memref<128x20xi32, #tpu.memory_space<vmem>>, vector<128x20xi32>
      %reduce_min3A_221 = arith.constant dense<0x7F800000> : vector<128xf32>
      %reduce_min3A_222 = vector.multi_reduction <minimumf>, %get3A_217, %reduce_min3A_221 [1] : vector<128x20xf32> to vector<128xf32>
      %broadcast_in_dim3A_223 = vector.shape_cast %reduce_min3A_222 : vector<128xf32> to vector<128x1xf32>
      %eq3A_224 = vector.broadcast %broadcast_in_dim3A_223 : vector<128x1xf32> to vector<128x20xf32>
      %eq3A_225 = arith.cmpf oeq, %get3A_217, %eq3A_224 : vector<128x20xf32>
      %jit3A_226 = arith.constant -1 : i32
      %broadcast_in_dim3A_227 = vector.broadcast %jit3A_226 : i32 to vector<128x20xi32>
      %select_n3A_228 = arith.select %eq3A_225, %get3A_220, %broadcast_in_dim3A_227 : vector<128x20xi1>, vector<128x20xi32>
      %reduce_max3A_229 = arith.constant dense<-2147483648> : vector<128xi32>
      %reduce_max3A_230 = vector.multi_reduction <maxsi>, %select_n3A_228, %reduce_max3A_229 [1] : vector<128x20xi32> to vector<128xi32>
      %broadcast_in_dim3A_231 = vector.shape_cast %reduce_max3A_230 : vector<128xi32> to vector<128x1xi32>
      %eq3A_232 = vector.broadcast %broadcast_in_dim3A_231 : vector<128x1xi32> to vector<128x20xi32>
      %eq3A_233 = arith.cmpi eq, %get3A_220, %eq3A_232 : vector<128x20xi32>
      %and3A = arith.andi %eq3A_225, %eq3A_233 : vector<128x20xi1>
      %gt3A_234 = arith.cmpf ogt, %broadcast_in_dim3A_197, %broadcast_in_dim3A_223 : vector<128x1xf32>
      %and3A_235 = vector.broadcast %gt3A_234 : vector<128x1xi1> to vector<128x20xi1>
      %and3A_236 = arith.andi %and3A, %and3A_235 : vector<128x20xi1>
      %broadcast_in_dim3A_237 = vector.shape_cast %broadcast_in_dim3A_197 : vector<128x1xf32> to vector<128x1xf32>
      %broadcast_in_dim3A_238 = vector.broadcast %broadcast_in_dim3A_237 : vector<128x1xf32> to vector<128x20xf32>
      %select_n3A_239 = arith.select %and3A_236, %broadcast_in_dim3A_238, %get3A_217 : vector<128x20xi1>, vector<128x20xf32>
      %swap3A_240 = arith.constant 0 : index
      %swap3A_241 = arith.constant 0 : index
      %swap3A_242 = vector.load %arg11[%swap3A_240, %swap3A_241] : memref<128x20xf32, #tpu.memory_space<vmem>>, vector<128x20xf32>
      tpu.vector_store %arg11[%swap3A_240, %swap3A_241], %select_n3A_239 {strides = array<i32>} : memref<128x20xf32, #tpu.memory_space<vmem>>, vector<128x20xf32>,
      %broadcast_in_dim3A_243 = vector.shape_cast %add3A_214 : vector<128x1xi32> to vector<128x1xi32>
      %broadcast_in_dim3A_244 = vector.broadcast %broadcast_in_dim3A_243 : vector<128x1xi32> to vector<128x20xi32>
      %select_n3A_245 = arith.select %and3A_236, %broadcast_in_dim3A_244, %get3A_220 : vector<128x20xi1>, vector<128x20xi32>
      %swap3A_246 = arith.constant 0 : index
      %swap3A_247 = arith.constant 0 : index
      %swap3A_248 = vector.load %arg12[%swap3A_246, %swap3A_247] : memref<128x20xi32, #tpu.memory_space<vmem>>, vector<128x20xi32>
      tpu.vector_store %arg12[%swap3A_246, %swap3A_247], %select_n3A_245 {strides = array<i32>} : memref<128x20xi32, #tpu.memory_space<vmem>>, vector<128x20xi32>,
    } else {
    }
    %gt3A_172 = arith.constant 17 : i32
    %gt3A_173 = arith.cmpi sgt, %reduce_max3A_86, %gt3A_172 : i32
    %convert_element_type3A_174 = arith.extui %gt3A_173 : i1 to i32
    %cond3A_175 = arith.constant 0 : i32
    %cond3A_176 = arith.cmpi ne, %convert_element_type3A_174, %cond3A_175 : i32
    scf.if %cond3A_176 {
      %get3A_192 = arith.constant 0 : index
      %get3A_193 = arith.constant 0 : index
      %get3A_194 = vector.load %arg13[%get3A_192, %get3A_193] : memref<128x2000xf32, #tpu.memory_space<vmem>>, vector<128x2000xf32>
      %reduce_max3A_195 = arith.constant dense<0xFF800000> : vector<128xf32>
      %reduce_max3A_196 = vector.multi_reduction <maximumf>, %get3A_194, %reduce_max3A_195 [1] : vector<128x2000xf32> to vector<128xf32>
      %broadcast_in_dim3A_197 = vector.shape_cast %reduce_max3A_196 : vector<128xf32> to vector<128x1xf32>
      %iota3A = tpu.iota {dimensions = array<i32: 1>} : vector<128x2000xi32>
      %ge3A = vector.broadcast %broadcast_in_dim3A_197 : vector<128x1xf32> to vector<128x2000xf32>
      %ge3A_198 = arith.cmpf oge, %get3A_194, %ge3A : vector<128x2000xf32>
      %jit3A = arith.constant 1073741824 : i32
      %broadcast_in_dim3A_199 = vector.broadcast %jit3A : i32 to vector<128x2000xi32>
      %select_n3A = arith.select %ge3A_198, %iota3A, %broadcast_in_dim3A_199 : vector<128x2000xi1>, vector<128x2000xi32>
      %reduce_min3A_200 = arith.constant dense<2147483647> : vector<128xi32>
      %reduce_min3A_201 = vector.multi_reduction <minsi>, %select_n3A, %reduce_min3A_200 [1] : vector<128x2000xi32> to vector<128xi32>
      %broadcast_in_dim3A_202 = vector.shape_cast %reduce_min3A_201 : vector<128xi32> to vector<128x1xi32>
      %eq3A_203 = vector.broadcast %broadcast_in_dim3A_202 : vector<128x1xi32> to vector<128x2000xi32>
      %eq3A_204 = arith.cmpi eq, %iota3A, %eq3A_203 : vector<128x2000xi32>
      %jit3A_205 = arith.constant -3.000000e+38 : f32
      %broadcast_in_dim3A_206 = vector.broadcast %jit3A_205 : f32 to vector<128x2000xf32>
      %select_n3A_207 = arith.select %eq3A_204, %broadcast_in_dim3A_206, %get3A_194 : vector<128x2000xi1>, vector<128x2000xf32>
      %swap3A_208 = arith.constant 0 : index
      %swap3A_209 = arith.constant 0 : index
      %swap3A_210 = vector.load %arg13[%swap3A_208, %swap3A_209] : memref<128x2000xf32, #tpu.memory_space<vmem>>, vector<128x2000xf32>
      tpu.vector_store %arg13[%swap3A_208, %swap3A_209], %select_n3A_207 {strides = array<i32>} : memref<128x2000xf32, #tpu.memory_space<vmem>>, vector<128x2000xf32>,
      %mul3A_211 = arith.constant 2000 : i32
      %mul3A_212 = arith.muli %arg0, %mul3A_211 : i32
      %add3A_213 = vector.broadcast %mul3A_212 : i32 to vector<128x1xi32>
      %add3A_214 = arith.addi %add3A_213, %broadcast_in_dim3A_202 : vector<128x1xi32>
      %get3A_215 = arith.constant 0 : index
      %get3A_216 = arith.constant 0 : index
      %get3A_217 = vector.load %arg11[%get3A_215, %get3A_216] : memref<128x20xf32, #tpu.memory_space<vmem>>, vector<128x20xf32>
      %get3A_218 = arith.constant 0 : index
      %get3A_219 = arith.constant 0 : index
      %get3A_220 = vector.load %arg12[%get3A_218, %get3A_219] : memref<128x20xi32, #tpu.memory_space<vmem>>, vector<128x20xi32>
      %reduce_min3A_221 = arith.constant dense<0x7F800000> : vector<128xf32>
      %reduce_min3A_222 = vector.multi_reduction <minimumf>, %get3A_217, %reduce_min3A_221 [1] : vector<128x20xf32> to vector<128xf32>
      %broadcast_in_dim3A_223 = vector.shape_cast %reduce_min3A_222 : vector<128xf32> to vector<128x1xf32>
      %eq3A_224 = vector.broadcast %broadcast_in_dim3A_223 : vector<128x1xf32> to vector<128x20xf32>
      %eq3A_225 = arith.cmpf oeq, %get3A_217, %eq3A_224 : vector<128x20xf32>
      %jit3A_226 = arith.constant -1 : i32
      %broadcast_in_dim3A_227 = vector.broadcast %jit3A_226 : i32 to vector<128x20xi32>
      %select_n3A_228 = arith.select %eq3A_225, %get3A_220, %broadcast_in_dim3A_227 : vector<128x20xi1>, vector<128x20xi32>
      %reduce_max3A_229 = arith.constant dense<-2147483648> : vector<128xi32>
      %reduce_max3A_230 = vector.multi_reduction <maxsi>, %select_n3A_228, %reduce_max3A_229 [1] : vector<128x20xi32> to vector<128xi32>
      %broadcast_in_dim3A_231 = vector.shape_cast %reduce_max3A_230 : vector<128xi32> to vector<128x1xi32>
      %eq3A_232 = vector.broadcast %broadcast_in_dim3A_231 : vector<128x1xi32> to vector<128x20xi32>
      %eq3A_233 = arith.cmpi eq, %get3A_220, %eq3A_232 : vector<128x20xi32>
      %and3A = arith.andi %eq3A_225, %eq3A_233 : vector<128x20xi1>
      %gt3A_234 = arith.cmpf ogt, %broadcast_in_dim3A_197, %broadcast_in_dim3A_223 : vector<128x1xf32>
      %and3A_235 = vector.broadcast %gt3A_234 : vector<128x1xi1> to vector<128x20xi1>
      %and3A_236 = arith.andi %and3A, %and3A_235 : vector<128x20xi1>
      %broadcast_in_dim3A_237 = vector.shape_cast %broadcast_in_dim3A_197 : vector<128x1xf32> to vector<128x1xf32>
      %broadcast_in_dim3A_238 = vector.broadcast %broadcast_in_dim3A_237 : vector<128x1xf32> to vector<128x20xf32>
      %select_n3A_239 = arith.select %and3A_236, %broadcast_in_dim3A_238, %get3A_217 : vector<128x20xi1>, vector<128x20xf32>
      %swap3A_240 = arith.constant 0 : index
      %swap3A_241 = arith.constant 0 : index
      %swap3A_242 = vector.load %arg11[%swap3A_240, %swap3A_241] : memref<128x20xf32, #tpu.memory_space<vmem>>, vector<128x20xf32>
      tpu.vector_store %arg11[%swap3A_240, %swap3A_241], %select_n3A_239 {strides = array<i32>} : memref<128x20xf32, #tpu.memory_space<vmem>>, vector<128x20xf32>,
      %broadcast_in_dim3A_243 = vector.shape_cast %add3A_214 : vector<128x1xi32> to vector<128x1xi32>
      %broadcast_in_dim3A_244 = vector.broadcast %broadcast_in_dim3A_243 : vector<128x1xi32> to vector<128x20xi32>
      %select_n3A_245 = arith.select %and3A_236, %broadcast_in_dim3A_244, %get3A_220 : vector<128x20xi1>, vector<128x20xi32>
      %swap3A_246 = arith.constant 0 : index
      %swap3A_247 = arith.constant 0 : index
      %swap3A_248 = vector.load %arg12[%swap3A_246, %swap3A_247] : memref<128x20xi32, #tpu.memory_space<vmem>>, vector<128x20xi32>
      tpu.vector_store %arg12[%swap3A_246, %swap3A_247], %select_n3A_245 {strides = array<i32>} : memref<128x20xi32, #tpu.memory_space<vmem>>, vector<128x20xi32>,
    } else {
    }
    %gt3A_177 = arith.constant 18 : i32
    %gt3A_178 = arith.cmpi sgt, %reduce_max3A_86, %gt3A_177 : i32
    %convert_element_type3A_179 = arith.extui %gt3A_178 : i1 to i32
    %cond3A_180 = arith.constant 0 : i32
    %cond3A_181 = arith.cmpi ne, %convert_element_type3A_179, %cond3A_180 : i32
    scf.if %cond3A_181 {
      %get3A_192 = arith.constant 0 : index
      %get3A_193 = arith.constant 0 : index
      %get3A_194 = vector.load %arg13[%get3A_192, %get3A_193] : memref<128x2000xf32, #tpu.memory_space<vmem>>, vector<128x2000xf32>
      %reduce_max3A_195 = arith.constant dense<0xFF800000> : vector<128xf32>
      %reduce_max3A_196 = vector.multi_reduction <maximumf>, %get3A_194, %reduce_max3A_195 [1] : vector<128x2000xf32> to vector<128xf32>
      %broadcast_in_dim3A_197 = vector.shape_cast %reduce_max3A_196 : vector<128xf32> to vector<128x1xf32>
      %iota3A = tpu.iota {dimensions = array<i32: 1>} : vector<128x2000xi32>
      %ge3A = vector.broadcast %broadcast_in_dim3A_197 : vector<128x1xf32> to vector<128x2000xf32>
      %ge3A_198 = arith.cmpf oge, %get3A_194, %ge3A : vector<128x2000xf32>
      %jit3A = arith.constant 1073741824 : i32
      %broadcast_in_dim3A_199 = vector.broadcast %jit3A : i32 to vector<128x2000xi32>
      %select_n3A = arith.select %ge3A_198, %iota3A, %broadcast_in_dim3A_199 : vector<128x2000xi1>, vector<128x2000xi32>
      %reduce_min3A_200 = arith.constant dense<2147483647> : vector<128xi32>
      %reduce_min3A_201 = vector.multi_reduction <minsi>, %select_n3A, %reduce_min3A_200 [1] : vector<128x2000xi32> to vector<128xi32>
      %broadcast_in_dim3A_202 = vector.shape_cast %reduce_min3A_201 : vector<128xi32> to vector<128x1xi32>
      %eq3A_203 = vector.broadcast %broadcast_in_dim3A_202 : vector<128x1xi32> to vector<128x2000xi32>
      %eq3A_204 = arith.cmpi eq, %iota3A, %eq3A_203 : vector<128x2000xi32>
      %jit3A_205 = arith.constant -3.000000e+38 : f32
      %broadcast_in_dim3A_206 = vector.broadcast %jit3A_205 : f32 to vector<128x2000xf32>
      %select_n3A_207 = arith.select %eq3A_204, %broadcast_in_dim3A_206, %get3A_194 : vector<128x2000xi1>, vector<128x2000xf32>
      %swap3A_208 = arith.constant 0 : index
      %swap3A_209 = arith.constant 0 : index
      %swap3A_210 = vector.load %arg13[%swap3A_208, %swap3A_209] : memref<128x2000xf32, #tpu.memory_space<vmem>>, vector<128x2000xf32>
      tpu.vector_store %arg13[%swap3A_208, %swap3A_209], %select_n3A_207 {strides = array<i32>} : memref<128x2000xf32, #tpu.memory_space<vmem>>, vector<128x2000xf32>,
      %mul3A_211 = arith.constant 2000 : i32
      %mul3A_212 = arith.muli %arg0, %mul3A_211 : i32
      %add3A_213 = vector.broadcast %mul3A_212 : i32 to vector<128x1xi32>
      %add3A_214 = arith.addi %add3A_213, %broadcast_in_dim3A_202 : vector<128x1xi32>
      %get3A_215 = arith.constant 0 : index
      %get3A_216 = arith.constant 0 : index
      %get3A_217 = vector.load %arg11[%get3A_215, %get3A_216] : memref<128x20xf32, #tpu.memory_space<vmem>>, vector<128x20xf32>
      %get3A_218 = arith.constant 0 : index
      %get3A_219 = arith.constant 0 : index
      %get3A_220 = vector.load %arg12[%get3A_218, %get3A_219] : memref<128x20xi32, #tpu.memory_space<vmem>>, vector<128x20xi32>
      %reduce_min3A_221 = arith.constant dense<0x7F800000> : vector<128xf32>
      %reduce_min3A_222 = vector.multi_reduction <minimumf>, %get3A_217, %reduce_min3A_221 [1] : vector<128x20xf32> to vector<128xf32>
      %broadcast_in_dim3A_223 = vector.shape_cast %reduce_min3A_222 : vector<128xf32> to vector<128x1xf32>
      %eq3A_224 = vector.broadcast %broadcast_in_dim3A_223 : vector<128x1xf32> to vector<128x20xf32>
      %eq3A_225 = arith.cmpf oeq, %get3A_217, %eq3A_224 : vector<128x20xf32>
      %jit3A_226 = arith.constant -1 : i32
      %broadcast_in_dim3A_227 = vector.broadcast %jit3A_226 : i32 to vector<128x20xi32>
      %select_n3A_228 = arith.select %eq3A_225, %get3A_220, %broadcast_in_dim3A_227 : vector<128x20xi1>, vector<128x20xi32>
      %reduce_max3A_229 = arith.constant dense<-2147483648> : vector<128xi32>
      %reduce_max3A_230 = vector.multi_reduction <maxsi>, %select_n3A_228, %reduce_max3A_229 [1] : vector<128x20xi32> to vector<128xi32>
      %broadcast_in_dim3A_231 = vector.shape_cast %reduce_max3A_230 : vector<128xi32> to vector<128x1xi32>
      %eq3A_232 = vector.broadcast %broadcast_in_dim3A_231 : vector<128x1xi32> to vector<128x20xi32>
      %eq3A_233 = arith.cmpi eq, %get3A_220, %eq3A_232 : vector<128x20xi32>
      %and3A = arith.andi %eq3A_225, %eq3A_233 : vector<128x20xi1>
      %gt3A_234 = arith.cmpf ogt, %broadcast_in_dim3A_197, %broadcast_in_dim3A_223 : vector<128x1xf32>
      %and3A_235 = vector.broadcast %gt3A_234 : vector<128x1xi1> to vector<128x20xi1>
      %and3A_236 = arith.andi %and3A, %and3A_235 : vector<128x20xi1>
      %broadcast_in_dim3A_237 = vector.shape_cast %broadcast_in_dim3A_197 : vector<128x1xf32> to vector<128x1xf32>
      %broadcast_in_dim3A_238 = vector.broadcast %broadcast_in_dim3A_237 : vector<128x1xf32> to vector<128x20xf32>
      %select_n3A_239 = arith.select %and3A_236, %broadcast_in_dim3A_238, %get3A_217 : vector<128x20xi1>, vector<128x20xf32>
      %swap3A_240 = arith.constant 0 : index
      %swap3A_241 = arith.constant 0 : index
      %swap3A_242 = vector.load %arg11[%swap3A_240, %swap3A_241] : memref<128x20xf32, #tpu.memory_space<vmem>>, vector<128x20xf32>
      tpu.vector_store %arg11[%swap3A_240, %swap3A_241], %select_n3A_239 {strides = array<i32>} : memref<128x20xf32, #tpu.memory_space<vmem>>, vector<128x20xf32>,
      %broadcast_in_dim3A_243 = vector.shape_cast %add3A_214 : vector<128x1xi32> to vector<128x1xi32>
      %broadcast_in_dim3A_244 = vector.broadcast %broadcast_in_dim3A_243 : vector<128x1xi32> to vector<128x20xi32>
      %select_n3A_245 = arith.select %and3A_236, %broadcast_in_dim3A_244, %get3A_220 : vector<128x20xi1>, vector<128x20xi32>
      %swap3A_246 = arith.constant 0 : index
      %swap3A_247 = arith.constant 0 : index
      %swap3A_248 = vector.load %arg12[%swap3A_246, %swap3A_247] : memref<128x20xi32, #tpu.memory_space<vmem>>, vector<128x20xi32>
      tpu.vector_store %arg12[%swap3A_246, %swap3A_247], %select_n3A_245 {strides = array<i32>} : memref<128x20xi32, #tpu.memory_space<vmem>>, vector<128x20xi32>,
    } else {
    }
    %gt3A_182 = arith.constant 19 : i32
    %gt3A_183 = arith.cmpi sgt, %reduce_max3A_86, %gt3A_182 : i32
    %convert_element_type3A_184 = arith.extui %gt3A_183 : i1 to i32
    %cond3A_185 = arith.constant 0 : i32
    %cond3A_186 = arith.cmpi ne, %convert_element_type3A_184, %cond3A_185 : i32
    scf.if %cond3A_186 {
      %get3A_192 = arith.constant 0 : index
      %get3A_193 = arith.constant 0 : index
      %get3A_194 = vector.load %arg13[%get3A_192, %get3A_193] : memref<128x2000xf32, #tpu.memory_space<vmem>>, vector<128x2000xf32>
      %reduce_max3A_195 = arith.constant dense<0xFF800000> : vector<128xf32>
      %reduce_max3A_196 = vector.multi_reduction <maximumf>, %get3A_194, %reduce_max3A_195 [1] : vector<128x2000xf32> to vector<128xf32>
      %broadcast_in_dim3A_197 = vector.shape_cast %reduce_max3A_196 : vector<128xf32> to vector<128x1xf32>
      %iota3A = tpu.iota {dimensions = array<i32: 1>} : vector<128x2000xi32>
      %ge3A = vector.broadcast %broadcast_in_dim3A_197 : vector<128x1xf32> to vector<128x2000xf32>
      %ge3A_198 = arith.cmpf oge, %get3A_194, %ge3A : vector<128x2000xf32>
      %jit3A = arith.constant 1073741824 : i32
      %broadcast_in_dim3A_199 = vector.broadcast %jit3A : i32 to vector<128x2000xi32>
      %select_n3A = arith.select %ge3A_198, %iota3A, %broadcast_in_dim3A_199 : vector<128x2000xi1>, vector<128x2000xi32>
      %reduce_min3A_200 = arith.constant dense<2147483647> : vector<128xi32>
      %reduce_min3A_201 = vector.multi_reduction <minsi>, %select_n3A, %reduce_min3A_200 [1] : vector<128x2000xi32> to vector<128xi32>
      %broadcast_in_dim3A_202 = vector.shape_cast %reduce_min3A_201 : vector<128xi32> to vector<128x1xi32>
      %eq3A_203 = vector.broadcast %broadcast_in_dim3A_202 : vector<128x1xi32> to vector<128x2000xi32>
      %eq3A_204 = arith.cmpi eq, %iota3A, %eq3A_203 : vector<128x2000xi32>
      %jit3A_205 = arith.constant -3.000000e+38 : f32
      %broadcast_in_dim3A_206 = vector.broadcast %jit3A_205 : f32 to vector<128x2000xf32>
      %select_n3A_207 = arith.select %eq3A_204, %broadcast_in_dim3A_206, %get3A_194 : vector<128x2000xi1>, vector<128x2000xf32>
      %swap3A_208 = arith.constant 0 : index
      %swap3A_209 = arith.constant 0 : index
      %swap3A_210 = vector.load %arg13[%swap3A_208, %swap3A_209] : memref<128x2000xf32, #tpu.memory_space<vmem>>, vector<128x2000xf32>
      tpu.vector_store %arg13[%swap3A_208, %swap3A_209], %select_n3A_207 {strides = array<i32>} : memref<128x2000xf32, #tpu.memory_space<vmem>>, vector<128x2000xf32>,
      %mul3A_211 = arith.constant 2000 : i32
      %mul3A_212 = arith.muli %arg0, %mul3A_211 : i32
      %add3A_213 = vector.broadcast %mul3A_212 : i32 to vector<128x1xi32>
      %add3A_214 = arith.addi %add3A_213, %broadcast_in_dim3A_202 : vector<128x1xi32>
      %get3A_215 = arith.constant 0 : index
      %get3A_216 = arith.constant 0 : index
      %get3A_217 = vector.load %arg11[%get3A_215, %get3A_216] : memref<128x20xf32, #tpu.memory_space<vmem>>, vector<128x20xf32>
      %get3A_218 = arith.constant 0 : index
      %get3A_219 = arith.constant 0 : index
      %get3A_220 = vector.load %arg12[%get3A_218, %get3A_219] : memref<128x20xi32, #tpu.memory_space<vmem>>, vector<128x20xi32>
      %reduce_min3A_221 = arith.constant dense<0x7F800000> : vector<128xf32>
      %reduce_min3A_222 = vector.multi_reduction <minimumf>, %get3A_217, %reduce_min3A_221 [1] : vector<128x20xf32> to vector<128xf32>
      %broadcast_in_dim3A_223 = vector.shape_cast %reduce_min3A_222 : vector<128xf32> to vector<128x1xf32>
      %eq3A_224 = vector.broadcast %broadcast_in_dim3A_223 : vector<128x1xf32> to vector<128x20xf32>
      %eq3A_225 = arith.cmpf oeq, %get3A_217, %eq3A_224 : vector<128x20xf32>
      %jit3A_226 = arith.constant -1 : i32
      %broadcast_in_dim3A_227 = vector.broadcast %jit3A_226 : i32 to vector<128x20xi32>
      %select_n3A_228 = arith.select %eq3A_225, %get3A_220, %broadcast_in_dim3A_227 : vector<128x20xi1>, vector<128x20xi32>
      %reduce_max3A_229 = arith.constant dense<-2147483648> : vector<128xi32>
      %reduce_max3A_230 = vector.multi_reduction <maxsi>, %select_n3A_228, %reduce_max3A_229 [1] : vector<128x20xi32> to vector<128xi32>
      %broadcast_in_dim3A_231 = vector.shape_cast %reduce_max3A_230 : vector<128xi32> to vector<128x1xi32>
      %eq3A_232 = vector.broadcast %broadcast_in_dim3A_231 : vector<128x1xi32> to vector<128x20xi32>
      %eq3A_233 = arith.cmpi eq, %get3A_220, %eq3A_232 : vector<128x20xi32>
      %and3A = arith.andi %eq3A_225, %eq3A_233 : vector<128x20xi1>
      %gt3A_234 = arith.cmpf ogt, %broadcast_in_dim3A_197, %broadcast_in_dim3A_223 : vector<128x1xf32>
      %and3A_235 = vector.broadcast %gt3A_234 : vector<128x1xi1> to vector<128x20xi1>
      %and3A_236 = arith.andi %and3A, %and3A_235 : vector<128x20xi1>
      %broadcast_in_dim3A_237 = vector.shape_cast %broadcast_in_dim3A_197 : vector<128x1xf32> to vector<128x1xf32>
      %broadcast_in_dim3A_238 = vector.broadcast %broadcast_in_dim3A_237 : vector<128x1xf32> to vector<128x20xf32>
      %select_n3A_239 = arith.select %and3A_236, %broadcast_in_dim3A_238, %get3A_217 : vector<128x20xi1>, vector<128x20xf32>
      %swap3A_240 = arith.constant 0 : index
      %swap3A_241 = arith.constant 0 : index
      %swap3A_242 = vector.load %arg11[%swap3A_240, %swap3A_241] : memref<128x20xf32, #tpu.memory_space<vmem>>, vector<128x20xf32>
      tpu.vector_store %arg11[%swap3A_240, %swap3A_241], %select_n3A_239 {strides = array<i32>} : memref<128x20xf32, #tpu.memory_space<vmem>>, vector<128x20xf32>,
      %broadcast_in_dim3A_243 = vector.shape_cast %add3A_214 : vector<128x1xi32> to vector<128x1xi32>
      %broadcast_in_dim3A_244 = vector.broadcast %broadcast_in_dim3A_243 : vector<128x1xi32> to vector<128x20xi32>
      %select_n3A_245 = arith.select %and3A_236, %broadcast_in_dim3A_244, %get3A_220 : vector<128x20xi1>, vector<128x20xi32>
      %swap3A_246 = arith.constant 0 : index
      %swap3A_247 = arith.constant 0 : index
      %swap3A_248 = vector.load %arg12[%swap3A_246, %swap3A_247] : memref<128x20xi32, #tpu.memory_space<vmem>>, vector<128x20xi32>
      tpu.vector_store %arg12[%swap3A_246, %swap3A_247], %select_n3A_245 {strides = array<i32>} : memref<128x20xi32, #tpu.memory_space<vmem>>, vector<128x20xi32>,
    } else {
    }
    %eq3A_187 = arith.constant 24 : i32
    %eq3A_188 = arith.cmpi eq, %arg0, %eq3A_187 : i32
    %convert_element_type3A_189 = arith.extui %eq3A_188 : i1 to i32
    %cond3A_190 = arith.constant 0 : i32
    %cond3A_191 = arith.cmpi ne, %convert_element_type3A_189, %cond3A_190 : i32
    scf.if %cond3A_191 {
      %get3A_192 = arith.constant 0 : index
      %get3A_193 = arith.constant 0 : index
      %get3A_194 = vector.load %arg11[%get3A_192, %get3A_193] : memref<128x20xf32, #tpu.memory_space<vmem>>, vector<128x20xf32>
      %get3A_195 = arith.constant 0 : index
      %get3A_196 = arith.constant 0 : index
      %get3A_197 = vector.load %arg12[%get3A_195, %get3A_196] : memref<128x20xi32, #tpu.memory_space<vmem>>, vector<128x20xi32>
      %reduce_max3A_198 = arith.constant dense<0xFF800000> : vector<128xf32>
      %reduce_max3A_199 = vector.multi_reduction <maximumf>, %get3A_194, %reduce_max3A_198 [1] : vector<128x20xf32> to vector<128xf32>
      %broadcast_in_dim3A_200 = vector.shape_cast %reduce_max3A_199 : vector<128xf32> to vector<128x1xf32>
      %ge3A = vector.broadcast %broadcast_in_dim3A_200 : vector<128x1xf32> to vector<128x20xf32>
      %ge3A_201 = arith.cmpf oge, %get3A_194, %ge3A : vector<128x20xf32>
      %jit3A = arith.constant 1073741824 : i32
      %broadcast_in_dim3A_202 = vector.broadcast %jit3A : i32 to vector<128x20xi32>
      %select_n3A = arith.select %ge3A_201, %get3A_197, %broadcast_in_dim3A_202 : vector<128x20xi1>, vector<128x20xi32>
      %reduce_min3A_203 = arith.constant dense<2147483647> : vector<128xi32>
      %reduce_min3A_204 = vector.multi_reduction <minsi>, %select_n3A, %reduce_min3A_203 [1] : vector<128x20xi32> to vector<128xi32>
      %broadcast_in_dim3A_205 = vector.shape_cast %reduce_min3A_204 : vector<128xi32> to vector<128x1xi32>
      %eq3A_206 = vector.broadcast %broadcast_in_dim3A_205 : vector<128x1xi32> to vector<128x20xi32>
      %eq3A_207 = arith.cmpi eq, %get3A_197, %eq3A_206 : vector<128x20xi32>
      %and3A = arith.andi %ge3A_201, %eq3A_207 : vector<128x20xi1>
      %jit3A_208 = arith.constant -3.000000e+38 : f32
      %broadcast_in_dim3A_209 = vector.broadcast %jit3A_208 : f32 to vector<128x20xf32>
      %select_n3A_210 = arith.select %and3A, %broadcast_in_dim3A_209, %get3A_194 : vector<128x20xi1>, vector<128x20xf32>
      %reduce_max3A_211 = arith.constant dense<0xFF800000> : vector<128xf32>
      %reduce_max3A_212 = vector.multi_reduction <maximumf>, %select_n3A_210, %reduce_max3A_211 [1] : vector<128x20xf32> to vector<128xf32>
      %broadcast_in_dim3A_213 = vector.shape_cast %reduce_max3A_212 : vector<128xf32> to vector<128x1xf32>
      %ge3A_214 = vector.broadcast %broadcast_in_dim3A_213 : vector<128x1xf32> to vector<128x20xf32>
      %ge3A_215 = arith.cmpf oge, %select_n3A_210, %ge3A_214 : vector<128x20xf32>
      %jit3A_216 = arith.constant 1073741824 : i32
      %broadcast_in_dim3A_217 = vector.broadcast %jit3A_216 : i32 to vector<128x20xi32>
      %select_n3A_218 = arith.select %ge3A_215, %get3A_197, %broadcast_in_dim3A_217 : vector<128x20xi1>, vector<128x20xi32>
      %reduce_min3A_219 = arith.constant dense<2147483647> : vector<128xi32>
      %reduce_min3A_220 = vector.multi_reduction <minsi>, %select_n3A_218, %reduce_min3A_219 [1] : vector<128x20xi32> to vector<128xi32>
      %broadcast_in_dim3A_221 = vector.shape_cast %reduce_min3A_220 : vector<128xi32> to vector<128x1xi32>
      %eq3A_222 = vector.broadcast %broadcast_in_dim3A_221 : vector<128x1xi32> to vector<128x20xi32>
      %eq3A_223 = arith.cmpi eq, %get3A_197, %eq3A_222 : vector<128x20xi32>
      %and3A_224 = arith.andi %ge3A_215, %eq3A_223 : vector<128x20xi1>
      %jit3A_225 = arith.constant -3.000000e+38 : f32
      %broadcast_in_dim3A_226 = vector.broadcast %jit3A_225 : f32 to vector<128x20xf32>
      %select_n3A_227 = arith.select %and3A_224, %broadcast_in_dim3A_226, %select_n3A_210 : vector<128x20xi1>, vector<128x20xf32>
      %reduce_max3A_228 = arith.constant dense<0xFF800000> : vector<128xf32>
      %reduce_max3A_229 = vector.multi_reduction <maximumf>, %select_n3A_227, %reduce_max3A_228 [1] : vector<128x20xf32> to vector<128xf32>
      %broadcast_in_dim3A_230 = vector.shape_cast %reduce_max3A_229 : vector<128xf32> to vector<128x1xf32>
      %ge3A_231 = vector.broadcast %broadcast_in_dim3A_230 : vector<128x1xf32> to vector<128x20xf32>
      %ge3A_232 = arith.cmpf oge, %select_n3A_227, %ge3A_231 : vector<128x20xf32>
      %jit3A_233 = arith.constant 1073741824 : i32
      %broadcast_in_dim3A_234 = vector.broadcast %jit3A_233 : i32 to vector<128x20xi32>
      %select_n3A_235 = arith.select %ge3A_232, %get3A_197, %broadcast_in_dim3A_234 : vector<128x20xi1>, vector<128x20xi32>
      %reduce_min3A_236 = arith.constant dense<2147483647> : vector<128xi32>
      %reduce_min3A_237 = vector.multi_reduction <minsi>, %select_n3A_235, %reduce_min3A_236 [1] : vector<128x20xi32> to vector<128xi32>
      %broadcast_in_dim3A_238 = vector.shape_cast %reduce_min3A_237 : vector<128xi32> to vector<128x1xi32>
      %eq3A_239 = vector.broadcast %broadcast_in_dim3A_238 : vector<128x1xi32> to vector<128x20xi32>
      %eq3A_240 = arith.cmpi eq, %get3A_197, %eq3A_239 : vector<128x20xi32>
      %and3A_241 = arith.andi %ge3A_232, %eq3A_240 : vector<128x20xi1>
      %jit3A_242 = arith.constant -3.000000e+38 : f32
      %broadcast_in_dim3A_243 = vector.broadcast %jit3A_242 : f32 to vector<128x20xf32>
      %select_n3A_244 = arith.select %and3A_241, %broadcast_in_dim3A_243, %select_n3A_227 : vector<128x20xi1>, vector<128x20xf32>
      %reduce_max3A_245 = arith.constant dense<0xFF800000> : vector<128xf32>
      %reduce_max3A_246 = vector.multi_reduction <maximumf>, %select_n3A_244, %reduce_max3A_245 [1] : vector<128x20xf32> to vector<128xf32>
      %broadcast_in_dim3A_247 = vector.shape_cast %reduce_max3A_246 : vector<128xf32> to vector<128x1xf32>
      %ge3A_248 = vector.broadcast %broadcast_in_dim3A_247 : vector<128x1xf32> to vector<128x20xf32>
      %ge3A_249 = arith.cmpf oge, %select_n3A_244, %ge3A_248 : vector<128x20xf32>
      %jit3A_250 = arith.constant 1073741824 : i32
      %broadcast_in_dim3A_251 = vector.broadcast %jit3A_250 : i32 to vector<128x20xi32>
      %select_n3A_252 = arith.select %ge3A_249, %get3A_197, %broadcast_in_dim3A_251 : vector<128x20xi1>, vector<128x20xi32>
      %reduce_min3A_253 = arith.constant dense<2147483647> : vector<128xi32>
      %reduce_min3A_254 = vector.multi_reduction <minsi>, %select_n3A_252, %reduce_min3A_253 [1] : vector<128x20xi32> to vector<128xi32>
      %broadcast_in_dim3A_255 = vector.shape_cast %reduce_min3A_254 : vector<128xi32> to vector<128x1xi32>
      %eq3A_256 = vector.broadcast %broadcast_in_dim3A_255 : vector<128x1xi32> to vector<128x20xi32>
      %eq3A_257 = arith.cmpi eq, %get3A_197, %eq3A_256 : vector<128x20xi32>
      %and3A_258 = arith.andi %ge3A_249, %eq3A_257 : vector<128x20xi1>
      %jit3A_259 = arith.constant -3.000000e+38 : f32
      %broadcast_in_dim3A_260 = vector.broadcast %jit3A_259 : f32 to vector<128x20xf32>
      %select_n3A_261 = arith.select %and3A_258, %broadcast_in_dim3A_260, %select_n3A_244 : vector<128x20xi1>, vector<128x20xf32>
      %reduce_max3A_262 = arith.constant dense<0xFF800000> : vector<128xf32>
      %reduce_max3A_263 = vector.multi_reduction <maximumf>, %select_n3A_261, %reduce_max3A_262 [1] : vector<128x20xf32> to vector<128xf32>
      %broadcast_in_dim3A_264 = vector.shape_cast %reduce_max3A_263 : vector<128xf32> to vector<128x1xf32>
      %ge3A_265 = vector.broadcast %broadcast_in_dim3A_264 : vector<128x1xf32> to vector<128x20xf32>
      %ge3A_266 = arith.cmpf oge, %select_n3A_261, %ge3A_265 : vector<128x20xf32>
      %jit3A_267 = arith.constant 1073741824 : i32
      %broadcast_in_dim3A_268 = vector.broadcast %jit3A_267 : i32 to vector<128x20xi32>
      %select_n3A_269 = arith.select %ge3A_266, %get3A_197, %broadcast_in_dim3A_268 : vector<128x20xi1>, vector<128x20xi32>
      %reduce_min3A_270 = arith.constant dense<2147483647> : vector<128xi32>
      %reduce_min3A_271 = vector.multi_reduction <minsi>, %select_n3A_269, %reduce_min3A_270 [1] : vector<128x20xi32> to vector<128xi32>
      %broadcast_in_dim3A_272 = vector.shape_cast %reduce_min3A_271 : vector<128xi32> to vector<128x1xi32>
      %eq3A_273 = vector.broadcast %broadcast_in_dim3A_272 : vector<128x1xi32> to vector<128x20xi32>
      %eq3A_274 = arith.cmpi eq, %get3A_197, %eq3A_273 : vector<128x20xi32>
      %and3A_275 = arith.andi %ge3A_266, %eq3A_274 : vector<128x20xi1>
      %jit3A_276 = arith.constant -3.000000e+38 : f32
      %broadcast_in_dim3A_277 = vector.broadcast %jit3A_276 : f32 to vector<128x20xf32>
      %select_n3A_278 = arith.select %and3A_275, %broadcast_in_dim3A_277, %select_n3A_261 : vector<128x20xi1>, vector<128x20xf32>
      %reduce_max3A_279 = arith.constant dense<0xFF800000> : vector<128xf32>
      %reduce_max3A_280 = vector.multi_reduction <maximumf>, %select_n3A_278, %reduce_max3A_279 [1] : vector<128x20xf32> to vector<128xf32>
      %broadcast_in_dim3A_281 = vector.shape_cast %reduce_max3A_280 : vector<128xf32> to vector<128x1xf32>
      %ge3A_282 = vector.broadcast %broadcast_in_dim3A_281 : vector<128x1xf32> to vector<128x20xf32>
      %ge3A_283 = arith.cmpf oge, %select_n3A_278, %ge3A_282 : vector<128x20xf32>
      %jit3A_284 = arith.constant 1073741824 : i32
      %broadcast_in_dim3A_285 = vector.broadcast %jit3A_284 : i32 to vector<128x20xi32>
      %select_n3A_286 = arith.select %ge3A_283, %get3A_197, %broadcast_in_dim3A_285 : vector<128x20xi1>, vector<128x20xi32>
      %reduce_min3A_287 = arith.constant dense<2147483647> : vector<128xi32>
      %reduce_min3A_288 = vector.multi_reduction <minsi>, %select_n3A_286, %reduce_min3A_287 [1] : vector<128x20xi32> to vector<128xi32>
      %broadcast_in_dim3A_289 = vector.shape_cast %reduce_min3A_288 : vector<128xi32> to vector<128x1xi32>
      %eq3A_290 = vector.broadcast %broadcast_in_dim3A_289 : vector<128x1xi32> to vector<128x20xi32>
      %eq3A_291 = arith.cmpi eq, %get3A_197, %eq3A_290 : vector<128x20xi32>
      %and3A_292 = arith.andi %ge3A_283, %eq3A_291 : vector<128x20xi1>
      %jit3A_293 = arith.constant -3.000000e+38 : f32
      %broadcast_in_dim3A_294 = vector.broadcast %jit3A_293 : f32 to vector<128x20xf32>
      %select_n3A_295 = arith.select %and3A_292, %broadcast_in_dim3A_294, %select_n3A_278 : vector<128x20xi1>, vector<128x20xf32>
      %reduce_max3A_296 = arith.constant dense<0xFF800000> : vector<128xf32>
      %reduce_max3A_297 = vector.multi_reduction <maximumf>, %select_n3A_295, %reduce_max3A_296 [1] : vector<128x20xf32> to vector<128xf32>
      %broadcast_in_dim3A_298 = vector.shape_cast %reduce_max3A_297 : vector<128xf32> to vector<128x1xf32>
      %ge3A_299 = vector.broadcast %broadcast_in_dim3A_298 : vector<128x1xf32> to vector<128x20xf32>
      %ge3A_300 = arith.cmpf oge, %select_n3A_295, %ge3A_299 : vector<128x20xf32>
      %jit3A_301 = arith.constant 1073741824 : i32
      %broadcast_in_dim3A_302 = vector.broadcast %jit3A_301 : i32 to vector<128x20xi32>
      %select_n3A_303 = arith.select %ge3A_300, %get3A_197, %broadcast_in_dim3A_302 : vector<128x20xi1>, vector<128x20xi32>
      %reduce_min3A_304 = arith.constant dense<2147483647> : vector<128xi32>
      %reduce_min3A_305 = vector.multi_reduction <minsi>, %select_n3A_303, %reduce_min3A_304 [1] : vector<128x20xi32> to vector<128xi32>
      %broadcast_in_dim3A_306 = vector.shape_cast %reduce_min3A_305 : vector<128xi32> to vector<128x1xi32>
      %eq3A_307 = vector.broadcast %broadcast_in_dim3A_306 : vector<128x1xi32> to vector<128x20xi32>
      %eq3A_308 = arith.cmpi eq, %get3A_197, %eq3A_307 : vector<128x20xi32>
      %and3A_309 = arith.andi %ge3A_300, %eq3A_308 : vector<128x20xi1>
      %jit3A_310 = arith.constant -3.000000e+38 : f32
      %broadcast_in_dim3A_311 = vector.broadcast %jit3A_310 : f32 to vector<128x20xf32>
      %select_n3A_312 = arith.select %and3A_309, %broadcast_in_dim3A_311, %select_n3A_295 : vector<128x20xi1>, vector<128x20xf32>
      %reduce_max3A_313 = arith.constant dense<0xFF800000> : vector<128xf32>
      %reduce_max3A_314 = vector.multi_reduction <maximumf>, %select_n3A_312, %reduce_max3A_313 [1] : vector<128x20xf32> to vector<128xf32>
      %broadcast_in_dim3A_315 = vector.shape_cast %reduce_max3A_314 : vector<128xf32> to vector<128x1xf32>
      %ge3A_316 = vector.broadcast %broadcast_in_dim3A_315 : vector<128x1xf32> to vector<128x20xf32>
      %ge3A_317 = arith.cmpf oge, %select_n3A_312, %ge3A_316 : vector<128x20xf32>
      %jit3A_318 = arith.constant 1073741824 : i32
      %broadcast_in_dim3A_319 = vector.broadcast %jit3A_318 : i32 to vector<128x20xi32>
      %select_n3A_320 = arith.select %ge3A_317, %get3A_197, %broadcast_in_dim3A_319 : vector<128x20xi1>, vector<128x20xi32>
      %reduce_min3A_321 = arith.constant dense<2147483647> : vector<128xi32>
      %reduce_min3A_322 = vector.multi_reduction <minsi>, %select_n3A_320, %reduce_min3A_321 [1] : vector<128x20xi32> to vector<128xi32>
      %broadcast_in_dim3A_323 = vector.shape_cast %reduce_min3A_322 : vector<128xi32> to vector<128x1xi32>
      %eq3A_324 = vector.broadcast %broadcast_in_dim3A_323 : vector<128x1xi32> to vector<128x20xi32>
      %eq3A_325 = arith.cmpi eq, %get3A_197, %eq3A_324 : vector<128x20xi32>
      %and3A_326 = arith.andi %ge3A_317, %eq3A_325 : vector<128x20xi1>
      %jit3A_327 = arith.constant -3.000000e+38 : f32
      %broadcast_in_dim3A_328 = vector.broadcast %jit3A_327 : f32 to vector<128x20xf32>
      %select_n3A_329 = arith.select %and3A_326, %broadcast_in_dim3A_328, %select_n3A_312 : vector<128x20xi1>, vector<128x20xf32>
      %reduce_max3A_330 = arith.constant dense<0xFF800000> : vector<128xf32>
      %reduce_max3A_331 = vector.multi_reduction <maximumf>, %select_n3A_329, %reduce_max3A_330 [1] : vector<128x20xf32> to vector<128xf32>
      %broadcast_in_dim3A_332 = vector.shape_cast %reduce_max3A_331 : vector<128xf32> to vector<128x1xf32>
      %ge3A_333 = vector.broadcast %broadcast_in_dim3A_332 : vector<128x1xf32> to vector<128x20xf32>
      %ge3A_334 = arith.cmpf oge, %select_n3A_329, %ge3A_333 : vector<128x20xf32>
      %jit3A_335 = arith.constant 1073741824 : i32
      %broadcast_in_dim3A_336 = vector.broadcast %jit3A_335 : i32 to vector<128x20xi32>
      %select_n3A_337 = arith.select %ge3A_334, %get3A_197, %broadcast_in_dim3A_336 : vector<128x20xi1>, vector<128x20xi32>
      %reduce_min3A_338 = arith.constant dense<2147483647> : vector<128xi32>
      %reduce_min3A_339 = vector.multi_reduction <minsi>, %select_n3A_337, %reduce_min3A_338 [1] : vector<128x20xi32> to vector<128xi32>
      %broadcast_in_dim3A_340 = vector.shape_cast %reduce_min3A_339 : vector<128xi32> to vector<128x1xi32>
      %eq3A_341 = vector.broadcast %broadcast_in_dim3A_340 : vector<128x1xi32> to vector<128x20xi32>
      %eq3A_342 = arith.cmpi eq, %get3A_197, %eq3A_341 : vector<128x20xi32>
      %and3A_343 = arith.andi %ge3A_334, %eq3A_342 : vector<128x20xi1>
      %jit3A_344 = arith.constant -3.000000e+38 : f32
      %broadcast_in_dim3A_345 = vector.broadcast %jit3A_344 : f32 to vector<128x20xf32>
      %select_n3A_346 = arith.select %and3A_343, %broadcast_in_dim3A_345, %select_n3A_329 : vector<128x20xi1>, vector<128x20xf32>
      %reduce_max3A_347 = arith.constant dense<0xFF800000> : vector<128xf32>
      %reduce_max3A_348 = vector.multi_reduction <maximumf>, %select_n3A_346, %reduce_max3A_347 [1] : vector<128x20xf32> to vector<128xf32>
      %broadcast_in_dim3A_349 = vector.shape_cast %reduce_max3A_348 : vector<128xf32> to vector<128x1xf32>
      %ge3A_350 = vector.broadcast %broadcast_in_dim3A_349 : vector<128x1xf32> to vector<128x20xf32>
      %ge3A_351 = arith.cmpf oge, %select_n3A_346, %ge3A_350 : vector<128x20xf32>
      %jit3A_352 = arith.constant 1073741824 : i32
      %broadcast_in_dim3A_353 = vector.broadcast %jit3A_352 : i32 to vector<128x20xi32>
      %select_n3A_354 = arith.select %ge3A_351, %get3A_197, %broadcast_in_dim3A_353 : vector<128x20xi1>, vector<128x20xi32>
      %reduce_min3A_355 = arith.constant dense<2147483647> : vector<128xi32>
      %reduce_min3A_356 = vector.multi_reduction <minsi>, %select_n3A_354, %reduce_min3A_355 [1] : vector<128x20xi32> to vector<128xi32>
      %broadcast_in_dim3A_357 = vector.shape_cast %reduce_min3A_356 : vector<128xi32> to vector<128x1xi32>
      %eq3A_358 = vector.broadcast %broadcast_in_dim3A_357 : vector<128x1xi32> to vector<128x20xi32>
      %eq3A_359 = arith.cmpi eq, %get3A_197, %eq3A_358 : vector<128x20xi32>
      %and3A_360 = arith.andi %ge3A_351, %eq3A_359 : vector<128x20xi1>
      %jit3A_361 = arith.constant -3.000000e+38 : f32
      %broadcast_in_dim3A_362 = vector.broadcast %jit3A_361 : f32 to vector<128x20xf32>
      %select_n3A_363 = arith.select %and3A_360, %broadcast_in_dim3A_362, %select_n3A_346 : vector<128x20xi1>, vector<128x20xf32>
      %reduce_max3A_364 = arith.constant dense<0xFF800000> : vector<128xf32>
      %reduce_max3A_365 = vector.multi_reduction <maximumf>, %select_n3A_363, %reduce_max3A_364 [1] : vector<128x20xf32> to vector<128xf32>
      %broadcast_in_dim3A_366 = vector.shape_cast %reduce_max3A_365 : vector<128xf32> to vector<128x1xf32>
      %ge3A_367 = vector.broadcast %broadcast_in_dim3A_366 : vector<128x1xf32> to vector<128x20xf32>
      %ge3A_368 = arith.cmpf oge, %select_n3A_363, %ge3A_367 : vector<128x20xf32>
      %jit3A_369 = arith.constant 1073741824 : i32
      %broadcast_in_dim3A_370 = vector.broadcast %jit3A_369 : i32 to vector<128x20xi32>
      %select_n3A_371 = arith.select %ge3A_368, %get3A_197, %broadcast_in_dim3A_370 : vector<128x20xi1>, vector<128x20xi32>
      %reduce_min3A_372 = arith.constant dense<2147483647> : vector<128xi32>
      %reduce_min3A_373 = vector.multi_reduction <minsi>, %select_n3A_371, %reduce_min3A_372 [1] : vector<128x20xi32> to vector<128xi32>
      %broadcast_in_dim3A_374 = vector.shape_cast %reduce_min3A_373 : vector<128xi32> to vector<128x1xi32>
      %eq3A_375 = vector.broadcast %broadcast_in_dim3A_374 : vector<128x1xi32> to vector<128x20xi32>
      %eq3A_376 = arith.cmpi eq, %get3A_197, %eq3A_375 : vector<128x20xi32>
      %and3A_377 = arith.andi %ge3A_368, %eq3A_376 : vector<128x20xi1>
      %jit3A_378 = arith.constant -3.000000e+38 : f32
      %broadcast_in_dim3A_379 = vector.broadcast %jit3A_378 : f32 to vector<128x20xf32>
      %select_n3A_380 = arith.select %and3A_377, %broadcast_in_dim3A_379, %select_n3A_363 : vector<128x20xi1>, vector<128x20xf32>
      %reduce_max3A_381 = arith.constant dense<0xFF800000> : vector<128xf32>
      %reduce_max3A_382 = vector.multi_reduction <maximumf>, %select_n3A_380, %reduce_max3A_381 [1] : vector<128x20xf32> to vector<128xf32>
      %broadcast_in_dim3A_383 = vector.shape_cast %reduce_max3A_382 : vector<128xf32> to vector<128x1xf32>
      %ge3A_384 = vector.broadcast %broadcast_in_dim3A_383 : vector<128x1xf32> to vector<128x20xf32>
      %ge3A_385 = arith.cmpf oge, %select_n3A_380, %ge3A_384 : vector<128x20xf32>
      %jit3A_386 = arith.constant 1073741824 : i32
      %broadcast_in_dim3A_387 = vector.broadcast %jit3A_386 : i32 to vector<128x20xi32>
      %select_n3A_388 = arith.select %ge3A_385, %get3A_197, %broadcast_in_dim3A_387 : vector<128x20xi1>, vector<128x20xi32>
      %reduce_min3A_389 = arith.constant dense<2147483647> : vector<128xi32>
      %reduce_min3A_390 = vector.multi_reduction <minsi>, %select_n3A_388, %reduce_min3A_389 [1] : vector<128x20xi32> to vector<128xi32>
      %broadcast_in_dim3A_391 = vector.shape_cast %reduce_min3A_390 : vector<128xi32> to vector<128x1xi32>
      %eq3A_392 = vector.broadcast %broadcast_in_dim3A_391 : vector<128x1xi32> to vector<128x20xi32>
      %eq3A_393 = arith.cmpi eq, %get3A_197, %eq3A_392 : vector<128x20xi32>
      %and3A_394 = arith.andi %ge3A_385, %eq3A_393 : vector<128x20xi1>
      %jit3A_395 = arith.constant -3.000000e+38 : f32
      %broadcast_in_dim3A_396 = vector.broadcast %jit3A_395 : f32 to vector<128x20xf32>
      %select_n3A_397 = arith.select %and3A_394, %broadcast_in_dim3A_396, %select_n3A_380 : vector<128x20xi1>, vector<128x20xf32>
      %reduce_max3A_398 = arith.constant dense<0xFF800000> : vector<128xf32>
      %reduce_max3A_399 = vector.multi_reduction <maximumf>, %select_n3A_397, %reduce_max3A_398 [1] : vector<128x20xf32> to vector<128xf32>
      %broadcast_in_dim3A_400 = vector.shape_cast %reduce_max3A_399 : vector<128xf32> to vector<128x1xf32>
      %ge3A_401 = vector.broadcast %broadcast_in_dim3A_400 : vector<128x1xf32> to vector<128x20xf32>
      %ge3A_402 = arith.cmpf oge, %select_n3A_397, %ge3A_401 : vector<128x20xf32>
      %jit3A_403 = arith.constant 1073741824 : i32
      %broadcast_in_dim3A_404 = vector.broadcast %jit3A_403 : i32 to vector<128x20xi32>
      %select_n3A_405 = arith.select %ge3A_402, %get3A_197, %broadcast_in_dim3A_404 : vector<128x20xi1>, vector<128x20xi32>
      %reduce_min3A_406 = arith.constant dense<2147483647> : vector<128xi32>
      %reduce_min3A_407 = vector.multi_reduction <minsi>, %select_n3A_405, %reduce_min3A_406 [1] : vector<128x20xi32> to vector<128xi32>
      %broadcast_in_dim3A_408 = vector.shape_cast %reduce_min3A_407 : vector<128xi32> to vector<128x1xi32>
      %eq3A_409 = vector.broadcast %broadcast_in_dim3A_408 : vector<128x1xi32> to vector<128x20xi32>
      %eq3A_410 = arith.cmpi eq, %get3A_197, %eq3A_409 : vector<128x20xi32>
      %and3A_411 = arith.andi %ge3A_402, %eq3A_410 : vector<128x20xi1>
      %jit3A_412 = arith.constant -3.000000e+38 : f32
      %broadcast_in_dim3A_413 = vector.broadcast %jit3A_412 : f32 to vector<128x20xf32>
      %select_n3A_414 = arith.select %and3A_411, %broadcast_in_dim3A_413, %select_n3A_397 : vector<128x20xi1>, vector<128x20xf32>
      %reduce_max3A_415 = arith.constant dense<0xFF800000> : vector<128xf32>
      %reduce_max3A_416 = vector.multi_reduction <maximumf>, %select_n3A_414, %reduce_max3A_415 [1] : vector<128x20xf32> to vector<128xf32>
      %broadcast_in_dim3A_417 = vector.shape_cast %reduce_max3A_416 : vector<128xf32> to vector<128x1xf32>
      %ge3A_418 = vector.broadcast %broadcast_in_dim3A_417 : vector<128x1xf32> to vector<128x20xf32>
      %ge3A_419 = arith.cmpf oge, %select_n3A_414, %ge3A_418 : vector<128x20xf32>
      %jit3A_420 = arith.constant 1073741824 : i32
      %broadcast_in_dim3A_421 = vector.broadcast %jit3A_420 : i32 to vector<128x20xi32>
      %select_n3A_422 = arith.select %ge3A_419, %get3A_197, %broadcast_in_dim3A_421 : vector<128x20xi1>, vector<128x20xi32>
      %reduce_min3A_423 = arith.constant dense<2147483647> : vector<128xi32>
      %reduce_min3A_424 = vector.multi_reduction <minsi>, %select_n3A_422, %reduce_min3A_423 [1] : vector<128x20xi32> to vector<128xi32>
      %broadcast_in_dim3A_425 = vector.shape_cast %reduce_min3A_424 : vector<128xi32> to vector<128x1xi32>
      %eq3A_426 = vector.broadcast %broadcast_in_dim3A_425 : vector<128x1xi32> to vector<128x20xi32>
      %eq3A_427 = arith.cmpi eq, %get3A_197, %eq3A_426 : vector<128x20xi32>
      %and3A_428 = arith.andi %ge3A_419, %eq3A_427 : vector<128x20xi1>
      %jit3A_429 = arith.constant -3.000000e+38 : f32
      %broadcast_in_dim3A_430 = vector.broadcast %jit3A_429 : f32 to vector<128x20xf32>
      %select_n3A_431 = arith.select %and3A_428, %broadcast_in_dim3A_430, %select_n3A_414 : vector<128x20xi1>, vector<128x20xf32>
      %reduce_max3A_432 = arith.constant dense<0xFF800000> : vector<128xf32>
      %reduce_max3A_433 = vector.multi_reduction <maximumf>, %select_n3A_431, %reduce_max3A_432 [1] : vector<128x20xf32> to vector<128xf32>
      %broadcast_in_dim3A_434 = vector.shape_cast %reduce_max3A_433 : vector<128xf32> to vector<128x1xf32>
      %ge3A_435 = vector.broadcast %broadcast_in_dim3A_434 : vector<128x1xf32> to vector<128x20xf32>
      %ge3A_436 = arith.cmpf oge, %select_n3A_431, %ge3A_435 : vector<128x20xf32>
      %jit3A_437 = arith.constant 1073741824 : i32
      %broadcast_in_dim3A_438 = vector.broadcast %jit3A_437 : i32 to vector<128x20xi32>
      %select_n3A_439 = arith.select %ge3A_436, %get3A_197, %broadcast_in_dim3A_438 : vector<128x20xi1>, vector<128x20xi32>
      %reduce_min3A_440 = arith.constant dense<2147483647> : vector<128xi32>
      %reduce_min3A_441 = vector.multi_reduction <minsi>, %select_n3A_439, %reduce_min3A_440 [1] : vector<128x20xi32> to vector<128xi32>
      %broadcast_in_dim3A_442 = vector.shape_cast %reduce_min3A_441 : vector<128xi32> to vector<128x1xi32>
      %eq3A_443 = vector.broadcast %broadcast_in_dim3A_442 : vector<128x1xi32> to vector<128x20xi32>
      %eq3A_444 = arith.cmpi eq, %get3A_197, %eq3A_443 : vector<128x20xi32>
      %and3A_445 = arith.andi %ge3A_436, %eq3A_444 : vector<128x20xi1>
      %jit3A_446 = arith.constant -3.000000e+38 : f32
      %broadcast_in_dim3A_447 = vector.broadcast %jit3A_446 : f32 to vector<128x20xf32>
      %select_n3A_448 = arith.select %and3A_445, %broadcast_in_dim3A_447, %select_n3A_431 : vector<128x20xi1>, vector<128x20xf32>
      %reduce_max3A_449 = arith.constant dense<0xFF800000> : vector<128xf32>
      %reduce_max3A_450 = vector.multi_reduction <maximumf>, %select_n3A_448, %reduce_max3A_449 [1] : vector<128x20xf32> to vector<128xf32>
      %broadcast_in_dim3A_451 = vector.shape_cast %reduce_max3A_450 : vector<128xf32> to vector<128x1xf32>
      %ge3A_452 = vector.broadcast %broadcast_in_dim3A_451 : vector<128x1xf32> to vector<128x20xf32>
      %ge3A_453 = arith.cmpf oge, %select_n3A_448, %ge3A_452 : vector<128x20xf32>
      %jit3A_454 = arith.constant 1073741824 : i32
      %broadcast_in_dim3A_455 = vector.broadcast %jit3A_454 : i32 to vector<128x20xi32>
      %select_n3A_456 = arith.select %ge3A_453, %get3A_197, %broadcast_in_dim3A_455 : vector<128x20xi1>, vector<128x20xi32>
      %reduce_min3A_457 = arith.constant dense<2147483647> : vector<128xi32>
      %reduce_min3A_458 = vector.multi_reduction <minsi>, %select_n3A_456, %reduce_min3A_457 [1] : vector<128x20xi32> to vector<128xi32>
      %broadcast_in_dim3A_459 = vector.shape_cast %reduce_min3A_458 : vector<128xi32> to vector<128x1xi32>
      %eq3A_460 = vector.broadcast %broadcast_in_dim3A_459 : vector<128x1xi32> to vector<128x20xi32>
      %eq3A_461 = arith.cmpi eq, %get3A_197, %eq3A_460 : vector<128x20xi32>
      %and3A_462 = arith.andi %ge3A_453, %eq3A_461 : vector<128x20xi1>
      %jit3A_463 = arith.constant -3.000000e+38 : f32
      %broadcast_in_dim3A_464 = vector.broadcast %jit3A_463 : f32 to vector<128x20xf32>
      %select_n3A_465 = arith.select %and3A_462, %broadcast_in_dim3A_464, %select_n3A_448 : vector<128x20xi1>, vector<128x20xf32>
      %reduce_max3A_466 = arith.constant dense<0xFF800000> : vector<128xf32>
      %reduce_max3A_467 = vector.multi_reduction <maximumf>, %select_n3A_465, %reduce_max3A_466 [1] : vector<128x20xf32> to vector<128xf32>
      %broadcast_in_dim3A_468 = vector.shape_cast %reduce_max3A_467 : vector<128xf32> to vector<128x1xf32>
      %ge3A_469 = vector.broadcast %broadcast_in_dim3A_468 : vector<128x1xf32> to vector<128x20xf32>
      %ge3A_470 = arith.cmpf oge, %select_n3A_465, %ge3A_469 : vector<128x20xf32>
      %jit3A_471 = arith.constant 1073741824 : i32
      %broadcast_in_dim3A_472 = vector.broadcast %jit3A_471 : i32 to vector<128x20xi32>
      %select_n3A_473 = arith.select %ge3A_470, %get3A_197, %broadcast_in_dim3A_472 : vector<128x20xi1>, vector<128x20xi32>
      %reduce_min3A_474 = arith.constant dense<2147483647> : vector<128xi32>
      %reduce_min3A_475 = vector.multi_reduction <minsi>, %select_n3A_473, %reduce_min3A_474 [1] : vector<128x20xi32> to vector<128xi32>
      %broadcast_in_dim3A_476 = vector.shape_cast %reduce_min3A_475 : vector<128xi32> to vector<128x1xi32>
      %eq3A_477 = vector.broadcast %broadcast_in_dim3A_476 : vector<128x1xi32> to vector<128x20xi32>
      %eq3A_478 = arith.cmpi eq, %get3A_197, %eq3A_477 : vector<128x20xi32>
      %and3A_479 = arith.andi %ge3A_470, %eq3A_478 : vector<128x20xi1>
      %jit3A_480 = arith.constant -3.000000e+38 : f32
      %broadcast_in_dim3A_481 = vector.broadcast %jit3A_480 : f32 to vector<128x20xf32>
      %select_n3A_482 = arith.select %and3A_479, %broadcast_in_dim3A_481, %select_n3A_465 : vector<128x20xi1>, vector<128x20xf32>
      %reduce_max3A_483 = arith.constant dense<0xFF800000> : vector<128xf32>
      %reduce_max3A_484 = vector.multi_reduction <maximumf>, %select_n3A_482, %reduce_max3A_483 [1] : vector<128x20xf32> to vector<128xf32>
      %broadcast_in_dim3A_485 = vector.shape_cast %reduce_max3A_484 : vector<128xf32> to vector<128x1xf32>
      %ge3A_486 = vector.broadcast %broadcast_in_dim3A_485 : vector<128x1xf32> to vector<128x20xf32>
      %ge3A_487 = arith.cmpf oge, %select_n3A_482, %ge3A_486 : vector<128x20xf32>
      %jit3A_488 = arith.constant 1073741824 : i32
      %broadcast_in_dim3A_489 = vector.broadcast %jit3A_488 : i32 to vector<128x20xi32>
      %select_n3A_490 = arith.select %ge3A_487, %get3A_197, %broadcast_in_dim3A_489 : vector<128x20xi1>, vector<128x20xi32>
      %reduce_min3A_491 = arith.constant dense<2147483647> : vector<128xi32>
      %reduce_min3A_492 = vector.multi_reduction <minsi>, %select_n3A_490, %reduce_min3A_491 [1] : vector<128x20xi32> to vector<128xi32>
      %broadcast_in_dim3A_493 = vector.shape_cast %reduce_min3A_492 : vector<128xi32> to vector<128x1xi32>
      %eq3A_494 = vector.broadcast %broadcast_in_dim3A_493 : vector<128x1xi32> to vector<128x20xi32>
      %eq3A_495 = arith.cmpi eq, %get3A_197, %eq3A_494 : vector<128x20xi32>
      %and3A_496 = arith.andi %ge3A_487, %eq3A_495 : vector<128x20xi1>
      %jit3A_497 = arith.constant -3.000000e+38 : f32
      %broadcast_in_dim3A_498 = vector.broadcast %jit3A_497 : f32 to vector<128x20xf32>
      %select_n3A_499 = arith.select %and3A_496, %broadcast_in_dim3A_498, %select_n3A_482 : vector<128x20xi1>, vector<128x20xf32>
      %reduce_max3A_500 = arith.constant dense<0xFF800000> : vector<128xf32>
      %reduce_max3A_501 = vector.multi_reduction <maximumf>, %select_n3A_499, %reduce_max3A_500 [1] : vector<128x20xf32> to vector<128xf32>
      %broadcast_in_dim3A_502 = vector.shape_cast %reduce_max3A_501 : vector<128xf32> to vector<128x1xf32>
      %ge3A_503 = vector.broadcast %broadcast_in_dim3A_502 : vector<128x1xf32> to vector<128x20xf32>
      %ge3A_504 = arith.cmpf oge, %select_n3A_499, %ge3A_503 : vector<128x20xf32>
      %jit3A_505 = arith.constant 1073741824 : i32
      %broadcast_in_dim3A_506 = vector.broadcast %jit3A_505 : i32 to vector<128x20xi32>
      %select_n3A_507 = arith.select %ge3A_504, %get3A_197, %broadcast_in_dim3A_506 : vector<128x20xi1>, vector<128x20xi32>
      %reduce_min3A_508 = arith.constant dense<2147483647> : vector<128xi32>
      %reduce_min3A_509 = vector.multi_reduction <minsi>, %select_n3A_507, %reduce_min3A_508 [1] : vector<128x20xi32> to vector<128xi32>
      %broadcast_in_dim3A_510 = vector.shape_cast %reduce_min3A_509 : vector<128xi32> to vector<128x1xi32>
      %eq3A_511 = vector.broadcast %broadcast_in_dim3A_510 : vector<128x1xi32> to vector<128x20xi32>
      %eq3A_512 = arith.cmpi eq, %get3A_197, %eq3A_511 : vector<128x20xi32>
      %and3A_513 = arith.andi %ge3A_504, %eq3A_512 : vector<128x20xi1>
      %jit3A_514 = arith.constant -3.000000e+38 : f32
      %broadcast_in_dim3A_515 = vector.broadcast %jit3A_514 : f32 to vector<128x20xf32>
      %select_n3A_516 = arith.select %and3A_513, %broadcast_in_dim3A_515, %select_n3A_499 : vector<128x20xi1>, vector<128x20xf32>
      %reduce_max3A_517 = arith.constant dense<0xFF800000> : vector<128xf32>
      %reduce_max3A_518 = vector.multi_reduction <maximumf>, %select_n3A_516, %reduce_max3A_517 [1] : vector<128x20xf32> to vector<128xf32>
      %broadcast_in_dim3A_519 = vector.shape_cast %reduce_max3A_518 : vector<128xf32> to vector<128x1xf32>
      %ge3A_520 = vector.broadcast %broadcast_in_dim3A_519 : vector<128x1xf32> to vector<128x20xf32>
      %ge3A_521 = arith.cmpf oge, %select_n3A_516, %ge3A_520 : vector<128x20xf32>
      %jit3A_522 = arith.constant 1073741824 : i32
      %broadcast_in_dim3A_523 = vector.broadcast %jit3A_522 : i32 to vector<128x20xi32>
      %select_n3A_524 = arith.select %ge3A_521, %get3A_197, %broadcast_in_dim3A_523 : vector<128x20xi1>, vector<128x20xi32>
      %reduce_min3A_525 = arith.constant dense<2147483647> : vector<128xi32>
      %reduce_min3A_526 = vector.multi_reduction <minsi>, %select_n3A_524, %reduce_min3A_525 [1] : vector<128x20xi32> to vector<128xi32>
      %broadcast_in_dim3A_527 = vector.shape_cast %reduce_min3A_526 : vector<128xi32> to vector<128x1xi32>
      %concatenate3A_528 = tpu.concatenate %broadcast_in_dim3A_205, %broadcast_in_dim3A_221, %broadcast_in_dim3A_238, %broadcast_in_dim3A_255, %broadcast_in_dim3A_272, %broadcast_in_dim3A_289, %broadcast_in_dim3A_306, %broadcast_in_dim3A_323, %broadcast_in_dim3A_340, %broadcast_in_dim3A_357, %broadcast_in_dim3A_374, %broadcast_in_dim3A_391, %broadcast_in_dim3A_408, %broadcast_in_dim3A_425, %broadcast_in_dim3A_442, %broadcast_in_dim3A_459, %broadcast_in_dim3A_476, %broadcast_in_dim3A_493, %broadcast_in_dim3A_510, %broadcast_in_dim3A_527 in 1 : vector<128x1xi32>, vector<128x1xi32>, vector<128x1xi32>, vector<128x1xi32>, vector<128x1xi32>, vector<128x1xi32>, vector<128x1xi32>, vector<128x1xi32>, vector<128x1xi32>, vector<128x1xi32>, vector<128x1xi32>, vector<128x1xi32>, vector<128x1xi32>, vector<128x1xi32>, vector<128x1xi32>, vector<128x1xi32>, vector<128x1xi32>, vector<128x1xi32>, vector<128x1xi32>, vector<128x1xi32> -> vector<128x20xi32>
      %swap3A_529 = arith.constant 0 : index
      %swap3A_530 = arith.constant 0 : index
      %swap3A_531 = vector.load %arg8[%swap3A_529, %swap3A_530] : memref<128x20xi32, #tpu.memory_space<vmem>>, vector<128x20xi32>
      tpu.vector_store %arg8[%swap3A_529, %swap3A_530], %concatenate3A_528 {strides = array<i32>} : memref<128x20xi32, #tpu.memory_space<vmem>>, vector<128x20xi32>,
    } else {
    }
    return
  }
  func.func @transform_0(%arg0: i32) -> (i32, i32) {
    %c0_i32 = arith.constant 0 : i32
    %c0_i32_0 = arith.constant 0 : i32
    %c0_i32_1 = arith.constant 0 : i32
    return %c0_i32, %c0_i32_0 : i32, i32
  }
  func.func @transform_1(%arg0: i32) -> (i32, i32) {
    %c0_i32 = arith.constant 0 : i32
    %c0_i32_0 = arith.constant 0 : i32
    %c0_i32_1 = arith.constant 0 : i32
    return %c0_i32, %c0_i32_0 : i32, i32
  }
  func.func @transform_2(%arg0: i32) -> (i32, i32) {
    %c0_i32 = arith.constant 0 : i32
    %c0_i32_0 = arith.constant 0 : i32
    %c0_i32_1 = arith.constant 0 : i32
    return %c0_i32, %c0_i32_0 : i32, i32
  }
  func.func @transform_3(%arg0: i32) -> i32 {
    %c0_i32 = arith.constant 0 : i32
    %c0_i32_0 = arith.constant 0 : i32
    return %c0_i32 : i32
  }
  func.func @transform_4(%arg0: i32) -> (i32, i32) {
    %c0_i32 = arith.constant 0 : i32
    %c0_i32_0 = arith.constant 0 : i32
    %c0_i32_1 = arith.constant 0 : i32
    return %c0_i32, %c0_i32_0 : i32, i32
  }
  func.func @transform_5(%arg0: i32) -> i32 {
    %c0_i32 = arith.constant 0 : i32
    %c0_i32_0 = arith.constant 0 : i32
    return %c0_i32 : i32
  }
  func.func @transform_6(%arg0: i32) -> (i32, i32) {
    %c0_i32 = arith.constant 0 : i32
    %c0_i32_0 = arith.constant 0 : i32
    return %arg0, %c0_i32 : i32, i32
  }
  func.func @transform_7(%arg0: i32) -> (i32, i32) {
    %c0_i32 = arith.constant 0 : i32
    %c0_i32_0 = arith.constant 0 : i32
    %c0_i32_1 = arith.constant 0 : i32
    return %c0_i32, %c0_i32_0 : i32, i32
  }
  func.func @transform_8(%arg0: i32) -> (i32, i32, i32) {
    %c0_i32 = arith.constant 0 : i32
    %c0_i32_0 = arith.constant 0 : i32
    %c0_i32_1 = arith.constant 0 : i32
    %c0_i32_2 = arith.constant 0 : i32
    return %c0_i32, %c0_i32_0, %c0_i32_1 : i32, i32, i32
  }
}

module attributes {stable_mosaic.version = 14 : i64} {
  func.func @_attn_body(%arg0: i32, %arg1: memref<800x64xf32, #tpu.memory_space<vmem>>, %arg2: memref<1x20x64xf32, #tpu.memory_space<vmem>>, %arg3: memref<160x160xf32, #tpu.memory_space<vmem>>, %arg4: memref<64x64xf32, #tpu.memory_space<vmem>>, %arg5: memref<64x64xf32, #tpu.memory_space<vmem>>, %arg6: memref<64x64xf32, #tpu.memory_space<vmem>>, %arg7: memref<64x64xf32, #tpu.memory_space<vmem>>, %arg8: memref<64x2xf32, #tpu.memory_space<vmem>>, %arg9: memref<2xf32, #tpu.memory_space<vmem>>, %arg10: memref<800x2xf32, #tpu.memory_space<vmem>>) attributes {dimension_semantics = [#tpu.dimension_semantics<arbitrary>], iteration_bounds = array<i64: 128>, scalar_prefetch = 0 : i64, scratch_operands = 0 : i64, tpu.core_type = #tpu.core_type<tc>, window_params = [{transform_indices = @transform_0, window_bounds = array<i64: 800, 64>}, {transform_indices = @transform_1, window_bounds = array<i64: 1, 20, 64>}, {pipeline_mode = #tpu.pipeline_mode<synchronous>, transform_indices = @transform_2, window_bounds = array<i64: 160, 160>}, {pipeline_mode = #tpu.pipeline_mode<synchronous>, transform_indices = @transform_3, window_bounds = array<i64: 64, 64>}, {pipeline_mode = #tpu.pipeline_mode<synchronous>, transform_indices = @transform_4, window_bounds = array<i64: 64, 64>}, {pipeline_mode = #tpu.pipeline_mode<synchronous>, transform_indices = @transform_5, window_bounds = array<i64: 64, 64>}, {pipeline_mode = #tpu.pipeline_mode<synchronous>, transform_indices = @transform_6, window_bounds = array<i64: 64, 64>}, {pipeline_mode = #tpu.pipeline_mode<synchronous>, transform_indices = @transform_7, window_bounds = array<i64: 64, 2>}, {pipeline_mode = #tpu.pipeline_mode<synchronous>, transform_indices = @transform_8, window_bounds = array<i64: 2>}, {transform_indices = @transform_9, window_bounds = array<i64: 800, 2>}]} {
    %get3A = arith.constant 0 : index
    %get3A_0 = arith.constant 0 : index
    %get3A_1 = vector.load %arg1[%get3A, %get3A_0] : memref<800x64xf32, #tpu.memory_space<vmem>>, vector<800x64xf32>
    %get3A_2 = arith.constant 0 : index
    %get3A_3 = arith.constant 0 : index
    %get3A_4 = arith.constant 0 : index
    %get3A_5 = vector.load %arg2[%get3A_2, %get3A_3, %get3A_4] : memref<1x20x64xf32, #tpu.memory_space<vmem>>, vector<1x20x64xf32>
    %get3A_6 = vector.shape_cast %get3A_5 : vector<1x20x64xf32> to vector<20x64xf32>
    %get3A_7 = arith.constant 0 : index
    %get3A_8 = arith.constant 0 : index
    %get3A_9 = vector.load %arg5[%get3A_7, %get3A_8] : memref<64x64xf32, #tpu.memory_space<vmem>>, vector<64x64xf32>
    %get3A_10 = arith.constant 0 : index
    %get3A_11 = arith.constant 0 : index
    %get3A_12 = vector.load %arg6[%get3A_10, %get3A_11] : memref<64x64xf32, #tpu.memory_space<vmem>>, vector<64x64xf32>
    %get3A_13 = arith.constant 0 : index
    %get3A_14 = arith.constant 0 : index
    %get3A_15 = vector.load %arg4[%get3A_13, %get3A_14] : memref<64x64xf32, #tpu.memory_space<vmem>>, vector<64x64xf32>
    %convert_element_type3A = arith.truncf %get3A_1 : vector<800x64xf32> to vector<800x64xbf16>
    %convert_element_type3A_16 = arith.truncf %get3A_15 : vector<64x64xf32> to vector<64x64xbf16>
    %dot_general3A = arith.constant dense<0.000000e+00> : vector<800x64xf32>
    %dot_general3A_17 = tpu.matmul %convert_element_type3A, %convert_element_type3A_16, %dot_general3A {dimension_numbers = #tpu.dot_dimension_numbers<[1], [0], [0], [1], [0, 0, 1, 1], [], []>, transpose_lhs_hint = false} : vector<800x64xbf16>, vector<64x64xbf16>, vector<800x64xf32> -> vector<800x64xf32>
    %mul3A = arith.constant 1.250000e-01 : f32
    %mul3A_18 = vector.broadcast %mul3A : f32 to vector<800x64xf32>
    %mul3A_19 = arith.mulf %dot_general3A_17, %mul3A_18 : vector<800x64xf32>
    %convert_element_type3A_20 = arith.truncf %get3A_1 : vector<800x64xf32> to vector<800x64xbf16>
    %convert_element_type3A_21 = arith.truncf %get3A_9 : vector<64x64xf32> to vector<64x64xbf16>
    %dot_general3A_22 = arith.constant dense<0.000000e+00> : vector<800x64xf32>
    %dot_general3A_23 = tpu.matmul %convert_element_type3A_20, %convert_element_type3A_21, %dot_general3A_22 {dimension_numbers = #tpu.dot_dimension_numbers<[1], [0], [0], [1], [0, 0, 1, 1], [], []>, transpose_lhs_hint = false} : vector<800x64xbf16>, vector<64x64xbf16>, vector<800x64xf32> -> vector<800x64xf32>
    %convert_element_type3A_24 = arith.truncf %get3A_1 : vector<800x64xf32> to vector<800x64xbf16>
    %convert_element_type3A_25 = arith.truncf %get3A_12 : vector<64x64xf32> to vector<64x64xbf16>
    %dot_general3A_26 = arith.constant dense<0.000000e+00> : vector<800x64xf32>
    %dot_general3A_27 = tpu.matmul %convert_element_type3A_24, %convert_element_type3A_25, %dot_general3A_26 {dimension_numbers = #tpu.dot_dimension_numbers<[1], [0], [0], [1], [0, 0, 1, 1], [], []>, transpose_lhs_hint = false} : vector<800x64xbf16>, vector<64x64xbf16>, vector<800x64xf32> -> vector<800x64xf32>
    %convert_element_type3A_28 = arith.truncf %get3A_6 : vector<20x64xf32> to vector<20x64xbf16>
    %convert_element_type3A_29 = arith.truncf %get3A_9 : vector<64x64xf32> to vector<64x64xbf16>
    %dot_general3A_30 = arith.constant dense<0.000000e+00> : vector<20x64xf32>
    %dot_general3A_31 = tpu.matmul %convert_element_type3A_28, %convert_element_type3A_29, %dot_general3A_30 {dimension_numbers = #tpu.dot_dimension_numbers<[1], [0], [0], [1], [0, 0, 1, 1], [], []>, transpose_lhs_hint = false} : vector<20x64xbf16>, vector<64x64xbf16>, vector<20x64xf32> -> vector<20x64xf32>
    %convert_element_type3A_32 = arith.truncf %get3A_6 : vector<20x64xf32> to vector<20x64xbf16>
    %convert_element_type3A_33 = arith.truncf %get3A_12 : vector<64x64xf32> to vector<64x64xbf16>
    %dot_general3A_34 = arith.constant dense<0.000000e+00> : vector<20x64xf32>
    %dot_general3A_35 = tpu.matmul %convert_element_type3A_32, %convert_element_type3A_33, %dot_general3A_34 {dimension_numbers = #tpu.dot_dimension_numbers<[1], [0], [0], [1], [0, 0, 1, 1], [], []>, transpose_lhs_hint = false} : vector<20x64xbf16>, vector<64x64xbf16>, vector<20x64xf32> -> vector<20x64xf32>
    %get3A_36 = arith.constant 0 : index
    %get3A_37 = arith.constant 0 : index
    %get3A_38 = vector.load %arg7[%get3A_36, %get3A_37] : memref<64x64xf32, #tpu.memory_space<vmem>>, vector<64x64xf32>
    %get3A_39 = arith.constant 0 : index
    %get3A_40 = arith.constant 0 : index
    %get3A_41 = vector.load %arg8[%get3A_39, %get3A_40] : memref<64x2xf32, #tpu.memory_space<vmem>>, vector<64x2xf32>
    %convert_element_type3A_42 = arith.truncf %get3A_38 : vector<64x64xf32> to vector<64x64xbf16>
    %convert_element_type3A_43 = arith.truncf %get3A_41 : vector<64x2xf32> to vector<64x2xbf16>
    %dot_general3A_44 = arith.constant dense<0.000000e+00> : vector<64x2xf32>
    %dot_general3A_45 = tpu.matmul %convert_element_type3A_42, %convert_element_type3A_43, %dot_general3A_44 {dimension_numbers = #tpu.dot_dimension_numbers<[1], [0], [0], [1], [0, 0, 1, 1], [], []>, transpose_lhs_hint = false} : vector<64x64xbf16>, vector<64x2xbf16>, vector<64x2xf32> -> vector<64x2xf32>
    %convert_element_type3A_46 = arith.truncf %mul3A_19 : vector<800x64xf32> to vector<800x64xbf16>
    %convert_element_type3A_47 = arith.truncf %dot_general3A_31 : vector<20x64xf32> to vector<20x64xbf16>
    %dot_general3A_48 = arith.constant dense<0.000000e+00> : vector<800x20xf32>
    %dot_general3A_49 = tpu.matmul %convert_element_type3A_46, %convert_element_type3A_47, %dot_general3A_48 {dimension_numbers = #tpu.dot_dimension_numbers<[1], [1], [0], [0], [0, 0, 1, 0], [], []>, transpose_lhs_hint = false} : vector<800x64xbf16>, vector<20x64xbf16>, vector<800x20xf32> -> vector<800x20xf32>
    %get3A_50 = arith.constant 0 : index
    %get3A_51 = arith.constant 0 : index
    %get3A_52 = vector.load %arg3[%get3A_50, %get3A_51] : memref<160x160xf32, #tpu.memory_space<vmem>>, vector<160x160xf32>
    %slice3A = vector.extract_strided_slice %mul3A_19 {offsets = [0, 0], sizes = [160, 64], strides = [1, 1]} : vector<800x64xf32> to vector<160x64xf32>
    %slice3A_53 = vector.extract_strided_slice %dot_general3A_23 {offsets = [0, 0], sizes = [160, 64], strides = [1, 1]} : vector<800x64xf32> to vector<160x64xf32>
    %convert_element_type3A_54 = arith.truncf %slice3A : vector<160x64xf32> to vector<160x64xbf16>
    %convert_element_type3A_55 = arith.truncf %slice3A_53 : vector<160x64xf32> to vector<160x64xbf16>
    %dot_general3A_56 = arith.constant dense<0.000000e+00> : vector<160x160xf32>
    %dot_general3A_57 = tpu.matmul %convert_element_type3A_54, %convert_element_type3A_55, %dot_general3A_56 {dimension_numbers = #tpu.dot_dimension_numbers<[1], [1], [0], [0], [0, 0, 1, 0], [], []>, transpose_lhs_hint = false} : vector<160x64xbf16>, vector<160x64xbf16>, vector<160x160xf32> -> vector<160x160xf32>
    %add3A = arith.addf %dot_general3A_57, %get3A_52 : vector<160x160xf32>
    %slice3A_58 = vector.extract_strided_slice %dot_general3A_49 {offsets = [0, 0], sizes = [160, 20], strides = [1, 1]} : vector<800x20xf32> to vector<160x20xf32>
    %reduce_max3A = arith.constant dense<0xFF800000> : vector<160xf32>
    %reduce_max3A_59 = vector.multi_reduction <maximumf>, %slice3A_58, %reduce_max3A [1] : vector<160x20xf32> to vector<160xf32>
    %broadcast_in_dim3A = vector.shape_cast %reduce_max3A_59 : vector<160xf32> to vector<160x1xf32>
    %reduce_max3A_60 = arith.constant dense<0xFF800000> : vector<160xf32>
    %reduce_max3A_61 = vector.multi_reduction <maximumf>, %add3A, %reduce_max3A_60 [1] : vector<160x160xf32> to vector<160xf32>
    %broadcast_in_dim3A_62 = vector.shape_cast %reduce_max3A_61 : vector<160xf32> to vector<160x1xf32>
    %max3A = arith.maximumf %broadcast_in_dim3A, %broadcast_in_dim3A_62 : vector<160x1xf32>
    %sub3A = vector.broadcast %max3A : vector<160x1xf32> to vector<160x20xf32>
    %sub3A_63 = arith.subf %slice3A_58, %sub3A : vector<160x20xf32>
    %exp3A = math.exp %sub3A_63 : vector<160x20xf32>
    %sub3A_64 = vector.broadcast %max3A : vector<160x1xf32> to vector<160x160xf32>
    %sub3A_65 = arith.subf %add3A, %sub3A_64 : vector<160x160xf32>
    %exp3A_66 = math.exp %sub3A_65 : vector<160x160xf32>
    %reduce_sum3A = arith.constant dense<0.000000e+00> : vector<160xf32>
    %reduce_sum3A_67 = vector.multi_reduction <add>, %exp3A, %reduce_sum3A [1] : vector<160x20xf32> to vector<160xf32>
    %broadcast_in_dim3A_68 = vector.shape_cast %reduce_sum3A_67 : vector<160xf32> to vector<160x1xf32>
    %reduce_sum3A_69 = arith.constant dense<0.000000e+00> : vector<160xf32>
    %reduce_sum3A_70 = vector.multi_reduction <add>, %exp3A_66, %reduce_sum3A_69 [1] : vector<160x160xf32> to vector<160xf32>
    %broadcast_in_dim3A_71 = vector.shape_cast %reduce_sum3A_70 : vector<160xf32> to vector<160x1xf32>
    %add3A_72 = arith.addf %broadcast_in_dim3A_68, %broadcast_in_dim3A_71 : vector<160x1xf32>
    %div3A = arith.constant 1.000000e+00 : f32
    %div3A_73 = vector.broadcast %div3A : f32 to vector<160x1xf32>
    %div3A_74 = arith.divf %div3A_73, %add3A_72 : vector<160x1xf32>
    %mul3A_75 = vector.broadcast %div3A_74 : vector<160x1xf32> to vector<160x20xf32>
    %mul3A_76 = arith.mulf %exp3A, %mul3A_75 : vector<160x20xf32>
    %convert_element_type3A_77 = arith.truncf %mul3A_76 : vector<160x20xf32> to vector<160x20xbf16>
    %convert_element_type3A_78 = arith.truncf %dot_general3A_35 : vector<20x64xf32> to vector<20x64xbf16>
    %dot_general3A_79 = arith.constant dense<0.000000e+00> : vector<160x64xf32>
    %dot_general3A_80 = tpu.matmul %convert_element_type3A_77, %convert_element_type3A_78, %dot_general3A_79 {dimension_numbers = #tpu.dot_dimension_numbers<[1], [0], [0], [1], [0, 0, 1, 1], [], []>, transpose_lhs_hint = false} : vector<160x20xbf16>, vector<20x64xbf16>, vector<160x64xf32> -> vector<160x64xf32>
    %mul3A_81 = vector.broadcast %div3A_74 : vector<160x1xf32> to vector<160x160xf32>
    %mul3A_82 = arith.mulf %exp3A_66, %mul3A_81 : vector<160x160xf32>
    %slice3A_83 = vector.extract_strided_slice %dot_general3A_27 {offsets = [0, 0], sizes = [160, 64], strides = [1, 1]} : vector<800x64xf32> to vector<160x64xf32>
    %convert_element_type3A_84 = arith.truncf %mul3A_82 : vector<160x160xf32> to vector<160x160xbf16>
    %convert_element_type3A_85 = arith.truncf %slice3A_83 : vector<160x64xf32> to vector<160x64xbf16>
    %dot_general3A_86 = arith.constant dense<0.000000e+00> : vector<160x64xf32>
    %dot_general3A_87 = tpu.matmul %convert_element_type3A_84, %convert_element_type3A_85, %dot_general3A_86 {dimension_numbers = #tpu.dot_dimension_numbers<[1], [0], [0], [1], [0, 0, 1, 1], [], []>, transpose_lhs_hint = false} : vector<160x160xbf16>, vector<160x64xbf16>, vector<160x64xf32> -> vector<160x64xf32>
    %add3A_88 = arith.addf %dot_general3A_80, %dot_general3A_87 : vector<160x64xf32>
    %convert_element_type3A_89 = arith.truncf %add3A_88 : vector<160x64xf32> to vector<160x64xbf16>
    %convert_element_type3A_90 = arith.truncf %dot_general3A_45 : vector<64x2xf32> to vector<64x2xbf16>
    %dot_general3A_91 = arith.constant dense<0.000000e+00> : vector<160x2xf32>
    %dot_general3A_92 = tpu.matmul %convert_element_type3A_89, %convert_element_type3A_90, %dot_general3A_91 {dimension_numbers = #tpu.dot_dimension_numbers<[1], [0], [0], [1], [0, 0, 1, 1], [], []>, transpose_lhs_hint = false} : vector<160x64xbf16>, vector<64x2xbf16>, vector<160x2xf32> -> vector<160x2xf32>
    %get3A_93 = arith.constant 0 : index
    %get3A_94 = vector.load %arg9[%get3A_93] : memref<2xf32, #tpu.memory_space<vmem>>, vector<2xf32>
    %broadcast_in_dim3A_95 = vector.shape_cast %get3A_94 : vector<2xf32> to vector<1x2xf32>
    %add3A_96 = vector.broadcast %broadcast_in_dim3A_95 : vector<1x2xf32> to vector<160x2xf32>
    %add3A_97 = arith.addf %dot_general3A_92, %add3A_96 : vector<160x2xf32>
    %swap3A = arith.constant 0 : index
    %swap3A_98 = arith.constant 0 : index
    %swap3A_99 = vector.load %arg10[%swap3A, %swap3A_98] : memref<800x2xf32, #tpu.memory_space<vmem>>, vector<160x2xf32>
    tpu.vector_store %arg10[%swap3A, %swap3A_98], %add3A_97 {strides = array<i32>} : memref<800x2xf32, #tpu.memory_space<vmem>>, vector<160x2xf32>,
    %slice3A_100 = vector.extract_strided_slice %mul3A_19 {offsets = [160, 0], sizes = [160, 64], strides = [1, 1]} : vector<800x64xf32> to vector<160x64xf32>
    %slice3A_101 = vector.extract_strided_slice %dot_general3A_23 {offsets = [160, 0], sizes = [160, 64], strides = [1, 1]} : vector<800x64xf32> to vector<160x64xf32>
    %convert_element_type3A_102 = arith.truncf %slice3A_100 : vector<160x64xf32> to vector<160x64xbf16>
    %convert_element_type3A_103 = arith.truncf %slice3A_101 : vector<160x64xf32> to vector<160x64xbf16>
    %dot_general3A_104 = arith.constant dense<0.000000e+00> : vector<160x160xf32>
    %dot_general3A_105 = tpu.matmul %convert_element_type3A_102, %convert_element_type3A_103, %dot_general3A_104 {dimension_numbers = #tpu.dot_dimension_numbers<[1], [1], [0], [0], [0, 0, 1, 0], [], []>, transpose_lhs_hint = false} : vector<160x64xbf16>, vector<160x64xbf16>, vector<160x160xf32> -> vector<160x160xf32>
    %add3A_106 = arith.addf %dot_general3A_105, %get3A_52 : vector<160x160xf32>
    %slice3A_107 = vector.extract_strided_slice %dot_general3A_49 {offsets = [160, 0], sizes = [160, 20], strides = [1, 1]} : vector<800x20xf32> to vector<160x20xf32>
    %reduce_max3A_108 = arith.constant dense<0xFF800000> : vector<160xf32>
    %reduce_max3A_109 = vector.multi_reduction <maximumf>, %slice3A_107, %reduce_max3A_108 [1] : vector<160x20xf32> to vector<160xf32>
    %broadcast_in_dim3A_110 = vector.shape_cast %reduce_max3A_109 : vector<160xf32> to vector<160x1xf32>
    %reduce_max3A_111 = arith.constant dense<0xFF800000> : vector<160xf32>
    %reduce_max3A_112 = vector.multi_reduction <maximumf>, %add3A_106, %reduce_max3A_111 [1] : vector<160x160xf32> to vector<160xf32>
    %broadcast_in_dim3A_113 = vector.shape_cast %reduce_max3A_112 : vector<160xf32> to vector<160x1xf32>
    %max3A_114 = arith.maximumf %broadcast_in_dim3A_110, %broadcast_in_dim3A_113 : vector<160x1xf32>
    %sub3A_115 = vector.broadcast %max3A_114 : vector<160x1xf32> to vector<160x20xf32>
    %sub3A_116 = arith.subf %slice3A_107, %sub3A_115 : vector<160x20xf32>
    %exp3A_117 = math.exp %sub3A_116 : vector<160x20xf32>
    %sub3A_118 = vector.broadcast %max3A_114 : vector<160x1xf32> to vector<160x160xf32>
    %sub3A_119 = arith.subf %add3A_106, %sub3A_118 : vector<160x160xf32>
    %exp3A_120 = math.exp %sub3A_119 : vector<160x160xf32>
    %reduce_sum3A_121 = arith.constant dense<0.000000e+00> : vector<160xf32>
    %reduce_sum3A_122 = vector.multi_reduction <add>, %exp3A_117, %reduce_sum3A_121 [1] : vector<160x20xf32> to vector<160xf32>
    %broadcast_in_dim3A_123 = vector.shape_cast %reduce_sum3A_122 : vector<160xf32> to vector<160x1xf32>
    %reduce_sum3A_124 = arith.constant dense<0.000000e+00> : vector<160xf32>
    %reduce_sum3A_125 = vector.multi_reduction <add>, %exp3A_120, %reduce_sum3A_124 [1] : vector<160x160xf32> to vector<160xf32>
    %broadcast_in_dim3A_126 = vector.shape_cast %reduce_sum3A_125 : vector<160xf32> to vector<160x1xf32>
    %add3A_127 = arith.addf %broadcast_in_dim3A_123, %broadcast_in_dim3A_126 : vector<160x1xf32>
    %div3A_128 = arith.constant 1.000000e+00 : f32
    %div3A_129 = vector.broadcast %div3A_128 : f32 to vector<160x1xf32>
    %div3A_130 = arith.divf %div3A_129, %add3A_127 : vector<160x1xf32>
    %mul3A_131 = vector.broadcast %div3A_130 : vector<160x1xf32> to vector<160x20xf32>
    %mul3A_132 = arith.mulf %exp3A_117, %mul3A_131 : vector<160x20xf32>
    %convert_element_type3A_133 = arith.truncf %mul3A_132 : vector<160x20xf32> to vector<160x20xbf16>
    %convert_element_type3A_134 = arith.truncf %dot_general3A_35 : vector<20x64xf32> to vector<20x64xbf16>
    %dot_general3A_135 = arith.constant dense<0.000000e+00> : vector<160x64xf32>
    %dot_general3A_136 = tpu.matmul %convert_element_type3A_133, %convert_element_type3A_134, %dot_general3A_135 {dimension_numbers = #tpu.dot_dimension_numbers<[1], [0], [0], [1], [0, 0, 1, 1], [], []>, transpose_lhs_hint = false} : vector<160x20xbf16>, vector<20x64xbf16>, vector<160x64xf32> -> vector<160x64xf32>
    %mul3A_137 = vector.broadcast %div3A_130 : vector<160x1xf32> to vector<160x160xf32>
    %mul3A_138 = arith.mulf %exp3A_120, %mul3A_137 : vector<160x160xf32>
    %slice3A_139 = vector.extract_strided_slice %dot_general3A_27 {offsets = [160, 0], sizes = [160, 64], strides = [1, 1]} : vector<800x64xf32> to vector<160x64xf32>
    %convert_element_type3A_140 = arith.truncf %mul3A_138 : vector<160x160xf32> to vector<160x160xbf16>
    %convert_element_type3A_141 = arith.truncf %slice3A_139 : vector<160x64xf32> to vector<160x64xbf16>
    %dot_general3A_142 = arith.constant dense<0.000000e+00> : vector<160x64xf32>
    %dot_general3A_143 = tpu.matmul %convert_element_type3A_140, %convert_element_type3A_141, %dot_general3A_142 {dimension_numbers = #tpu.dot_dimension_numbers<[1], [0], [0], [1], [0, 0, 1, 1], [], []>, transpose_lhs_hint = false} : vector<160x160xbf16>, vector<160x64xbf16>, vector<160x64xf32> -> vector<160x64xf32>
    %add3A_144 = arith.addf %dot_general3A_136, %dot_general3A_143 : vector<160x64xf32>
    %convert_element_type3A_145 = arith.truncf %add3A_144 : vector<160x64xf32> to vector<160x64xbf16>
    %convert_element_type3A_146 = arith.truncf %dot_general3A_45 : vector<64x2xf32> to vector<64x2xbf16>
    %dot_general3A_147 = arith.constant dense<0.000000e+00> : vector<160x2xf32>
    %dot_general3A_148 = tpu.matmul %convert_element_type3A_145, %convert_element_type3A_146, %dot_general3A_147 {dimension_numbers = #tpu.dot_dimension_numbers<[1], [0], [0], [1], [0, 0, 1, 1], [], []>, transpose_lhs_hint = false} : vector<160x64xbf16>, vector<64x2xbf16>, vector<160x2xf32> -> vector<160x2xf32>
    %get3A_149 = arith.constant 0 : index
    %get3A_150 = vector.load %arg9[%get3A_149] : memref<2xf32, #tpu.memory_space<vmem>>, vector<2xf32>
    %broadcast_in_dim3A_151 = vector.shape_cast %get3A_150 : vector<2xf32> to vector<1x2xf32>
    %add3A_152 = vector.broadcast %broadcast_in_dim3A_151 : vector<1x2xf32> to vector<160x2xf32>
    %add3A_153 = arith.addf %dot_general3A_148, %add3A_152 : vector<160x2xf32>
    %swap3A_154 = arith.constant 160 : index
    %swap3A_155 = arith.constant 0 : index
    %swap3A_156 = vector.load %arg10[%swap3A_154, %swap3A_155] : memref<800x2xf32, #tpu.memory_space<vmem>>, vector<160x2xf32>
    tpu.vector_store %arg10[%swap3A_154, %swap3A_155], %add3A_153 {strides = array<i32>} : memref<800x2xf32, #tpu.memory_space<vmem>>, vector<160x2xf32>,
    %slice3A_157 = vector.extract_strided_slice %mul3A_19 {offsets = [320, 0], sizes = [160, 64], strides = [1, 1]} : vector<800x64xf32> to vector<160x64xf32>
    %slice3A_158 = vector.extract_strided_slice %dot_general3A_23 {offsets = [320, 0], sizes = [160, 64], strides = [1, 1]} : vector<800x64xf32> to vector<160x64xf32>
    %convert_element_type3A_159 = arith.truncf %slice3A_157 : vector<160x64xf32> to vector<160x64xbf16>
    %convert_element_type3A_160 = arith.truncf %slice3A_158 : vector<160x64xf32> to vector<160x64xbf16>
    %dot_general3A_161 = arith.constant dense<0.000000e+00> : vector<160x160xf32>
    %dot_general3A_162 = tpu.matmul %convert_element_type3A_159, %convert_element_type3A_160, %dot_general3A_161 {dimension_numbers = #tpu.dot_dimension_numbers<[1], [1], [0], [0], [0, 0, 1, 0], [], []>, transpose_lhs_hint = false} : vector<160x64xbf16>, vector<160x64xbf16>, vector<160x160xf32> -> vector<160x160xf32>
    %add3A_163 = arith.addf %dot_general3A_162, %get3A_52 : vector<160x160xf32>
    %slice3A_164 = vector.extract_strided_slice %dot_general3A_49 {offsets = [320, 0], sizes = [160, 20], strides = [1, 1]} : vector<800x20xf32> to vector<160x20xf32>
    %reduce_max3A_165 = arith.constant dense<0xFF800000> : vector<160xf32>
    %reduce_max3A_166 = vector.multi_reduction <maximumf>, %slice3A_164, %reduce_max3A_165 [1] : vector<160x20xf32> to vector<160xf32>
    %broadcast_in_dim3A_167 = vector.shape_cast %reduce_max3A_166 : vector<160xf32> to vector<160x1xf32>
    %reduce_max3A_168 = arith.constant dense<0xFF800000> : vector<160xf32>
    %reduce_max3A_169 = vector.multi_reduction <maximumf>, %add3A_163, %reduce_max3A_168 [1] : vector<160x160xf32> to vector<160xf32>
    %broadcast_in_dim3A_170 = vector.shape_cast %reduce_max3A_169 : vector<160xf32> to vector<160x1xf32>
    %max3A_171 = arith.maximumf %broadcast_in_dim3A_167, %broadcast_in_dim3A_170 : vector<160x1xf32>
    %sub3A_172 = vector.broadcast %max3A_171 : vector<160x1xf32> to vector<160x20xf32>
    %sub3A_173 = arith.subf %slice3A_164, %sub3A_172 : vector<160x20xf32>
    %exp3A_174 = math.exp %sub3A_173 : vector<160x20xf32>
    %sub3A_175 = vector.broadcast %max3A_171 : vector<160x1xf32> to vector<160x160xf32>
    %sub3A_176 = arith.subf %add3A_163, %sub3A_175 : vector<160x160xf32>
    %exp3A_177 = math.exp %sub3A_176 : vector<160x160xf32>
    %reduce_sum3A_178 = arith.constant dense<0.000000e+00> : vector<160xf32>
    %reduce_sum3A_179 = vector.multi_reduction <add>, %exp3A_174, %reduce_sum3A_178 [1] : vector<160x20xf32> to vector<160xf32>
    %broadcast_in_dim3A_180 = vector.shape_cast %reduce_sum3A_179 : vector<160xf32> to vector<160x1xf32>
    %reduce_sum3A_181 = arith.constant dense<0.000000e+00> : vector<160xf32>
    %reduce_sum3A_182 = vector.multi_reduction <add>, %exp3A_177, %reduce_sum3A_181 [1] : vector<160x160xf32> to vector<160xf32>
    %broadcast_in_dim3A_183 = vector.shape_cast %reduce_sum3A_182 : vector<160xf32> to vector<160x1xf32>
    %add3A_184 = arith.addf %broadcast_in_dim3A_180, %broadcast_in_dim3A_183 : vector<160x1xf32>
    %div3A_185 = arith.constant 1.000000e+00 : f32
    %div3A_186 = vector.broadcast %div3A_185 : f32 to vector<160x1xf32>
    %div3A_187 = arith.divf %div3A_186, %add3A_184 : vector<160x1xf32>
    %mul3A_188 = vector.broadcast %div3A_187 : vector<160x1xf32> to vector<160x20xf32>
    %mul3A_189 = arith.mulf %exp3A_174, %mul3A_188 : vector<160x20xf32>
    %convert_element_type3A_190 = arith.truncf %mul3A_189 : vector<160x20xf32> to vector<160x20xbf16>
    %convert_element_type3A_191 = arith.truncf %dot_general3A_35 : vector<20x64xf32> to vector<20x64xbf16>
    %dot_general3A_192 = arith.constant dense<0.000000e+00> : vector<160x64xf32>
    %dot_general3A_193 = tpu.matmul %convert_element_type3A_190, %convert_element_type3A_191, %dot_general3A_192 {dimension_numbers = #tpu.dot_dimension_numbers<[1], [0], [0], [1], [0, 0, 1, 1], [], []>, transpose_lhs_hint = false} : vector<160x20xbf16>, vector<20x64xbf16>, vector<160x64xf32> -> vector<160x64xf32>
    %mul3A_194 = vector.broadcast %div3A_187 : vector<160x1xf32> to vector<160x160xf32>
    %mul3A_195 = arith.mulf %exp3A_177, %mul3A_194 : vector<160x160xf32>
    %slice3A_196 = vector.extract_strided_slice %dot_general3A_27 {offsets = [320, 0], sizes = [160, 64], strides = [1, 1]} : vector<800x64xf32> to vector<160x64xf32>
    %convert_element_type3A_197 = arith.truncf %mul3A_195 : vector<160x160xf32> to vector<160x160xbf16>
    %convert_element_type3A_198 = arith.truncf %slice3A_196 : vector<160x64xf32> to vector<160x64xbf16>
    %dot_general3A_199 = arith.constant dense<0.000000e+00> : vector<160x64xf32>
    %dot_general3A_200 = tpu.matmul %convert_element_type3A_197, %convert_element_type3A_198, %dot_general3A_199 {dimension_numbers = #tpu.dot_dimension_numbers<[1], [0], [0], [1], [0, 0, 1, 1], [], []>, transpose_lhs_hint = false} : vector<160x160xbf16>, vector<160x64xbf16>, vector<160x64xf32> -> vector<160x64xf32>
    %add3A_201 = arith.addf %dot_general3A_193, %dot_general3A_200 : vector<160x64xf32>
    %convert_element_type3A_202 = arith.truncf %add3A_201 : vector<160x64xf32> to vector<160x64xbf16>
    %convert_element_type3A_203 = arith.truncf %dot_general3A_45 : vector<64x2xf32> to vector<64x2xbf16>
    %dot_general3A_204 = arith.constant dense<0.000000e+00> : vector<160x2xf32>
    %dot_general3A_205 = tpu.matmul %convert_element_type3A_202, %convert_element_type3A_203, %dot_general3A_204 {dimension_numbers = #tpu.dot_dimension_numbers<[1], [0], [0], [1], [0, 0, 1, 1], [], []>, transpose_lhs_hint = false} : vector<160x64xbf16>, vector<64x2xbf16>, vector<160x2xf32> -> vector<160x2xf32>
    %get3A_206 = arith.constant 0 : index
    %get3A_207 = vector.load %arg9[%get3A_206] : memref<2xf32, #tpu.memory_space<vmem>>, vector<2xf32>
    %broadcast_in_dim3A_208 = vector.shape_cast %get3A_207 : vector<2xf32> to vector<1x2xf32>
    %add3A_209 = vector.broadcast %broadcast_in_dim3A_208 : vector<1x2xf32> to vector<160x2xf32>
    %add3A_210 = arith.addf %dot_general3A_205, %add3A_209 : vector<160x2xf32>
    %swap3A_211 = arith.constant 320 : index
    %swap3A_212 = arith.constant 0 : index
    %swap3A_213 = vector.load %arg10[%swap3A_211, %swap3A_212] : memref<800x2xf32, #tpu.memory_space<vmem>>, vector<160x2xf32>
    tpu.vector_store %arg10[%swap3A_211, %swap3A_212], %add3A_210 {strides = array<i32>} : memref<800x2xf32, #tpu.memory_space<vmem>>, vector<160x2xf32>,
    %slice3A_214 = vector.extract_strided_slice %mul3A_19 {offsets = [480, 0], sizes = [160, 64], strides = [1, 1]} : vector<800x64xf32> to vector<160x64xf32>
    %slice3A_215 = vector.extract_strided_slice %dot_general3A_23 {offsets = [480, 0], sizes = [160, 64], strides = [1, 1]} : vector<800x64xf32> to vector<160x64xf32>
    %convert_element_type3A_216 = arith.truncf %slice3A_214 : vector<160x64xf32> to vector<160x64xbf16>
    %convert_element_type3A_217 = arith.truncf %slice3A_215 : vector<160x64xf32> to vector<160x64xbf16>
    %dot_general3A_218 = arith.constant dense<0.000000e+00> : vector<160x160xf32>
    %dot_general3A_219 = tpu.matmul %convert_element_type3A_216, %convert_element_type3A_217, %dot_general3A_218 {dimension_numbers = #tpu.dot_dimension_numbers<[1], [1], [0], [0], [0, 0, 1, 0], [], []>, transpose_lhs_hint = false} : vector<160x64xbf16>, vector<160x64xbf16>, vector<160x160xf32> -> vector<160x160xf32>
    %add3A_220 = arith.addf %dot_general3A_219, %get3A_52 : vector<160x160xf32>
    %slice3A_221 = vector.extract_strided_slice %dot_general3A_49 {offsets = [480, 0], sizes = [160, 20], strides = [1, 1]} : vector<800x20xf32> to vector<160x20xf32>
    %reduce_max3A_222 = arith.constant dense<0xFF800000> : vector<160xf32>
    %reduce_max3A_223 = vector.multi_reduction <maximumf>, %slice3A_221, %reduce_max3A_222 [1] : vector<160x20xf32> to vector<160xf32>
    %broadcast_in_dim3A_224 = vector.shape_cast %reduce_max3A_223 : vector<160xf32> to vector<160x1xf32>
    %reduce_max3A_225 = arith.constant dense<0xFF800000> : vector<160xf32>
    %reduce_max3A_226 = vector.multi_reduction <maximumf>, %add3A_220, %reduce_max3A_225 [1] : vector<160x160xf32> to vector<160xf32>
    %broadcast_in_dim3A_227 = vector.shape_cast %reduce_max3A_226 : vector<160xf32> to vector<160x1xf32>
    %max3A_228 = arith.maximumf %broadcast_in_dim3A_224, %broadcast_in_dim3A_227 : vector<160x1xf32>
    %sub3A_229 = vector.broadcast %max3A_228 : vector<160x1xf32> to vector<160x20xf32>
    %sub3A_230 = arith.subf %slice3A_221, %sub3A_229 : vector<160x20xf32>
    %exp3A_231 = math.exp %sub3A_230 : vector<160x20xf32>
    %sub3A_232 = vector.broadcast %max3A_228 : vector<160x1xf32> to vector<160x160xf32>
    %sub3A_233 = arith.subf %add3A_220, %sub3A_232 : vector<160x160xf32>
    %exp3A_234 = math.exp %sub3A_233 : vector<160x160xf32>
    %reduce_sum3A_235 = arith.constant dense<0.000000e+00> : vector<160xf32>
    %reduce_sum3A_236 = vector.multi_reduction <add>, %exp3A_231, %reduce_sum3A_235 [1] : vector<160x20xf32> to vector<160xf32>
    %broadcast_in_dim3A_237 = vector.shape_cast %reduce_sum3A_236 : vector<160xf32> to vector<160x1xf32>
    %reduce_sum3A_238 = arith.constant dense<0.000000e+00> : vector<160xf32>
    %reduce_sum3A_239 = vector.multi_reduction <add>, %exp3A_234, %reduce_sum3A_238 [1] : vector<160x160xf32> to vector<160xf32>
    %broadcast_in_dim3A_240 = vector.shape_cast %reduce_sum3A_239 : vector<160xf32> to vector<160x1xf32>
    %add3A_241 = arith.addf %broadcast_in_dim3A_237, %broadcast_in_dim3A_240 : vector<160x1xf32>
    %div3A_242 = arith.constant 1.000000e+00 : f32
    %div3A_243 = vector.broadcast %div3A_242 : f32 to vector<160x1xf32>
    %div3A_244 = arith.divf %div3A_243, %add3A_241 : vector<160x1xf32>
    %mul3A_245 = vector.broadcast %div3A_244 : vector<160x1xf32> to vector<160x20xf32>
    %mul3A_246 = arith.mulf %exp3A_231, %mul3A_245 : vector<160x20xf32>
    %convert_element_type3A_247 = arith.truncf %mul3A_246 : vector<160x20xf32> to vector<160x20xbf16>
    %convert_element_type3A_248 = arith.truncf %dot_general3A_35 : vector<20x64xf32> to vector<20x64xbf16>
    %dot_general3A_249 = arith.constant dense<0.000000e+00> : vector<160x64xf32>
    %dot_general3A_250 = tpu.matmul %convert_element_type3A_247, %convert_element_type3A_248, %dot_general3A_249 {dimension_numbers = #tpu.dot_dimension_numbers<[1], [0], [0], [1], [0, 0, 1, 1], [], []>, transpose_lhs_hint = false} : vector<160x20xbf16>, vector<20x64xbf16>, vector<160x64xf32> -> vector<160x64xf32>
    %mul3A_251 = vector.broadcast %div3A_244 : vector<160x1xf32> to vector<160x160xf32>
    %mul3A_252 = arith.mulf %exp3A_234, %mul3A_251 : vector<160x160xf32>
    %slice3A_253 = vector.extract_strided_slice %dot_general3A_27 {offsets = [480, 0], sizes = [160, 64], strides = [1, 1]} : vector<800x64xf32> to vector<160x64xf32>
    %convert_element_type3A_254 = arith.truncf %mul3A_252 : vector<160x160xf32> to vector<160x160xbf16>
    %convert_element_type3A_255 = arith.truncf %slice3A_253 : vector<160x64xf32> to vector<160x64xbf16>
    %dot_general3A_256 = arith.constant dense<0.000000e+00> : vector<160x64xf32>
    %dot_general3A_257 = tpu.matmul %convert_element_type3A_254, %convert_element_type3A_255, %dot_general3A_256 {dimension_numbers = #tpu.dot_dimension_numbers<[1], [0], [0], [1], [0, 0, 1, 1], [], []>, transpose_lhs_hint = false} : vector<160x160xbf16>, vector<160x64xbf16>, vector<160x64xf32> -> vector<160x64xf32>
    %add3A_258 = arith.addf %dot_general3A_250, %dot_general3A_257 : vector<160x64xf32>
    %convert_element_type3A_259 = arith.truncf %add3A_258 : vector<160x64xf32> to vector<160x64xbf16>
    %convert_element_type3A_260 = arith.truncf %dot_general3A_45 : vector<64x2xf32> to vector<64x2xbf16>
    %dot_general3A_261 = arith.constant dense<0.000000e+00> : vector<160x2xf32>
    %dot_general3A_262 = tpu.matmul %convert_element_type3A_259, %convert_element_type3A_260, %dot_general3A_261 {dimension_numbers = #tpu.dot_dimension_numbers<[1], [0], [0], [1], [0, 0, 1, 1], [], []>, transpose_lhs_hint = false} : vector<160x64xbf16>, vector<64x2xbf16>, vector<160x2xf32> -> vector<160x2xf32>
    %get3A_263 = arith.constant 0 : index
    %get3A_264 = vector.load %arg9[%get3A_263] : memref<2xf32, #tpu.memory_space<vmem>>, vector<2xf32>
    %broadcast_in_dim3A_265 = vector.shape_cast %get3A_264 : vector<2xf32> to vector<1x2xf32>
    %add3A_266 = vector.broadcast %broadcast_in_dim3A_265 : vector<1x2xf32> to vector<160x2xf32>
    %add3A_267 = arith.addf %dot_general3A_262, %add3A_266 : vector<160x2xf32>
    %swap3A_268 = arith.constant 480 : index
    %swap3A_269 = arith.constant 0 : index
    %swap3A_270 = vector.load %arg10[%swap3A_268, %swap3A_269] : memref<800x2xf32, #tpu.memory_space<vmem>>, vector<160x2xf32>
    tpu.vector_store %arg10[%swap3A_268, %swap3A_269], %add3A_267 {strides = array<i32>} : memref<800x2xf32, #tpu.memory_space<vmem>>, vector<160x2xf32>,
    %slice3A_271 = vector.extract_strided_slice %mul3A_19 {offsets = [640, 0], sizes = [160, 64], strides = [1, 1]} : vector<800x64xf32> to vector<160x64xf32>
    %slice3A_272 = vector.extract_strided_slice %dot_general3A_23 {offsets = [640, 0], sizes = [160, 64], strides = [1, 1]} : vector<800x64xf32> to vector<160x64xf32>
    %convert_element_type3A_273 = arith.truncf %slice3A_271 : vector<160x64xf32> to vector<160x64xbf16>
    %convert_element_type3A_274 = arith.truncf %slice3A_272 : vector<160x64xf32> to vector<160x64xbf16>
    %dot_general3A_275 = arith.constant dense<0.000000e+00> : vector<160x160xf32>
    %dot_general3A_276 = tpu.matmul %convert_element_type3A_273, %convert_element_type3A_274, %dot_general3A_275 {dimension_numbers = #tpu.dot_dimension_numbers<[1], [1], [0], [0], [0, 0, 1, 0], [], []>, transpose_lhs_hint = false} : vector<160x64xbf16>, vector<160x64xbf16>, vector<160x160xf32> -> vector<160x160xf32>
    %add3A_277 = arith.addf %dot_general3A_276, %get3A_52 : vector<160x160xf32>
    %slice3A_278 = vector.extract_strided_slice %dot_general3A_49 {offsets = [640, 0], sizes = [160, 20], strides = [1, 1]} : vector<800x20xf32> to vector<160x20xf32>
    %reduce_max3A_279 = arith.constant dense<0xFF800000> : vector<160xf32>
    %reduce_max3A_280 = vector.multi_reduction <maximumf>, %slice3A_278, %reduce_max3A_279 [1] : vector<160x20xf32> to vector<160xf32>
    %broadcast_in_dim3A_281 = vector.shape_cast %reduce_max3A_280 : vector<160xf32> to vector<160x1xf32>
    %reduce_max3A_282 = arith.constant dense<0xFF800000> : vector<160xf32>
    %reduce_max3A_283 = vector.multi_reduction <maximumf>, %add3A_277, %reduce_max3A_282 [1] : vector<160x160xf32> to vector<160xf32>
    %broadcast_in_dim3A_284 = vector.shape_cast %reduce_max3A_283 : vector<160xf32> to vector<160x1xf32>
    %max3A_285 = arith.maximumf %broadcast_in_dim3A_281, %broadcast_in_dim3A_284 : vector<160x1xf32>
    %sub3A_286 = vector.broadcast %max3A_285 : vector<160x1xf32> to vector<160x20xf32>
    %sub3A_287 = arith.subf %slice3A_278, %sub3A_286 : vector<160x20xf32>
    %exp3A_288 = math.exp %sub3A_287 : vector<160x20xf32>
    %sub3A_289 = vector.broadcast %max3A_285 : vector<160x1xf32> to vector<160x160xf32>
    %sub3A_290 = arith.subf %add3A_277, %sub3A_289 : vector<160x160xf32>
    %exp3A_291 = math.exp %sub3A_290 : vector<160x160xf32>
    %reduce_sum3A_292 = arith.constant dense<0.000000e+00> : vector<160xf32>
    %reduce_sum3A_293 = vector.multi_reduction <add>, %exp3A_288, %reduce_sum3A_292 [1] : vector<160x20xf32> to vector<160xf32>
    %broadcast_in_dim3A_294 = vector.shape_cast %reduce_sum3A_293 : vector<160xf32> to vector<160x1xf32>
    %reduce_sum3A_295 = arith.constant dense<0.000000e+00> : vector<160xf32>
    %reduce_sum3A_296 = vector.multi_reduction <add>, %exp3A_291, %reduce_sum3A_295 [1] : vector<160x160xf32> to vector<160xf32>
    %broadcast_in_dim3A_297 = vector.shape_cast %reduce_sum3A_296 : vector<160xf32> to vector<160x1xf32>
    %add3A_298 = arith.addf %broadcast_in_dim3A_294, %broadcast_in_dim3A_297 : vector<160x1xf32>
    %div3A_299 = arith.constant 1.000000e+00 : f32
    %div3A_300 = vector.broadcast %div3A_299 : f32 to vector<160x1xf32>
    %div3A_301 = arith.divf %div3A_300, %add3A_298 : vector<160x1xf32>
    %mul3A_302 = vector.broadcast %div3A_301 : vector<160x1xf32> to vector<160x20xf32>
    %mul3A_303 = arith.mulf %exp3A_288, %mul3A_302 : vector<160x20xf32>
    %convert_element_type3A_304 = arith.truncf %mul3A_303 : vector<160x20xf32> to vector<160x20xbf16>
    %convert_element_type3A_305 = arith.truncf %dot_general3A_35 : vector<20x64xf32> to vector<20x64xbf16>
    %dot_general3A_306 = arith.constant dense<0.000000e+00> : vector<160x64xf32>
    %dot_general3A_307 = tpu.matmul %convert_element_type3A_304, %convert_element_type3A_305, %dot_general3A_306 {dimension_numbers = #tpu.dot_dimension_numbers<[1], [0], [0], [1], [0, 0, 1, 1], [], []>, transpose_lhs_hint = false} : vector<160x20xbf16>, vector<20x64xbf16>, vector<160x64xf32> -> vector<160x64xf32>
    %mul3A_308 = vector.broadcast %div3A_301 : vector<160x1xf32> to vector<160x160xf32>
    %mul3A_309 = arith.mulf %exp3A_291, %mul3A_308 : vector<160x160xf32>
    %slice3A_310 = vector.extract_strided_slice %dot_general3A_27 {offsets = [640, 0], sizes = [160, 64], strides = [1, 1]} : vector<800x64xf32> to vector<160x64xf32>
    %convert_element_type3A_311 = arith.truncf %mul3A_309 : vector<160x160xf32> to vector<160x160xbf16>
    %convert_element_type3A_312 = arith.truncf %slice3A_310 : vector<160x64xf32> to vector<160x64xbf16>
    %dot_general3A_313 = arith.constant dense<0.000000e+00> : vector<160x64xf32>
    %dot_general3A_314 = tpu.matmul %convert_element_type3A_311, %convert_element_type3A_312, %dot_general3A_313 {dimension_numbers = #tpu.dot_dimension_numbers<[1], [0], [0], [1], [0, 0, 1, 1], [], []>, transpose_lhs_hint = false} : vector<160x160xbf16>, vector<160x64xbf16>, vector<160x64xf32> -> vector<160x64xf32>
    %add3A_315 = arith.addf %dot_general3A_307, %dot_general3A_314 : vector<160x64xf32>
    %convert_element_type3A_316 = arith.truncf %add3A_315 : vector<160x64xf32> to vector<160x64xbf16>
    %convert_element_type3A_317 = arith.truncf %dot_general3A_45 : vector<64x2xf32> to vector<64x2xbf16>
    %dot_general3A_318 = arith.constant dense<0.000000e+00> : vector<160x2xf32>
    %dot_general3A_319 = tpu.matmul %convert_element_type3A_316, %convert_element_type3A_317, %dot_general3A_318 {dimension_numbers = #tpu.dot_dimension_numbers<[1], [0], [0], [1], [0, 0, 1, 1], [], []>, transpose_lhs_hint = false} : vector<160x64xbf16>, vector<64x2xbf16>, vector<160x2xf32> -> vector<160x2xf32>
    %get3A_320 = arith.constant 0 : index
    %get3A_321 = vector.load %arg9[%get3A_320] : memref<2xf32, #tpu.memory_space<vmem>>, vector<2xf32>
    %broadcast_in_dim3A_322 = vector.shape_cast %get3A_321 : vector<2xf32> to vector<1x2xf32>
    %add3A_323 = vector.broadcast %broadcast_in_dim3A_322 : vector<1x2xf32> to vector<160x2xf32>
    %add3A_324 = arith.addf %dot_general3A_319, %add3A_323 : vector<160x2xf32>
    %swap3A_325 = arith.constant 640 : index
    %swap3A_326 = arith.constant 0 : index
    %swap3A_327 = vector.load %arg10[%swap3A_325, %swap3A_326] : memref<800x2xf32, #tpu.memory_space<vmem>>, vector<160x2xf32>
    tpu.vector_store %arg10[%swap3A_325, %swap3A_326], %add3A_324 {strides = array<i32>} : memref<800x2xf32, #tpu.memory_space<vmem>>, vector<160x2xf32>,
    return
  }
  func.func @transform_0(%arg0: i32) -> (i32, i32) {
    %c0_i32 = arith.constant 0 : i32
    %c0_i32_0 = arith.constant 0 : i32
    return %arg0, %c0_i32 : i32, i32
  }
  func.func @transform_1(%arg0: i32) -> (i32, i32, i32) {
    %c0_i32 = arith.constant 0 : i32
    %c0_i32_0 = arith.constant 0 : i32
    %c0_i32_1 = arith.constant 0 : i32
    return %arg0, %c0_i32, %c0_i32_0 : i32, i32, i32
  }
  func.func @transform_2(%arg0: i32) -> (i32, i32) {
    %c0_i32 = arith.constant 0 : i32
    %c0_i32_0 = arith.constant 0 : i32
    %c0_i32_1 = arith.constant 0 : i32
    return %c0_i32, %c0_i32_0 : i32, i32
  }
  func.func @transform_3(%arg0: i32) -> (i32, i32) {
    %c0_i32 = arith.constant 0 : i32
    %c0_i32_0 = arith.constant 0 : i32
    %c0_i32_1 = arith.constant 0 : i32
    return %c0_i32, %c0_i32_0 : i32, i32
  }
  func.func @transform_4(%arg0: i32) -> (i32, i32) {
    %c0_i32 = arith.constant 0 : i32
    %c0_i32_0 = arith.constant 0 : i32
    %c0_i32_1 = arith.constant 0 : i32
    return %c0_i32, %c0_i32_0 : i32, i32
  }
  func.func @transform_5(%arg0: i32) -> (i32, i32) {
    %c0_i32 = arith.constant 0 : i32
    %c0_i32_0 = arith.constant 0 : i32
    %c0_i32_1 = arith.constant 0 : i32
    return %c0_i32, %c0_i32_0 : i32, i32
  }
  func.func @transform_6(%arg0: i32) -> (i32, i32) {
    %c0_i32 = arith.constant 0 : i32
    %c0_i32_0 = arith.constant 0 : i32
    %c0_i32_1 = arith.constant 0 : i32
    return %c0_i32, %c0_i32_0 : i32, i32
  }
  func.func @transform_7(%arg0: i32) -> (i32, i32) {
    %c0_i32 = arith.constant 0 : i32
    %c0_i32_0 = arith.constant 0 : i32
    %c0_i32_1 = arith.constant 0 : i32
    return %c0_i32, %c0_i32_0 : i32, i32
  }
  func.func @transform_8(%arg0: i32) -> i32 {
    %c0_i32 = arith.constant 0 : i32
    %c0_i32_0 = arith.constant 0 : i32
    return %c0_i32 : i32
  }
  func.func @transform_9(%arg0: i32) -> (i32, i32) {
    %c0_i32 = arith.constant 0 : i32
    %c0_i32_0 = arith.constant 0 : i32
    return %arg0, %c0_i32 : i32, i32
  }
}

</mosaic_0001>

<sc_bundles>
// kernel: kernel.5.cloned.1.call-start
scs
__scs_entry_jumppad:
0x0: {  	(pc) =	sbr.rel $0x88, $3  }
0x1: {  	(tag) =	ssettag $0x0;
	lr =	simm.s32 $0x1  }
0x2: {  	[smem:$0x3F94] =	sst lr;
	_ =	strace $0xD0000000  }
0x3: {  	_ = 	snop  }
0x4: {  	_ = 	snop  }
0x5: {  	_ = 	snop  }
0x6: {  	_ = 	snop  }
0x7: {  	_ = 	snop  }
__scs_overlays_trampoline_lowered:
0x8: {  	[smem:$0x3FA3] =	sst s0  }
0x9: {  	[smem:$0x3FA4] =	sst s1  }
0xa: {  	[smem:$0x3FA5] =	sst s2  }
0xb: {  	[smem:$0x3FA6] =	sst s3  }
0xc: {  	[smem:$0x3FA7] =	sst s4  }
0xd: {  	[smem:$0x3FA8] =	sst s5  }
0xe: {  	[smem:$0x3FA9] =	sst s6  }
0xf: {  	[smem:$0x3FAA] =	sst s7  }
0x10: {  	[smem:$0x3FAB] =	sst s8  }
0x11: {  	[smem:$0x3FAC] =	sst s9;
	s0 =	simm.s32 @!p0 $0x0  }
0x12: {  	s1 =	sld [smem:$0x3F92];
	s0 =	simm.s32 @p0 $0x1  }
0x13: {  	[smem:$0x3FAD] =	sst s0;
	s0 =	simm.s32 @!p1 $0x0  }
0x14: {  	s2 =	sld [smem:$0x3F91];
	s0 =	simm.s32 @p1 $0x1  }
0x15: {  	[smem:$0x3FAE] =	sst s0;
	s0 =	simm.s32 @!p2 $0x0  }
0x16: {  	s3 =	sld [smem:$0x3FDB];
	s0 =	simm.s32 @p2 $0x1  }
0x17: {  	s4 =	simm.s32 $0x1BF5;
	[smem:$0x3FB0] =	sst s0  }
0x18: {  	s0 =	sld [smem:$0x3F93];
	_ =	swait.ge [sflag:s4], $0x0  }
0x19: {  	s7 =	sld [smem:$0x3F94]  }
0x1a: {  	s8 =	sadd.s32 $0xFFFFE003, lr  }
0x1b: {  	s9 =	sadd.s32 $0xFFFFFEF7, lr;
	s5 =	simm.s32 $0xFFFFFFFF;
	p2 =	slt.u32 s8, $0xFFFFF086  }
0x1c: {  	p1 =	slt.u32 s9, $0xF7A;
	s5 =	simm.s32 @!p2 $0x0  }
0x1d: {  	s5 =	simm.s32 @p1 $0x1;
	p0 =	seq.s32 s7, s2  }
0x1e: {  	s7 =	smul.u32 @!p0 $0xF7A, s2;
	p2 =	seq.s32 @!p0 s5, $0x0  }
0x1f: {  	s9 =	smul.u32 $0xF7A, s1;
	s8 =	simm.s32 @!p0 $0x1BF5;
	p2 =	por !p2, p0  }
0x20: {  	[sflag:s8] =	ssyncset.s32 @!p0 $0xFFFFF086;
	s6 =	sadd.s32 @!p0 s3, s7;
	s7 =	simm.s32 @!p0 $0x108  }
0x21: {  	s3 =	sadd.s32 s3, s9;
	s6 =	sadd.s32 @!p0 $0x88, s6;
	s7 =	simm.s32 @p2 $0x1082  }
0x22: {  	[simem:s7], [sflag:s8] =	dma.local @!p0 [hbm:s6], $0xF7A  }
0x23: {  	s9 =	sor.u32 $0xD0000000, s2;
	s6 =	simm.s32 $0x108;
	_ =	swait.ge @!p0 [sflag:s8], $0x0  }
0x24: {  	s3 =	sadd.s32 $0x88, s3;
	s6 =	simm.s32 @!p1 $0x1082;
	[sflag:s4] =	ssyncset.s32 $0xFFFFF086  }
0x25: {  	[simem:s6], [sflag:s4] =	dma.local [hbm:s3], $0xF7A  }
0x26: {  	[smem:$0x3F94] =	sst s1;
	(tag) =	ssettag s2;
	_ =	strace s9  }
0x27: {  	s1 =	sld [smem:$0x3FA4]  }
0x28: {  	s2 =	sld [smem:$0x3FA5]  }
0x29: {  	s4 =	sld [smem:$0x3FA7]  }
0x2a: {  	p0 =	seq.s32 s5, $0x0;
	s5 =	sld [smem:$0x3FA8]  }
0x2b: {  	s6 =	sld [smem:$0x3FA9]  }
0x2c: {  	s7 =	sld [smem:$0x3FAA]  }
0x2d: {  	s3 =	simm.s32 $0x108;
	s8 =	sld [smem:$0x3FAB]  }
0x2e: {  	s3 =	simm.s32 @!p0 $0x1082;
	s9 =	sld [smem:$0x3FAC]  }
0x2f: {  	lr =	sadd.s32 s0, s3;
	s0 =	sld [smem:$0x3FA3]  }
0x30: {  	s3 =	sld [smem:$0x3FA6]  }
0x31: {  	[smem:$0x3FAF] =	sst s10  }
0x32: {  	s10 =	sld [smem:$0x3FAD];
	_ =	sdelay $0x3  }
0x33: {  	p0 =	seq.s32 s10, $0x1;
	s10 =	sld [smem:$0x3FAF];
	_ =	sdelay $0x3  }
0x34: {  	[smem:$0x3FAF] =	sst s10  }
0x35: {  	s10 =	sld [smem:$0x3FAE];
	_ =	sdelay $0x3  }
0x36: {  	p1 =	seq.s32 s10, $0x1;
	s10 =	sld [smem:$0x3FAF];
	_ =	sdelay $0x3  }
0x37: {  	[smem:$0x3FAF] =	sst s10  }
0x38: {  	s10 =	sld [smem:$0x3FB0]  }
0x39: {  	_ = 	snop;
	(pc) =	sbr.ind lr, $3  }
0x3a: {  	_ = 	snop  }
0x3b: {  	_ = 	snop  }
0x3c: {  	p2 =	seq.s32 s10, $0x1;
	s10 =	sld [smem:$0x3FAF]  }
0x3d: {  	_ =	shalt  }
0x3e: {  	_ =	shalt  }
0x3f: {  	_ =	shalt  }
0x40: {  	_ =	shalt  }
0x41: {  	_ =	shalt  }
0x42: {  	_ =	shalt  }
0x43: {  	_ =	shalt  }
0x44: {  	_ =	shalt  }
0x45: {  	_ =	shalt  }
0x46: {  	_ =	shalt  }
0x47: {  	_ =	shalt  }
0x48: {  	_ =	shalt  }
0x49: {  	_ =	shalt  }
0x4a: {  	_ =	shalt  }
0x4b: {  	_ =	shalt  }
0x4c: {  	_ =	shalt  }
0x4d: {  	_ =	shalt  }
0x4e: {  	_ =	shalt  }
0x4f: {  	_ =	shalt  }
0x50: {  	_ =	shalt  }
0x51: {  	_ =	shalt  }
0x52: {  	_ =	shalt  }
0x53: {  	_ =	shalt  }
0x54: {  	_ =	shalt  }
0x55: {  	_ =	shalt  }
0x56: {  	_ =	shalt  }
0x57: {  	_ =	shalt  }
0x58: {  	_ =	shalt  }
0x59: {  	_ =	shalt  }
0x5a: {  	_ =	shalt  }
0x5b: {  	_ =	shalt  }
0x5c: {  	_ =	shalt  }
0x5d: {  	_ =	shalt  }
0x5e: {  	_ =	shalt  }
0x5f: {  	_ =	shalt  }
0x60: {  	_ =	shalt  }
0x61: {  	_ =	shalt  }
0x62: {  	_ =	shalt  }
0x63: {  	_ =	shalt  }
0x64: {  	_ =	shalt  }
0x65: {  	_ =	shalt  }
0x66: {  	_ =	shalt  }
0x67: {  	_ =	shalt  }
0x68: {  	_ =	shalt  }
0x69: {  	_ =	shalt  }
0x6a: {  	_ =	shalt  }
0x6b: {  	_ =	shalt  }
0x6c: {  	_ =	shalt  }
0x6d: {  	_ =	shalt  }
0x6e: {  	_ =	shalt  }
0x6f: {  	_ =	shalt  }
0x70: {  	_ =	shalt  }
0x71: {  	_ =	shalt  }
0x72: {  	_ =	shalt  }
0x73: {  	_ =	shalt  }
0x74: {  	_ =	shalt  }
0x75: {  	_ =	shalt  }
0x76: {  	_ =	shalt  }
0x77: {  	_ =	shalt  }
0x78: {  	_ =	shalt  }
0x79: {  	_ =	shalt  }
0x7a: {  	_ =	shalt  }
0x7b: {  	_ =	shalt  }
0x7c: {  	_ =	shalt  }
0x7d: {  	_ =	shalt  }
0x7e: {  	_ =	shalt  }
0x7f: {  	_ =	shalt  }
0x80: {  	_ =	shalt  }
0x81: {  	_ =	shalt  }
0x82: {  	_ =	shalt  }
0x83: {  	_ =	shalt  }
0x84: {  	_ =	shalt  }
0x85: {  	_ =	shalt  }
0x86: {  	_ =	shalt  }
0x87: {  	_ =	shalt  }
.Lfunc_end0:
.L_simem_size_0:
called_computation_lowered:
.L_overlay_start_0:
0x88: {  	s2 =	sld [smem:$0x3FD9]  }
0x89: {  	s3 =	sld [smem:$0x3FFE];
	_ =	sdelay $0x1  }
0x8a: {  	s1 =	srdreg.scid  }
0x8b: {  	s0 =	sand.u32 $0x1, s1  }
0x8c: {  	s17 =	sshll.u32 s0, $0xA;
	s2 =	sadd.s32 s3, s2  }
0x8d: {  	s2 =	sadd.s32 s2, s17  }
0x8e: {  	[smem:$0x3FBB] =	sst s2  }
0x8f: {  	_ = 	snop  }
0x90: {  	s2 =	sld [smem:$0x3FD0];
	(tm) =	ssettm $0x1  }
0x91: {  	s18 =	sld [smem:$0x3FFB];
	_ =	sdelay $0x3  }
0x92: {  	_ =	strace s18  }
0x93: {  	s3 =	sld [smem:$0x3FFC];
	_ =	sdelay $0x3  }
0x94: {  	_ =	strace s3  }
0x95: {  	s3 =	sld [smem:$0x3FFD];
	_ =	sdelay $0x3  }
0x96: {  	_ =	strace s3  }
0x97: {  	_ =	strace $0x8FFFFFFF  }
0x98: {  	s19 =	sld [smem:$0x3FDB];
	_ =	sdelay $0x1  }
0x99: {  	s4 =	simm.s32 $_scs_section_size  }
0x9a: {  	s5 =	simm.s32 $_size__tile_overlayer_lowered;
	s6 =	simm.s32 $_tile_overlayer_lowered  }
0x9b: {  	s22 =	simm.s32 $0x1BFF;
	s21 =	sshll.u32 s6, $0x1;
	s3 =	sadd.s32 s4, s19  }
0x9c: {  	s7 =	simm.s32 $0x0;
	s20 =	sshll.u32 s5, $0x1;
	s5 =	sadd.s32 s21, s3  }
0x9d: {  	[timem:s7], [sflag:s22] =	dma.local [hbm:s5], s20  }
0x9e: {  	_ =	swait.ge [sflag:s22], s20  }
0x9f: {  	s4 =	ssub.s32 $0x0, s20;
	[sflag:s22] =	ssyncset.done $0x0  }
0xa0: {  	[sflag:s22] =	ssyncadd.s32 s4;
	_ =	sdelay $0x1  }
0xa1: {  	s23 =	simm.s32 $0x1B8B  }
0xa2: {  	_ =	swait.ge [sflag:s23], $0x1  }
0xa3: {  	[sflag:s23] =	ssyncset.done $0x0  }
0xa4: {  	s25 =	simm.s32 $0x1B8E;
	s24 =	sld [smem:$0x3FFE];
	[sflag:s23] =	ssyncadd.s32 $0xFFFFFFFF  }
0xa5: {  	s26 =	simm.s32 $execute0_lowered;
	[smem:$0x3FD2] =	sst s25  }
0xa6: {  	s5 =	sshll.u32 s26, $0x1;
	_ =	strace $0x80000046;
	[dreg:$0x1] =	wrdreg $0xFFFFFFFF  }
0xa7: {  	s28 =	simm.s32 $_size_execute0_lowered;
	s3 =	sadd.s32 s3, s5;
	[dreg:$0x0] =	wrdreg $0x0  }
0xa8: {  	s5 =	sshll.u32 s28, $0x1;
	[dreg:$0x2] =	wrdreg s3  }
0xa9: {  	[dreg:$0x3] =	wrdreg s5  }
0xaa: {  	[dreg:$0x4] =	wrdreg $0xC0  }
0xab: {  	_ =	task [dreg:s7], $0x5FFFF  }
0xac: {  	[dreg:$0x1] =	wrdreg $0xFFFFFFFF  }
0xad: {  	[dreg:$0x0] =	wrdreg $0x60  }
0xae: {  	[dreg:$0x2] =	wrdreg s24  }
0xaf: {  	[dreg:$0x3] =	wrdreg s2  }
0xb0: {  	[dreg:$0x4] =	wrdreg $0x9  }
0xb1: {  	_ =	task.clear_ibuf [dreg:s7], $0x5FFFF;
	_ =	strace $0x90000046  }
0xb2: {  	s29 =	simm.s32 $0x9;
	_ =	strace $0x80000048  }
0xb3: {  	_ =	swait.ge [sflag:s29], $0x1  }
0xb4: {  	[sflag:s29] =	ssyncadd.s32 $0xFFFFFFFF  }
0xb5: {  	_ =	strace $0x90000048  }
0xb6: {  	_ =	sfence  }
0xb7: {  	s30 =	sld [smem:$0x0];
	_ =	sdelay $0x2  }
0xb8: {  	s31 =	sshll.u32 s1, $0xD;
	s1 =	sshrl.u32 s1, $0x2  }
0xb9: {  	s3 =	sand.u32 $0x4000, s31;
	s1 =	sadd.s32 s1, s30  }
0xba: {  	s0 =	sor.u32 s3, s0;
	s1 =	sshll.u32 s1, $0x11  }
0xbb: {  	s0 =	sor.u32 s1, s0  }
0xbc: {  	s0 =	sadd.s32 $0x8F2B, s0  }
0xbd: {  	[sflag:s0] =	ssyncadd.remote.s32 $0x1  }
0xbe: {  	_ =	sfence.sel $0xFFFF  }
0xbf: {  	[dreg:$0x0] =	wrdreg $0xFFFFFFFF;
	(pc) =	sbr.abs _section_cstart, $3  }
0xc0: {  	[dreg:$0x1] =	wrdreg $0xFFFFFFFF  }
0xc1: {  	_ =	task.clear_ibuf [dreg:s7], $0x2FFFF;
	_ =	strace $0x9FFFFFFF  }
0xc2: {  	(tm) =	ssettm $0x7FFFFFFF  }
0xc3: {  	_ =	shalt  }
tec
execute0_lowered:
.L_overlay_start_1:
0x0: {  	(tag) =	ssettag $0x1  }
0x1: {  	s0 =	srdreg.scid  }
0x2: {  	s1 =	stileid.u32;
	s12 =	rddreg [dreg:$0x0]  }
0x3: {  	s4 =	rddreg [dreg:$0x1];
	s2 =	simm.s32 $0x0;
	s14 =	simm.s32 $0x2  }
0x4: {  	s15 =	simm.s32 $0x80;
	s18 =	simm.s32 $0x1;
	s20 =	simm.s32 $0x880  }
0x5: {  	s21 =	simm.s32 $0x1080;
	s28 =	simm.s32 $0x4080;
	s29 =	simm.s32 $0x4880  }
0x6: {  	s30 =	simm.s32 $0x5080;
	s0 =	sand.u32 $0x1, s0;
	s1 =	sshll.u32 s1, $0x1  }
0x7: {  	s31 =	simm.s32 $0x5880;
	s16 =	simm.s32 $0x7080;
	s1 =	sor.u32 s0, s1  }
0x8: {  	s17 =	simm.s32 $0x7880;
	[smem:$0x7FF] =	sst s2;
	s1 =	smul.u32 $0x50, s1  }
0x9: {  	s3 =	sadd.s32 $0xE000, s12;
	s7 =	sadd.s32 $0xE400, s12;
	s8 =	sadd.s32 $0xE500, s12  }
0xa: {  	s9 =	sadd.s32 $0xE600, s12;
	s0 =	ssub.s32 $0x2, s0;
	s1 =	sshrl.u32 s1, $0x3  }
0xb: {  	s10 =	sadd.s32 $0xE700, s12;
	s6 =	sshrl.u32 s0, $0x1;
	s5 =	smul.u32 $0xA00, s1  }
0xc: {  	s11 =	sadd.s32 $0xE800, s12;
	_ =	strace $0x80000047;
	s0 =	ssub.s32 s0, s6  }
0xd: {  	s6 =	sadd.s32 $0xE300, s12;
	s1 =	sadd.s32 s4, s1;
	s13 =	sadd.s32 s5, s12  }
0xe: {  	s4 =	sadd.s32 $0xE100, s12;
	[dreg:$0x3] =	wrdreg s1;
	s22 =	sadd.s32 $0xF50400, s13  }
0xf: {  	s1 =	simm.s32 $0x6080;
	s23 =	sadd.s32 $0xF51800, s13;
	[dreg:$0x4] =	wrdreg s22  }
0x10: {  	s5 =	sadd.s32 $0xE200, s12;
	s24 =	sadd.s32 $0xF52C00, s13;
	[dreg:$0x5] =	wrdreg s23  }
0x11: {  	s12 =	sadd.s32 $0xE900, s12;
	s25 =	sadd.s32 $0xF54000, s13;
	[dreg:$0x6] =	wrdreg s24  }
0x12: {  	v2 =	vlaneseq.u32;
	s26 =	sadd.s32 $0xF55400, s13;
	s13 =	smax.u32 s0, $0x1;
	[dreg:$0x7] =	wrdreg s25  }
0x13: {  	vm0 =	vmmov $0xffff;
	v1 =	vshrl.u32 v2, $0x3;
	[dreg:$0x8] =	wrdreg s26;
	s22 =	simm.s32 $0x1880;
	s23 =	simm.s32 $0x2080  }
0x14: {  	v0 =	vand.u32 $0x7, v2;
	v2 =	vor.u32 $0x8, v2;
	v1 =	vmul.u32 $0x8, v1;
	s24 =	simm.s32 $0x2880;
	s25 =	simm.s32 $0x3080;
	s26 =	simm.s32 $0x3880  }
.LBB2_1:
0x15: {  	s19 =	rddreg [dreg:$0x3]  }
0x16: {  	[tilespmem:s2], [sflag:$0x2] =	stream.linear.gather [hbm4b:s19+s2], $0x50, $0x38;
	[tilespmem:$0xA080] =	vst v63  }
0x17: {  	_ =	swait.ge [sflag:s14], $0x50  }
0x18: {  	[sflag:s14] =	ssyncset.done $0x0  }
0x19: {  	[sflag:s14] =	ssyncadd.s32 $0xFFFFFFB0  }
0x1a: {  	v3 =	vld [tilespmem:$0x0];
	_ =	sdelay $0x4  }
0x1b: {  	v4 =	vshrl.u32 v3, $0x3  }
0x1c: {  	v4 =	vmul.u32 $0xA0, v4  }
0x1d: {  	v3 =	vand.u32 $0x7, v3  }
0x1e: {  	v3 =	vor.u32 v3, v4  }
0x1f: {  	v4 =	vperm.xlane v3, v0;
	_ =	sdelay $0x1  }
0x20: {  	v4 =	vadd.s32 v1, v4;
	_ =	sdelay $0x4  }
0x21: {  	[tilespmem:s15], [sflag:$0x1] =	stream.indirect_vreg.gather [hbm4b:s3+s2], $0x80, v4, vm0, $0xb8;
	[tilespmem:$0xA080] =	vst v63  }
0x22: {  	_ = 	snop  }
0x23: {  	[tilespmem:s20], [sflag:$0x1] =	stream.indirect_vreg.gather [hbm4b:s4+s2], $0x80, v4, vm0, $0xb8;
	[tilespmem:$0xA080] =	vst v63  }
0x24: {  	_ = 	snop  }
0x25: {  	[tilespmem:s21], [sflag:$0x1] =	stream.indirect_vreg.gather [hbm4b:s5+s2], $0x80, v4, vm0, $0xb8;
	[tilespmem:$0xA080] =	vst v63  }
0x26: {  	_ = 	snop  }
0x27: {  	[tilespmem:s22], [sflag:$0x1] =	stream.indirect_vreg.gather [hbm4b:s6+s2], $0x80, v4, vm0, $0xb8;
	[tilespmem:$0xA080] =	vst v63  }
0x28: {  	_ = 	snop  }
0x29: {  	[tilespmem:s23], [sflag:$0x1] =	stream.indirect_vreg.gather [hbm4b:s7+s2], $0x80, v4, vm0, $0xb8;
	[tilespmem:$0xA080] =	vst v63  }
0x2a: {  	_ = 	snop  }
0x2b: {  	[tilespmem:s24], [sflag:$0x1] =	stream.indirect_vreg.gather [hbm4b:s8+s2], $0x80, v4, vm0, $0xb8;
	[tilespmem:$0xA080] =	vst v63  }
0x2c: {  	_ = 	snop  }
0x2d: {  	[tilespmem:s25], [sflag:$0x1] =	stream.indirect_vreg.gather [hbm4b:s9+s2], $0x80, v4, vm0, $0xb8;
	[tilespmem:$0xA080] =	vst v63  }
0x2e: {  	v3 =	vperm.xlane v3, v2  }
0x2f: {  	[tilespmem:s26], [sflag:$0x1] =	stream.indirect_vreg.gather [hbm4b:s10+s2], $0x80, v4, vm0, $0xb8;
	[tilespmem:$0xA080] =	vst v63  }
0x30: {  	v3 =	vadd.s32 v1, v3  }
0x31: {  	[tilespmem:s28], [sflag:$0x1] =	stream.indirect_vreg.gather [hbm4b:s11+s2], $0x80, v4, vm0, $0xb8;
	[tilespmem:$0xA080] =	vst v63  }
0x32: {  	_ = 	snop  }
0x33: {  	[tilespmem:s29], [sflag:$0x1] =	stream.indirect_vreg.gather [hbm4b:s12+s2], $0x80, v4, vm0, $0xb8;
	[tilespmem:$0xA080] =	vst v63  }
0x34: {  	_ = 	snop  }
0x35: {  	[tilespmem:s30], [sflag:$0x1] =	stream.indirect_vreg.gather [hbm4b:s3+s2], $0x80, v3, vm0, $0xb8;
	[tilespmem:$0xA080] =	vst v63  }
0x36: {  	_ = 	snop  }
0x37: {  	[tilespmem:s31], [sflag:$0x1] =	stream.indirect_vreg.gather [hbm4b:s4+s2], $0x80, v3, vm0, $0xb8;
	[tilespmem:$0xA080] =	vst v63  }
0x38: {  	_ = 	snop  }
0x39: {  	[tilespmem:s1], [sflag:$0x1] =	stream.indirect_vreg.gather [hbm4b:s5+s2], $0x80, v3, vm0, $0xb8;
	[tilespmem:$0xA080] =	vst v63  }
0x3a: {  	s0 =	simm.s32 $0x6880  }
0x3b: {  	[tilespmem:s0], [sflag:$0x1] =	stream.indirect_vreg.gather [hbm4b:s6+s2], $0x80, v3, vm0, $0xb8;
	[tilespmem:$0xA080] =	vst v63  }
0x3c: {  	_ = 	snop  }
0x3d: {  	[tilespmem:s16], [sflag:$0x1] =	stream.indirect_vreg.gather [hbm4b:s7+s2], $0x80, v3, vm0, $0xb8;
	[tilespmem:$0xA080] =	vst v63  }
0x3e: {  	_ = 	snop  }
0x3f: {  	[tilespmem:s17], [sflag:$0x1] =	stream.indirect_vreg.gather [hbm4b:s8+s2], $0x80, v3, vm0, $0xb8;
	[tilespmem:$0xA080] =	vst v63  }
0x40: {  	s19 =	simm.s32 $0x8080  }
0x41: {  	[tilespmem:s19], [sflag:$0x1] =	stream.indirect_vreg.gather [hbm4b:s9+s2], $0x80, v3, vm0, $0xb8;
	[tilespmem:$0xA080] =	vst v63  }
0x42: {  	s19 =	simm.s32 $0x8880  }
0x43: {  	[tilespmem:s19], [sflag:$0x1] =	stream.indirect_vreg.gather [hbm4b:s10+s2], $0x80, v3, vm0, $0xb8;
	[tilespmem:$0xA080] =	vst v63  }
0x44: {  	s19 =	simm.s32 $0x9080  }
0x45: {  	[tilespmem:s19], [sflag:$0x1] =	stream.indirect_vreg.gather [hbm4b:s11+s2], $0x80, v3, vm0, $0xb8;
	[tilespmem:$0xA080] =	vst v63  }
0x46: {  	s19 =	simm.s32 $0x9880  }
0x47: {  	[tilespmem:s19], [sflag:$0x1] =	stream.indirect_vreg.gather [hbm4b:s12+s2], $0x80, v3, vm0, $0xb8;
	[tilespmem:$0xA080] =	vst v63  }
0x48: {  	_ =	swait.ge [sflag:s18], $0xA000  }
0x49: {  	[sflag:s18] =	ssyncset.done $0x0  }
0x4a: {  	s19 =	rddreg [dreg:$0x4];
	[sflag:s18] =	ssyncadd.s32 $0xFFFF6000  }
0x4b: {  	[hbm4b:s19+s2] =	stream.linear.scatter [tilespmem:s15], [sflag:$0x2], $0xA000, $0x38;
	[tilespmem:$0xA080] =	vst v63  }
0x4c: {  	_ =	swait.ge [sflag:s14], $0xA000  }
0x4d: {  	[sflag:s14] =	ssyncset.done $0x0  }
0x4e: {  	[sflag:s14] =	ssyncadd.s32 $0xFFFF6000  }
0x4f: {  	v3 =	vld [tilespmem:$0x10];
	_ =	sdelay $0x4  }
0x50: {  	v60 =	vshrl.u32 v3, $0x3  }
0x51: {  	v4 =	vmul.u32 $0xA0, v60  }
0x52: {  	v3 =	vand.u32 $0x7, v3  }
0x53: {  	v3 =	vor.u32 v3, v4  }
0x54: {  	v4 =	vperm.xlane v3, v0;
	_ =	sdelay $0x1  }
0x55: {  	v4 =	vadd.s32 v1, v4;
	_ =	sdelay $0x4  }
0x56: {  	[tilespmem:s15], [sflag:$0x1] =	stream.indirect_vreg.gather [hbm4b:s3+s2], $0x80, v4, vm0, $0xb8;
	[tilespmem:$0xA080] =	vst v63  }
0x57: {  	_ = 	snop  }
0x58: {  	[tilespmem:s20], [sflag:$0x1] =	stream.indirect_vreg.gather [hbm4b:s4+s2], $0x80, v4, vm0, $0xb8;
	[tilespmem:$0xA080] =	vst v63  }
0x59: {  	_ = 	snop  }
0x5a: {  	[tilespmem:s21], [sflag:$0x1] =	stream.indirect_vreg.gather [hbm4b:s5+s2], $0x80, v4, vm0, $0xb8;
	[tilespmem:$0xA080] =	vst v63  }
0x5b: {  	_ = 	snop  }
0x5c: {  	[tilespmem:s22], [sflag:$0x1] =	stream.indirect_vreg.gather [hbm4b:s6+s2], $0x80, v4, vm0, $0xb8;
	[tilespmem:$0xA080] =	vst v63  }
0x5d: {  	_ = 	snop  }
0x5e: {  	[tilespmem:s23], [sflag:$0x1] =	stream.indirect_vreg.gather [hbm4b:s7+s2], $0x80, v4, vm0, $0xb8;
	[tilespmem:$0xA080] =	vst v63  }
0x5f: {  	_ = 	snop  }
0x60: {  	[tilespmem:s24], [sflag:$0x1] =	stream.indirect_vreg.gather [hbm4b:s8+s2], $0x80, v4, vm0, $0xb8;
	[tilespmem:$0xA080] =	vst v63  }
0x61: {  	_ = 	snop  }
0x62: {  	[tilespmem:s25], [sflag:$0x1] =	stream.indirect_vreg.gather [hbm4b:s9+s2], $0x80, v4, vm0, $0xb8;
	[tilespmem:$0xA080] =	vst v63  }
0x63: {  	v3 =	vperm.xlane v3, v2  }
0x64: {  	[tilespmem:s26], [sflag:$0x1] =	stream.indirect_vreg.gather [hbm4b:s10+s2], $0x80, v4, vm0, $0xb8;
	[tilespmem:$0xA080] =	vst v63  }
0x65: {  	v3 =	vadd.s32 v1, v3  }
0x66: {  	[tilespmem:s28], [sflag:$0x1] =	stream.indirect_vreg.gather [hbm4b:s11+s2], $0x80, v4, vm0, $0xb8;
	[tilespmem:$0xA080] =	vst v63  }
0x67: {  	_ = 	snop  }
0x68: {  	[tilespmem:s29], [sflag:$0x1] =	stream.indirect_vreg.gather [hbm4b:s12+s2], $0x80, v4, vm0, $0xb8;
	[tilespmem:$0xA080] =	vst v63  }
0x69: {  	_ = 	snop  }
0x6a: {  	[tilespmem:s30], [sflag:$0x1] =	stream.indirect_vreg.gather [hbm4b:s3+s2], $0x80, v3, vm0, $0xb8;
	[tilespmem:$0xA080] =	vst v63  }
0x6b: {  	_ = 	snop  }
0x6c: {  	[tilespmem:s31], [sflag:$0x1] =	stream.indirect_vreg.gather [hbm4b:s4+s2], $0x80, v3, vm0, $0xb8;
	[tilespmem:$0xA080] =	vst v63  }
0x6d: {  	_ = 	snop  }
0x6e: {  	[tilespmem:s1], [sflag:$0x1] =	stream.indirect_vreg.gather [hbm4b:s5+s2], $0x80, v3, vm0, $0xb8;
	[tilespmem:$0xA080] =	vst v63  }
0x6f: {  	_ = 	snop  }
0x70: {  	[tilespmem:s0], [sflag:$0x1] =	stream.indirect_vreg.gather [hbm4b:s6+s2], $0x80, v3, vm0, $0xb8;
	[tilespmem:$0xA080] =	vst v63  }
0x71: {  	_ = 	snop  }
0x72: {  	[tilespmem:s16], [sflag:$0x1] =	stream.indirect_vreg.gather [hbm4b:s7+s2], $0x80, v3, vm0, $0xb8;
	[tilespmem:$0xA080] =	vst v63  }
0x73: {  	_ = 	snop  }
0x74: {  	[tilespmem:s17], [sflag:$0x1] =	stream.indirect_vreg.gather [hbm4b:s8+s2], $0x80, v3, vm0, $0xb8;
	[tilespmem:$0xA080] =	vst v63  }
0x75: {  	s19 =	simm.s32 $0x8080  }
0x76: {  	[tilespmem:s19], [sflag:$0x1] =	stream.indirect_vreg.gather [hbm4b:s9+s2], $0x80, v3, vm0, $0xb8;
	[tilespmem:$0xA080] =	vst v63  }
0x77: {  	s19 =	simm.s32 $0x8880  }
0x78: {  	[tilespmem:s19], [sflag:$0x1] =	stream.indirect_vreg.gather [hbm4b:s10+s2], $0x80, v3, vm0, $0xb8;
	[tilespmem:$0xA080] =	vst v63  }
0x79: {  	s19 =	simm.s32 $0x9080  }
0x7a: {  	[tilespmem:s19], [sflag:$0x1] =	stream.indirect_vreg.gather [hbm4b:s11+s2], $0x80, v3, vm0, $0xb8;
	[tilespmem:$0xA080] =	vst v63  }
0x7b: {  	s19 =	simm.s32 $0x9880  }
0x7c: {  	[tilespmem:s19], [sflag:$0x1] =	stream.indirect_vreg.gather [hbm4b:s12+s2], $0x80, v3, vm0, $0xb8;
	[tilespmem:$0xA080] =	vst v63  }
0x7d: {  	_ =	swait.ge [sflag:s18], $0xA000  }
0x7e: {  	[sflag:s18] =	ssyncset.done $0x0  }
0x7f: {  	s19 =	rddreg [dreg:$0x5];
	[sflag:s18] =	ssyncadd.s32 $0xFFFF6000  }
0x80: {  	[hbm4b:s19+s2] =	stream.linear.scatter [tilespmem:s15], [sflag:$0x2], $0xA000, $0x38;
	[tilespmem:$0xA080] =	vst v63  }
0x81: {  	_ =	swait.ge [sflag:s14], $0xA000  }
0x82: {  	[sflag:s14] =	ssyncset.done $0x0  }
0x83: {  	[sflag:s14] =	ssyncadd.s32 $0xFFFF6000  }
0x84: {  	v3 =	vld [tilespmem:$0x20];
	_ =	sdelay $0x4  }
0x85: {  	v61 =	vshrl.u32 v3, $0x3  }
0x86: {  	v4 =	vmul.u32 $0xA0, v61  }
0x87: {  	v3 =	vand.u32 $0x7, v3  }
0x88: {  	v3 =	vor.u32 v3, v4  }
0x89: {  	v4 =	vperm.xlane v3, v0;
	_ =	sdelay $0x1  }
0x8a: {  	v4 =	vadd.s32 v1, v4;
	_ =	sdelay $0x4  }
0x8b: {  	[tilespmem:s15], [sflag:$0x1] =	stream.indirect_vreg.gather [hbm4b:s3+s2], $0x80, v4, vm0, $0xb8;
	[tilespmem:$0xA080] =	vst v63  }
0x8c: {  	_ = 	snop  }
0x8d: {  	[tilespmem:s20], [sflag:$0x1] =	stream.indirect_vreg.gather [hbm4b:s4+s2], $0x80, v4, vm0, $0xb8;
	[tilespmem:$0xA080] =	vst v63  }
0x8e: {  	_ = 	snop  }
0x8f: {  	[tilespmem:s21], [sflag:$0x1] =	stream.indirect_vreg.gather [hbm4b:s5+s2], $0x80, v4, vm0, $0xb8;
	[tilespmem:$0xA080] =	vst v63  }
0x90: {  	_ = 	snop  }
0x91: {  	[tilespmem:s22], [sflag:$0x1] =	stream.indirect_vreg.gather [hbm4b:s6+s2], $0x80, v4, vm0, $0xb8;
	[tilespmem:$0xA080] =	vst v63  }
0x92: {  	_ = 	snop  }
0x93: {  	[tilespmem:s23], [sflag:$0x1] =	stream.indirect_vreg.gather [hbm4b:s7+s2], $0x80, v4, vm0, $0xb8;
	[tilespmem:$0xA080] =	vst v63  }
0x94: {  	_ = 	snop  }
0x95: {  	[tilespmem:s24], [sflag:$0x1] =	stream.indirect_vreg.gather [hbm4b:s8+s2], $0x80, v4, vm0, $0xb8;
	[tilespmem:$0xA080] =	vst v63  }
0x96: {  	_ = 	snop  }
0x97: {  	[tilespmem:s25], [sflag:$0x1] =	stream.indirect_vreg.gather [hbm4b:s9+s2], $0x80, v4, vm0, $0xb8;
	[tilespmem:$0xA080] =	vst v63  }
0x98: {  	v3 =	vperm.xlane v3, v2  }
0x99: {  	[tilespmem:s26], [sflag:$0x1] =	stream.indirect_vreg.gather [hbm4b:s10+s2], $0x80, v4, vm0, $0xb8;
	[tilespmem:$0xA080] =	vst v63  }
0x9a: {  	v3 =	vadd.s32 v1, v3  }
0x9b: {  	[tilespmem:s28], [sflag:$0x1] =	stream.indirect_vreg.gather [hbm4b:s11+s2], $0x80, v4, vm0, $0xb8;
	[tilespmem:$0xA080] =	vst v63  }
0x9c: {  	_ = 	snop  }
0x9d: {  	[tilespmem:s29], [sflag:$0x1] =	stream.indirect_vreg.gather [hbm4b:s12+s2], $0x80, v4, vm0, $0xb8;
	[tilespmem:$0xA080] =	vst v63  }
0x9e: {  	_ = 	snop  }
0x9f: {  	[tilespmem:s30], [sflag:$0x1] =	stream.indirect_vreg.gather [hbm4b:s3+s2], $0x80, v3, vm0, $0xb8;
	[tilespmem:$0xA080] =	vst v63  }
0xa0: {  	_ = 	snop  }
0xa1: {  	[tilespmem:s31], [sflag:$0x1] =	stream.indirect_vreg.gather [hbm4b:s4+s2], $0x80, v3, vm0, $0xb8;
	[tilespmem:$0xA080] =	vst v63  }
0xa2: {  	_ = 	snop  }
0xa3: {  	[tilespmem:s1], [sflag:$0x1] =	stream.indirect_vreg.gather [hbm4b:s5+s2], $0x80, v3, vm0, $0xb8;
	[tilespmem:$0xA080] =	vst v63  }
0xa4: {  	_ = 	snop  }
0xa5: {  	[tilespmem:s0], [sflag:$0x1] =	stream.indirect_vreg.gather [hbm4b:s6+s2], $0x80, v3, vm0, $0xb8;
	[tilespmem:$0xA080] =	vst v63  }
0xa6: {  	_ = 	snop  }
0xa7: {  	[tilespmem:s16], [sflag:$0x1] =	stream.indirect_vreg.gather [hbm4b:s7+s2], $0x80, v3, vm0, $0xb8;
	[tilespmem:$0xA080] =	vst v63  }
0xa8: {  	_ = 	snop  }
0xa9: {  	[tilespmem:s17], [sflag:$0x1] =	stream.indirect_vreg.gather [hbm4b:s8+s2], $0x80, v3, vm0, $0xb8;
	[tilespmem:$0xA080] =	vst v63  }
0xaa: {  	s19 =	simm.s32 $0x8080  }
0xab: {  	[tilespmem:s19], [sflag:$0x1] =	stream.indirect_vreg.gather [hbm4b:s9+s2], $0x80, v3, vm0, $0xb8;
	[tilespmem:$0xA080] =	vst v63  }
0xac: {  	s19 =	simm.s32 $0x8880  }
0xad: {  	[tilespmem:s19], [sflag:$0x1] =	stream.indirect_vreg.gather [hbm4b:s10+s2], $0x80, v3, vm0, $0xb8;
	[tilespmem:$0xA080] =	vst v63  }
0xae: {  	s19 =	simm.s32 $0x9080  }
0xaf: {  	[tilespmem:s19], [sflag:$0x1] =	stream.indirect_vreg.gather [hbm4b:s11+s2], $0x80, v3, vm0, $0xb8;
	[tilespmem:$0xA080] =	vst v63  }
0xb0: {  	s19 =	simm.s32 $0x9880  }
0xb1: {  	[tilespmem:s19], [sflag:$0x1] =	stream.indirect_vreg.gather [hbm4b:s12+s2], $0x80, v3, vm0, $0xb8;
	[tilespmem:$0xA080] =	vst v63  }
0xb2: {  	_ =	swait.ge [sflag:s18], $0xA000  }
0xb3: {  	[sflag:s18] =	ssyncset.done $0x0  }
0xb4: {  	s19 =	rddreg [dreg:$0x6];
	[sflag:s18] =	ssyncadd.s32 $0xFFFF6000  }
0xb5: {  	[hbm4b:s19+s2] =	stream.linear.scatter [tilespmem:s15], [sflag:$0x2], $0xA000, $0x38;
	[tilespmem:$0xA080] =	vst v63  }
0xb6: {  	_ =	swait.ge [sflag:s14], $0xA000  }
0xb7: {  	[sflag:s14] =	ssyncset.done $0x0  }
0xb8: {  	[sflag:s14] =	ssyncadd.s32 $0xFFFF6000  }
0xb9: {  	v3 =	vld [tilespmem:$0x30];
	_ =	sdelay $0x4  }
0xba: {  	v62 =	vshrl.u32 v3, $0x3  }
0xbb: {  	v4 =	vmul.u32 $0xA0, v62  }
0xbc: {  	v3 =	vand.u32 $0x7, v3  }
0xbd: {  	v3 =	vor.u32 v3, v4  }
0xbe: {  	v4 =	vperm.xlane v3, v0;
	_ =	sdelay $0x1  }
0xbf: {  	v4 =	vadd.s32 v1, v4;
	_ =	sdelay $0x4  }
0xc0: {  	[tilespmem:s15], [sflag:$0x1] =	stream.indirect_vreg.gather [hbm4b:s3+s2], $0x80, v4, vm0, $0xb8;
	[tilespmem:$0xA080] =	vst v63  }
0xc1: {  	_ = 	snop  }
0xc2: {  	[tilespmem:s20], [sflag:$0x1] =	stream.indirect_vreg.gather [hbm4b:s4+s2], $0x80, v4, vm0, $0xb8;
	[tilespmem:$0xA080] =	vst v63  }
0xc3: {  	_ = 	snop  }
0xc4: {  	[tilespmem:s21], [sflag:$0x1] =	stream.indirect_vreg.gather [hbm4b:s5+s2], $0x80, v4, vm0, $0xb8;
	[tilespmem:$0xA080] =	vst v63  }
0xc5: {  	_ = 	snop  }
0xc6: {  	[tilespmem:s22], [sflag:$0x1] =	stream.indirect_vreg.gather [hbm4b:s6+s2], $0x80, v4, vm0, $0xb8;
	[tilespmem:$0xA080] =	vst v63  }
0xc7: {  	_ = 	snop  }
0xc8: {  	[tilespmem:s23], [sflag:$0x1] =	stream.indirect_vreg.gather [hbm4b:s7+s2], $0x80, v4, vm0, $0xb8;
	[tilespmem:$0xA080] =	vst v63  }
0xc9: {  	_ = 	snop  }
0xca: {  	[tilespmem:s24], [sflag:$0x1] =	stream.indirect_vreg.gather [hbm4b:s8+s2], $0x80, v4, vm0, $0xb8;
	[tilespmem:$0xA080] =	vst v63  }
0xcb: {  	_ = 	snop  }
0xcc: {  	[tilespmem:s25], [sflag:$0x1] =	stream.indirect_vreg.gather [hbm4b:s9+s2], $0x80, v4, vm0, $0xb8;
	[tilespmem:$0xA080] =	vst v63  }
0xcd: {  	v3 =	vperm.xlane v3, v2  }
0xce: {  	[tilespmem:s26], [sflag:$0x1] =	stream.indirect_vreg.gather [hbm4b:s10+s2], $0x80, v4, vm0, $0xb8;
	[tilespmem:$0xA080] =	vst v63  }
0xcf: {  	v3 =	vadd.s32 v1, v3  }
0xd0: {  	[tilespmem:s28], [sflag:$0x1] =	stream.indirect_vreg.gather [hbm4b:s11+s2], $0x80, v4, vm0, $0xb8;
	[tilespmem:$0xA080] =	vst v63  }
0xd1: {  	_ = 	snop  }
0xd2: {  	[tilespmem:s29], [sflag:$0x1] =	stream.indirect_vreg.gather [hbm4b:s12+s2], $0x80, v4, vm0, $0xb8;
	[tilespmem:$0xA080] =	vst v63  }
0xd3: {  	_ = 	snop  }
0xd4: {  	[tilespmem:s30], [sflag:$0x1] =	stream.indirect_vreg.gather [hbm4b:s3+s2], $0x80, v3, vm0, $0xb8;
	[tilespmem:$0xA080] =	vst v63  }
0xd5: {  	_ = 	snop  }
0xd6: {  	[tilespmem:s31], [sflag:$0x1] =	stream.indirect_vreg.gather [hbm4b:s4+s2], $0x80, v3, vm0, $0xb8;
	[tilespmem:$0xA080] =	vst v63  }
0xd7: {  	_ = 	snop  }
0xd8: {  	[tilespmem:s1], [sflag:$0x1] =	stream.indirect_vreg.gather [hbm4b:s5+s2], $0x80, v3, vm0, $0xb8;
	[tilespmem:$0xA080] =	vst v63  }
0xd9: {  	_ = 	snop  }
0xda: {  	[tilespmem:s0], [sflag:$0x1] =	stream.indirect_vreg.gather [hbm4b:s6+s2], $0x80, v3, vm0, $0xb8;
	[tilespmem:$0xA080] =	vst v63  }
0xdb: {  	_ = 	snop  }
0xdc: {  	[tilespmem:s16], [sflag:$0x1] =	stream.indirect_vreg.gather [hbm4b:s7+s2], $0x80, v3, vm0, $0xb8;
	[tilespmem:$0xA080] =	vst v63  }
0xdd: {  	_ = 	snop  }
0xde: {  	[tilespmem:s17], [sflag:$0x1] =	stream.indirect_vreg.gather [hbm4b:s8+s2], $0x80, v3, vm0, $0xb8;
	[tilespmem:$0xA080] =	vst v63  }
0xdf: {  	s19 =	simm.s32 $0x8080  }
0xe0: {  	[tilespmem:s19], [sflag:$0x1] =	stream.indirect_vreg.gather [hbm4b:s9+s2], $0x80, v3, vm0, $0xb8;
	[tilespmem:$0xA080] =	vst v63  }
0xe1: {  	s19 =	simm.s32 $0x8880  }
0xe2: {  	[tilespmem:s19], [sflag:$0x1] =	stream.indirect_vreg.gather [hbm4b:s10+s2], $0x80, v3, vm0, $0xb8;
	[tilespmem:$0xA080] =	vst v63  }
0xe3: {  	s19 =	simm.s32 $0x9080  }
0xe4: {  	[tilespmem:s19], [sflag:$0x1] =	stream.indirect_vreg.gather [hbm4b:s11+s2], $0x80, v3, vm0, $0xb8;
	[tilespmem:$0xA080] =	vst v63  }
0xe5: {  	s19 =	simm.s32 $0x9880  }
0xe6: {  	[tilespmem:s19], [sflag:$0x1] =	stream.indirect_vreg.gather [hbm4b:s12+s2], $0x80, v3, vm0, $0xb8;
	[tilespmem:$0xA080] =	vst v63  }
0xe7: {  	_ =	swait.ge [sflag:s18], $0xA000  }
0xe8: {  	[sflag:s18] =	ssyncset.done $0x0  }
0xe9: {  	s19 =	rddreg [dreg:$0x7];
	[sflag:s18] =	ssyncadd.s32 $0xFFFF6000  }
0xea: {  	[hbm4b:s19+s2] =	stream.linear.scatter [tilespmem:s15], [sflag:$0x2], $0xA000, $0x38;
	[tilespmem:$0xA080] =	vst v63  }
0xeb: {  	_ =	swait.ge [sflag:s14], $0xA000  }
0xec: {  	[sflag:s14] =	ssyncset.done $0x0  }
0xed: {  	[sflag:s14] =	ssyncadd.s32 $0xFFFF6000  }
0xee: {  	v3 =	vld [tilespmem:$0x40];
	_ =	sdelay $0x4  }
0xef: {  	v63 =	vshrl.u32 v3, $0x3  }
0xf0: {  	v4 =	vmul.u32 $0xA0, v63  }
0xf1: {  	v3 =	vand.u32 $0x7, v3  }
0xf2: {  	v3 =	vor.u32 v3, v4  }
0xf3: {  	v4 =	vperm.xlane v3, v0;
	_ =	sdelay $0x1  }
0xf4: {  	v4 =	vadd.s32 v1, v4;
	_ =	sdelay $0x4  }
0xf5: {  	[tilespmem:s15], [sflag:$0x1] =	stream.indirect_vreg.gather [hbm4b:s3+s2], $0x80, v4, vm0, $0xb8;
	[tilespmem:$0xA080] =	vst v63  }
0xf6: {  	_ = 	snop  }
0xf7: {  	[tilespmem:s20], [sflag:$0x1] =	stream.indirect_vreg.gather [hbm4b:s4+s2], $0x80, v4, vm0, $0xb8;
	[tilespmem:$0xA080] =	vst v63  }
0xf8: {  	_ = 	snop  }
0xf9: {  	[tilespmem:s21], [sflag:$0x1] =	stream.indirect_vreg.gather [hbm4b:s5+s2], $0x80, v4, vm0, $0xb8;
	[tilespmem:$0xA080] =	vst v63  }
0xfa: {  	_ = 	snop  }
0xfb: {  	[tilespmem:s22], [sflag:$0x1] =	stream.indirect_vreg.gather [hbm4b:s6+s2], $0x80, v4, vm0, $0xb8;
	[tilespmem:$0xA080] =	vst v63  }
0xfc: {  	_ = 	snop  }
0xfd: {  	[tilespmem:s23], [sflag:$0x1] =	stream.indirect_vreg.gather [hbm4b:s7+s2], $0x80, v4, vm0, $0xb8;
	[tilespmem:$0xA080] =	vst v63  }
0xfe: {  	_ = 	snop  }
0xff: {  	[tilespmem:s24], [sflag:$0x1] =	stream.indirect_vreg.gather [hbm4b:s8+s2], $0x80, v4, vm0, $0xb8;
	[tilespmem:$0xA080] =	vst v63  }
0x100: {  	_ = 	snop  }
0x101: {  	[tilespmem:s25], [sflag:$0x1] =	stream.indirect_vreg.gather [hbm4b:s9+s2], $0x80, v4, vm0, $0xb8;
	[tilespmem:$0xA080] =	vst v63  }
0x102: {  	v3 =	vperm.xlane v3, v2  }
0x103: {  	[tilespmem:s26], [sflag:$0x1] =	stream.indirect_vreg.gather [hbm4b:s10+s2], $0x80, v4, vm0, $0xb8;
	[tilespmem:$0xA080] =	vst v63  }
0x104: {  	v3 =	vadd.s32 v1, v3  }
0x105: {  	[tilespmem:s28], [sflag:$0x1] =	stream.indirect_vreg.gather [hbm4b:s11+s2], $0x80, v4, vm0, $0xb8;
	[tilespmem:$0xA080] =	vst v63  }
0x106: {  	_ = 	snop  }
0x107: {  	[tilespmem:s29], [sflag:$0x1] =	stream.indirect_vreg.gather [hbm4b:s12+s2], $0x80, v4, vm0, $0xb8;
	[tilespmem:$0xA080] =	vst v63  }
0x108: {  	_ = 	snop  }
0x109: {  	[tilespmem:s30], [sflag:$0x1] =	stream.indirect_vreg.gather [hbm4b:s3+s2], $0x80, v3, vm0, $0xb8;
	[tilespmem:$0xA080] =	vst v63  }
0x10a: {  	_ = 	snop  }
0x10b: {  	[tilespmem:s31], [sflag:$0x1] =	stream.indirect_vreg.gather [hbm4b:s4+s2], $0x80, v3, vm0, $0xb8;
	[tilespmem:$0xA080] =	vst v63  }
0x10c: {  	_ = 	snop  }
0x10d: {  	[tilespmem:s1], [sflag:$0x1] =	stream.indirect_vreg.gather [hbm4b:s5+s2], $0x80, v3, vm0, $0xb8;
	[tilespmem:$0xA080] =	vst v63  }
0x10e: {  	_ = 	snop  }
0x10f: {  	[tilespmem:s0], [sflag:$0x1] =	stream.indirect_vreg.gather [hbm4b:s6+s2], $0x80, v3, vm0, $0xb8;
	[tilespmem:$0xA080] =	vst v63  }
0x110: {  	_ = 	snop  }
0x111: {  	[tilespmem:s16], [sflag:$0x1] =	stream.indirect_vreg.gather [hbm4b:s7+s2], $0x80, v3, vm0, $0xb8;
	[tilespmem:$0xA080] =	vst v63  }
0x112: {  	_ = 	snop  }
0x113: {  	[tilespmem:s17], [sflag:$0x1] =	stream.indirect_vreg.gather [hbm4b:s8+s2], $0x80, v3, vm0, $0xb8;
	[tilespmem:$0xA080] =	vst v63  }
0x114: {  	s19 =	simm.s32 $0x8080  }
0x115: {  	[tilespmem:s19], [sflag:$0x1] =	stream.indirect_vreg.gather [hbm4b:s9+s2], $0x80, v3, vm0, $0xb8;
	[tilespmem:$0xA080] =	vst v63  }
0x116: {  	s19 =	simm.s32 $0x8880  }
0x117: {  	[tilespmem:s19], [sflag:$0x1] =	stream.indirect_vreg.gather [hbm4b:s10+s2], $0x80, v3, vm0, $0xb8;
	[tilespmem:$0xA080] =	vst v63  }
0x118: {  	s19 =	simm.s32 $0x9080  }
0x119: {  	[tilespmem:s19], [sflag:$0x1] =	stream.indirect_vreg.gather [hbm4b:s11+s2], $0x80, v3, vm0, $0xb8;
	[tilespmem:$0xA080] =	vst v63  }
0x11a: {  	s19 =	simm.s32 $0x9880  }
0x11b: {  	[tilespmem:s19], [sflag:$0x1] =	stream.indirect_vreg.gather [hbm4b:s12+s2], $0x80, v3, vm0, $0xb8;
	[tilespmem:$0xA080] =	vst v63  }
0x11c: {  	_ =	swait.ge [sflag:s18], $0xA000  }
0x11d: {  	p0 =	sne.s32 s13, $0x1;
	[sflag:s18] =	ssyncset.done $0x0  }
.Ltmp0:
0x11e: {  	s0 =	rddreg [dreg:$0x8];
	[sflag:s18] =	ssyncadd.s32 $0xFFFF6000;
	(pc) =	sbr.rel @p0 .LBB2_1-.Ltmp0, $4  }
0x11f: {  	[hbm4b:s0+s2] =	stream.linear.scatter [tilespmem:s15], [sflag:$0x2], $0xA000, $0x38;
	[tilespmem:$0xA080] =	vst v63  }
0x120: {  	_ =	swait.ge [sflag:s14], $0xA000  }
0x121: {  	[sflag:s14] =	ssyncset.done $0x0  }
0x122: {  	s13 =	sadd.s32 $0xFFFFFFFF, s13;
	[sflag:s14] =	ssyncadd.s32 $0xFFFF6000  }
0x123: {  	_ =	sfence.sel $0x180000  }
0x124: {  	[bflag:$0x0] =	sbarrier.arrive $0xFFFF  }
0x125: {  	_ =	strace $0x90000047  }
0x126: {  	s0 =	stileid.u32;
	[bflag:$0x2] =	sbarrier.arrive $0xFFFF  }
0x127: {  	p0 =	sne.s32 s0, $0x0;
	s0 =	rddreg [dreg:$0x2]  }
0x128: {  	s0 =	sadd.s32 @!p0 $0x100000, s0  }
0x129: {  	[sflag:s0] =	ssyncadd.tile.s32 @!p0 $0x1;
	_ =	shalt  }
.Lfunc_end2:
_tile_overlayer_lowered:
.L_overlay_start_2:
0x12a: {  	(tag) =	ssettag $0x2  }
0x12b: {  	s0 =	rddreg [dreg:$0x0];
	s2 =	stileid.u32  }
0x12c: {  	s1 =	rddreg [dreg:$0x1];
	p0 =	sne.s32 s2, $0x0  }
0x12d: {  	s3 =	rddreg [dreg:$0x2];
	[bflag:$0x3] =	sbarrier.arrive $0xFFFF;
	s2 =	simm.s32 @!p0 $0x1C02  }
0x12e: {  	[timem:s3], [sflag:s2] =	dma.local @!p0 [hbm:s0], s1  }
0x12f: {  	s0 =	simm.s32 @!p0 $0x2  }
0x130: {  	_ =	swait.ge @!p0 [sflag:s0], s1  }
0x131: {  	s1 =	ssub.s32 @!p0 $0x0, s1;
	[sflag:s0] =	ssyncset.done @!p0 $0x0  }
0x132: {  	[sflag:s0] =	ssyncadd.s32 @!p0 s1  }
0x133: {  	[bflag:$0x3] =	sbarrier.arrive $0xFFFF  }
0x134: {  	_ =	shalt  }

</sc_bundles>
